<compile_context>
chip_gen: v7x
topology: tpu7x:2x2x1
jax: 0.10.2.dev20260603
libtpu: 0.0.44.dev20260713+nightly
codegen_flags: <defaults>
</compile_context>

<pallas_src>
import functools

import jax
import jax.numpy as jnp
from jax import lax
from jax.experimental import pallas as pl
from jax.experimental.pallas import tpu as pltpu
from jax.experimental.pallas import tpu_sc as plsc

N_NODES = 10000
N_EDGES = 320000
D_FEAT = 128
D_EDGE = 16
NODE_OUT = 128
EDGE_OUT = 16
FP_DIM = 2048
FP_EMBED = 128
BATCH = 64

NC = 2
NS = 16
NW = NC * NS

EW = 10240
E_PAD = NW * EW
CHUNK = 1024
NCHUNK = EW // CHUNK
NPAD = 10240
HSIZE = BATCH * NPAD
ZW = 4096
ZPT = HSIZE // (NS * ZW)


def _sc_body(src_hbm, dst_hbm, ngid_hbm, ef_hbm, hist_out, feat_out,
             hist_sh, ngid_v, src_v, dst_v, gd_v, ef_v, idx_v, ones_v,
             acc_v, zero_v):
  c = lax.axis_index("c")
  s = lax.axis_index("s")
  wid = c * NS + s

  pltpu.sync_copy(ngid_hbm, ngid_v)

  zeros16 = jnp.zeros((16,), jnp.float32)
  ones16 = jnp.ones((16,), jnp.float32)
  for r in range(8):
    for cc in range(8):
      ones_v[r, pl.ds(cc * 16, 16)] = ones16
  for g in range(BATCH):
    acc_v[g, :] = zeros16

  def _zb(i, _):
    zero_v[pl.ds(i * 16, 16)] = zeros16
    return 0
  lax.fori_loop(0, ZW // 16, _zb, 0)

  for k in range(ZPT):
    pltpu.sync_copy(zero_v, hist_sh.at[pl.ds((s * ZPT + k) * ZW, ZW)])
  plsc.subcore_barrier()

  def _chunk(k, _):
    base = wid * EW + k * CHUNK
    pltpu.sync_copy(src_hbm.at[pl.ds(base, CHUNK)], src_v)
    pltpu.sync_copy(dst_hbm.at[pl.ds(base, CHUNK)], dst_v)
    pltpu.sync_copy(ef_hbm.at[pl.ds(base * 16, CHUNK * 16)], ef_v)
    for r in range(8):
      for cc in range(8):
        off = r * 128 + cc * 16
        d16 = dst_v[pl.ds(off, 16)]
        g16 = plsc.load_gather(ngid_v, [d16])
        gd_v[pl.ds(off, 16)] = g16
        s16 = src_v[pl.ds(off, 16)]
        idx_v[r, pl.ds(cc * 16, 16)] = g16 * NPAD + s16
      pltpu.sync_copy(ones_v.at[r], hist_sh.at[idx_v.at[r]], add=True)

    def _fe(e, _):
      g16 = gd_v[pl.ds(e * 16, 16)]
      for u in range(16):
        ee = e * 16 + u
        plsc.addupdate(acc_v.at[g16[u]], ef_v[pl.ds(ee * 16, 16)])
      return 0
    lax.fori_loop(0, CHUNK // 16, _fe, 0)
    return 0

  lax.fori_loop(0, NCHUNK, _chunk, 0)

  plsc.subcore_barrier()
  for k in range(ZPT):
    off = (s * ZPT + k) * ZW
    pltpu.sync_copy(hist_sh.at[pl.ds(off, ZW)], hist_out.at[c, pl.ds(off, ZW)])
  pltpu.sync_copy(acc_v, feat_out.at[wid])


@functools.cache
def _sc_edge_agg():
  return functools.partial(
      pl.kernel,
      out_type=(
          jax.ShapeDtypeStruct((NC, HSIZE), jnp.float32),
          jax.ShapeDtypeStruct((NW, BATCH, D_EDGE), jnp.float32),
      ),
      mesh=plsc.VectorSubcoreMesh(
          core_axis_name="c", subcore_axis_name="s",
          num_cores=NC, num_subcores=NS),
      compiler_params=pltpu.CompilerParams(needs_layout_passes=False),
      scratch_types=[
        pltpu.VMEM_SHARED((HSIZE,), jnp.float32),
        pltpu.VMEM((N_NODES,), jnp.int32),
        pltpu.VMEM((CHUNK,), jnp.int32),
        pltpu.VMEM((CHUNK,), jnp.int32),
        pltpu.VMEM((CHUNK,), jnp.int32),
        pltpu.VMEM((CHUNK * 16,), jnp.float32),
        pltpu.VMEM((8, 128), jnp.int32),
        pltpu.VMEM((8, 128), jnp.float32),
          pltpu.VMEM((BATCH, D_EDGE), jnp.float32),
          pltpu.VMEM((ZW,), jnp.float32),
      ],
  )(_sc_body)


def _dot(a, b, precision=None):
  return lax.dot_general(a, b, (((1,), (0,)), ((), ())),
                         precision=precision,
                         preferred_element_type=jnp.float32)


def _tc_body(hist_ref, feat_ref, nf_ref, wm_ref, bm_ref, we_ref, be_ref,
             fp_ref, wfp_ref, bfp_ref, gam_ref, bet_ref, mu_ref, var_ref,
             w1_ref, b1_ref, w2_ref, b2_ref, w3_ref, b3_ref, out_ref):
  S = hist_ref[0] + hist_ref[1]
  col = lax.broadcasted_iota(jnp.int32, (BATCH, NPAD), 1)
  S = jnp.where(col == N_NODES, 0.0, S)
  cnt = jnp.sum(S, axis=1, keepdims=True)

  node_enc = jnp.maximum(_dot(nf_ref[...], wm_ref[...]) + bm_ref[...], 0.0)
  node_enc = jnp.concatenate(
      [node_enc, jnp.zeros((NPAD - N_NODES, NODE_OUT), jnp.float32)], axis=0)
  node_part = _dot(S, node_enc, lax.Precision.HIGHEST)

  esum = jnp.sum(feat_ref[...], axis=0)
  edge_part = _dot(esum, we_ref[...]) + cnt * be_ref[...]

  m = jnp.maximum(jnp.max(node_part, axis=1, keepdims=True),
                  jnp.max(edge_part, axis=1, keepdims=True))
  en = jnp.exp(node_part - m)
  ee = jnp.exp(edge_part - m)
  z = jnp.sum(en, axis=1, keepdims=True) + jnp.sum(ee, axis=1, keepdims=True)
  mol_n = en / z
  mol_e = ee / z

  h = _dot(fp_ref[...], wfp_ref[...]) + bfp_ref[...]
  h = (h - mu_ref[...]) * lax.rsqrt(var_ref[...] + 1e-5) * gam_ref[...] \
      + bet_ref[...]
  fpe = jnp.maximum(h, 0.0)

  h1 = (_dot(mol_n, w1_ref[0:NODE_OUT, :])
        + _dot(mol_e, w1_ref[NODE_OUT:NODE_OUT + EDGE_OUT, :])
        + _dot(fpe, w1_ref[NODE_OUT + EDGE_OUT:, :])
        + b1_ref[...])
  h1 = jnp.maximum(h1, 0.0)
  h2 = jnp.maximum(_dot(h1, w2_ref[...]) + b2_ref[...], 0.0)
  out_ref[...] = _dot(h2, w3_ref[...]) + b3_ref[...]


_tc_tail = pl.pallas_call(
    _tc_body,
    out_shape=jax.ShapeDtypeStruct((BATCH, NODE_OUT), jnp.float32),
)


def kernel(node_feats, edge_feats, fp_vector, edge_index, node_graph_ids,
           W_mpnn, b_mpnn, W_edge, b_edge, W_fp, b_fp, bn_gamma, bn_beta,
           bn_mean, bn_var, W1, b1, W2, b2, W3, b3):
  pad = E_PAD - N_EDGES
  src = edge_index[0]
  dst = edge_index[1]
  src_p = jnp.concatenate([src, jnp.full((pad,), N_NODES, jnp.int32)])
  dst_p = jnp.concatenate([dst, jnp.zeros((pad,), jnp.int32)])
  ef_p = jnp.concatenate(
      [edge_feats, jnp.zeros((pad, D_EDGE), jnp.float32)]).reshape(-1)

  hist, feat = _sc_edge_agg()(src_p, dst_p, node_graph_ids, ef_p)
  hist = hist.reshape(NC, BATCH, NPAD)

  out = _tc_tail(
      hist, feat, node_feats, W_mpnn, b_mpnn.reshape(1, -1), W_edge,
      b_edge.reshape(1, -1), fp_vector, W_fp, b_fp.reshape(1, -1),
      bn_gamma.reshape(1, -1), bn_beta.reshape(1, -1),
      bn_mean.reshape(1, -1), bn_var.reshape(1, -1), W1,
      b1.reshape(1, -1), W2, b2.reshape(1, -1), W3, b3.reshape(1, -1))
  return out

# --- scband reference (transcript-rebuilt; emitter-appended) ---
"""Pipeline reference for scband-embedding-layer-32839319945356 (READ-ONLY COPY).

The authoritative reference and input builder live on the scoring server;
editing this copy changes nothing except your own understanding.
"""

import jax, jax.numpy as jnp
import numpy as np

N_NODES, N_EDGES, D_FEAT, D_EDGE = 10000, 320000, 128, 16
NODE_OUT, EDGE_OUT = 128, 16
FP_DIM, FP_EMBED, BATCH = 2048, 128, 64
COMB = NODE_OUT + EDGE_OUT + FP_EMBED

def setup_inputs(seed: int = 0):
    key = jax.random.key(seed)
    ks = jax.random.split(key, 16)
    s = 0.02
    inp = {}
    inp["node_feats"] = jax.random.normal(ks[0], (N_NODES, D_FEAT), dtype=jnp.float32)
    inp["edge_feats"] = jax.random.normal(ks[1], (N_EDGES, D_EDGE), dtype=jnp.float32)
    inp["fp_vector"] = jax.random.uniform(ks[2], (BATCH, FP_DIM), dtype=jnp.float32)
    inp["edge_index"] = jax.random.randint(ks[3], (2, N_EDGES), 0, N_NODES, dtype=jnp.int32)
    inp["node_graph_ids"] = jnp.sort(jax.random.randint(ks[4], (N_NODES,), 0, BATCH, dtype=jnp.int32))
    inp["W_mpnn"] = jax.random.normal(ks[5], (D_FEAT, NODE_OUT), dtype=jnp.float32) * s
    inp["b_mpnn"] = jnp.zeros((NODE_OUT,), dtype=jnp.float32)
    inp["W_edge"] = jax.random.normal(ks[6], (D_EDGE, EDGE_OUT), dtype=jnp.float32) * s
    inp["b_edge"] = jnp.zeros((EDGE_OUT,), dtype=jnp.float32)
    inp["W_fp"] = jax.random.normal(ks[7], (FP_DIM, FP_EMBED), dtype=jnp.float32) * s
    inp["b_fp"] = jnp.zeros((FP_EMBED,), dtype=jnp.float32)
    inp["bn_gamma"] = jnp.ones((FP_EMBED,), dtype=jnp.float32)
    inp["bn_beta"] = jnp.zeros((FP_EMBED,), dtype=jnp.float32)
    inp["bn_mean"] = jnp.zeros((FP_EMBED,), dtype=jnp.float32)
    inp["bn_var"] = jnp.ones((FP_EMBED,), dtype=jnp.float32)
    inp["W1"] = jax.random.normal(ks[8], (COMB, 256), dtype=jnp.float32) * s
    inp["b1"] = jnp.zeros((256,), dtype=jnp.float32)
    inp["W2"] = jax.random.normal(ks[9], (256, 256), dtype=jnp.float32) * s
    inp["b2"] = jnp.zeros((256,), dtype=jnp.float32)
    inp["W3"] = jax.random.normal(ks[10], (256, 128), dtype=jnp.float32) * s
    inp["b3"] = jnp.zeros((128,), dtype=jnp.float32)
    return inp

def reference(node_feats, edge_feats, fp_vector, edge_index, node_graph_ids, W_mpnn, b_mpnn, W_edge, b_edge, W_fp, b_fp, bn_gamma, bn_beta, bn_mean, bn_var, W1, b1, W2, b2, W3, b3):
    N = node_feats.shape[0]
    B = fp_vector.shape[0]
    # mpnn: node encoder producing node_encodings
    node_enc = jax.nn.relu(node_feats @ W_mpnn + b_mpnn)
    # project_edge_feats_module
    edge_emb = edge_feats @ W_edge + b_edge
    # _internal_readout: message = cat(src node_emb, edge_emb); reduce = sum into dst
    src, dst = edge_index[0], edge_index[1]
    src_msg = jnp.concatenate([jnp.take(node_enc, src, axis=0), edge_emb], axis=1)
    node_sum = jax.ops.segment_sum(src_msg, dst, num_segments=N)
    # dgl.sum_nodes over batched graph, then softmax (global_sum_pooling branch)
    graph_sum = jax.ops.segment_sum(node_sum, node_graph_ids, num_segments=B)
    mol = jax.nn.softmax(graph_sum, axis=1)
    # FingerprintEncoder: Linear + BatchNorm1d(eval) + ReLU (Dropout is identity in eval)
    h = fp_vector @ W_fp + b_fp
    h = (h - bn_mean) / jnp.sqrt(bn_var + 1e-5) * bn_gamma + bn_beta
    fp_enc = jax.nn.relu(h)
    comb = jnp.concatenate([mol, fp_enc], axis=1)
    # CustomPositionwiseFeedForward (eval mode, dropout = identity)
    h = jax.nn.relu(comb @ W1 + b1)
    h = jax.nn.relu(h @ W2 + b2)
    out = h @ W3 + b3
    return out

if __name__ == "__main__":
    import jax
    _d = setup_inputs()
    print(jax.jit(kernel)(*tuple(_d.values())))

</pallas_src>

<mosaic_0001>
#map = affine_map<(d0, d1) -> (0)>
#map1 = affine_map<(d0, d1) -> (0, 0)>
#map2 = affine_map<(d0, d1) -> (0, 0, 0)>
module attributes {stable_mosaic.version = 14 : i64} {
  func.func @_sc_body(%arg0: i32, %arg1: i32, %arg2: memref<327680xi32, #tpu.memory_space<hbm>>, %arg3: memref<327680xi32, #tpu.memory_space<hbm>>, %arg4: memref<10000xi32, #tpu.memory_space<hbm>>, %arg5: memref<5242880xf32, #tpu.memory_space<hbm>>, %arg6: memref<2x655360xf32, #tpu.memory_space<hbm>>, %arg7: memref<32x64x16xf32, #tpu.memory_space<hbm>>, %arg8: memref<655360xf32, #tpu.memory_space<vmem_shared>>, %arg9: memref<10000xi32, #tpu.memory_space<vmem>>, %arg10: memref<1024xi32, #tpu.memory_space<vmem>>, %arg11: memref<1024xi32, #tpu.memory_space<vmem>>, %arg12: memref<1024xi32, #tpu.memory_space<vmem>>, %arg13: memref<16384xf32, #tpu.memory_space<vmem>>, %arg14: memref<8x128xi32, #tpu.memory_space<vmem>>, %arg15: memref<8x128xf32, #tpu.memory_space<vmem>>, %arg16: memref<64x16xf32, #tpu.memory_space<vmem>>, %arg17: memref<4096xf32, #tpu.memory_space<vmem>>) attributes {dimension_semantics = [#tpu.dimension_semantics<core_parallel>, #tpu.dimension_semantics<subcore_parallel>], iteration_bounds = array<i64: 2, 16>, scalar_prefetch = 0 : i64, scratch_operands = 10 : i64, tpu.core_type = #tpu.core_type<sc_vector_subcore>, window_params = [{transform_indices = #map}, {transform_indices = #map}, {transform_indices = #map}, {transform_indices = #map}, {transform_indices = #map1}, {transform_indices = #map2}]} {
    %mul3A = arith.constant 16 : i32
    %mul3A_0 = arith.muli %arg0, %mul3A : i32
    %add3A = arith.addi %mul3A_0, %arg1 : i32
    "tpu.region"() ({
      %run_scoped3A = tpu.sem_alloc : memref<!tpu.dma_semaphore, #tpu.memory_space<semaphore_mem>>
      tpu.enqueue_dma source(%arg4 : memref<10000xi32, #tpu.memory_space<hbm>>) target(%arg9 : memref<10000xi32, #tpu.memory_space<vmem>>) target_semaphore(%run_scoped3A : memref<!tpu.dma_semaphore, #tpu.memory_space<semaphore_mem>>)
      tpu.wait_dma2 semaphore(%run_scoped3A : memref<!tpu.dma_semaphore, #tpu.memory_space<semaphore_mem>>) src(%arg4 : memref<10000xi32, #tpu.memory_space<hbm>>) dst(%arg9 : memref<10000xi32, #tpu.memory_space<vmem>>)
      tpu.yield
    }) : () -> ()
    %broadcast_in_dim3A = arith.constant 0.000000e+00 : f32
    %broadcast_in_dim3A_1 = vector.broadcast %broadcast_in_dim3A : f32 to vector<16xf32>
    %broadcast_in_dim3A_2 = arith.constant 1.000000e+00 : f32
    %broadcast_in_dim3A_3 = vector.broadcast %broadcast_in_dim3A_2 : f32 to vector<16xf32>
    %swap3A = arith.constant 0 : i32
    %swap3A_4 = arith.index_cast %swap3A : i32 to index
    %swap3A_5 = arith.constant 0 : index
    %swap3A_6 = tpu.vector_load %arg15[%swap3A_4, %swap3A_5] {strides = array<i32>} : memref<8x128xf32, #tpu.memory_space<vmem>>, vector<16xf32>,
    tpu.vector_store %arg15[%swap3A_4, %swap3A_5], %broadcast_in_dim3A_3 {strides = array<i32>} : memref<8x128xf32, #tpu.memory_space<vmem>>, vector<16xf32>,
    %swap3A_7 = arith.constant 0 : i32
    %swap3A_8 = arith.index_cast %swap3A_7 : i32 to index
    %swap3A_9 = arith.constant 16 : index
    %swap3A_10 = tpu.vector_load %arg15[%swap3A_8, %swap3A_9] {strides = array<i32>} : memref<8x128xf32, #tpu.memory_space<vmem>>, vector<16xf32>,
    tpu.vector_store %arg15[%swap3A_8, %swap3A_9], %broadcast_in_dim3A_3 {strides = array<i32>} : memref<8x128xf32, #tpu.memory_space<vmem>>, vector<16xf32>,
    %swap3A_11 = arith.constant 0 : i32
    %swap3A_12 = arith.index_cast %swap3A_11 : i32 to index
    %swap3A_13 = arith.constant 32 : index
    %swap3A_14 = tpu.vector_load %arg15[%swap3A_12, %swap3A_13] {strides = array<i32>} : memref<8x128xf32, #tpu.memory_space<vmem>>, vector<16xf32>,
    tpu.vector_store %arg15[%swap3A_12, %swap3A_13], %broadcast_in_dim3A_3 {strides = array<i32>} : memref<8x128xf32, #tpu.memory_space<vmem>>, vector<16xf32>,
    %swap3A_15 = arith.constant 0 : i32
    %swap3A_16 = arith.index_cast %swap3A_15 : i32 to index
    %swap3A_17 = arith.constant 48 : index
    %swap3A_18 = tpu.vector_load %arg15[%swap3A_16, %swap3A_17] {strides = array<i32>} : memref<8x128xf32, #tpu.memory_space<vmem>>, vector<16xf32>,
    tpu.vector_store %arg15[%swap3A_16, %swap3A_17], %broadcast_in_dim3A_3 {strides = array<i32>} : memref<8x128xf32, #tpu.memory_space<vmem>>, vector<16xf32>,
    %swap3A_19 = arith.constant 0 : i32
    %swap3A_20 = arith.index_cast %swap3A_19 : i32 to index
    %swap3A_21 = arith.constant 64 : index
    %swap3A_22 = tpu.vector_load %arg15[%swap3A_20, %swap3A_21] {strides = array<i32>} : memref<8x128xf32, #tpu.memory_space<vmem>>, vector<16xf32>,
    tpu.vector_store %arg15[%swap3A_20, %swap3A_21], %broadcast_in_dim3A_3 {strides = array<i32>} : memref<8x128xf32, #tpu.memory_space<vmem>>, vector<16xf32>,
    %swap3A_23 = arith.constant 0 : i32
    %swap3A_24 = arith.index_cast %swap3A_23 : i32 to index
    %swap3A_25 = arith.constant 80 : index
    %swap3A_26 = tpu.vector_load %arg15[%swap3A_24, %swap3A_25] {strides = array<i32>} : memref<8x128xf32, #tpu.memory_space<vmem>>, vector<16xf32>,
    tpu.vector_store %arg15[%swap3A_24, %swap3A_25], %broadcast_in_dim3A_3 {strides = array<i32>} : memref<8x128xf32, #tpu.memory_space<vmem>>, vector<16xf32>,
    %swap3A_27 = arith.constant 0 : i32
    %swap3A_28 = arith.index_cast %swap3A_27 : i32 to index
    %swap3A_29 = arith.constant 96 : index
    %swap3A_30 = tpu.vector_load %arg15[%swap3A_28, %swap3A_29] {strides = array<i32>} : memref<8x128xf32, #tpu.memory_space<vmem>>, vector<16xf32>,
    tpu.vector_store %arg15[%swap3A_28, %swap3A_29], %broadcast_in_dim3A_3 {strides = array<i32>} : memref<8x128xf32, #tpu.memory_space<vmem>>, vector<16xf32>,
    %swap3A_31 = arith.constant 0 : i32
    %swap3A_32 = arith.index_cast %swap3A_31 : i32 to index
    %swap3A_33 = arith.constant 112 : index
    %swap3A_34 = tpu.vector_load %arg15[%swap3A_32, %swap3A_33] {strides = array<i32>} : memref<8x128xf32, #tpu.memory_space<vmem>>, vector<16xf32>,
    tpu.vector_store %arg15[%swap3A_32, %swap3A_33], %broadcast_in_dim3A_3 {strides = array<i32>} : memref<8x128xf32, #tpu.memory_space<vmem>>, vector<16xf32>,
    %swap3A_35 = arith.constant 1 : i32
    %swap3A_36 = arith.index_cast %swap3A_35 : i32 to index
    %swap3A_37 = arith.constant 0 : index
    %swap3A_38 = tpu.vector_load %arg15[%swap3A_36, %swap3A_37] {strides = array<i32>} : memref<8x128xf32, #tpu.memory_space<vmem>>, vector<16xf32>,
    tpu.vector_store %arg15[%swap3A_36, %swap3A_37], %broadcast_in_dim3A_3 {strides = array<i32>} : memref<8x128xf32, #tpu.memory_space<vmem>>, vector<16xf32>,
    %swap3A_39 = arith.constant 1 : i32
    %swap3A_40 = arith.index_cast %swap3A_39 : i32 to index
    %swap3A_41 = arith.constant 16 : index
    %swap3A_42 = tpu.vector_load %arg15[%swap3A_40, %swap3A_41] {strides = array<i32>} : memref<8x128xf32, #tpu.memory_space<vmem>>, vector<16xf32>,
    tpu.vector_store %arg15[%swap3A_40, %swap3A_41], %broadcast_in_dim3A_3 {strides = array<i32>} : memref<8x128xf32, #tpu.memory_space<vmem>>, vector<16xf32>,
    %swap3A_43 = arith.constant 1 : i32
    %swap3A_44 = arith.index_cast %swap3A_43 : i32 to index
    %swap3A_45 = arith.constant 32 : index
    %swap3A_46 = tpu.vector_load %arg15[%swap3A_44, %swap3A_45] {strides = array<i32>} : memref<8x128xf32, #tpu.memory_space<vmem>>, vector<16xf32>,
    tpu.vector_store %arg15[%swap3A_44, %swap3A_45], %broadcast_in_dim3A_3 {strides = array<i32>} : memref<8x128xf32, #tpu.memory_space<vmem>>, vector<16xf32>,
    %swap3A_47 = arith.constant 1 : i32
    %swap3A_48 = arith.index_cast %swap3A_47 : i32 to index
    %swap3A_49 = arith.constant 48 : index
    %swap3A_50 = tpu.vector_load %arg15[%swap3A_48, %swap3A_49] {strides = array<i32>} : memref<8x128xf32, #tpu.memory_space<vmem>>, vector<16xf32>,
    tpu.vector_store %arg15[%swap3A_48, %swap3A_49], %broadcast_in_dim3A_3 {strides = array<i32>} : memref<8x128xf32, #tpu.memory_space<vmem>>, vector<16xf32>,
    %swap3A_51 = arith.constant 1 : i32
    %swap3A_52 = arith.index_cast %swap3A_51 : i32 to index
    %swap3A_53 = arith.constant 64 : index
    %swap3A_54 = tpu.vector_load %arg15[%swap3A_52, %swap3A_53] {strides = array<i32>} : memref<8x128xf32, #tpu.memory_space<vmem>>, vector<16xf32>,
    tpu.vector_store %arg15[%swap3A_52, %swap3A_53], %broadcast_in_dim3A_3 {strides = array<i32>} : memref<8x128xf32, #tpu.memory_space<vmem>>, vector<16xf32>,
    %swap3A_55 = arith.constant 1 : i32
    %swap3A_56 = arith.index_cast %swap3A_55 : i32 to index
    %swap3A_57 = arith.constant 80 : index
    %swap3A_58 = tpu.vector_load %arg15[%swap3A_56, %swap3A_57] {strides = array<i32>} : memref<8x128xf32, #tpu.memory_space<vmem>>, vector<16xf32>,
    tpu.vector_store %arg15[%swap3A_56, %swap3A_57], %broadcast_in_dim3A_3 {strides = array<i32>} : memref<8x128xf32, #tpu.memory_space<vmem>>, vector<16xf32>,
    %swap3A_59 = arith.constant 1 : i32
    %swap3A_60 = arith.index_cast %swap3A_59 : i32 to index
    %swap3A_61 = arith.constant 96 : index
    %swap3A_62 = tpu.vector_load %arg15[%swap3A_60, %swap3A_61] {strides = array<i32>} : memref<8x128xf32, #tpu.memory_space<vmem>>, vector<16xf32>,
    tpu.vector_store %arg15[%swap3A_60, %swap3A_61], %broadcast_in_dim3A_3 {strides = array<i32>} : memref<8x128xf32, #tpu.memory_space<vmem>>, vector<16xf32>,
    %swap3A_63 = arith.constant 1 : i32
    %swap3A_64 = arith.index_cast %swap3A_63 : i32 to index
    %swap3A_65 = arith.constant 112 : index
    %swap3A_66 = tpu.vector_load %arg15[%swap3A_64, %swap3A_65] {strides = array<i32>} : memref<8x128xf32, #tpu.memory_space<vmem>>, vector<16xf32>,
    tpu.vector_store %arg15[%swap3A_64, %swap3A_65], %broadcast_in_dim3A_3 {strides = array<i32>} : memref<8x128xf32, #tpu.memory_space<vmem>>, vector<16xf32>,
    %swap3A_67 = arith.constant 2 : i32
    %swap3A_68 = arith.index_cast %swap3A_67 : i32 to index
    %swap3A_69 = arith.constant 0 : index
    %swap3A_70 = tpu.vector_load %arg15[%swap3A_68, %swap3A_69] {strides = array<i32>} : memref<8x128xf32, #tpu.memory_space<vmem>>, vector<16xf32>,
    tpu.vector_store %arg15[%swap3A_68, %swap3A_69], %broadcast_in_dim3A_3 {strides = array<i32>} : memref<8x128xf32, #tpu.memory_space<vmem>>, vector<16xf32>,
    %swap3A_71 = arith.constant 2 : i32
    %swap3A_72 = arith.index_cast %swap3A_71 : i32 to index
    %swap3A_73 = arith.constant 16 : index
    %swap3A_74 = tpu.vector_load %arg15[%swap3A_72, %swap3A_73] {strides = array<i32>} : memref<8x128xf32, #tpu.memory_space<vmem>>, vector<16xf32>,
    tpu.vector_store %arg15[%swap3A_72, %swap3A_73], %broadcast_in_dim3A_3 {strides = array<i32>} : memref<8x128xf32, #tpu.memory_space<vmem>>, vector<16xf32>,
    %swap3A_75 = arith.constant 2 : i32
    %swap3A_76 = arith.index_cast %swap3A_75 : i32 to index
    %swap3A_77 = arith.constant 32 : index
    %swap3A_78 = tpu.vector_load %arg15[%swap3A_76, %swap3A_77] {strides = array<i32>} : memref<8x128xf32, #tpu.memory_space<vmem>>, vector<16xf32>,
    tpu.vector_store %arg15[%swap3A_76, %swap3A_77], %broadcast_in_dim3A_3 {strides = array<i32>} : memref<8x128xf32, #tpu.memory_space<vmem>>, vector<16xf32>,
    %swap3A_79 = arith.constant 2 : i32
    %swap3A_80 = arith.index_cast %swap3A_79 : i32 to index
    %swap3A_81 = arith.constant 48 : index
    %swap3A_82 = tpu.vector_load %arg15[%swap3A_80, %swap3A_81] {strides = array<i32>} : memref<8x128xf32, #tpu.memory_space<vmem>>, vector<16xf32>,
    tpu.vector_store %arg15[%swap3A_80, %swap3A_81], %broadcast_in_dim3A_3 {strides = array<i32>} : memref<8x128xf32, #tpu.memory_space<vmem>>, vector<16xf32>,
    %swap3A_83 = arith.constant 2 : i32
    %swap3A_84 = arith.index_cast %swap3A_83 : i32 to index
    %swap3A_85 = arith.constant 64 : index
    %swap3A_86 = tpu.vector_load %arg15[%swap3A_84, %swap3A_85] {strides = array<i32>} : memref<8x128xf32, #tpu.memory_space<vmem>>, vector<16xf32>,
    tpu.vector_store %arg15[%swap3A_84, %swap3A_85], %broadcast_in_dim3A_3 {strides = array<i32>} : memref<8x128xf32, #tpu.memory_space<vmem>>, vector<16xf32>,
    %swap3A_87 = arith.constant 2 : i32
    %swap3A_88 = arith.index_cast %swap3A_87 : i32 to index
    %swap3A_89 = arith.constant 80 : index
    %swap3A_90 = tpu.vector_load %arg15[%swap3A_88, %swap3A_89] {strides = array<i32>} : memref<8x128xf32, #tpu.memory_space<vmem>>, vector<16xf32>,
    tpu.vector_store %arg15[%swap3A_88, %swap3A_89], %broadcast_in_dim3A_3 {strides = array<i32>} : memref<8x128xf32, #tpu.memory_space<vmem>>, vector<16xf32>,
    %swap3A_91 = arith.constant 2 : i32
    %swap3A_92 = arith.index_cast %swap3A_91 : i32 to index
    %swap3A_93 = arith.constant 96 : index
    %swap3A_94 = tpu.vector_load %arg15[%swap3A_92, %swap3A_93] {strides = array<i32>} : memref<8x128xf32, #tpu.memory_space<vmem>>, vector<16xf32>,
    tpu.vector_store %arg15[%swap3A_92, %swap3A_93], %broadcast_in_dim3A_3 {strides = array<i32>} : memref<8x128xf32, #tpu.memory_space<vmem>>, vector<16xf32>,
    %swap3A_95 = arith.constant 2 : i32
    %swap3A_96 = arith.index_cast %swap3A_95 : i32 to index
    %swap3A_97 = arith.constant 112 : index
    %swap3A_98 = tpu.vector_load %arg15[%swap3A_96, %swap3A_97] {strides = array<i32>} : memref<8x128xf32, #tpu.memory_space<vmem>>, vector<16xf32>,
    tpu.vector_store %arg15[%swap3A_96, %swap3A_97], %broadcast_in_dim3A_3 {strides = array<i32>} : memref<8x128xf32, #tpu.memory_space<vmem>>, vector<16xf32>,
    %swap3A_99 = arith.constant 3 : i32
    %swap3A_100 = arith.index_cast %swap3A_99 : i32 to index
    %swap3A_101 = arith.constant 0 : index
    %swap3A_102 = tpu.vector_load %arg15[%swap3A_100, %swap3A_101] {strides = array<i32>} : memref<8x128xf32, #tpu.memory_space<vmem>>, vector<16xf32>,
    tpu.vector_store %arg15[%swap3A_100, %swap3A_101], %broadcast_in_dim3A_3 {strides = array<i32>} : memref<8x128xf32, #tpu.memory_space<vmem>>, vector<16xf32>,
    %swap3A_103 = arith.constant 3 : i32
    %swap3A_104 = arith.index_cast %swap3A_103 : i32 to index
    %swap3A_105 = arith.constant 16 : index
    %swap3A_106 = tpu.vector_load %arg15[%swap3A_104, %swap3A_105] {strides = array<i32>} : memref<8x128xf32, #tpu.memory_space<vmem>>, vector<16xf32>,
    tpu.vector_store %arg15[%swap3A_104, %swap3A_105], %broadcast_in_dim3A_3 {strides = array<i32>} : memref<8x128xf32, #tpu.memory_space<vmem>>, vector<16xf32>,
    %swap3A_107 = arith.constant 3 : i32
    %swap3A_108 = arith.index_cast %swap3A_107 : i32 to index
    %swap3A_109 = arith.constant 32 : index
    %swap3A_110 = tpu.vector_load %arg15[%swap3A_108, %swap3A_109] {strides = array<i32>} : memref<8x128xf32, #tpu.memory_space<vmem>>, vector<16xf32>,
    tpu.vector_store %arg15[%swap3A_108, %swap3A_109], %broadcast_in_dim3A_3 {strides = array<i32>} : memref<8x128xf32, #tpu.memory_space<vmem>>, vector<16xf32>,
    %swap3A_111 = arith.constant 3 : i32
    %swap3A_112 = arith.index_cast %swap3A_111 : i32 to index
    %swap3A_113 = arith.constant 48 : index
    %swap3A_114 = tpu.vector_load %arg15[%swap3A_112, %swap3A_113] {strides = array<i32>} : memref<8x128xf32, #tpu.memory_space<vmem>>, vector<16xf32>,
    tpu.vector_store %arg15[%swap3A_112, %swap3A_113], %broadcast_in_dim3A_3 {strides = array<i32>} : memref<8x128xf32, #tpu.memory_space<vmem>>, vector<16xf32>,
    %swap3A_115 = arith.constant 3 : i32
    %swap3A_116 = arith.index_cast %swap3A_115 : i32 to index
    %swap3A_117 = arith.constant 64 : index
    %swap3A_118 = tpu.vector_load %arg15[%swap3A_116, %swap3A_117] {strides = array<i32>} : memref<8x128xf32, #tpu.memory_space<vmem>>, vector<16xf32>,
    tpu.vector_store %arg15[%swap3A_116, %swap3A_117], %broadcast_in_dim3A_3 {strides = array<i32>} : memref<8x128xf32, #tpu.memory_space<vmem>>, vector<16xf32>,
    %swap3A_119 = arith.constant 3 : i32
    %swap3A_120 = arith.index_cast %swap3A_119 : i32 to index
    %swap3A_121 = arith.constant 80 : index
    %swap3A_122 = tpu.vector_load %arg15[%swap3A_120, %swap3A_121] {strides = array<i32>} : memref<8x128xf32, #tpu.memory_space<vmem>>, vector<16xf32>,
    tpu.vector_store %arg15[%swap3A_120, %swap3A_121], %broadcast_in_dim3A_3 {strides = array<i32>} : memref<8x128xf32, #tpu.memory_space<vmem>>, vector<16xf32>,
    %swap3A_123 = arith.constant 3 : i32
    %swap3A_124 = arith.index_cast %swap3A_123 : i32 to index
    %swap3A_125 = arith.constant 96 : index
    %swap3A_126 = tpu.vector_load %arg15[%swap3A_124, %swap3A_125] {strides = array<i32>} : memref<8x128xf32, #tpu.memory_space<vmem>>, vector<16xf32>,
    tpu.vector_store %arg15[%swap3A_124, %swap3A_125], %broadcast_in_dim3A_3 {strides = array<i32>} : memref<8x128xf32, #tpu.memory_space<vmem>>, vector<16xf32>,
    %swap3A_127 = arith.constant 3 : i32
    %swap3A_128 = arith.index_cast %swap3A_127 : i32 to index
    %swap3A_129 = arith.constant 112 : index
    %swap3A_130 = tpu.vector_load %arg15[%swap3A_128, %swap3A_129] {strides = array<i32>} : memref<8x128xf32, #tpu.memory_space<vmem>>, vector<16xf32>,
    tpu.vector_store %arg15[%swap3A_128, %swap3A_129], %broadcast_in_dim3A_3 {strides = array<i32>} : memref<8x128xf32, #tpu.memory_space<vmem>>, vector<16xf32>,
    %swap3A_131 = arith.constant 4 : i32
    %swap3A_132 = arith.index_cast %swap3A_131 : i32 to index
    %swap3A_133 = arith.constant 0 : index
    %swap3A_134 = tpu.vector_load %arg15[%swap3A_132, %swap3A_133] {strides = array<i32>} : memref<8x128xf32, #tpu.memory_space<vmem>>, vector<16xf32>,
    tpu.vector_store %arg15[%swap3A_132, %swap3A_133], %broadcast_in_dim3A_3 {strides = array<i32>} : memref<8x128xf32, #tpu.memory_space<vmem>>, vector<16xf32>,
    %swap3A_135 = arith.constant 4 : i32
    %swap3A_136 = arith.index_cast %swap3A_135 : i32 to index
    %swap3A_137 = arith.constant 16 : index
    %swap3A_138 = tpu.vector_load %arg15[%swap3A_136, %swap3A_137] {strides = array<i32>} : memref<8x128xf32, #tpu.memory_space<vmem>>, vector<16xf32>,
    tpu.vector_store %arg15[%swap3A_136, %swap3A_137], %broadcast_in_dim3A_3 {strides = array<i32>} : memref<8x128xf32, #tpu.memory_space<vmem>>, vector<16xf32>,
    %swap3A_139 = arith.constant 4 : i32
    %swap3A_140 = arith.index_cast %swap3A_139 : i32 to index
    %swap3A_141 = arith.constant 32 : index
    %swap3A_142 = tpu.vector_load %arg15[%swap3A_140, %swap3A_141] {strides = array<i32>} : memref<8x128xf32, #tpu.memory_space<vmem>>, vector<16xf32>,
    tpu.vector_store %arg15[%swap3A_140, %swap3A_141], %broadcast_in_dim3A_3 {strides = array<i32>} : memref<8x128xf32, #tpu.memory_space<vmem>>, vector<16xf32>,
    %swap3A_143 = arith.constant 4 : i32
    %swap3A_144 = arith.index_cast %swap3A_143 : i32 to index
    %swap3A_145 = arith.constant 48 : index
    %swap3A_146 = tpu.vector_load %arg15[%swap3A_144, %swap3A_145] {strides = array<i32>} : memref<8x128xf32, #tpu.memory_space<vmem>>, vector<16xf32>,
    tpu.vector_store %arg15[%swap3A_144, %swap3A_145], %broadcast_in_dim3A_3 {strides = array<i32>} : memref<8x128xf32, #tpu.memory_space<vmem>>, vector<16xf32>,
    %swap3A_147 = arith.constant 4 : i32
    %swap3A_148 = arith.index_cast %swap3A_147 : i32 to index
    %swap3A_149 = arith.constant 64 : index
    %swap3A_150 = tpu.vector_load %arg15[%swap3A_148, %swap3A_149] {strides = array<i32>} : memref<8x128xf32, #tpu.memory_space<vmem>>, vector<16xf32>,
    tpu.vector_store %arg15[%swap3A_148, %swap3A_149], %broadcast_in_dim3A_3 {strides = array<i32>} : memref<8x128xf32, #tpu.memory_space<vmem>>, vector<16xf32>,
    %swap3A_151 = arith.constant 4 : i32
    %swap3A_152 = arith.index_cast %swap3A_151 : i32 to index
    %swap3A_153 = arith.constant 80 : index
    %swap3A_154 = tpu.vector_load %arg15[%swap3A_152, %swap3A_153] {strides = array<i32>} : memref<8x128xf32, #tpu.memory_space<vmem>>, vector<16xf32>,
    tpu.vector_store %arg15[%swap3A_152, %swap3A_153], %broadcast_in_dim3A_3 {strides = array<i32>} : memref<8x128xf32, #tpu.memory_space<vmem>>, vector<16xf32>,
    %swap3A_155 = arith.constant 4 : i32
    %swap3A_156 = arith.index_cast %swap3A_155 : i32 to index
    %swap3A_157 = arith.constant 96 : index
    %swap3A_158 = tpu.vector_load %arg15[%swap3A_156, %swap3A_157] {strides = array<i32>} : memref<8x128xf32, #tpu.memory_space<vmem>>, vector<16xf32>,
    tpu.vector_store %arg15[%swap3A_156, %swap3A_157], %broadcast_in_dim3A_3 {strides = array<i32>} : memref<8x128xf32, #tpu.memory_space<vmem>>, vector<16xf32>,
    %swap3A_159 = arith.constant 4 : i32
    %swap3A_160 = arith.index_cast %swap3A_159 : i32 to index
    %swap3A_161 = arith.constant 112 : index
    %swap3A_162 = tpu.vector_load %arg15[%swap3A_160, %swap3A_161] {strides = array<i32>} : memref<8x128xf32, #tpu.memory_space<vmem>>, vector<16xf32>,
    tpu.vector_store %arg15[%swap3A_160, %swap3A_161], %broadcast_in_dim3A_3 {strides = array<i32>} : memref<8x128xf32, #tpu.memory_space<vmem>>, vector<16xf32>,
    %swap3A_163 = arith.constant 5 : i32
    %swap3A_164 = arith.index_cast %swap3A_163 : i32 to index
    %swap3A_165 = arith.constant 0 : index
    %swap3A_166 = tpu.vector_load %arg15[%swap3A_164, %swap3A_165] {strides = array<i32>} : memref<8x128xf32, #tpu.memory_space<vmem>>, vector<16xf32>,
    tpu.vector_store %arg15[%swap3A_164, %swap3A_165], %broadcast_in_dim3A_3 {strides = array<i32>} : memref<8x128xf32, #tpu.memory_space<vmem>>, vector<16xf32>,
    %swap3A_167 = arith.constant 5 : i32
    %swap3A_168 = arith.index_cast %swap3A_167 : i32 to index
    %swap3A_169 = arith.constant 16 : index
    %swap3A_170 = tpu.vector_load %arg15[%swap3A_168, %swap3A_169] {strides = array<i32>} : memref<8x128xf32, #tpu.memory_space<vmem>>, vector<16xf32>,
    tpu.vector_store %arg15[%swap3A_168, %swap3A_169], %broadcast_in_dim3A_3 {strides = array<i32>} : memref<8x128xf32, #tpu.memory_space<vmem>>, vector<16xf32>,
    %swap3A_171 = arith.constant 5 : i32
    %swap3A_172 = arith.index_cast %swap3A_171 : i32 to index
    %swap3A_173 = arith.constant 32 : index
    %swap3A_174 = tpu.vector_load %arg15[%swap3A_172, %swap3A_173] {strides = array<i32>} : memref<8x128xf32, #tpu.memory_space<vmem>>, vector<16xf32>,
    tpu.vector_store %arg15[%swap3A_172, %swap3A_173], %broadcast_in_dim3A_3 {strides = array<i32>} : memref<8x128xf32, #tpu.memory_space<vmem>>, vector<16xf32>,
    %swap3A_175 = arith.constant 5 : i32
    %swap3A_176 = arith.index_cast %swap3A_175 : i32 to index
    %swap3A_177 = arith.constant 48 : index
    %swap3A_178 = tpu.vector_load %arg15[%swap3A_176, %swap3A_177] {strides = array<i32>} : memref<8x128xf32, #tpu.memory_space<vmem>>, vector<16xf32>,
    tpu.vector_store %arg15[%swap3A_176, %swap3A_177], %broadcast_in_dim3A_3 {strides = array<i32>} : memref<8x128xf32, #tpu.memory_space<vmem>>, vector<16xf32>,
    %swap3A_179 = arith.constant 5 : i32
    %swap3A_180 = arith.index_cast %swap3A_179 : i32 to index
    %swap3A_181 = arith.constant 64 : index
    %swap3A_182 = tpu.vector_load %arg15[%swap3A_180, %swap3A_181] {strides = array<i32>} : memref<8x128xf32, #tpu.memory_space<vmem>>, vector<16xf32>,
    tpu.vector_store %arg15[%swap3A_180, %swap3A_181], %broadcast_in_dim3A_3 {strides = array<i32>} : memref<8x128xf32, #tpu.memory_space<vmem>>, vector<16xf32>,
    %swap3A_183 = arith.constant 5 : i32
    %swap3A_184 = arith.index_cast %swap3A_183 : i32 to index
    %swap3A_185 = arith.constant 80 : index
    %swap3A_186 = tpu.vector_load %arg15[%swap3A_184, %swap3A_185] {strides = array<i32>} : memref<8x128xf32, #tpu.memory_space<vmem>>, vector<16xf32>,
    tpu.vector_store %arg15[%swap3A_184, %swap3A_185], %broadcast_in_dim3A_3 {strides = array<i32>} : memref<8x128xf32, #tpu.memory_space<vmem>>, vector<16xf32>,
    %swap3A_187 = arith.constant 5 : i32
    %swap3A_188 = arith.index_cast %swap3A_187 : i32 to index
    %swap3A_189 = arith.constant 96 : index
    %swap3A_190 = tpu.vector_load %arg15[%swap3A_188, %swap3A_189] {strides = array<i32>} : memref<8x128xf32, #tpu.memory_space<vmem>>, vector<16xf32>,
    tpu.vector_store %arg15[%swap3A_188, %swap3A_189], %broadcast_in_dim3A_3 {strides = array<i32>} : memref<8x128xf32, #tpu.memory_space<vmem>>, vector<16xf32>,
    %swap3A_191 = arith.constant 5 : i32
    %swap3A_192 = arith.index_cast %swap3A_191 : i32 to index
    %swap3A_193 = arith.constant 112 : index
    %swap3A_194 = tpu.vector_load %arg15[%swap3A_192, %swap3A_193] {strides = array<i32>} : memref<8x128xf32, #tpu.memory_space<vmem>>, vector<16xf32>,
    tpu.vector_store %arg15[%swap3A_192, %swap3A_193], %broadcast_in_dim3A_3 {strides = array<i32>} : memref<8x128xf32, #tpu.memory_space<vmem>>, vector<16xf32>,
    %swap3A_195 = arith.constant 6 : i32
    %swap3A_196 = arith.index_cast %swap3A_195 : i32 to index
    %swap3A_197 = arith.constant 0 : index
    %swap3A_198 = tpu.vector_load %arg15[%swap3A_196, %swap3A_197] {strides = array<i32>} : memref<8x128xf32, #tpu.memory_space<vmem>>, vector<16xf32>,
    tpu.vector_store %arg15[%swap3A_196, %swap3A_197], %broadcast_in_dim3A_3 {strides = array<i32>} : memref<8x128xf32, #tpu.memory_space<vmem>>, vector<16xf32>,
    %swap3A_199 = arith.constant 6 : i32
    %swap3A_200 = arith.index_cast %swap3A_199 : i32 to index
    %swap3A_201 = arith.constant 16 : index
    %swap3A_202 = tpu.vector_load %arg15[%swap3A_200, %swap3A_201] {strides = array<i32>} : memref<8x128xf32, #tpu.memory_space<vmem>>, vector<16xf32>,
    tpu.vector_store %arg15[%swap3A_200, %swap3A_201], %broadcast_in_dim3A_3 {strides = array<i32>} : memref<8x128xf32, #tpu.memory_space<vmem>>, vector<16xf32>,
    %swap3A_203 = arith.constant 6 : i32
    %swap3A_204 = arith.index_cast %swap3A_203 : i32 to index
    %swap3A_205 = arith.constant 32 : index
    %swap3A_206 = tpu.vector_load %arg15[%swap3A_204, %swap3A_205] {strides = array<i32>} : memref<8x128xf32, #tpu.memory_space<vmem>>, vector<16xf32>,
    tpu.vector_store %arg15[%swap3A_204, %swap3A_205], %broadcast_in_dim3A_3 {strides = array<i32>} : memref<8x128xf32, #tpu.memory_space<vmem>>, vector<16xf32>,
    %swap3A_207 = arith.constant 6 : i32
    %swap3A_208 = arith.index_cast %swap3A_207 : i32 to index
    %swap3A_209 = arith.constant 48 : index
    %swap3A_210 = tpu.vector_load %arg15[%swap3A_208, %swap3A_209] {strides = array<i32>} : memref<8x128xf32, #tpu.memory_space<vmem>>, vector<16xf32>,
    tpu.vector_store %arg15[%swap3A_208, %swap3A_209], %broadcast_in_dim3A_3 {strides = array<i32>} : memref<8x128xf32, #tpu.memory_space<vmem>>, vector<16xf32>,
    %swap3A_211 = arith.constant 6 : i32
    %swap3A_212 = arith.index_cast %swap3A_211 : i32 to index
    %swap3A_213 = arith.constant 64 : index
    %swap3A_214 = tpu.vector_load %arg15[%swap3A_212, %swap3A_213] {strides = array<i32>} : memref<8x128xf32, #tpu.memory_space<vmem>>, vector<16xf32>,
    tpu.vector_store %arg15[%swap3A_212, %swap3A_213], %broadcast_in_dim3A_3 {strides = array<i32>} : memref<8x128xf32, #tpu.memory_space<vmem>>, vector<16xf32>,
    %swap3A_215 = arith.constant 6 : i32
    %swap3A_216 = arith.index_cast %swap3A_215 : i32 to index
    %swap3A_217 = arith.constant 80 : index
    %swap3A_218 = tpu.vector_load %arg15[%swap3A_216, %swap3A_217] {strides = array<i32>} : memref<8x128xf32, #tpu.memory_space<vmem>>, vector<16xf32>,
    tpu.vector_store %arg15[%swap3A_216, %swap3A_217], %broadcast_in_dim3A_3 {strides = array<i32>} : memref<8x128xf32, #tpu.memory_space<vmem>>, vector<16xf32>,
    %swap3A_219 = arith.constant 6 : i32
    %swap3A_220 = arith.index_cast %swap3A_219 : i32 to index
    %swap3A_221 = arith.constant 96 : index
    %swap3A_222 = tpu.vector_load %arg15[%swap3A_220, %swap3A_221] {strides = array<i32>} : memref<8x128xf32, #tpu.memory_space<vmem>>, vector<16xf32>,
    tpu.vector_store %arg15[%swap3A_220, %swap3A_221], %broadcast_in_dim3A_3 {strides = array<i32>} : memref<8x128xf32, #tpu.memory_space<vmem>>, vector<16xf32>,
    %swap3A_223 = arith.constant 6 : i32
    %swap3A_224 = arith.index_cast %swap3A_223 : i32 to index
    %swap3A_225 = arith.constant 112 : index
    %swap3A_226 = tpu.vector_load %arg15[%swap3A_224, %swap3A_225] {strides = array<i32>} : memref<8x128xf32, #tpu.memory_space<vmem>>, vector<16xf32>,
    tpu.vector_store %arg15[%swap3A_224, %swap3A_225], %broadcast_in_dim3A_3 {strides = array<i32>} : memref<8x128xf32, #tpu.memory_space<vmem>>, vector<16xf32>,
    %swap3A_227 = arith.constant 7 : i32
    %swap3A_228 = arith.index_cast %swap3A_227 : i32 to index
    %swap3A_229 = arith.constant 0 : index
    %swap3A_230 = tpu.vector_load %arg15[%swap3A_228, %swap3A_229] {strides = array<i32>} : memref<8x128xf32, #tpu.memory_space<vmem>>, vector<16xf32>,
    tpu.vector_store %arg15[%swap3A_228, %swap3A_229], %broadcast_in_dim3A_3 {strides = array<i32>} : memref<8x128xf32, #tpu.memory_space<vmem>>, vector<16xf32>,
    %swap3A_231 = arith.constant 7 : i32
    %swap3A_232 = arith.index_cast %swap3A_231 : i32 to index
    %swap3A_233 = arith.constant 16 : index
    %swap3A_234 = tpu.vector_load %arg15[%swap3A_232, %swap3A_233] {strides = array<i32>} : memref<8x128xf32, #tpu.memory_space<vmem>>, vector<16xf32>,
    tpu.vector_store %arg15[%swap3A_232, %swap3A_233], %broadcast_in_dim3A_3 {strides = array<i32>} : memref<8x128xf32, #tpu.memory_space<vmem>>, vector<16xf32>,
    %swap3A_235 = arith.constant 7 : i32
    %swap3A_236 = arith.index_cast %swap3A_235 : i32 to index
    %swap3A_237 = arith.constant 32 : index
    %swap3A_238 = tpu.vector_load %arg15[%swap3A_236, %swap3A_237] {strides = array<i32>} : memref<8x128xf32, #tpu.memory_space<vmem>>, vector<16xf32>,
    tpu.vector_store %arg15[%swap3A_236, %swap3A_237], %broadcast_in_dim3A_3 {strides = array<i32>} : memref<8x128xf32, #tpu.memory_space<vmem>>, vector<16xf32>,
    %swap3A_239 = arith.constant 7 : i32
    %swap3A_240 = arith.index_cast %swap3A_239 : i32 to index
    %swap3A_241 = arith.constant 48 : index
    %swap3A_242 = tpu.vector_load %arg15[%swap3A_240, %swap3A_241] {strides = array<i32>} : memref<8x128xf32, #tpu.memory_space<vmem>>, vector<16xf32>,
    tpu.vector_store %arg15[%swap3A_240, %swap3A_241], %broadcast_in_dim3A_3 {strides = array<i32>} : memref<8x128xf32, #tpu.memory_space<vmem>>, vector<16xf32>,
    %swap3A_243 = arith.constant 7 : i32
    %swap3A_244 = arith.index_cast %swap3A_243 : i32 to index
    %swap3A_245 = arith.constant 64 : index
    %swap3A_246 = tpu.vector_load %arg15[%swap3A_244, %swap3A_245] {strides = array<i32>} : memref<8x128xf32, #tpu.memory_space<vmem>>, vector<16xf32>,
    tpu.vector_store %arg15[%swap3A_244, %swap3A_245], %broadcast_in_dim3A_3 {strides = array<i32>} : memref<8x128xf32, #tpu.memory_space<vmem>>, vector<16xf32>,
    %swap3A_247 = arith.constant 7 : i32
    %swap3A_248 = arith.index_cast %swap3A_247 : i32 to index
    %swap3A_249 = arith.constant 80 : index
    %swap3A_250 = tpu.vector_load %arg15[%swap3A_248, %swap3A_249] {strides = array<i32>} : memref<8x128xf32, #tpu.memory_space<vmem>>, vector<16xf32>,
    tpu.vector_store %arg15[%swap3A_248, %swap3A_249], %broadcast_in_dim3A_3 {strides = array<i32>} : memref<8x128xf32, #tpu.memory_space<vmem>>, vector<16xf32>,
    %swap3A_251 = arith.constant 7 : i32
    %swap3A_252 = arith.index_cast %swap3A_251 : i32 to index
    %swap3A_253 = arith.constant 96 : index
    %swap3A_254 = tpu.vector_load %arg15[%swap3A_252, %swap3A_253] {strides = array<i32>} : memref<8x128xf32, #tpu.memory_space<vmem>>, vector<16xf32>,
    tpu.vector_store %arg15[%swap3A_252, %swap3A_253], %broadcast_in_dim3A_3 {strides = array<i32>} : memref<8x128xf32, #tpu.memory_space<vmem>>, vector<16xf32>,
    %swap3A_255 = arith.constant 7 : i32
    %swap3A_256 = arith.index_cast %swap3A_255 : i32 to index
    %swap3A_257 = arith.constant 112 : index
    %swap3A_258 = tpu.vector_load %arg15[%swap3A_256, %swap3A_257] {strides = array<i32>} : memref<8x128xf32, #tpu.memory_space<vmem>>, vector<16xf32>,
    tpu.vector_store %arg15[%swap3A_256, %swap3A_257], %broadcast_in_dim3A_3 {strides = array<i32>} : memref<8x128xf32, #tpu.memory_space<vmem>>, vector<16xf32>,
    %swap3A_259 = arith.constant 0 : i32
    %swap3A_260 = arith.index_cast %swap3A_259 : i32 to index
    %swap3A_261 = arith.constant 0 : index
    %swap3A_262 = tpu.vector_load %arg16[%swap3A_260, %swap3A_261] {strides = array<i32>} : memref<64x16xf32, #tpu.memory_space<vmem>>, vector<16xf32>,
    tpu.vector_store %arg16[%swap3A_260, %swap3A_261], %broadcast_in_dim3A_1 {strides = array<i32>} : memref<64x16xf32, #tpu.memory_space<vmem>>, vector<16xf32>,
    %swap3A_263 = arith.constant 1 : i32
    %swap3A_264 = arith.index_cast %swap3A_263 : i32 to index
    %swap3A_265 = arith.constant 0 : index
    %swap3A_266 = tpu.vector_load %arg16[%swap3A_264, %swap3A_265] {strides = array<i32>} : memref<64x16xf32, #tpu.memory_space<vmem>>, vector<16xf32>,
    tpu.vector_store %arg16[%swap3A_264, %swap3A_265], %broadcast_in_dim3A_1 {strides = array<i32>} : memref<64x16xf32, #tpu.memory_space<vmem>>, vector<16xf32>,
    %swap3A_267 = arith.constant 2 : i32
    %swap3A_268 = arith.index_cast %swap3A_267 : i32 to index
    %swap3A_269 = arith.constant 0 : index
    %swap3A_270 = tpu.vector_load %arg16[%swap3A_268, %swap3A_269] {strides = array<i32>} : memref<64x16xf32, #tpu.memory_space<vmem>>, vector<16xf32>,
    tpu.vector_store %arg16[%swap3A_268, %swap3A_269], %broadcast_in_dim3A_1 {strides = array<i32>} : memref<64x16xf32, #tpu.memory_space<vmem>>, vector<16xf32>,
    %swap3A_271 = arith.constant 3 : i32
    %swap3A_272 = arith.index_cast %swap3A_271 : i32 to index
    %swap3A_273 = arith.constant 0 : index
    %swap3A_274 = tpu.vector_load %arg16[%swap3A_272, %swap3A_273] {strides = array<i32>} : memref<64x16xf32, #tpu.memory_space<vmem>>, vector<16xf32>,
    tpu.vector_store %arg16[%swap3A_272, %swap3A_273], %broadcast_in_dim3A_1 {strides = array<i32>} : memref<64x16xf32, #tpu.memory_space<vmem>>, vector<16xf32>,
    %swap3A_275 = arith.constant 4 : i32
    %swap3A_276 = arith.index_cast %swap3A_275 : i32 to index
    %swap3A_277 = arith.constant 0 : index
    %swap3A_278 = tpu.vector_load %arg16[%swap3A_276, %swap3A_277] {strides = array<i32>} : memref<64x16xf32, #tpu.memory_space<vmem>>, vector<16xf32>,
    tpu.vector_store %arg16[%swap3A_276, %swap3A_277], %broadcast_in_dim3A_1 {strides = array<i32>} : memref<64x16xf32, #tpu.memory_space<vmem>>, vector<16xf32>,
    %swap3A_279 = arith.constant 5 : i32
    %swap3A_280 = arith.index_cast %swap3A_279 : i32 to index
    %swap3A_281 = arith.constant 0 : index
    %swap3A_282 = tpu.vector_load %arg16[%swap3A_280, %swap3A_281] {strides = array<i32>} : memref<64x16xf32, #tpu.memory_space<vmem>>, vector<16xf32>,
    tpu.vector_store %arg16[%swap3A_280, %swap3A_281], %broadcast_in_dim3A_1 {strides = array<i32>} : memref<64x16xf32, #tpu.memory_space<vmem>>, vector<16xf32>,
    %swap3A_283 = arith.constant 6 : i32
    %swap3A_284 = arith.index_cast %swap3A_283 : i32 to index
    %swap3A_285 = arith.constant 0 : index
    %swap3A_286 = tpu.vector_load %arg16[%swap3A_284, %swap3A_285] {strides = array<i32>} : memref<64x16xf32, #tpu.memory_space<vmem>>, vector<16xf32>,
    tpu.vector_store %arg16[%swap3A_284, %swap3A_285], %broadcast_in_dim3A_1 {strides = array<i32>} : memref<64x16xf32, #tpu.memory_space<vmem>>, vector<16xf32>,
    %swap3A_287 = arith.constant 7 : i32
    %swap3A_288 = arith.index_cast %swap3A_287 : i32 to index
    %swap3A_289 = arith.constant 0 : index
    %swap3A_290 = tpu.vector_load %arg16[%swap3A_288, %swap3A_289] {strides = array<i32>} : memref<64x16xf32, #tpu.memory_space<vmem>>, vector<16xf32>,
    tpu.vector_store %arg16[%swap3A_288, %swap3A_289], %broadcast_in_dim3A_1 {strides = array<i32>} : memref<64x16xf32, #tpu.memory_space<vmem>>, vector<16xf32>,
    %swap3A_291 = arith.constant 8 : i32
    %swap3A_292 = arith.index_cast %swap3A_291 : i32 to index
    %swap3A_293 = arith.constant 0 : index
    %swap3A_294 = tpu.vector_load %arg16[%swap3A_292, %swap3A_293] {strides = array<i32>} : memref<64x16xf32, #tpu.memory_space<vmem>>, vector<16xf32>,
    tpu.vector_store %arg16[%swap3A_292, %swap3A_293], %broadcast_in_dim3A_1 {strides = array<i32>} : memref<64x16xf32, #tpu.memory_space<vmem>>, vector<16xf32>,
    %swap3A_295 = arith.constant 9 : i32
    %swap3A_296 = arith.index_cast %swap3A_295 : i32 to index
    %swap3A_297 = arith.constant 0 : index
    %swap3A_298 = tpu.vector_load %arg16[%swap3A_296, %swap3A_297] {strides = array<i32>} : memref<64x16xf32, #tpu.memory_space<vmem>>, vector<16xf32>,
    tpu.vector_store %arg16[%swap3A_296, %swap3A_297], %broadcast_in_dim3A_1 {strides = array<i32>} : memref<64x16xf32, #tpu.memory_space<vmem>>, vector<16xf32>,
    %swap3A_299 = arith.constant 10 : i32
    %swap3A_300 = arith.index_cast %swap3A_299 : i32 to index
    %swap3A_301 = arith.constant 0 : index
    %swap3A_302 = tpu.vector_load %arg16[%swap3A_300, %swap3A_301] {strides = array<i32>} : memref<64x16xf32, #tpu.memory_space<vmem>>, vector<16xf32>,
    tpu.vector_store %arg16[%swap3A_300, %swap3A_301], %broadcast_in_dim3A_1 {strides = array<i32>} : memref<64x16xf32, #tpu.memory_space<vmem>>, vector<16xf32>,
    %swap3A_303 = arith.constant 11 : i32
    %swap3A_304 = arith.index_cast %swap3A_303 : i32 to index
    %swap3A_305 = arith.constant 0 : index
    %swap3A_306 = tpu.vector_load %arg16[%swap3A_304, %swap3A_305] {strides = array<i32>} : memref<64x16xf32, #tpu.memory_space<vmem>>, vector<16xf32>,
    tpu.vector_store %arg16[%swap3A_304, %swap3A_305], %broadcast_in_dim3A_1 {strides = array<i32>} : memref<64x16xf32, #tpu.memory_space<vmem>>, vector<16xf32>,
    %swap3A_307 = arith.constant 12 : i32
    %swap3A_308 = arith.index_cast %swap3A_307 : i32 to index
    %swap3A_309 = arith.constant 0 : index
    %swap3A_310 = tpu.vector_load %arg16[%swap3A_308, %swap3A_309] {strides = array<i32>} : memref<64x16xf32, #tpu.memory_space<vmem>>, vector<16xf32>,
    tpu.vector_store %arg16[%swap3A_308, %swap3A_309], %broadcast_in_dim3A_1 {strides = array<i32>} : memref<64x16xf32, #tpu.memory_space<vmem>>, vector<16xf32>,
    %swap3A_311 = arith.constant 13 : i32
    %swap3A_312 = arith.index_cast %swap3A_311 : i32 to index
    %swap3A_313 = arith.constant 0 : index
    %swap3A_314 = tpu.vector_load %arg16[%swap3A_312, %swap3A_313] {strides = array<i32>} : memref<64x16xf32, #tpu.memory_space<vmem>>, vector<16xf32>,
    tpu.vector_store %arg16[%swap3A_312, %swap3A_313], %broadcast_in_dim3A_1 {strides = array<i32>} : memref<64x16xf32, #tpu.memory_space<vmem>>, vector<16xf32>,
    %swap3A_315 = arith.constant 14 : i32
    %swap3A_316 = arith.index_cast %swap3A_315 : i32 to index
    %swap3A_317 = arith.constant 0 : index
    %swap3A_318 = tpu.vector_load %arg16[%swap3A_316, %swap3A_317] {strides = array<i32>} : memref<64x16xf32, #tpu.memory_space<vmem>>, vector<16xf32>,
    tpu.vector_store %arg16[%swap3A_316, %swap3A_317], %broadcast_in_dim3A_1 {strides = array<i32>} : memref<64x16xf32, #tpu.memory_space<vmem>>, vector<16xf32>,
    %swap3A_319 = arith.constant 15 : i32
    %swap3A_320 = arith.index_cast %swap3A_319 : i32 to index
    %swap3A_321 = arith.constant 0 : index
    %swap3A_322 = tpu.vector_load %arg16[%swap3A_320, %swap3A_321] {strides = array<i32>} : memref<64x16xf32, #tpu.memory_space<vmem>>, vector<16xf32>,
    tpu.vector_store %arg16[%swap3A_320, %swap3A_321], %broadcast_in_dim3A_1 {strides = array<i32>} : memref<64x16xf32, #tpu.memory_space<vmem>>, vector<16xf32>,
    %swap3A_323 = arith.constant 16 : i32
    %swap3A_324 = arith.index_cast %swap3A_323 : i32 to index
    %swap3A_325 = arith.constant 0 : index
    %swap3A_326 = tpu.vector_load %arg16[%swap3A_324, %swap3A_325] {strides = array<i32>} : memref<64x16xf32, #tpu.memory_space<vmem>>, vector<16xf32>,
    tpu.vector_store %arg16[%swap3A_324, %swap3A_325], %broadcast_in_dim3A_1 {strides = array<i32>} : memref<64x16xf32, #tpu.memory_space<vmem>>, vector<16xf32>,
    %swap3A_327 = arith.constant 17 : i32
    %swap3A_328 = arith.index_cast %swap3A_327 : i32 to index
    %swap3A_329 = arith.constant 0 : index
    %swap3A_330 = tpu.vector_load %arg16[%swap3A_328, %swap3A_329] {strides = array<i32>} : memref<64x16xf32, #tpu.memory_space<vmem>>, vector<16xf32>,
    tpu.vector_store %arg16[%swap3A_328, %swap3A_329], %broadcast_in_dim3A_1 {strides = array<i32>} : memref<64x16xf32, #tpu.memory_space<vmem>>, vector<16xf32>,
    %swap3A_331 = arith.constant 18 : i32
    %swap3A_332 = arith.index_cast %swap3A_331 : i32 to index
    %swap3A_333 = arith.constant 0 : index
    %swap3A_334 = tpu.vector_load %arg16[%swap3A_332, %swap3A_333] {strides = array<i32>} : memref<64x16xf32, #tpu.memory_space<vmem>>, vector<16xf32>,
    tpu.vector_store %arg16[%swap3A_332, %swap3A_333], %broadcast_in_dim3A_1 {strides = array<i32>} : memref<64x16xf32, #tpu.memory_space<vmem>>, vector<16xf32>,
    %swap3A_335 = arith.constant 19 : i32
    %swap3A_336 = arith.index_cast %swap3A_335 : i32 to index
    %swap3A_337 = arith.constant 0 : index
    %swap3A_338 = tpu.vector_load %arg16[%swap3A_336, %swap3A_337] {strides = array<i32>} : memref<64x16xf32, #tpu.memory_space<vmem>>, vector<16xf32>,
    tpu.vector_store %arg16[%swap3A_336, %swap3A_337], %broadcast_in_dim3A_1 {strides = array<i32>} : memref<64x16xf32, #tpu.memory_space<vmem>>, vector<16xf32>,
    %swap3A_339 = arith.constant 20 : i32
    %swap3A_340 = arith.index_cast %swap3A_339 : i32 to index
    %swap3A_341 = arith.constant 0 : index
    %swap3A_342 = tpu.vector_load %arg16[%swap3A_340, %swap3A_341] {strides = array<i32>} : memref<64x16xf32, #tpu.memory_space<vmem>>, vector<16xf32>,
    tpu.vector_store %arg16[%swap3A_340, %swap3A_341], %broadcast_in_dim3A_1 {strides = array<i32>} : memref<64x16xf32, #tpu.memory_space<vmem>>, vector<16xf32>,
    %swap3A_343 = arith.constant 21 : i32
    %swap3A_344 = arith.index_cast %swap3A_343 : i32 to index
    %swap3A_345 = arith.constant 0 : index
    %swap3A_346 = tpu.vector_load %arg16[%swap3A_344, %swap3A_345] {strides = array<i32>} : memref<64x16xf32, #tpu.memory_space<vmem>>, vector<16xf32>,
    tpu.vector_store %arg16[%swap3A_344, %swap3A_345], %broadcast_in_dim3A_1 {strides = array<i32>} : memref<64x16xf32, #tpu.memory_space<vmem>>, vector<16xf32>,
    %swap3A_347 = arith.constant 22 : i32
    %swap3A_348 = arith.index_cast %swap3A_347 : i32 to index
    %swap3A_349 = arith.constant 0 : index
    %swap3A_350 = tpu.vector_load %arg16[%swap3A_348, %swap3A_349] {strides = array<i32>} : memref<64x16xf32, #tpu.memory_space<vmem>>, vector<16xf32>,
    tpu.vector_store %arg16[%swap3A_348, %swap3A_349], %broadcast_in_dim3A_1 {strides = array<i32>} : memref<64x16xf32, #tpu.memory_space<vmem>>, vector<16xf32>,
    %swap3A_351 = arith.constant 23 : i32
    %swap3A_352 = arith.index_cast %swap3A_351 : i32 to index
    %swap3A_353 = arith.constant 0 : index
    %swap3A_354 = tpu.vector_load %arg16[%swap3A_352, %swap3A_353] {strides = array<i32>} : memref<64x16xf32, #tpu.memory_space<vmem>>, vector<16xf32>,
    tpu.vector_store %arg16[%swap3A_352, %swap3A_353], %broadcast_in_dim3A_1 {strides = array<i32>} : memref<64x16xf32, #tpu.memory_space<vmem>>, vector<16xf32>,
    %swap3A_355 = arith.constant 24 : i32
    %swap3A_356 = arith.index_cast %swap3A_355 : i32 to index
    %swap3A_357 = arith.constant 0 : index
    %swap3A_358 = tpu.vector_load %arg16[%swap3A_356, %swap3A_357] {strides = array<i32>} : memref<64x16xf32, #tpu.memory_space<vmem>>, vector<16xf32>,
    tpu.vector_store %arg16[%swap3A_356, %swap3A_357], %broadcast_in_dim3A_1 {strides = array<i32>} : memref<64x16xf32, #tpu.memory_space<vmem>>, vector<16xf32>,
    %swap3A_359 = arith.constant 25 : i32
    %swap3A_360 = arith.index_cast %swap3A_359 : i32 to index
    %swap3A_361 = arith.constant 0 : index
    %swap3A_362 = tpu.vector_load %arg16[%swap3A_360, %swap3A_361] {strides = array<i32>} : memref<64x16xf32, #tpu.memory_space<vmem>>, vector<16xf32>,
    tpu.vector_store %arg16[%swap3A_360, %swap3A_361], %broadcast_in_dim3A_1 {strides = array<i32>} : memref<64x16xf32, #tpu.memory_space<vmem>>, vector<16xf32>,
    %swap3A_363 = arith.constant 26 : i32
    %swap3A_364 = arith.index_cast %swap3A_363 : i32 to index
    %swap3A_365 = arith.constant 0 : index
    %swap3A_366 = tpu.vector_load %arg16[%swap3A_364, %swap3A_365] {strides = array<i32>} : memref<64x16xf32, #tpu.memory_space<vmem>>, vector<16xf32>,
    tpu.vector_store %arg16[%swap3A_364, %swap3A_365], %broadcast_in_dim3A_1 {strides = array<i32>} : memref<64x16xf32, #tpu.memory_space<vmem>>, vector<16xf32>,
    %swap3A_367 = arith.constant 27 : i32
    %swap3A_368 = arith.index_cast %swap3A_367 : i32 to index
    %swap3A_369 = arith.constant 0 : index
    %swap3A_370 = tpu.vector_load %arg16[%swap3A_368, %swap3A_369] {strides = array<i32>} : memref<64x16xf32, #tpu.memory_space<vmem>>, vector<16xf32>,
    tpu.vector_store %arg16[%swap3A_368, %swap3A_369], %broadcast_in_dim3A_1 {strides = array<i32>} : memref<64x16xf32, #tpu.memory_space<vmem>>, vector<16xf32>,
    %swap3A_371 = arith.constant 28 : i32
    %swap3A_372 = arith.index_cast %swap3A_371 : i32 to index
    %swap3A_373 = arith.constant 0 : index
    %swap3A_374 = tpu.vector_load %arg16[%swap3A_372, %swap3A_373] {strides = array<i32>} : memref<64x16xf32, #tpu.memory_space<vmem>>, vector<16xf32>,
    tpu.vector_store %arg16[%swap3A_372, %swap3A_373], %broadcast_in_dim3A_1 {strides = array<i32>} : memref<64x16xf32, #tpu.memory_space<vmem>>, vector<16xf32>,
    %swap3A_375 = arith.constant 29 : i32
    %swap3A_376 = arith.index_cast %swap3A_375 : i32 to index
    %swap3A_377 = arith.constant 0 : index
    %swap3A_378 = tpu.vector_load %arg16[%swap3A_376, %swap3A_377] {strides = array<i32>} : memref<64x16xf32, #tpu.memory_space<vmem>>, vector<16xf32>,
    tpu.vector_store %arg16[%swap3A_376, %swap3A_377], %broadcast_in_dim3A_1 {strides = array<i32>} : memref<64x16xf32, #tpu.memory_space<vmem>>, vector<16xf32>,
    %swap3A_379 = arith.constant 30 : i32
    %swap3A_380 = arith.index_cast %swap3A_379 : i32 to index
    %swap3A_381 = arith.constant 0 : index
    %swap3A_382 = tpu.vector_load %arg16[%swap3A_380, %swap3A_381] {strides = array<i32>} : memref<64x16xf32, #tpu.memory_space<vmem>>, vector<16xf32>,
    tpu.vector_store %arg16[%swap3A_380, %swap3A_381], %broadcast_in_dim3A_1 {strides = array<i32>} : memref<64x16xf32, #tpu.memory_space<vmem>>, vector<16xf32>,
    %swap3A_383 = arith.constant 31 : i32
    %swap3A_384 = arith.index_cast %swap3A_383 : i32 to index
    %swap3A_385 = arith.constant 0 : index
    %swap3A_386 = tpu.vector_load %arg16[%swap3A_384, %swap3A_385] {strides = array<i32>} : memref<64x16xf32, #tpu.memory_space<vmem>>, vector<16xf32>,
    tpu.vector_store %arg16[%swap3A_384, %swap3A_385], %broadcast_in_dim3A_1 {strides = array<i32>} : memref<64x16xf32, #tpu.memory_space<vmem>>, vector<16xf32>,
    %swap3A_387 = arith.constant 32 : i32
    %swap3A_388 = arith.index_cast %swap3A_387 : i32 to index
    %swap3A_389 = arith.constant 0 : index
    %swap3A_390 = tpu.vector_load %arg16[%swap3A_388, %swap3A_389] {strides = array<i32>} : memref<64x16xf32, #tpu.memory_space<vmem>>, vector<16xf32>,
    tpu.vector_store %arg16[%swap3A_388, %swap3A_389], %broadcast_in_dim3A_1 {strides = array<i32>} : memref<64x16xf32, #tpu.memory_space<vmem>>, vector<16xf32>,
    %swap3A_391 = arith.constant 33 : i32
    %swap3A_392 = arith.index_cast %swap3A_391 : i32 to index
    %swap3A_393 = arith.constant 0 : index
    %swap3A_394 = tpu.vector_load %arg16[%swap3A_392, %swap3A_393] {strides = array<i32>} : memref<64x16xf32, #tpu.memory_space<vmem>>, vector<16xf32>,
    tpu.vector_store %arg16[%swap3A_392, %swap3A_393], %broadcast_in_dim3A_1 {strides = array<i32>} : memref<64x16xf32, #tpu.memory_space<vmem>>, vector<16xf32>,
    %swap3A_395 = arith.constant 34 : i32
    %swap3A_396 = arith.index_cast %swap3A_395 : i32 to index
    %swap3A_397 = arith.constant 0 : index
    %swap3A_398 = tpu.vector_load %arg16[%swap3A_396, %swap3A_397] {strides = array<i32>} : memref<64x16xf32, #tpu.memory_space<vmem>>, vector<16xf32>,
    tpu.vector_store %arg16[%swap3A_396, %swap3A_397], %broadcast_in_dim3A_1 {strides = array<i32>} : memref<64x16xf32, #tpu.memory_space<vmem>>, vector<16xf32>,
    %swap3A_399 = arith.constant 35 : i32
    %swap3A_400 = arith.index_cast %swap3A_399 : i32 to index
    %swap3A_401 = arith.constant 0 : index
    %swap3A_402 = tpu.vector_load %arg16[%swap3A_400, %swap3A_401] {strides = array<i32>} : memref<64x16xf32, #tpu.memory_space<vmem>>, vector<16xf32>,
    tpu.vector_store %arg16[%swap3A_400, %swap3A_401], %broadcast_in_dim3A_1 {strides = array<i32>} : memref<64x16xf32, #tpu.memory_space<vmem>>, vector<16xf32>,
    %swap3A_403 = arith.constant 36 : i32
    %swap3A_404 = arith.index_cast %swap3A_403 : i32 to index
    %swap3A_405 = arith.constant 0 : index
    %swap3A_406 = tpu.vector_load %arg16[%swap3A_404, %swap3A_405] {strides = array<i32>} : memref<64x16xf32, #tpu.memory_space<vmem>>, vector<16xf32>,
    tpu.vector_store %arg16[%swap3A_404, %swap3A_405], %broadcast_in_dim3A_1 {strides = array<i32>} : memref<64x16xf32, #tpu.memory_space<vmem>>, vector<16xf32>,
    %swap3A_407 = arith.constant 37 : i32
    %swap3A_408 = arith.index_cast %swap3A_407 : i32 to index
    %swap3A_409 = arith.constant 0 : index
    %swap3A_410 = tpu.vector_load %arg16[%swap3A_408, %swap3A_409] {strides = array<i32>} : memref<64x16xf32, #tpu.memory_space<vmem>>, vector<16xf32>,
    tpu.vector_store %arg16[%swap3A_408, %swap3A_409], %broadcast_in_dim3A_1 {strides = array<i32>} : memref<64x16xf32, #tpu.memory_space<vmem>>, vector<16xf32>,
    %swap3A_411 = arith.constant 38 : i32
    %swap3A_412 = arith.index_cast %swap3A_411 : i32 to index
    %swap3A_413 = arith.constant 0 : index
    %swap3A_414 = tpu.vector_load %arg16[%swap3A_412, %swap3A_413] {strides = array<i32>} : memref<64x16xf32, #tpu.memory_space<vmem>>, vector<16xf32>,
    tpu.vector_store %arg16[%swap3A_412, %swap3A_413], %broadcast_in_dim3A_1 {strides = array<i32>} : memref<64x16xf32, #tpu.memory_space<vmem>>, vector<16xf32>,
    %swap3A_415 = arith.constant 39 : i32
    %swap3A_416 = arith.index_cast %swap3A_415 : i32 to index
    %swap3A_417 = arith.constant 0 : index
    %swap3A_418 = tpu.vector_load %arg16[%swap3A_416, %swap3A_417] {strides = array<i32>} : memref<64x16xf32, #tpu.memory_space<vmem>>, vector<16xf32>,
    tpu.vector_store %arg16[%swap3A_416, %swap3A_417], %broadcast_in_dim3A_1 {strides = array<i32>} : memref<64x16xf32, #tpu.memory_space<vmem>>, vector<16xf32>,
    %swap3A_419 = arith.constant 40 : i32
    %swap3A_420 = arith.index_cast %swap3A_419 : i32 to index
    %swap3A_421 = arith.constant 0 : index
    %swap3A_422 = tpu.vector_load %arg16[%swap3A_420, %swap3A_421] {strides = array<i32>} : memref<64x16xf32, #tpu.memory_space<vmem>>, vector<16xf32>,
    tpu.vector_store %arg16[%swap3A_420, %swap3A_421], %broadcast_in_dim3A_1 {strides = array<i32>} : memref<64x16xf32, #tpu.memory_space<vmem>>, vector<16xf32>,
    %swap3A_423 = arith.constant 41 : i32
    %swap3A_424 = arith.index_cast %swap3A_423 : i32 to index
    %swap3A_425 = arith.constant 0 : index
    %swap3A_426 = tpu.vector_load %arg16[%swap3A_424, %swap3A_425] {strides = array<i32>} : memref<64x16xf32, #tpu.memory_space<vmem>>, vector<16xf32>,
    tpu.vector_store %arg16[%swap3A_424, %swap3A_425], %broadcast_in_dim3A_1 {strides = array<i32>} : memref<64x16xf32, #tpu.memory_space<vmem>>, vector<16xf32>,
    %swap3A_427 = arith.constant 42 : i32
    %swap3A_428 = arith.index_cast %swap3A_427 : i32 to index
    %swap3A_429 = arith.constant 0 : index
    %swap3A_430 = tpu.vector_load %arg16[%swap3A_428, %swap3A_429] {strides = array<i32>} : memref<64x16xf32, #tpu.memory_space<vmem>>, vector<16xf32>,
    tpu.vector_store %arg16[%swap3A_428, %swap3A_429], %broadcast_in_dim3A_1 {strides = array<i32>} : memref<64x16xf32, #tpu.memory_space<vmem>>, vector<16xf32>,
    %swap3A_431 = arith.constant 43 : i32
    %swap3A_432 = arith.index_cast %swap3A_431 : i32 to index
    %swap3A_433 = arith.constant 0 : index
    %swap3A_434 = tpu.vector_load %arg16[%swap3A_432, %swap3A_433] {strides = array<i32>} : memref<64x16xf32, #tpu.memory_space<vmem>>, vector<16xf32>,
    tpu.vector_store %arg16[%swap3A_432, %swap3A_433], %broadcast_in_dim3A_1 {strides = array<i32>} : memref<64x16xf32, #tpu.memory_space<vmem>>, vector<16xf32>,
    %swap3A_435 = arith.constant 44 : i32
    %swap3A_436 = arith.index_cast %swap3A_435 : i32 to index
    %swap3A_437 = arith.constant 0 : index
    %swap3A_438 = tpu.vector_load %arg16[%swap3A_436, %swap3A_437] {strides = array<i32>} : memref<64x16xf32, #tpu.memory_space<vmem>>, vector<16xf32>,
    tpu.vector_store %arg16[%swap3A_436, %swap3A_437], %broadcast_in_dim3A_1 {strides = array<i32>} : memref<64x16xf32, #tpu.memory_space<vmem>>, vector<16xf32>,
    %swap3A_439 = arith.constant 45 : i32
    %swap3A_440 = arith.index_cast %swap3A_439 : i32 to index
    %swap3A_441 = arith.constant 0 : index
    %swap3A_442 = tpu.vector_load %arg16[%swap3A_440, %swap3A_441] {strides = array<i32>} : memref<64x16xf32, #tpu.memory_space<vmem>>, vector<16xf32>,
    tpu.vector_store %arg16[%swap3A_440, %swap3A_441], %broadcast_in_dim3A_1 {strides = array<i32>} : memref<64x16xf32, #tpu.memory_space<vmem>>, vector<16xf32>,
    %swap3A_443 = arith.constant 46 : i32
    %swap3A_444 = arith.index_cast %swap3A_443 : i32 to index
    %swap3A_445 = arith.constant 0 : index
    %swap3A_446 = tpu.vector_load %arg16[%swap3A_444, %swap3A_445] {strides = array<i32>} : memref<64x16xf32, #tpu.memory_space<vmem>>, vector<16xf32>,
    tpu.vector_store %arg16[%swap3A_444, %swap3A_445], %broadcast_in_dim3A_1 {strides = array<i32>} : memref<64x16xf32, #tpu.memory_space<vmem>>, vector<16xf32>,
    %swap3A_447 = arith.constant 47 : i32
    %swap3A_448 = arith.index_cast %swap3A_447 : i32 to index
    %swap3A_449 = arith.constant 0 : index
    %swap3A_450 = tpu.vector_load %arg16[%swap3A_448, %swap3A_449] {strides = array<i32>} : memref<64x16xf32, #tpu.memory_space<vmem>>, vector<16xf32>,
    tpu.vector_store %arg16[%swap3A_448, %swap3A_449], %broadcast_in_dim3A_1 {strides = array<i32>} : memref<64x16xf32, #tpu.memory_space<vmem>>, vector<16xf32>,
    %swap3A_451 = arith.constant 48 : i32
    %swap3A_452 = arith.index_cast %swap3A_451 : i32 to index
    %swap3A_453 = arith.constant 0 : index
    %swap3A_454 = tpu.vector_load %arg16[%swap3A_452, %swap3A_453] {strides = array<i32>} : memref<64x16xf32, #tpu.memory_space<vmem>>, vector<16xf32>,
    tpu.vector_store %arg16[%swap3A_452, %swap3A_453], %broadcast_in_dim3A_1 {strides = array<i32>} : memref<64x16xf32, #tpu.memory_space<vmem>>, vector<16xf32>,
    %swap3A_455 = arith.constant 49 : i32
    %swap3A_456 = arith.index_cast %swap3A_455 : i32 to index
    %swap3A_457 = arith.constant 0 : index
    %swap3A_458 = tpu.vector_load %arg16[%swap3A_456, %swap3A_457] {strides = array<i32>} : memref<64x16xf32, #tpu.memory_space<vmem>>, vector<16xf32>,
    tpu.vector_store %arg16[%swap3A_456, %swap3A_457], %broadcast_in_dim3A_1 {strides = array<i32>} : memref<64x16xf32, #tpu.memory_space<vmem>>, vector<16xf32>,
    %swap3A_459 = arith.constant 50 : i32
    %swap3A_460 = arith.index_cast %swap3A_459 : i32 to index
    %swap3A_461 = arith.constant 0 : index
    %swap3A_462 = tpu.vector_load %arg16[%swap3A_460, %swap3A_461] {strides = array<i32>} : memref<64x16xf32, #tpu.memory_space<vmem>>, vector<16xf32>,
    tpu.vector_store %arg16[%swap3A_460, %swap3A_461], %broadcast_in_dim3A_1 {strides = array<i32>} : memref<64x16xf32, #tpu.memory_space<vmem>>, vector<16xf32>,
    %swap3A_463 = arith.constant 51 : i32
    %swap3A_464 = arith.index_cast %swap3A_463 : i32 to index
    %swap3A_465 = arith.constant 0 : index
    %swap3A_466 = tpu.vector_load %arg16[%swap3A_464, %swap3A_465] {strides = array<i32>} : memref<64x16xf32, #tpu.memory_space<vmem>>, vector<16xf32>,
    tpu.vector_store %arg16[%swap3A_464, %swap3A_465], %broadcast_in_dim3A_1 {strides = array<i32>} : memref<64x16xf32, #tpu.memory_space<vmem>>, vector<16xf32>,
    %swap3A_467 = arith.constant 52 : i32
    %swap3A_468 = arith.index_cast %swap3A_467 : i32 to index
    %swap3A_469 = arith.constant 0 : index
    %swap3A_470 = tpu.vector_load %arg16[%swap3A_468, %swap3A_469] {strides = array<i32>} : memref<64x16xf32, #tpu.memory_space<vmem>>, vector<16xf32>,
    tpu.vector_store %arg16[%swap3A_468, %swap3A_469], %broadcast_in_dim3A_1 {strides = array<i32>} : memref<64x16xf32, #tpu.memory_space<vmem>>, vector<16xf32>,
    %swap3A_471 = arith.constant 53 : i32
    %swap3A_472 = arith.index_cast %swap3A_471 : i32 to index
    %swap3A_473 = arith.constant 0 : index
    %swap3A_474 = tpu.vector_load %arg16[%swap3A_472, %swap3A_473] {strides = array<i32>} : memref<64x16xf32, #tpu.memory_space<vmem>>, vector<16xf32>,
    tpu.vector_store %arg16[%swap3A_472, %swap3A_473], %broadcast_in_dim3A_1 {strides = array<i32>} : memref<64x16xf32, #tpu.memory_space<vmem>>, vector<16xf32>,
    %swap3A_475 = arith.constant 54 : i32
    %swap3A_476 = arith.index_cast %swap3A_475 : i32 to index
    %swap3A_477 = arith.constant 0 : index
    %swap3A_478 = tpu.vector_load %arg16[%swap3A_476, %swap3A_477] {strides = array<i32>} : memref<64x16xf32, #tpu.memory_space<vmem>>, vector<16xf32>,
    tpu.vector_store %arg16[%swap3A_476, %swap3A_477], %broadcast_in_dim3A_1 {strides = array<i32>} : memref<64x16xf32, #tpu.memory_space<vmem>>, vector<16xf32>,
    %swap3A_479 = arith.constant 55 : i32
    %swap3A_480 = arith.index_cast %swap3A_479 : i32 to index
    %swap3A_481 = arith.constant 0 : index
    %swap3A_482 = tpu.vector_load %arg16[%swap3A_480, %swap3A_481] {strides = array<i32>} : memref<64x16xf32, #tpu.memory_space<vmem>>, vector<16xf32>,
    tpu.vector_store %arg16[%swap3A_480, %swap3A_481], %broadcast_in_dim3A_1 {strides = array<i32>} : memref<64x16xf32, #tpu.memory_space<vmem>>, vector<16xf32>,
    %swap3A_483 = arith.constant 56 : i32
    %swap3A_484 = arith.index_cast %swap3A_483 : i32 to index
    %swap3A_485 = arith.constant 0 : index
    %swap3A_486 = tpu.vector_load %arg16[%swap3A_484, %swap3A_485] {strides = array<i32>} : memref<64x16xf32, #tpu.memory_space<vmem>>, vector<16xf32>,
    tpu.vector_store %arg16[%swap3A_484, %swap3A_485], %broadcast_in_dim3A_1 {strides = array<i32>} : memref<64x16xf32, #tpu.memory_space<vmem>>, vector<16xf32>,
    %swap3A_487 = arith.constant 57 : i32
    %swap3A_488 = arith.index_cast %swap3A_487 : i32 to index
    %swap3A_489 = arith.constant 0 : index
    %swap3A_490 = tpu.vector_load %arg16[%swap3A_488, %swap3A_489] {strides = array<i32>} : memref<64x16xf32, #tpu.memory_space<vmem>>, vector<16xf32>,
    tpu.vector_store %arg16[%swap3A_488, %swap3A_489], %broadcast_in_dim3A_1 {strides = array<i32>} : memref<64x16xf32, #tpu.memory_space<vmem>>, vector<16xf32>,
    %swap3A_491 = arith.constant 58 : i32
    %swap3A_492 = arith.index_cast %swap3A_491 : i32 to index
    %swap3A_493 = arith.constant 0 : index
    %swap3A_494 = tpu.vector_load %arg16[%swap3A_492, %swap3A_493] {strides = array<i32>} : memref<64x16xf32, #tpu.memory_space<vmem>>, vector<16xf32>,
    tpu.vector_store %arg16[%swap3A_492, %swap3A_493], %broadcast_in_dim3A_1 {strides = array<i32>} : memref<64x16xf32, #tpu.memory_space<vmem>>, vector<16xf32>,
    %swap3A_495 = arith.constant 59 : i32
    %swap3A_496 = arith.index_cast %swap3A_495 : i32 to index
    %swap3A_497 = arith.constant 0 : index
    %swap3A_498 = tpu.vector_load %arg16[%swap3A_496, %swap3A_497] {strides = array<i32>} : memref<64x16xf32, #tpu.memory_space<vmem>>, vector<16xf32>,
    tpu.vector_store %arg16[%swap3A_496, %swap3A_497], %broadcast_in_dim3A_1 {strides = array<i32>} : memref<64x16xf32, #tpu.memory_space<vmem>>, vector<16xf32>,
    %swap3A_499 = arith.constant 60 : i32
    %swap3A_500 = arith.index_cast %swap3A_499 : i32 to index
    %swap3A_501 = arith.constant 0 : index
    %swap3A_502 = tpu.vector_load %arg16[%swap3A_500, %swap3A_501] {strides = array<i32>} : memref<64x16xf32, #tpu.memory_space<vmem>>, vector<16xf32>,
    tpu.vector_store %arg16[%swap3A_500, %swap3A_501], %broadcast_in_dim3A_1 {strides = array<i32>} : memref<64x16xf32, #tpu.memory_space<vmem>>, vector<16xf32>,
    %swap3A_503 = arith.constant 61 : i32
    %swap3A_504 = arith.index_cast %swap3A_503 : i32 to index
    %swap3A_505 = arith.constant 0 : index
    %swap3A_506 = tpu.vector_load %arg16[%swap3A_504, %swap3A_505] {strides = array<i32>} : memref<64x16xf32, #tpu.memory_space<vmem>>, vector<16xf32>,
    tpu.vector_store %arg16[%swap3A_504, %swap3A_505], %broadcast_in_dim3A_1 {strides = array<i32>} : memref<64x16xf32, #tpu.memory_space<vmem>>, vector<16xf32>,
    %swap3A_507 = arith.constant 62 : i32
    %swap3A_508 = arith.index_cast %swap3A_507 : i32 to index
    %swap3A_509 = arith.constant 0 : index
    %swap3A_510 = tpu.vector_load %arg16[%swap3A_508, %swap3A_509] {strides = array<i32>} : memref<64x16xf32, #tpu.memory_space<vmem>>, vector<16xf32>,
    tpu.vector_store %arg16[%swap3A_508, %swap3A_509], %broadcast_in_dim3A_1 {strides = array<i32>} : memref<64x16xf32, #tpu.memory_space<vmem>>, vector<16xf32>,
    %swap3A_511 = arith.constant 63 : i32
    %swap3A_512 = arith.index_cast %swap3A_511 : i32 to index
    %swap3A_513 = arith.constant 0 : index
    %swap3A_514 = tpu.vector_load %arg16[%swap3A_512, %swap3A_513] {strides = array<i32>} : memref<64x16xf32, #tpu.memory_space<vmem>>, vector<16xf32>,
    tpu.vector_store %arg16[%swap3A_512, %swap3A_513], %broadcast_in_dim3A_1 {strides = array<i32>} : memref<64x16xf32, #tpu.memory_space<vmem>>, vector<16xf32>,
    %scan3A = arith.constant 0 : i32
    %scan3A_515 = arith.constant 0 : i32
    %scan3A_516 = arith.constant 256 : i32
    %scan3A_517 = arith.addi %scan3A_515, %scan3A_516 : i32
    %scan3A_518 = arith.constant 1 : i32
    %scan3A_519 = scf.for %scan3A_649 = %scan3A_515 to %scan3A_517 step %scan3A_518 iter_args(%scan3A_650 = %scan3A) -> (i32)  : i32 {
      %mul3A_651 = arith.constant 16 : i32
      %mul3A_652 = arith.muli %scan3A_649, %mul3A_651 : i32
      %swap3A_653 = arith.index_cast %mul3A_652 : i32 to index
      %swap3A_654 = tpu.vector_load %arg17[%swap3A_653] {strides = array<i32>} : memref<4096xf32, #tpu.memory_space<vmem>>, vector<16xf32>,
      tpu.vector_store %arg17[%swap3A_653], %broadcast_in_dim3A_1 {strides = array<i32>} : memref<4096xf32, #tpu.memory_space<vmem>>, vector<16xf32>,
      %scan3A_655 = arith.constant 0 : i32
      scf.yield %scan3A_655 : i32
    }
    %scan3A_520 = arith.constant 256 : i32
    %mul3A_521 = arith.constant 10 : i32
    %mul3A_522 = arith.muli %arg1, %mul3A_521 : i32
    %add3A_523 = arith.constant 0 : i32
    %add3A_524 = arith.addi %mul3A_522, %add3A_523 : i32
    %mul3A_525 = arith.constant 4096 : i32
    %mul3A_526 = arith.muli %add3A_524, %mul3A_525 : i32
    "tpu.region"() ({
      %run_scoped3A = tpu.sem_alloc : memref<!tpu.dma_semaphore, #tpu.memory_space<semaphore_mem>>
      %dma_start3A = tpu.memref_slice %arg8[%mul3A_526] : memref<655360xf32, #tpu.memory_space<vmem_shared>> -> memref<4096xf32, #tpu.memory_space<vmem_shared>>
      %dma_start3A_649 = tpu.memref_slice %arg8[%mul3A_526] : memref<655360xf32, #tpu.memory_space<vmem_shared>> -> memref<4096xf32, #tpu.memory_space<vmem_shared>>
      tpu.enqueue_dma source(%arg17 : memref<4096xf32, #tpu.memory_space<vmem>>) target(%dma_start3A_649 : memref<4096xf32, #tpu.memory_space<vmem_shared>>) target_semaphore(%run_scoped3A : memref<!tpu.dma_semaphore, #tpu.memory_space<semaphore_mem>>)
      %dma_wait3A = tpu.memref_slice %arg8[%mul3A_526] : memref<655360xf32, #tpu.memory_space<vmem_shared>> -> memref<4096xf32, #tpu.memory_space<vmem_shared>>
      %dma_wait3A_650 = tpu.memref_slice %arg8[%mul3A_526] : memref<655360xf32, #tpu.memory_space<vmem_shared>> -> memref<4096xf32, #tpu.memory_space<vmem_shared>>
      tpu.wait_dma2 semaphore(%run_scoped3A : memref<!tpu.dma_semaphore, #tpu.memory_space<semaphore_mem>>) src(%arg17 : memref<4096xf32, #tpu.memory_space<vmem>>) dst(%dma_wait3A_650 : memref<4096xf32, #tpu.memory_space<vmem_shared>>)
      tpu.yield
    }) : () -> ()
    %mul3A_527 = arith.constant 10 : i32
    %mul3A_528 = arith.muli %arg1, %mul3A_527 : i32
    %add3A_529 = arith.constant 1 : i32
    %add3A_530 = arith.addi %mul3A_528, %add3A_529 : i32
    %mul3A_531 = arith.constant 4096 : i32
    %mul3A_532 = arith.muli %add3A_530, %mul3A_531 : i32
    "tpu.region"() ({
      %run_scoped3A = tpu.sem_alloc : memref<!tpu.dma_semaphore, #tpu.memory_space<semaphore_mem>>
      %dma_start3A = tpu.memref_slice %arg8[%mul3A_532] : memref<655360xf32, #tpu.memory_space<vmem_shared>> -> memref<4096xf32, #tpu.memory_space<vmem_shared>>
      %dma_start3A_649 = tpu.memref_slice %arg8[%mul3A_532] : memref<655360xf32, #tpu.memory_space<vmem_shared>> -> memref<4096xf32, #tpu.memory_space<vmem_shared>>
      tpu.enqueue_dma source(%arg17 : memref<4096xf32, #tpu.memory_space<vmem>>) target(%dma_start3A_649 : memref<4096xf32, #tpu.memory_space<vmem_shared>>) target_semaphore(%run_scoped3A : memref<!tpu.dma_semaphore, #tpu.memory_space<semaphore_mem>>)
      %dma_wait3A = tpu.memref_slice %arg8[%mul3A_532] : memref<655360xf32, #tpu.memory_space<vmem_shared>> -> memref<4096xf32, #tpu.memory_space<vmem_shared>>
      %dma_wait3A_650 = tpu.memref_slice %arg8[%mul3A_532] : memref<655360xf32, #tpu.memory_space<vmem_shared>> -> memref<4096xf32, #tpu.memory_space<vmem_shared>>
      tpu.wait_dma2 semaphore(%run_scoped3A : memref<!tpu.dma_semaphore, #tpu.memory_space<semaphore_mem>>) src(%arg17 : memref<4096xf32, #tpu.memory_space<vmem>>) dst(%dma_wait3A_650 : memref<4096xf32, #tpu.memory_space<vmem_shared>>)
      tpu.yield
    }) : () -> ()
    %mul3A_533 = arith.constant 10 : i32
    %mul3A_534 = arith.muli %arg1, %mul3A_533 : i32
    %add3A_535 = arith.constant 2 : i32
    %add3A_536 = arith.addi %mul3A_534, %add3A_535 : i32
    %mul3A_537 = arith.constant 4096 : i32
    %mul3A_538 = arith.muli %add3A_536, %mul3A_537 : i32
    "tpu.region"() ({
      %run_scoped3A = tpu.sem_alloc : memref<!tpu.dma_semaphore, #tpu.memory_space<semaphore_mem>>
      %dma_start3A = tpu.memref_slice %arg8[%mul3A_538] : memref<655360xf32, #tpu.memory_space<vmem_shared>> -> memref<4096xf32, #tpu.memory_space<vmem_shared>>
      %dma_start3A_649 = tpu.memref_slice %arg8[%mul3A_538] : memref<655360xf32, #tpu.memory_space<vmem_shared>> -> memref<4096xf32, #tpu.memory_space<vmem_shared>>
      tpu.enqueue_dma source(%arg17 : memref<4096xf32, #tpu.memory_space<vmem>>) target(%dma_start3A_649 : memref<4096xf32, #tpu.memory_space<vmem_shared>>) target_semaphore(%run_scoped3A : memref<!tpu.dma_semaphore, #tpu.memory_space<semaphore_mem>>)
      %dma_wait3A = tpu.memref_slice %arg8[%mul3A_538] : memref<655360xf32, #tpu.memory_space<vmem_shared>> -> memref<4096xf32, #tpu.memory_space<vmem_shared>>
      %dma_wait3A_650 = tpu.memref_slice %arg8[%mul3A_538] : memref<655360xf32, #tpu.memory_space<vmem_shared>> -> memref<4096xf32, #tpu.memory_space<vmem_shared>>
      tpu.wait_dma2 semaphore(%run_scoped3A : memref<!tpu.dma_semaphore, #tpu.memory_space<semaphore_mem>>) src(%arg17 : memref<4096xf32, #tpu.memory_space<vmem>>) dst(%dma_wait3A_650 : memref<4096xf32, #tpu.memory_space<vmem_shared>>)
      tpu.yield
    }) : () -> ()
    %mul3A_539 = arith.constant 10 : i32
    %mul3A_540 = arith.muli %arg1, %mul3A_539 : i32
    %add3A_541 = arith.constant 3 : i32
    %add3A_542 = arith.addi %mul3A_540, %add3A_541 : i32
    %mul3A_543 = arith.constant 4096 : i32
    %mul3A_544 = arith.muli %add3A_542, %mul3A_543 : i32
    "tpu.region"() ({
      %run_scoped3A = tpu.sem_alloc : memref<!tpu.dma_semaphore, #tpu.memory_space<semaphore_mem>>
      %dma_start3A = tpu.memref_slice %arg8[%mul3A_544] : memref<655360xf32, #tpu.memory_space<vmem_shared>> -> memref<4096xf32, #tpu.memory_space<vmem_shared>>
      %dma_start3A_649 = tpu.memref_slice %arg8[%mul3A_544] : memref<655360xf32, #tpu.memory_space<vmem_shared>> -> memref<4096xf32, #tpu.memory_space<vmem_shared>>
      tpu.enqueue_dma source(%arg17 : memref<4096xf32, #tpu.memory_space<vmem>>) target(%dma_start3A_649 : memref<4096xf32, #tpu.memory_space<vmem_shared>>) target_semaphore(%run_scoped3A : memref<!tpu.dma_semaphore, #tpu.memory_space<semaphore_mem>>)
      %dma_wait3A = tpu.memref_slice %arg8[%mul3A_544] : memref<655360xf32, #tpu.memory_space<vmem_shared>> -> memref<4096xf32, #tpu.memory_space<vmem_shared>>
      %dma_wait3A_650 = tpu.memref_slice %arg8[%mul3A_544] : memref<655360xf32, #tpu.memory_space<vmem_shared>> -> memref<4096xf32, #tpu.memory_space<vmem_shared>>
      tpu.wait_dma2 semaphore(%run_scoped3A : memref<!tpu.dma_semaphore, #tpu.memory_space<semaphore_mem>>) src(%arg17 : memref<4096xf32, #tpu.memory_space<vmem>>) dst(%dma_wait3A_650 : memref<4096xf32, #tpu.memory_space<vmem_shared>>)
      tpu.yield
    }) : () -> ()
    %mul3A_545 = arith.constant 10 : i32
    %mul3A_546 = arith.muli %arg1, %mul3A_545 : i32
    %add3A_547 = arith.constant 4 : i32
    %add3A_548 = arith.addi %mul3A_546, %add3A_547 : i32
    %mul3A_549 = arith.constant 4096 : i32
    %mul3A_550 = arith.muli %add3A_548, %mul3A_549 : i32
    "tpu.region"() ({
      %run_scoped3A = tpu.sem_alloc : memref<!tpu.dma_semaphore, #tpu.memory_space<semaphore_mem>>
      %dma_start3A = tpu.memref_slice %arg8[%mul3A_550] : memref<655360xf32, #tpu.memory_space<vmem_shared>> -> memref<4096xf32, #tpu.memory_space<vmem_shared>>
      %dma_start3A_649 = tpu.memref_slice %arg8[%mul3A_550] : memref<655360xf32, #tpu.memory_space<vmem_shared>> -> memref<4096xf32, #tpu.memory_space<vmem_shared>>
      tpu.enqueue_dma source(%arg17 : memref<4096xf32, #tpu.memory_space<vmem>>) target(%dma_start3A_649 : memref<4096xf32, #tpu.memory_space<vmem_shared>>) target_semaphore(%run_scoped3A : memref<!tpu.dma_semaphore, #tpu.memory_space<semaphore_mem>>)
      %dma_wait3A = tpu.memref_slice %arg8[%mul3A_550] : memref<655360xf32, #tpu.memory_space<vmem_shared>> -> memref<4096xf32, #tpu.memory_space<vmem_shared>>
      %dma_wait3A_650 = tpu.memref_slice %arg8[%mul3A_550] : memref<655360xf32, #tpu.memory_space<vmem_shared>> -> memref<4096xf32, #tpu.memory_space<vmem_shared>>
      tpu.wait_dma2 semaphore(%run_scoped3A : memref<!tpu.dma_semaphore, #tpu.memory_space<semaphore_mem>>) src(%arg17 : memref<4096xf32, #tpu.memory_space<vmem>>) dst(%dma_wait3A_650 : memref<4096xf32, #tpu.memory_space<vmem_shared>>)
      tpu.yield
    }) : () -> ()
    %mul3A_551 = arith.constant 10 : i32
    %mul3A_552 = arith.muli %arg1, %mul3A_551 : i32
    %add3A_553 = arith.constant 5 : i32
    %add3A_554 = arith.addi %mul3A_552, %add3A_553 : i32
    %mul3A_555 = arith.constant 4096 : i32
    %mul3A_556 = arith.muli %add3A_554, %mul3A_555 : i32
    "tpu.region"() ({
      %run_scoped3A = tpu.sem_alloc : memref<!tpu.dma_semaphore, #tpu.memory_space<semaphore_mem>>
      %dma_start3A = tpu.memref_slice %arg8[%mul3A_556] : memref<655360xf32, #tpu.memory_space<vmem_shared>> -> memref<4096xf32, #tpu.memory_space<vmem_shared>>
      %dma_start3A_649 = tpu.memref_slice %arg8[%mul3A_556] : memref<655360xf32, #tpu.memory_space<vmem_shared>> -> memref<4096xf32, #tpu.memory_space<vmem_shared>>
      tpu.enqueue_dma source(%arg17 : memref<4096xf32, #tpu.memory_space<vmem>>) target(%dma_start3A_649 : memref<4096xf32, #tpu.memory_space<vmem_shared>>) target_semaphore(%run_scoped3A : memref<!tpu.dma_semaphore, #tpu.memory_space<semaphore_mem>>)
      %dma_wait3A = tpu.memref_slice %arg8[%mul3A_556] : memref<655360xf32, #tpu.memory_space<vmem_shared>> -> memref<4096xf32, #tpu.memory_space<vmem_shared>>
      %dma_wait3A_650 = tpu.memref_slice %arg8[%mul3A_556] : memref<655360xf32, #tpu.memory_space<vmem_shared>> -> memref<4096xf32, #tpu.memory_space<vmem_shared>>
      tpu.wait_dma2 semaphore(%run_scoped3A : memref<!tpu.dma_semaphore, #tpu.memory_space<semaphore_mem>>) src(%arg17 : memref<4096xf32, #tpu.memory_space<vmem>>) dst(%dma_wait3A_650 : memref<4096xf32, #tpu.memory_space<vmem_shared>>)
      tpu.yield
    }) : () -> ()
    %mul3A_557 = arith.constant 10 : i32
    %mul3A_558 = arith.muli %arg1, %mul3A_557 : i32
    %add3A_559 = arith.constant 6 : i32
    %add3A_560 = arith.addi %mul3A_558, %add3A_559 : i32
    %mul3A_561 = arith.constant 4096 : i32
    %mul3A_562 = arith.muli %add3A_560, %mul3A_561 : i32
    "tpu.region"() ({
      %run_scoped3A = tpu.sem_alloc : memref<!tpu.dma_semaphore, #tpu.memory_space<semaphore_mem>>
      %dma_start3A = tpu.memref_slice %arg8[%mul3A_562] : memref<655360xf32, #tpu.memory_space<vmem_shared>> -> memref<4096xf32, #tpu.memory_space<vmem_shared>>
      %dma_start3A_649 = tpu.memref_slice %arg8[%mul3A_562] : memref<655360xf32, #tpu.memory_space<vmem_shared>> -> memref<4096xf32, #tpu.memory_space<vmem_shared>>
      tpu.enqueue_dma source(%arg17 : memref<4096xf32, #tpu.memory_space<vmem>>) target(%dma_start3A_649 : memref<4096xf32, #tpu.memory_space<vmem_shared>>) target_semaphore(%run_scoped3A : memref<!tpu.dma_semaphore, #tpu.memory_space<semaphore_mem>>)
      %dma_wait3A = tpu.memref_slice %arg8[%mul3A_562] : memref<655360xf32, #tpu.memory_space<vmem_shared>> -> memref<4096xf32, #tpu.memory_space<vmem_shared>>
      %dma_wait3A_650 = tpu.memref_slice %arg8[%mul3A_562] : memref<655360xf32, #tpu.memory_space<vmem_shared>> -> memref<4096xf32, #tpu.memory_space<vmem_shared>>
      tpu.wait_dma2 semaphore(%run_scoped3A : memref<!tpu.dma_semaphore, #tpu.memory_space<semaphore_mem>>) src(%arg17 : memref<4096xf32, #tpu.memory_space<vmem>>) dst(%dma_wait3A_650 : memref<4096xf32, #tpu.memory_space<vmem_shared>>)
      tpu.yield
    }) : () -> ()
    %mul3A_563 = arith.constant 10 : i32
    %mul3A_564 = arith.muli %arg1, %mul3A_563 : i32
    %add3A_565 = arith.constant 7 : i32
    %add3A_566 = arith.addi %mul3A_564, %add3A_565 : i32
    %mul3A_567 = arith.constant 4096 : i32
    %mul3A_568 = arith.muli %add3A_566, %mul3A_567 : i32
    "tpu.region"() ({
      %run_scoped3A = tpu.sem_alloc : memref<!tpu.dma_semaphore, #tpu.memory_space<semaphore_mem>>
      %dma_start3A = tpu.memref_slice %arg8[%mul3A_568] : memref<655360xf32, #tpu.memory_space<vmem_shared>> -> memref<4096xf32, #tpu.memory_space<vmem_shared>>
      %dma_start3A_649 = tpu.memref_slice %arg8[%mul3A_568] : memref<655360xf32, #tpu.memory_space<vmem_shared>> -> memref<4096xf32, #tpu.memory_space<vmem_shared>>
      tpu.enqueue_dma source(%arg17 : memref<4096xf32, #tpu.memory_space<vmem>>) target(%dma_start3A_649 : memref<4096xf32, #tpu.memory_space<vmem_shared>>) target_semaphore(%run_scoped3A : memref<!tpu.dma_semaphore, #tpu.memory_space<semaphore_mem>>)
      %dma_wait3A = tpu.memref_slice %arg8[%mul3A_568] : memref<655360xf32, #tpu.memory_space<vmem_shared>> -> memref<4096xf32, #tpu.memory_space<vmem_shared>>
      %dma_wait3A_650 = tpu.memref_slice %arg8[%mul3A_568] : memref<655360xf32, #tpu.memory_space<vmem_shared>> -> memref<4096xf32, #tpu.memory_space<vmem_shared>>
      tpu.wait_dma2 semaphore(%run_scoped3A : memref<!tpu.dma_semaphore, #tpu.memory_space<semaphore_mem>>) src(%arg17 : memref<4096xf32, #tpu.memory_space<vmem>>) dst(%dma_wait3A_650 : memref<4096xf32, #tpu.memory_space<vmem_shared>>)
      tpu.yield
    }) : () -> ()
    %mul3A_569 = arith.constant 10 : i32
    %mul3A_570 = arith.muli %arg1, %mul3A_569 : i32
    %add3A_571 = arith.constant 8 : i32
    %add3A_572 = arith.addi %mul3A_570, %add3A_571 : i32
    %mul3A_573 = arith.constant 4096 : i32
    %mul3A_574 = arith.muli %add3A_572, %mul3A_573 : i32
    "tpu.region"() ({
      %run_scoped3A = tpu.sem_alloc : memref<!tpu.dma_semaphore, #tpu.memory_space<semaphore_mem>>
      %dma_start3A = tpu.memref_slice %arg8[%mul3A_574] : memref<655360xf32, #tpu.memory_space<vmem_shared>> -> memref<4096xf32, #tpu.memory_space<vmem_shared>>
      %dma_start3A_649 = tpu.memref_slice %arg8[%mul3A_574] : memref<655360xf32, #tpu.memory_space<vmem_shared>> -> memref<4096xf32, #tpu.memory_space<vmem_shared>>
      tpu.enqueue_dma source(%arg17 : memref<4096xf32, #tpu.memory_space<vmem>>) target(%dma_start3A_649 : memref<4096xf32, #tpu.memory_space<vmem_shared>>) target_semaphore(%run_scoped3A : memref<!tpu.dma_semaphore, #tpu.memory_space<semaphore_mem>>)
      %dma_wait3A = tpu.memref_slice %arg8[%mul3A_574] : memref<655360xf32, #tpu.memory_space<vmem_shared>> -> memref<4096xf32, #tpu.memory_space<vmem_shared>>
      %dma_wait3A_650 = tpu.memref_slice %arg8[%mul3A_574] : memref<655360xf32, #tpu.memory_space<vmem_shared>> -> memref<4096xf32, #tpu.memory_space<vmem_shared>>
      tpu.wait_dma2 semaphore(%run_scoped3A : memref<!tpu.dma_semaphore, #tpu.memory_space<semaphore_mem>>) src(%arg17 : memref<4096xf32, #tpu.memory_space<vmem>>) dst(%dma_wait3A_650 : memref<4096xf32, #tpu.memory_space<vmem_shared>>)
      tpu.yield
    }) : () -> ()
    %mul3A_575 = arith.constant 10 : i32
    %mul3A_576 = arith.muli %arg1, %mul3A_575 : i32
    %add3A_577 = arith.constant 9 : i32
    %add3A_578 = arith.addi %mul3A_576, %add3A_577 : i32
    %mul3A_579 = arith.constant 4096 : i32
    %mul3A_580 = arith.muli %add3A_578, %mul3A_579 : i32
    "tpu.region"() ({
      %run_scoped3A = tpu.sem_alloc : memref<!tpu.dma_semaphore, #tpu.memory_space<semaphore_mem>>
      %dma_start3A = tpu.memref_slice %arg8[%mul3A_580] : memref<655360xf32, #tpu.memory_space<vmem_shared>> -> memref<4096xf32, #tpu.memory_space<vmem_shared>>
      %dma_start3A_649 = tpu.memref_slice %arg8[%mul3A_580] : memref<655360xf32, #tpu.memory_space<vmem_shared>> -> memref<4096xf32, #tpu.memory_space<vmem_shared>>
      tpu.enqueue_dma source(%arg17 : memref<4096xf32, #tpu.memory_space<vmem>>) target(%dma_start3A_649 : memref<4096xf32, #tpu.memory_space<vmem_shared>>) target_semaphore(%run_scoped3A : memref<!tpu.dma_semaphore, #tpu.memory_space<semaphore_mem>>)
      %dma_wait3A = tpu.memref_slice %arg8[%mul3A_580] : memref<655360xf32, #tpu.memory_space<vmem_shared>> -> memref<4096xf32, #tpu.memory_space<vmem_shared>>
      %dma_wait3A_650 = tpu.memref_slice %arg8[%mul3A_580] : memref<655360xf32, #tpu.memory_space<vmem_shared>> -> memref<4096xf32, #tpu.memory_space<vmem_shared>>
      tpu.wait_dma2 semaphore(%run_scoped3A : memref<!tpu.dma_semaphore, #tpu.memory_space<semaphore_mem>>) src(%arg17 : memref<4096xf32, #tpu.memory_space<vmem>>) dst(%dma_wait3A_650 : memref<4096xf32, #tpu.memory_space<vmem_shared>>)
      tpu.yield
    }) : () -> ()
    %barrier3A = arith.constant 0 : index
    tpu.barrier barrier_id(%barrier3A)
    %scan3A_581 = arith.constant 0 : i32
    %scan3A_582 = arith.constant 0 : i32
    %scan3A_583 = arith.constant 10 : i32
    %scan3A_584 = arith.addi %scan3A_582, %scan3A_583 : i32
    %scan3A_585 = arith.constant 1 : i32
    %scan3A_586 = scf.for %scan3A_649 = %scan3A_582 to %scan3A_584 step %scan3A_585 iter_args(%scan3A_650 = %scan3A_581) -> (i32)  : i32 {
      %mul3A_651 = arith.constant 10240 : i32
      %mul3A_652 = arith.muli %add3A, %mul3A_651 : i32
      %mul3A_653 = arith.constant 1024 : i32
      %mul3A_654 = arith.muli %scan3A_649, %mul3A_653 : i32
      %add3A_655 = arith.addi %mul3A_652, %mul3A_654 : i32
      "tpu.region"() ({
        %run_scoped3A_1639 = tpu.sem_alloc : memref<!tpu.dma_semaphore, #tpu.memory_space<semaphore_mem>>
        %dma_start3A = tpu.memref_slice %arg2[%add3A_655] : memref<327680xi32, #tpu.memory_space<hbm>> -> memref<1024xi32, #tpu.memory_space<hbm>>
        %dma_start3A_1640 = tpu.memref_slice %arg2[%add3A_655] : memref<327680xi32, #tpu.memory_space<hbm>> -> memref<1024xi32, #tpu.memory_space<hbm>>
        tpu.enqueue_dma source(%dma_start3A_1640 : memref<1024xi32, #tpu.memory_space<hbm>>) target(%arg10 : memref<1024xi32, #tpu.memory_space<vmem>>) target_semaphore(%run_scoped3A_1639 : memref<!tpu.dma_semaphore, #tpu.memory_space<semaphore_mem>>)
        %dma_wait3A = tpu.memref_slice %arg2[%add3A_655] : memref<327680xi32, #tpu.memory_space<hbm>> -> memref<1024xi32, #tpu.memory_space<hbm>>
        %dma_wait3A_1641 = tpu.memref_slice %arg2[%add3A_655] : memref<327680xi32, #tpu.memory_space<hbm>> -> memref<1024xi32, #tpu.memory_space<hbm>>
        tpu.wait_dma2 semaphore(%run_scoped3A_1639 : memref<!tpu.dma_semaphore, #tpu.memory_space<semaphore_mem>>) src(%dma_wait3A_1641 : memref<1024xi32, #tpu.memory_space<hbm>>) dst(%arg10 : memref<1024xi32, #tpu.memory_space<vmem>>)
        tpu.yield
      }) : () -> ()
      "tpu.region"() ({
        %run_scoped3A_1639 = tpu.sem_alloc : memref<!tpu.dma_semaphore, #tpu.memory_space<semaphore_mem>>
        %dma_start3A = tpu.memref_slice %arg3[%add3A_655] : memref<327680xi32, #tpu.memory_space<hbm>> -> memref<1024xi32, #tpu.memory_space<hbm>>
        %dma_start3A_1640 = tpu.memref_slice %arg3[%add3A_655] : memref<327680xi32, #tpu.memory_space<hbm>> -> memref<1024xi32, #tpu.memory_space<hbm>>
        tpu.enqueue_dma source(%dma_start3A_1640 : memref<1024xi32, #tpu.memory_space<hbm>>) target(%arg11 : memref<1024xi32, #tpu.memory_space<vmem>>) target_semaphore(%run_scoped3A_1639 : memref<!tpu.dma_semaphore, #tpu.memory_space<semaphore_mem>>)
        %dma_wait3A = tpu.memref_slice %arg3[%add3A_655] : memref<327680xi32, #tpu.memory_space<hbm>> -> memref<1024xi32, #tpu.memory_space<hbm>>
        %dma_wait3A_1641 = tpu.memref_slice %arg3[%add3A_655] : memref<327680xi32, #tpu.memory_space<hbm>> -> memref<1024xi32, #tpu.memory_space<hbm>>
        tpu.wait_dma2 semaphore(%run_scoped3A_1639 : memref<!tpu.dma_semaphore, #tpu.memory_space<semaphore_mem>>) src(%dma_wait3A_1641 : memref<1024xi32, #tpu.memory_space<hbm>>) dst(%arg11 : memref<1024xi32, #tpu.memory_space<vmem>>)
        tpu.yield
      }) : () -> ()
      %mul3A_656 = arith.constant 16 : i32
      %mul3A_657 = arith.muli %add3A_655, %mul3A_656 : i32
      "tpu.region"() ({
        %run_scoped3A_1639 = tpu.sem_alloc : memref<!tpu.dma_semaphore, #tpu.memory_space<semaphore_mem>>
        %dma_start3A = tpu.memref_slice %arg5[%mul3A_657] : memref<5242880xf32, #tpu.memory_space<hbm>> -> memref<16384xf32, #tpu.memory_space<hbm>>
        %dma_start3A_1640 = tpu.memref_slice %arg5[%mul3A_657] : memref<5242880xf32, #tpu.memory_space<hbm>> -> memref<16384xf32, #tpu.memory_space<hbm>>
        tpu.enqueue_dma source(%dma_start3A_1640 : memref<16384xf32, #tpu.memory_space<hbm>>) target(%arg13 : memref<16384xf32, #tpu.memory_space<vmem>>) target_semaphore(%run_scoped3A_1639 : memref<!tpu.dma_semaphore, #tpu.memory_space<semaphore_mem>>)
        %dma_wait3A = tpu.memref_slice %arg5[%mul3A_657] : memref<5242880xf32, #tpu.memory_space<hbm>> -> memref<16384xf32, #tpu.memory_space<hbm>>
        %dma_wait3A_1641 = tpu.memref_slice %arg5[%mul3A_657] : memref<5242880xf32, #tpu.memory_space<hbm>> -> memref<16384xf32, #tpu.memory_space<hbm>>
        tpu.wait_dma2 semaphore(%run_scoped3A_1639 : memref<!tpu.dma_semaphore, #tpu.memory_space<semaphore_mem>>) src(%dma_wait3A_1641 : memref<16384xf32, #tpu.memory_space<hbm>>) dst(%arg13 : memref<16384xf32, #tpu.memory_space<vmem>>)
        tpu.yield
      }) : () -> ()
      %get3A = arith.constant 0 : index
      %get3A_658 = tpu.vector_load %arg11[%get3A] {strides = array<i32>} : memref<1024xi32, #tpu.memory_space<vmem>>, vector<16xi32>,
      %gather3A = tpu.vector_load_idx %arg9[%get3A_658] : memref<10000xi32, #tpu.memory_space<vmem>>[vector<16xi32>], vector<16xi32>,
      %swap3A_659 = arith.constant 0 : index
      %swap3A_660 = tpu.vector_load %arg12[%swap3A_659] {strides = array<i32>} : memref<1024xi32, #tpu.memory_space<vmem>>, vector<16xi32>,
      tpu.vector_store %arg12[%swap3A_659], %gather3A {strides = array<i32>} : memref<1024xi32, #tpu.memory_space<vmem>>, vector<16xi32>,
      %get3A_661 = arith.constant 0 : index
      %get3A_662 = tpu.vector_load %arg10[%get3A_661] {strides = array<i32>} : memref<1024xi32, #tpu.memory_space<vmem>>, vector<16xi32>,
      %mul3A_663 = arith.constant 10240 : i32
      %mul3A_664 = vector.broadcast %mul3A_663 : i32 to vector<16xi32>
      %mul3A_665 = arith.muli %gather3A, %mul3A_664 : vector<16xi32>
      %add3A_666 = arith.addi %mul3A_665, %get3A_662 : vector<16xi32>
      %swap3A_667 = arith.constant 0 : i32
      %swap3A_668 = arith.index_cast %swap3A_667 : i32 to index
      %swap3A_669 = arith.constant 0 : index
      %swap3A_670 = tpu.vector_load %arg14[%swap3A_668, %swap3A_669] {strides = array<i32>} : memref<8x128xi32, #tpu.memory_space<vmem>>, vector<16xi32>,
      tpu.vector_store %arg14[%swap3A_668, %swap3A_669], %add3A_666 {strides = array<i32>} : memref<8x128xi32, #tpu.memory_space<vmem>>, vector<16xi32>,
      %get3A_671 = arith.constant 16 : index
      %get3A_672 = tpu.vector_load %arg11[%get3A_671] {strides = array<i32>} : memref<1024xi32, #tpu.memory_space<vmem>>, vector<16xi32>,
      %gather3A_673 = tpu.vector_load_idx %arg9[%get3A_672] : memref<10000xi32, #tpu.memory_space<vmem>>[vector<16xi32>], vector<16xi32>,
      %swap3A_674 = arith.constant 16 : index
      %swap3A_675 = tpu.vector_load %arg12[%swap3A_674] {strides = array<i32>} : memref<1024xi32, #tpu.memory_space<vmem>>, vector<16xi32>,
      tpu.vector_store %arg12[%swap3A_674], %gather3A_673 {strides = array<i32>} : memref<1024xi32, #tpu.memory_space<vmem>>, vector<16xi32>,
      %get3A_676 = arith.constant 16 : index
      %get3A_677 = tpu.vector_load %arg10[%get3A_676] {strides = array<i32>} : memref<1024xi32, #tpu.memory_space<vmem>>, vector<16xi32>,
      %mul3A_678 = arith.constant 10240 : i32
      %mul3A_679 = vector.broadcast %mul3A_678 : i32 to vector<16xi32>
      %mul3A_680 = arith.muli %gather3A_673, %mul3A_679 : vector<16xi32>
      %add3A_681 = arith.addi %mul3A_680, %get3A_677 : vector<16xi32>
      %swap3A_682 = arith.constant 0 : i32
      %swap3A_683 = arith.index_cast %swap3A_682 : i32 to index
      %swap3A_684 = arith.constant 16 : index
      %swap3A_685 = tpu.vector_load %arg14[%swap3A_683, %swap3A_684] {strides = array<i32>} : memref<8x128xi32, #tpu.memory_space<vmem>>, vector<16xi32>,
      tpu.vector_store %arg14[%swap3A_683, %swap3A_684], %add3A_681 {strides = array<i32>} : memref<8x128xi32, #tpu.memory_space<vmem>>, vector<16xi32>,
      %get3A_686 = arith.constant 32 : index
      %get3A_687 = tpu.vector_load %arg11[%get3A_686] {strides = array<i32>} : memref<1024xi32, #tpu.memory_space<vmem>>, vector<16xi32>,
      %gather3A_688 = tpu.vector_load_idx %arg9[%get3A_687] : memref<10000xi32, #tpu.memory_space<vmem>>[vector<16xi32>], vector<16xi32>,
      %swap3A_689 = arith.constant 32 : index
      %swap3A_690 = tpu.vector_load %arg12[%swap3A_689] {strides = array<i32>} : memref<1024xi32, #tpu.memory_space<vmem>>, vector<16xi32>,
      tpu.vector_store %arg12[%swap3A_689], %gather3A_688 {strides = array<i32>} : memref<1024xi32, #tpu.memory_space<vmem>>, vector<16xi32>,
      %get3A_691 = arith.constant 32 : index
      %get3A_692 = tpu.vector_load %arg10[%get3A_691] {strides = array<i32>} : memref<1024xi32, #tpu.memory_space<vmem>>, vector<16xi32>,
      %mul3A_693 = arith.constant 10240 : i32
      %mul3A_694 = vector.broadcast %mul3A_693 : i32 to vector<16xi32>
      %mul3A_695 = arith.muli %gather3A_688, %mul3A_694 : vector<16xi32>
      %add3A_696 = arith.addi %mul3A_695, %get3A_692 : vector<16xi32>
      %swap3A_697 = arith.constant 0 : i32
      %swap3A_698 = arith.index_cast %swap3A_697 : i32 to index
      %swap3A_699 = arith.constant 32 : index
      %swap3A_700 = tpu.vector_load %arg14[%swap3A_698, %swap3A_699] {strides = array<i32>} : memref<8x128xi32, #tpu.memory_space<vmem>>, vector<16xi32>,
      tpu.vector_store %arg14[%swap3A_698, %swap3A_699], %add3A_696 {strides = array<i32>} : memref<8x128xi32, #tpu.memory_space<vmem>>, vector<16xi32>,
      %get3A_701 = arith.constant 48 : index
      %get3A_702 = tpu.vector_load %arg11[%get3A_701] {strides = array<i32>} : memref<1024xi32, #tpu.memory_space<vmem>>, vector<16xi32>,
      %gather3A_703 = tpu.vector_load_idx %arg9[%get3A_702] : memref<10000xi32, #tpu.memory_space<vmem>>[vector<16xi32>], vector<16xi32>,
      %swap3A_704 = arith.constant 48 : index
      %swap3A_705 = tpu.vector_load %arg12[%swap3A_704] {strides = array<i32>} : memref<1024xi32, #tpu.memory_space<vmem>>, vector<16xi32>,
      tpu.vector_store %arg12[%swap3A_704], %gather3A_703 {strides = array<i32>} : memref<1024xi32, #tpu.memory_space<vmem>>, vector<16xi32>,
      %get3A_706 = arith.constant 48 : index
      %get3A_707 = tpu.vector_load %arg10[%get3A_706] {strides = array<i32>} : memref<1024xi32, #tpu.memory_space<vmem>>, vector<16xi32>,
      %mul3A_708 = arith.constant 10240 : i32
      %mul3A_709 = vector.broadcast %mul3A_708 : i32 to vector<16xi32>
      %mul3A_710 = arith.muli %gather3A_703, %mul3A_709 : vector<16xi32>
      %add3A_711 = arith.addi %mul3A_710, %get3A_707 : vector<16xi32>
      %swap3A_712 = arith.constant 0 : i32
      %swap3A_713 = arith.index_cast %swap3A_712 : i32 to index
      %swap3A_714 = arith.constant 48 : index
      %swap3A_715 = tpu.vector_load %arg14[%swap3A_713, %swap3A_714] {strides = array<i32>} : memref<8x128xi32, #tpu.memory_space<vmem>>, vector<16xi32>,
      tpu.vector_store %arg14[%swap3A_713, %swap3A_714], %add3A_711 {strides = array<i32>} : memref<8x128xi32, #tpu.memory_space<vmem>>, vector<16xi32>,
      %get3A_716 = arith.constant 64 : index
      %get3A_717 = tpu.vector_load %arg11[%get3A_716] {strides = array<i32>} : memref<1024xi32, #tpu.memory_space<vmem>>, vector<16xi32>,
      %gather3A_718 = tpu.vector_load_idx %arg9[%get3A_717] : memref<10000xi32, #tpu.memory_space<vmem>>[vector<16xi32>], vector<16xi32>,
      %swap3A_719 = arith.constant 64 : index
      %swap3A_720 = tpu.vector_load %arg12[%swap3A_719] {strides = array<i32>} : memref<1024xi32, #tpu.memory_space<vmem>>, vector<16xi32>,
      tpu.vector_store %arg12[%swap3A_719], %gather3A_718 {strides = array<i32>} : memref<1024xi32, #tpu.memory_space<vmem>>, vector<16xi32>,
      %get3A_721 = arith.constant 64 : index
      %get3A_722 = tpu.vector_load %arg10[%get3A_721] {strides = array<i32>} : memref<1024xi32, #tpu.memory_space<vmem>>, vector<16xi32>,
      %mul3A_723 = arith.constant 10240 : i32
      %mul3A_724 = vector.broadcast %mul3A_723 : i32 to vector<16xi32>
      %mul3A_725 = arith.muli %gather3A_718, %mul3A_724 : vector<16xi32>
      %add3A_726 = arith.addi %mul3A_725, %get3A_722 : vector<16xi32>
      %swap3A_727 = arith.constant 0 : i32
      %swap3A_728 = arith.index_cast %swap3A_727 : i32 to index
      %swap3A_729 = arith.constant 64 : index
      %swap3A_730 = tpu.vector_load %arg14[%swap3A_728, %swap3A_729] {strides = array<i32>} : memref<8x128xi32, #tpu.memory_space<vmem>>, vector<16xi32>,
      tpu.vector_store %arg14[%swap3A_728, %swap3A_729], %add3A_726 {strides = array<i32>} : memref<8x128xi32, #tpu.memory_space<vmem>>, vector<16xi32>,
      %get3A_731 = arith.constant 80 : index
      %get3A_732 = tpu.vector_load %arg11[%get3A_731] {strides = array<i32>} : memref<1024xi32, #tpu.memory_space<vmem>>, vector<16xi32>,
      %gather3A_733 = tpu.vector_load_idx %arg9[%get3A_732] : memref<10000xi32, #tpu.memory_space<vmem>>[vector<16xi32>], vector<16xi32>,
      %swap3A_734 = arith.constant 80 : index
      %swap3A_735 = tpu.vector_load %arg12[%swap3A_734] {strides = array<i32>} : memref<1024xi32, #tpu.memory_space<vmem>>, vector<16xi32>,
      tpu.vector_store %arg12[%swap3A_734], %gather3A_733 {strides = array<i32>} : memref<1024xi32, #tpu.memory_space<vmem>>, vector<16xi32>,
      %get3A_736 = arith.constant 80 : index
      %get3A_737 = tpu.vector_load %arg10[%get3A_736] {strides = array<i32>} : memref<1024xi32, #tpu.memory_space<vmem>>, vector<16xi32>,
      %mul3A_738 = arith.constant 10240 : i32
      %mul3A_739 = vector.broadcast %mul3A_738 : i32 to vector<16xi32>
      %mul3A_740 = arith.muli %gather3A_733, %mul3A_739 : vector<16xi32>
      %add3A_741 = arith.addi %mul3A_740, %get3A_737 : vector<16xi32>
      %swap3A_742 = arith.constant 0 : i32
      %swap3A_743 = arith.index_cast %swap3A_742 : i32 to index
      %swap3A_744 = arith.constant 80 : index
      %swap3A_745 = tpu.vector_load %arg14[%swap3A_743, %swap3A_744] {strides = array<i32>} : memref<8x128xi32, #tpu.memory_space<vmem>>, vector<16xi32>,
      tpu.vector_store %arg14[%swap3A_743, %swap3A_744], %add3A_741 {strides = array<i32>} : memref<8x128xi32, #tpu.memory_space<vmem>>, vector<16xi32>,
      %get3A_746 = arith.constant 96 : index
      %get3A_747 = tpu.vector_load %arg11[%get3A_746] {strides = array<i32>} : memref<1024xi32, #tpu.memory_space<vmem>>, vector<16xi32>,
      %gather3A_748 = tpu.vector_load_idx %arg9[%get3A_747] : memref<10000xi32, #tpu.memory_space<vmem>>[vector<16xi32>], vector<16xi32>,
      %swap3A_749 = arith.constant 96 : index
      %swap3A_750 = tpu.vector_load %arg12[%swap3A_749] {strides = array<i32>} : memref<1024xi32, #tpu.memory_space<vmem>>, vector<16xi32>,
      tpu.vector_store %arg12[%swap3A_749], %gather3A_748 {strides = array<i32>} : memref<1024xi32, #tpu.memory_space<vmem>>, vector<16xi32>,
      %get3A_751 = arith.constant 96 : index
      %get3A_752 = tpu.vector_load %arg10[%get3A_751] {strides = array<i32>} : memref<1024xi32, #tpu.memory_space<vmem>>, vector<16xi32>,
      %mul3A_753 = arith.constant 10240 : i32
      %mul3A_754 = vector.broadcast %mul3A_753 : i32 to vector<16xi32>
      %mul3A_755 = arith.muli %gather3A_748, %mul3A_754 : vector<16xi32>
      %add3A_756 = arith.addi %mul3A_755, %get3A_752 : vector<16xi32>
      %swap3A_757 = arith.constant 0 : i32
      %swap3A_758 = arith.index_cast %swap3A_757 : i32 to index
      %swap3A_759 = arith.constant 96 : index
      %swap3A_760 = tpu.vector_load %arg14[%swap3A_758, %swap3A_759] {strides = array<i32>} : memref<8x128xi32, #tpu.memory_space<vmem>>, vector<16xi32>,
      tpu.vector_store %arg14[%swap3A_758, %swap3A_759], %add3A_756 {strides = array<i32>} : memref<8x128xi32, #tpu.memory_space<vmem>>, vector<16xi32>,
      %get3A_761 = arith.constant 112 : index
      %get3A_762 = tpu.vector_load %arg11[%get3A_761] {strides = array<i32>} : memref<1024xi32, #tpu.memory_space<vmem>>, vector<16xi32>,
      %gather3A_763 = tpu.vector_load_idx %arg9[%get3A_762] : memref<10000xi32, #tpu.memory_space<vmem>>[vector<16xi32>], vector<16xi32>,
      %swap3A_764 = arith.constant 112 : index
      %swap3A_765 = tpu.vector_load %arg12[%swap3A_764] {strides = array<i32>} : memref<1024xi32, #tpu.memory_space<vmem>>, vector<16xi32>,
      tpu.vector_store %arg12[%swap3A_764], %gather3A_763 {strides = array<i32>} : memref<1024xi32, #tpu.memory_space<vmem>>, vector<16xi32>,
      %get3A_766 = arith.constant 112 : index
      %get3A_767 = tpu.vector_load %arg10[%get3A_766] {strides = array<i32>} : memref<1024xi32, #tpu.memory_space<vmem>>, vector<16xi32>,
      %mul3A_768 = arith.constant 10240 : i32
      %mul3A_769 = vector.broadcast %mul3A_768 : i32 to vector<16xi32>
      %mul3A_770 = arith.muli %gather3A_763, %mul3A_769 : vector<16xi32>
      %add3A_771 = arith.addi %mul3A_770, %get3A_767 : vector<16xi32>
      %swap3A_772 = arith.constant 0 : i32
      %swap3A_773 = arith.index_cast %swap3A_772 : i32 to index
      %swap3A_774 = arith.constant 112 : index
      %swap3A_775 = tpu.vector_load %arg14[%swap3A_773, %swap3A_774] {strides = array<i32>} : memref<8x128xi32, #tpu.memory_space<vmem>>, vector<16xi32>,
      tpu.vector_store %arg14[%swap3A_773, %swap3A_774], %add3A_771 {strides = array<i32>} : memref<8x128xi32, #tpu.memory_space<vmem>>, vector<16xi32>,
      %run_scoped3A = arith.constant 0 : i32
      %run_scoped3A_776 = arith.constant 0 : i32
      "tpu.region"() ({
        %run_scoped3A_1639 = tpu.sem_alloc : memref<!tpu.dma_semaphore, #tpu.memory_space<semaphore_mem>>
        %dma_start3A = arith.constant 0 : i32
        %dma_start3A_1640 = tpu.memref_slice %arg15[%run_scoped3A, %dma_start3A] : memref<8x128xf32, #tpu.memory_space<vmem>> -> memref<1x128xf32, #tpu.memory_space<vmem>>
        %dma_start3A_1641 = tpu.memref_squeeze %dma_start3A_1640 : memref<1x128xf32, #tpu.memory_space<vmem>> -> memref<128xf32, #tpu.memory_space<vmem>>
        %dma_start3A_1642 = arith.constant 0 : i32
        %dma_start3A_1643 = tpu.memref_slice %arg14[%run_scoped3A_776, %dma_start3A_1642] : memref<8x128xi32, #tpu.memory_space<vmem>> -> memref<1x128xi32, #tpu.memory_space<vmem>>
        %dma_start3A_1644 = tpu.memref_squeeze %dma_start3A_1643 : memref<1x128xi32, #tpu.memory_space<vmem>> -> memref<128xi32, #tpu.memory_space<vmem>>
        %dma_start3A_1645 = arith.constant 0 : i32
        %dma_start3A_1646 = tpu.memref_slice %arg8[%dma_start3A_1645] : memref<655360xf32, #tpu.memory_space<vmem_shared>> -> memref<655360xf32, #tpu.memory_space<vmem_shared>>
        tpu.enqueue_indirect_dma source(%dma_start3A_1641 : memref<128xf32, #tpu.memory_space<vmem>>) target(%dma_start3A_1646 : memref<655360xf32, #tpu.memory_space<vmem_shared>>) offsets(%dma_start3A_1644 : memref<128xi32, #tpu.memory_space<vmem>>) semaphore(%run_scoped3A_1639 : memref<!tpu.dma_semaphore, #tpu.memory_space<semaphore_mem>>) {add = true}
        %dma_wait3A = arith.constant 0 : i32
        %dma_wait3A_1647 = tpu.memref_slice %arg15[%run_scoped3A, %dma_wait3A] : memref<8x128xf32, #tpu.memory_space<vmem>> -> memref<1x128xf32, #tpu.memory_space<vmem>>
        %dma_wait3A_1648 = tpu.memref_squeeze %dma_wait3A_1647 : memref<1x128xf32, #tpu.memory_space<vmem>> -> memref<128xf32, #tpu.memory_space<vmem>>
        %dma_wait3A_1649 = arith.constant 0 : i32
        %dma_wait3A_1650 = tpu.memref_slice %arg14[%run_scoped3A_776, %dma_wait3A_1649] : memref<8x128xi32, #tpu.memory_space<vmem>> -> memref<1x128xi32, #tpu.memory_space<vmem>>
        %dma_wait3A_1651 = tpu.memref_squeeze %dma_wait3A_1650 : memref<1x128xi32, #tpu.memory_space<vmem>> -> memref<128xi32, #tpu.memory_space<vmem>>
        %dma_wait3A_1652 = arith.constant 0 : i32
        %dma_wait3A_1653 = tpu.memref_slice %arg8[%dma_wait3A_1652] : memref<655360xf32, #tpu.memory_space<vmem_shared>> -> memref<655360xf32, #tpu.memory_space<vmem_shared>>
        tpu.wait_indirect_dma semaphore(%run_scoped3A_1639 : memref<!tpu.dma_semaphore, #tpu.memory_space<semaphore_mem>>) src(%dma_wait3A_1648 : memref<128xf32, #tpu.memory_space<vmem>>) dst(%dma_wait3A_1653 : memref<655360xf32, #tpu.memory_space<vmem_shared>>)
        tpu.yield
      }) : () -> ()
      %get3A_777 = arith.constant 128 : index
      %get3A_778 = tpu.vector_load %arg11[%get3A_777] {strides = array<i32>} : memref<1024xi32, #tpu.memory_space<vmem>>, vector<16xi32>,
      %gather3A_779 = tpu.vector_load_idx %arg9[%get3A_778] : memref<10000xi32, #tpu.memory_space<vmem>>[vector<16xi32>], vector<16xi32>,
      %swap3A_780 = arith.constant 128 : index
      %swap3A_781 = tpu.vector_load %arg12[%swap3A_780] {strides = array<i32>} : memref<1024xi32, #tpu.memory_space<vmem>>, vector<16xi32>,
      tpu.vector_store %arg12[%swap3A_780], %gather3A_779 {strides = array<i32>} : memref<1024xi32, #tpu.memory_space<vmem>>, vector<16xi32>,
      %get3A_782 = arith.constant 128 : index
      %get3A_783 = tpu.vector_load %arg10[%get3A_782] {strides = array<i32>} : memref<1024xi32, #tpu.memory_space<vmem>>, vector<16xi32>,
      %mul3A_784 = arith.constant 10240 : i32
      %mul3A_785 = vector.broadcast %mul3A_784 : i32 to vector<16xi32>
      %mul3A_786 = arith.muli %gather3A_779, %mul3A_785 : vector<16xi32>
      %add3A_787 = arith.addi %mul3A_786, %get3A_783 : vector<16xi32>
      %swap3A_788 = arith.constant 1 : i32
      %swap3A_789 = arith.index_cast %swap3A_788 : i32 to index
      %swap3A_790 = arith.constant 0 : index
      %swap3A_791 = tpu.vector_load %arg14[%swap3A_789, %swap3A_790] {strides = array<i32>} : memref<8x128xi32, #tpu.memory_space<vmem>>, vector<16xi32>,
      tpu.vector_store %arg14[%swap3A_789, %swap3A_790], %add3A_787 {strides = array<i32>} : memref<8x128xi32, #tpu.memory_space<vmem>>, vector<16xi32>,
      %get3A_792 = arith.constant 144 : index
      %get3A_793 = tpu.vector_load %arg11[%get3A_792] {strides = array<i32>} : memref<1024xi32, #tpu.memory_space<vmem>>, vector<16xi32>,
      %gather3A_794 = tpu.vector_load_idx %arg9[%get3A_793] : memref<10000xi32, #tpu.memory_space<vmem>>[vector<16xi32>], vector<16xi32>,
      %swap3A_795 = arith.constant 144 : index
      %swap3A_796 = tpu.vector_load %arg12[%swap3A_795] {strides = array<i32>} : memref<1024xi32, #tpu.memory_space<vmem>>, vector<16xi32>,
      tpu.vector_store %arg12[%swap3A_795], %gather3A_794 {strides = array<i32>} : memref<1024xi32, #tpu.memory_space<vmem>>, vector<16xi32>,
      %get3A_797 = arith.constant 144 : index
      %get3A_798 = tpu.vector_load %arg10[%get3A_797] {strides = array<i32>} : memref<1024xi32, #tpu.memory_space<vmem>>, vector<16xi32>,
      %mul3A_799 = arith.constant 10240 : i32
      %mul3A_800 = vector.broadcast %mul3A_799 : i32 to vector<16xi32>
      %mul3A_801 = arith.muli %gather3A_794, %mul3A_800 : vector<16xi32>
      %add3A_802 = arith.addi %mul3A_801, %get3A_798 : vector<16xi32>
      %swap3A_803 = arith.constant 1 : i32
      %swap3A_804 = arith.index_cast %swap3A_803 : i32 to index
      %swap3A_805 = arith.constant 16 : index
      %swap3A_806 = tpu.vector_load %arg14[%swap3A_804, %swap3A_805] {strides = array<i32>} : memref<8x128xi32, #tpu.memory_space<vmem>>, vector<16xi32>,
      tpu.vector_store %arg14[%swap3A_804, %swap3A_805], %add3A_802 {strides = array<i32>} : memref<8x128xi32, #tpu.memory_space<vmem>>, vector<16xi32>,
      %get3A_807 = arith.constant 160 : index
      %get3A_808 = tpu.vector_load %arg11[%get3A_807] {strides = array<i32>} : memref<1024xi32, #tpu.memory_space<vmem>>, vector<16xi32>,
      %gather3A_809 = tpu.vector_load_idx %arg9[%get3A_808] : memref<10000xi32, #tpu.memory_space<vmem>>[vector<16xi32>], vector<16xi32>,
      %swap3A_810 = arith.constant 160 : index
      %swap3A_811 = tpu.vector_load %arg12[%swap3A_810] {strides = array<i32>} : memref<1024xi32, #tpu.memory_space<vmem>>, vector<16xi32>,
      tpu.vector_store %arg12[%swap3A_810], %gather3A_809 {strides = array<i32>} : memref<1024xi32, #tpu.memory_space<vmem>>, vector<16xi32>,
      %get3A_812 = arith.constant 160 : index
      %get3A_813 = tpu.vector_load %arg10[%get3A_812] {strides = array<i32>} : memref<1024xi32, #tpu.memory_space<vmem>>, vector<16xi32>,
      %mul3A_814 = arith.constant 10240 : i32
      %mul3A_815 = vector.broadcast %mul3A_814 : i32 to vector<16xi32>
      %mul3A_816 = arith.muli %gather3A_809, %mul3A_815 : vector<16xi32>
      %add3A_817 = arith.addi %mul3A_816, %get3A_813 : vector<16xi32>
      %swap3A_818 = arith.constant 1 : i32
      %swap3A_819 = arith.index_cast %swap3A_818 : i32 to index
      %swap3A_820 = arith.constant 32 : index
      %swap3A_821 = tpu.vector_load %arg14[%swap3A_819, %swap3A_820] {strides = array<i32>} : memref<8x128xi32, #tpu.memory_space<vmem>>, vector<16xi32>,
      tpu.vector_store %arg14[%swap3A_819, %swap3A_820], %add3A_817 {strides = array<i32>} : memref<8x128xi32, #tpu.memory_space<vmem>>, vector<16xi32>,
      %get3A_822 = arith.constant 176 : index
      %get3A_823 = tpu.vector_load %arg11[%get3A_822] {strides = array<i32>} : memref<1024xi32, #tpu.memory_space<vmem>>, vector<16xi32>,
      %gather3A_824 = tpu.vector_load_idx %arg9[%get3A_823] : memref<10000xi32, #tpu.memory_space<vmem>>[vector<16xi32>], vector<16xi32>,
      %swap3A_825 = arith.constant 176 : index
      %swap3A_826 = tpu.vector_load %arg12[%swap3A_825] {strides = array<i32>} : memref<1024xi32, #tpu.memory_space<vmem>>, vector<16xi32>,
      tpu.vector_store %arg12[%swap3A_825], %gather3A_824 {strides = array<i32>} : memref<1024xi32, #tpu.memory_space<vmem>>, vector<16xi32>,
      %get3A_827 = arith.constant 176 : index
      %get3A_828 = tpu.vector_load %arg10[%get3A_827] {strides = array<i32>} : memref<1024xi32, #tpu.memory_space<vmem>>, vector<16xi32>,
      %mul3A_829 = arith.constant 10240 : i32
      %mul3A_830 = vector.broadcast %mul3A_829 : i32 to vector<16xi32>
      %mul3A_831 = arith.muli %gather3A_824, %mul3A_830 : vector<16xi32>
      %add3A_832 = arith.addi %mul3A_831, %get3A_828 : vector<16xi32>
      %swap3A_833 = arith.constant 1 : i32
      %swap3A_834 = arith.index_cast %swap3A_833 : i32 to index
      %swap3A_835 = arith.constant 48 : index
      %swap3A_836 = tpu.vector_load %arg14[%swap3A_834, %swap3A_835] {strides = array<i32>} : memref<8x128xi32, #tpu.memory_space<vmem>>, vector<16xi32>,
      tpu.vector_store %arg14[%swap3A_834, %swap3A_835], %add3A_832 {strides = array<i32>} : memref<8x128xi32, #tpu.memory_space<vmem>>, vector<16xi32>,
      %get3A_837 = arith.constant 192 : index
      %get3A_838 = tpu.vector_load %arg11[%get3A_837] {strides = array<i32>} : memref<1024xi32, #tpu.memory_space<vmem>>, vector<16xi32>,
      %gather3A_839 = tpu.vector_load_idx %arg9[%get3A_838] : memref<10000xi32, #tpu.memory_space<vmem>>[vector<16xi32>], vector<16xi32>,
      %swap3A_840 = arith.constant 192 : index
      %swap3A_841 = tpu.vector_load %arg12[%swap3A_840] {strides = array<i32>} : memref<1024xi32, #tpu.memory_space<vmem>>, vector<16xi32>,
      tpu.vector_store %arg12[%swap3A_840], %gather3A_839 {strides = array<i32>} : memref<1024xi32, #tpu.memory_space<vmem>>, vector<16xi32>,
      %get3A_842 = arith.constant 192 : index
      %get3A_843 = tpu.vector_load %arg10[%get3A_842] {strides = array<i32>} : memref<1024xi32, #tpu.memory_space<vmem>>, vector<16xi32>,
      %mul3A_844 = arith.constant 10240 : i32
      %mul3A_845 = vector.broadcast %mul3A_844 : i32 to vector<16xi32>
      %mul3A_846 = arith.muli %gather3A_839, %mul3A_845 : vector<16xi32>
      %add3A_847 = arith.addi %mul3A_846, %get3A_843 : vector<16xi32>
      %swap3A_848 = arith.constant 1 : i32
      %swap3A_849 = arith.index_cast %swap3A_848 : i32 to index
      %swap3A_850 = arith.constant 64 : index
      %swap3A_851 = tpu.vector_load %arg14[%swap3A_849, %swap3A_850] {strides = array<i32>} : memref<8x128xi32, #tpu.memory_space<vmem>>, vector<16xi32>,
      tpu.vector_store %arg14[%swap3A_849, %swap3A_850], %add3A_847 {strides = array<i32>} : memref<8x128xi32, #tpu.memory_space<vmem>>, vector<16xi32>,
      %get3A_852 = arith.constant 208 : index
      %get3A_853 = tpu.vector_load %arg11[%get3A_852] {strides = array<i32>} : memref<1024xi32, #tpu.memory_space<vmem>>, vector<16xi32>,
      %gather3A_854 = tpu.vector_load_idx %arg9[%get3A_853] : memref<10000xi32, #tpu.memory_space<vmem>>[vector<16xi32>], vector<16xi32>,
      %swap3A_855 = arith.constant 208 : index
      %swap3A_856 = tpu.vector_load %arg12[%swap3A_855] {strides = array<i32>} : memref<1024xi32, #tpu.memory_space<vmem>>, vector<16xi32>,
      tpu.vector_store %arg12[%swap3A_855], %gather3A_854 {strides = array<i32>} : memref<1024xi32, #tpu.memory_space<vmem>>, vector<16xi32>,
      %get3A_857 = arith.constant 208 : index
      %get3A_858 = tpu.vector_load %arg10[%get3A_857] {strides = array<i32>} : memref<1024xi32, #tpu.memory_space<vmem>>, vector<16xi32>,
      %mul3A_859 = arith.constant 10240 : i32
      %mul3A_860 = vector.broadcast %mul3A_859 : i32 to vector<16xi32>
      %mul3A_861 = arith.muli %gather3A_854, %mul3A_860 : vector<16xi32>
      %add3A_862 = arith.addi %mul3A_861, %get3A_858 : vector<16xi32>
      %swap3A_863 = arith.constant 1 : i32
      %swap3A_864 = arith.index_cast %swap3A_863 : i32 to index
      %swap3A_865 = arith.constant 80 : index
      %swap3A_866 = tpu.vector_load %arg14[%swap3A_864, %swap3A_865] {strides = array<i32>} : memref<8x128xi32, #tpu.memory_space<vmem>>, vector<16xi32>,
      tpu.vector_store %arg14[%swap3A_864, %swap3A_865], %add3A_862 {strides = array<i32>} : memref<8x128xi32, #tpu.memory_space<vmem>>, vector<16xi32>,
      %get3A_867 = arith.constant 224 : index
      %get3A_868 = tpu.vector_load %arg11[%get3A_867] {strides = array<i32>} : memref<1024xi32, #tpu.memory_space<vmem>>, vector<16xi32>,
      %gather3A_869 = tpu.vector_load_idx %arg9[%get3A_868] : memref<10000xi32, #tpu.memory_space<vmem>>[vector<16xi32>], vector<16xi32>,
      %swap3A_870 = arith.constant 224 : index
      %swap3A_871 = tpu.vector_load %arg12[%swap3A_870] {strides = array<i32>} : memref<1024xi32, #tpu.memory_space<vmem>>, vector<16xi32>,
      tpu.vector_store %arg12[%swap3A_870], %gather3A_869 {strides = array<i32>} : memref<1024xi32, #tpu.memory_space<vmem>>, vector<16xi32>,
      %get3A_872 = arith.constant 224 : index
      %get3A_873 = tpu.vector_load %arg10[%get3A_872] {strides = array<i32>} : memref<1024xi32, #tpu.memory_space<vmem>>, vector<16xi32>,
      %mul3A_874 = arith.constant 10240 : i32
      %mul3A_875 = vector.broadcast %mul3A_874 : i32 to vector<16xi32>
      %mul3A_876 = arith.muli %gather3A_869, %mul3A_875 : vector<16xi32>
      %add3A_877 = arith.addi %mul3A_876, %get3A_873 : vector<16xi32>
      %swap3A_878 = arith.constant 1 : i32
      %swap3A_879 = arith.index_cast %swap3A_878 : i32 to index
      %swap3A_880 = arith.constant 96 : index
      %swap3A_881 = tpu.vector_load %arg14[%swap3A_879, %swap3A_880] {strides = array<i32>} : memref<8x128xi32, #tpu.memory_space<vmem>>, vector<16xi32>,
      tpu.vector_store %arg14[%swap3A_879, %swap3A_880], %add3A_877 {strides = array<i32>} : memref<8x128xi32, #tpu.memory_space<vmem>>, vector<16xi32>,
      %get3A_882 = arith.constant 240 : index
      %get3A_883 = tpu.vector_load %arg11[%get3A_882] {strides = array<i32>} : memref<1024xi32, #tpu.memory_space<vmem>>, vector<16xi32>,
      %gather3A_884 = tpu.vector_load_idx %arg9[%get3A_883] : memref<10000xi32, #tpu.memory_space<vmem>>[vector<16xi32>], vector<16xi32>,
      %swap3A_885 = arith.constant 240 : index
      %swap3A_886 = tpu.vector_load %arg12[%swap3A_885] {strides = array<i32>} : memref<1024xi32, #tpu.memory_space<vmem>>, vector<16xi32>,
      tpu.vector_store %arg12[%swap3A_885], %gather3A_884 {strides = array<i32>} : memref<1024xi32, #tpu.memory_space<vmem>>, vector<16xi32>,
      %get3A_887 = arith.constant 240 : index
      %get3A_888 = tpu.vector_load %arg10[%get3A_887] {strides = array<i32>} : memref<1024xi32, #tpu.memory_space<vmem>>, vector<16xi32>,
      %mul3A_889 = arith.constant 10240 : i32
      %mul3A_890 = vector.broadcast %mul3A_889 : i32 to vector<16xi32>
      %mul3A_891 = arith.muli %gather3A_884, %mul3A_890 : vector<16xi32>
      %add3A_892 = arith.addi %mul3A_891, %get3A_888 : vector<16xi32>
      %swap3A_893 = arith.constant 1 : i32
      %swap3A_894 = arith.index_cast %swap3A_893 : i32 to index
      %swap3A_895 = arith.constant 112 : index
      %swap3A_896 = tpu.vector_load %arg14[%swap3A_894, %swap3A_895] {strides = array<i32>} : memref<8x128xi32, #tpu.memory_space<vmem>>, vector<16xi32>,
      tpu.vector_store %arg14[%swap3A_894, %swap3A_895], %add3A_892 {strides = array<i32>} : memref<8x128xi32, #tpu.memory_space<vmem>>, vector<16xi32>,
      %run_scoped3A_897 = arith.constant 1 : i32
      %run_scoped3A_898 = arith.constant 1 : i32
      "tpu.region"() ({
        %run_scoped3A_1639 = tpu.sem_alloc : memref<!tpu.dma_semaphore, #tpu.memory_space<semaphore_mem>>
        %dma_start3A = arith.constant 0 : i32
        %dma_start3A_1640 = tpu.memref_slice %arg15[%run_scoped3A_897, %dma_start3A] : memref<8x128xf32, #tpu.memory_space<vmem>> -> memref<1x128xf32, #tpu.memory_space<vmem>>
        %dma_start3A_1641 = tpu.memref_squeeze %dma_start3A_1640 : memref<1x128xf32, #tpu.memory_space<vmem>> -> memref<128xf32, #tpu.memory_space<vmem>>
        %dma_start3A_1642 = arith.constant 0 : i32
        %dma_start3A_1643 = tpu.memref_slice %arg14[%run_scoped3A_898, %dma_start3A_1642] : memref<8x128xi32, #tpu.memory_space<vmem>> -> memref<1x128xi32, #tpu.memory_space<vmem>>
        %dma_start3A_1644 = tpu.memref_squeeze %dma_start3A_1643 : memref<1x128xi32, #tpu.memory_space<vmem>> -> memref<128xi32, #tpu.memory_space<vmem>>
        %dma_start3A_1645 = arith.constant 0 : i32
        %dma_start3A_1646 = tpu.memref_slice %arg8[%dma_start3A_1645] : memref<655360xf32, #tpu.memory_space<vmem_shared>> -> memref<655360xf32, #tpu.memory_space<vmem_shared>>
        tpu.enqueue_indirect_dma source(%dma_start3A_1641 : memref<128xf32, #tpu.memory_space<vmem>>) target(%dma_start3A_1646 : memref<655360xf32, #tpu.memory_space<vmem_shared>>) offsets(%dma_start3A_1644 : memref<128xi32, #tpu.memory_space<vmem>>) semaphore(%run_scoped3A_1639 : memref<!tpu.dma_semaphore, #tpu.memory_space<semaphore_mem>>) {add = true}
        %dma_wait3A = arith.constant 0 : i32
        %dma_wait3A_1647 = tpu.memref_slice %arg15[%run_scoped3A_897, %dma_wait3A] : memref<8x128xf32, #tpu.memory_space<vmem>> -> memref<1x128xf32, #tpu.memory_space<vmem>>
        %dma_wait3A_1648 = tpu.memref_squeeze %dma_wait3A_1647 : memref<1x128xf32, #tpu.memory_space<vmem>> -> memref<128xf32, #tpu.memory_space<vmem>>
        %dma_wait3A_1649 = arith.constant 0 : i32
        %dma_wait3A_1650 = tpu.memref_slice %arg14[%run_scoped3A_898, %dma_wait3A_1649] : memref<8x128xi32, #tpu.memory_space<vmem>> -> memref<1x128xi32, #tpu.memory_space<vmem>>
        %dma_wait3A_1651 = tpu.memref_squeeze %dma_wait3A_1650 : memref<1x128xi32, #tpu.memory_space<vmem>> -> memref<128xi32, #tpu.memory_space<vmem>>
        %dma_wait3A_1652 = arith.constant 0 : i32
        %dma_wait3A_1653 = tpu.memref_slice %arg8[%dma_wait3A_1652] : memref<655360xf32, #tpu.memory_space<vmem_shared>> -> memref<655360xf32, #tpu.memory_space<vmem_shared>>
        tpu.wait_indirect_dma semaphore(%run_scoped3A_1639 : memref<!tpu.dma_semaphore, #tpu.memory_space<semaphore_mem>>) src(%dma_wait3A_1648 : memref<128xf32, #tpu.memory_space<vmem>>) dst(%dma_wait3A_1653 : memref<655360xf32, #tpu.memory_space<vmem_shared>>)
        tpu.yield
      }) : () -> ()
      %get3A_899 = arith.constant 256 : index
      %get3A_900 = tpu.vector_load %arg11[%get3A_899] {strides = array<i32>} : memref<1024xi32, #tpu.memory_space<vmem>>, vector<16xi32>,
      %gather3A_901 = tpu.vector_load_idx %arg9[%get3A_900] : memref<10000xi32, #tpu.memory_space<vmem>>[vector<16xi32>], vector<16xi32>,
      %swap3A_902 = arith.constant 256 : index
      %swap3A_903 = tpu.vector_load %arg12[%swap3A_902] {strides = array<i32>} : memref<1024xi32, #tpu.memory_space<vmem>>, vector<16xi32>,
      tpu.vector_store %arg12[%swap3A_902], %gather3A_901 {strides = array<i32>} : memref<1024xi32, #tpu.memory_space<vmem>>, vector<16xi32>,
      %get3A_904 = arith.constant 256 : index
      %get3A_905 = tpu.vector_load %arg10[%get3A_904] {strides = array<i32>} : memref<1024xi32, #tpu.memory_space<vmem>>, vector<16xi32>,
      %mul3A_906 = arith.constant 10240 : i32
      %mul3A_907 = vector.broadcast %mul3A_906 : i32 to vector<16xi32>
      %mul3A_908 = arith.muli %gather3A_901, %mul3A_907 : vector<16xi32>
      %add3A_909 = arith.addi %mul3A_908, %get3A_905 : vector<16xi32>
      %swap3A_910 = arith.constant 2 : i32
      %swap3A_911 = arith.index_cast %swap3A_910 : i32 to index
      %swap3A_912 = arith.constant 0 : index
      %swap3A_913 = tpu.vector_load %arg14[%swap3A_911, %swap3A_912] {strides = array<i32>} : memref<8x128xi32, #tpu.memory_space<vmem>>, vector<16xi32>,
      tpu.vector_store %arg14[%swap3A_911, %swap3A_912], %add3A_909 {strides = array<i32>} : memref<8x128xi32, #tpu.memory_space<vmem>>, vector<16xi32>,
      %get3A_914 = arith.constant 272 : index
      %get3A_915 = tpu.vector_load %arg11[%get3A_914] {strides = array<i32>} : memref<1024xi32, #tpu.memory_space<vmem>>, vector<16xi32>,
      %gather3A_916 = tpu.vector_load_idx %arg9[%get3A_915] : memref<10000xi32, #tpu.memory_space<vmem>>[vector<16xi32>], vector<16xi32>,
      %swap3A_917 = arith.constant 272 : index
      %swap3A_918 = tpu.vector_load %arg12[%swap3A_917] {strides = array<i32>} : memref<1024xi32, #tpu.memory_space<vmem>>, vector<16xi32>,
      tpu.vector_store %arg12[%swap3A_917], %gather3A_916 {strides = array<i32>} : memref<1024xi32, #tpu.memory_space<vmem>>, vector<16xi32>,
      %get3A_919 = arith.constant 272 : index
      %get3A_920 = tpu.vector_load %arg10[%get3A_919] {strides = array<i32>} : memref<1024xi32, #tpu.memory_space<vmem>>, vector<16xi32>,
      %mul3A_921 = arith.constant 10240 : i32
      %mul3A_922 = vector.broadcast %mul3A_921 : i32 to vector<16xi32>
      %mul3A_923 = arith.muli %gather3A_916, %mul3A_922 : vector<16xi32>
      %add3A_924 = arith.addi %mul3A_923, %get3A_920 : vector<16xi32>
      %swap3A_925 = arith.constant 2 : i32
      %swap3A_926 = arith.index_cast %swap3A_925 : i32 to index
      %swap3A_927 = arith.constant 16 : index
      %swap3A_928 = tpu.vector_load %arg14[%swap3A_926, %swap3A_927] {strides = array<i32>} : memref<8x128xi32, #tpu.memory_space<vmem>>, vector<16xi32>,
      tpu.vector_store %arg14[%swap3A_926, %swap3A_927], %add3A_924 {strides = array<i32>} : memref<8x128xi32, #tpu.memory_space<vmem>>, vector<16xi32>,
      %get3A_929 = arith.constant 288 : index
      %get3A_930 = tpu.vector_load %arg11[%get3A_929] {strides = array<i32>} : memref<1024xi32, #tpu.memory_space<vmem>>, vector<16xi32>,
      %gather3A_931 = tpu.vector_load_idx %arg9[%get3A_930] : memref<10000xi32, #tpu.memory_space<vmem>>[vector<16xi32>], vector<16xi32>,
      %swap3A_932 = arith.constant 288 : index
      %swap3A_933 = tpu.vector_load %arg12[%swap3A_932] {strides = array<i32>} : memref<1024xi32, #tpu.memory_space<vmem>>, vector<16xi32>,
      tpu.vector_store %arg12[%swap3A_932], %gather3A_931 {strides = array<i32>} : memref<1024xi32, #tpu.memory_space<vmem>>, vector<16xi32>,
      %get3A_934 = arith.constant 288 : index
      %get3A_935 = tpu.vector_load %arg10[%get3A_934] {strides = array<i32>} : memref<1024xi32, #tpu.memory_space<vmem>>, vector<16xi32>,
      %mul3A_936 = arith.constant 10240 : i32
      %mul3A_937 = vector.broadcast %mul3A_936 : i32 to vector<16xi32>
      %mul3A_938 = arith.muli %gather3A_931, %mul3A_937 : vector<16xi32>
      %add3A_939 = arith.addi %mul3A_938, %get3A_935 : vector<16xi32>
      %swap3A_940 = arith.constant 2 : i32
      %swap3A_941 = arith.index_cast %swap3A_940 : i32 to index
      %swap3A_942 = arith.constant 32 : index
      %swap3A_943 = tpu.vector_load %arg14[%swap3A_941, %swap3A_942] {strides = array<i32>} : memref<8x128xi32, #tpu.memory_space<vmem>>, vector<16xi32>,
      tpu.vector_store %arg14[%swap3A_941, %swap3A_942], %add3A_939 {strides = array<i32>} : memref<8x128xi32, #tpu.memory_space<vmem>>, vector<16xi32>,
      %get3A_944 = arith.constant 304 : index
      %get3A_945 = tpu.vector_load %arg11[%get3A_944] {strides = array<i32>} : memref<1024xi32, #tpu.memory_space<vmem>>, vector<16xi32>,
      %gather3A_946 = tpu.vector_load_idx %arg9[%get3A_945] : memref<10000xi32, #tpu.memory_space<vmem>>[vector<16xi32>], vector<16xi32>,
      %swap3A_947 = arith.constant 304 : index
      %swap3A_948 = tpu.vector_load %arg12[%swap3A_947] {strides = array<i32>} : memref<1024xi32, #tpu.memory_space<vmem>>, vector<16xi32>,
      tpu.vector_store %arg12[%swap3A_947], %gather3A_946 {strides = array<i32>} : memref<1024xi32, #tpu.memory_space<vmem>>, vector<16xi32>,
      %get3A_949 = arith.constant 304 : index
      %get3A_950 = tpu.vector_load %arg10[%get3A_949] {strides = array<i32>} : memref<1024xi32, #tpu.memory_space<vmem>>, vector<16xi32>,
      %mul3A_951 = arith.constant 10240 : i32
      %mul3A_952 = vector.broadcast %mul3A_951 : i32 to vector<16xi32>
      %mul3A_953 = arith.muli %gather3A_946, %mul3A_952 : vector<16xi32>
      %add3A_954 = arith.addi %mul3A_953, %get3A_950 : vector<16xi32>
      %swap3A_955 = arith.constant 2 : i32
      %swap3A_956 = arith.index_cast %swap3A_955 : i32 to index
      %swap3A_957 = arith.constant 48 : index
      %swap3A_958 = tpu.vector_load %arg14[%swap3A_956, %swap3A_957] {strides = array<i32>} : memref<8x128xi32, #tpu.memory_space<vmem>>, vector<16xi32>,
      tpu.vector_store %arg14[%swap3A_956, %swap3A_957], %add3A_954 {strides = array<i32>} : memref<8x128xi32, #tpu.memory_space<vmem>>, vector<16xi32>,
      %get3A_959 = arith.constant 320 : index
      %get3A_960 = tpu.vector_load %arg11[%get3A_959] {strides = array<i32>} : memref<1024xi32, #tpu.memory_space<vmem>>, vector<16xi32>,
      %gather3A_961 = tpu.vector_load_idx %arg9[%get3A_960] : memref<10000xi32, #tpu.memory_space<vmem>>[vector<16xi32>], vector<16xi32>,
      %swap3A_962 = arith.constant 320 : index
      %swap3A_963 = tpu.vector_load %arg12[%swap3A_962] {strides = array<i32>} : memref<1024xi32, #tpu.memory_space<vmem>>, vector<16xi32>,
      tpu.vector_store %arg12[%swap3A_962], %gather3A_961 {strides = array<i32>} : memref<1024xi32, #tpu.memory_space<vmem>>, vector<16xi32>,
      %get3A_964 = arith.constant 320 : index
      %get3A_965 = tpu.vector_load %arg10[%get3A_964] {strides = array<i32>} : memref<1024xi32, #tpu.memory_space<vmem>>, vector<16xi32>,
      %mul3A_966 = arith.constant 10240 : i32
      %mul3A_967 = vector.broadcast %mul3A_966 : i32 to vector<16xi32>
      %mul3A_968 = arith.muli %gather3A_961, %mul3A_967 : vector<16xi32>
      %add3A_969 = arith.addi %mul3A_968, %get3A_965 : vector<16xi32>
      %swap3A_970 = arith.constant 2 : i32
      %swap3A_971 = arith.index_cast %swap3A_970 : i32 to index
      %swap3A_972 = arith.constant 64 : index
      %swap3A_973 = tpu.vector_load %arg14[%swap3A_971, %swap3A_972] {strides = array<i32>} : memref<8x128xi32, #tpu.memory_space<vmem>>, vector<16xi32>,
      tpu.vector_store %arg14[%swap3A_971, %swap3A_972], %add3A_969 {strides = array<i32>} : memref<8x128xi32, #tpu.memory_space<vmem>>, vector<16xi32>,
      %get3A_974 = arith.constant 336 : index
      %get3A_975 = tpu.vector_load %arg11[%get3A_974] {strides = array<i32>} : memref<1024xi32, #tpu.memory_space<vmem>>, vector<16xi32>,
      %gather3A_976 = tpu.vector_load_idx %arg9[%get3A_975] : memref<10000xi32, #tpu.memory_space<vmem>>[vector<16xi32>], vector<16xi32>,
      %swap3A_977 = arith.constant 336 : index
      %swap3A_978 = tpu.vector_load %arg12[%swap3A_977] {strides = array<i32>} : memref<1024xi32, #tpu.memory_space<vmem>>, vector<16xi32>,
      tpu.vector_store %arg12[%swap3A_977], %gather3A_976 {strides = array<i32>} : memref<1024xi32, #tpu.memory_space<vmem>>, vector<16xi32>,
      %get3A_979 = arith.constant 336 : index
      %get3A_980 = tpu.vector_load %arg10[%get3A_979] {strides = array<i32>} : memref<1024xi32, #tpu.memory_space<vmem>>, vector<16xi32>,
      %mul3A_981 = arith.constant 10240 : i32
      %mul3A_982 = vector.broadcast %mul3A_981 : i32 to vector<16xi32>
      %mul3A_983 = arith.muli %gather3A_976, %mul3A_982 : vector<16xi32>
      %add3A_984 = arith.addi %mul3A_983, %get3A_980 : vector<16xi32>
      %swap3A_985 = arith.constant 2 : i32
      %swap3A_986 = arith.index_cast %swap3A_985 : i32 to index
      %swap3A_987 = arith.constant 80 : index
      %swap3A_988 = tpu.vector_load %arg14[%swap3A_986, %swap3A_987] {strides = array<i32>} : memref<8x128xi32, #tpu.memory_space<vmem>>, vector<16xi32>,
      tpu.vector_store %arg14[%swap3A_986, %swap3A_987], %add3A_984 {strides = array<i32>} : memref<8x128xi32, #tpu.memory_space<vmem>>, vector<16xi32>,
      %get3A_989 = arith.constant 352 : index
      %get3A_990 = tpu.vector_load %arg11[%get3A_989] {strides = array<i32>} : memref<1024xi32, #tpu.memory_space<vmem>>, vector<16xi32>,
      %gather3A_991 = tpu.vector_load_idx %arg9[%get3A_990] : memref<10000xi32, #tpu.memory_space<vmem>>[vector<16xi32>], vector<16xi32>,
      %swap3A_992 = arith.constant 352 : index
      %swap3A_993 = tpu.vector_load %arg12[%swap3A_992] {strides = array<i32>} : memref<1024xi32, #tpu.memory_space<vmem>>, vector<16xi32>,
      tpu.vector_store %arg12[%swap3A_992], %gather3A_991 {strides = array<i32>} : memref<1024xi32, #tpu.memory_space<vmem>>, vector<16xi32>,
      %get3A_994 = arith.constant 352 : index
      %get3A_995 = tpu.vector_load %arg10[%get3A_994] {strides = array<i32>} : memref<1024xi32, #tpu.memory_space<vmem>>, vector<16xi32>,
      %mul3A_996 = arith.constant 10240 : i32
      %mul3A_997 = vector.broadcast %mul3A_996 : i32 to vector<16xi32>
      %mul3A_998 = arith.muli %gather3A_991, %mul3A_997 : vector<16xi32>
      %add3A_999 = arith.addi %mul3A_998, %get3A_995 : vector<16xi32>
      %swap3A_1000 = arith.constant 2 : i32
      %swap3A_1001 = arith.index_cast %swap3A_1000 : i32 to index
      %swap3A_1002 = arith.constant 96 : index
      %swap3A_1003 = tpu.vector_load %arg14[%swap3A_1001, %swap3A_1002] {strides = array<i32>} : memref<8x128xi32, #tpu.memory_space<vmem>>, vector<16xi32>,
      tpu.vector_store %arg14[%swap3A_1001, %swap3A_1002], %add3A_999 {strides = array<i32>} : memref<8x128xi32, #tpu.memory_space<vmem>>, vector<16xi32>,
      %get3A_1004 = arith.constant 368 : index
      %get3A_1005 = tpu.vector_load %arg11[%get3A_1004] {strides = array<i32>} : memref<1024xi32, #tpu.memory_space<vmem>>, vector<16xi32>,
      %gather3A_1006 = tpu.vector_load_idx %arg9[%get3A_1005] : memref<10000xi32, #tpu.memory_space<vmem>>[vector<16xi32>], vector<16xi32>,
      %swap3A_1007 = arith.constant 368 : index
      %swap3A_1008 = tpu.vector_load %arg12[%swap3A_1007] {strides = array<i32>} : memref<1024xi32, #tpu.memory_space<vmem>>, vector<16xi32>,
      tpu.vector_store %arg12[%swap3A_1007], %gather3A_1006 {strides = array<i32>} : memref<1024xi32, #tpu.memory_space<vmem>>, vector<16xi32>,
      %get3A_1009 = arith.constant 368 : index
      %get3A_1010 = tpu.vector_load %arg10[%get3A_1009] {strides = array<i32>} : memref<1024xi32, #tpu.memory_space<vmem>>, vector<16xi32>,
      %mul3A_1011 = arith.constant 10240 : i32
      %mul3A_1012 = vector.broadcast %mul3A_1011 : i32 to vector<16xi32>
      %mul3A_1013 = arith.muli %gather3A_1006, %mul3A_1012 : vector<16xi32>
      %add3A_1014 = arith.addi %mul3A_1013, %get3A_1010 : vector<16xi32>
      %swap3A_1015 = arith.constant 2 : i32
      %swap3A_1016 = arith.index_cast %swap3A_1015 : i32 to index
      %swap3A_1017 = arith.constant 112 : index
      %swap3A_1018 = tpu.vector_load %arg14[%swap3A_1016, %swap3A_1017] {strides = array<i32>} : memref<8x128xi32, #tpu.memory_space<vmem>>, vector<16xi32>,
      tpu.vector_store %arg14[%swap3A_1016, %swap3A_1017], %add3A_1014 {strides = array<i32>} : memref<8x128xi32, #tpu.memory_space<vmem>>, vector<16xi32>,
      %run_scoped3A_1019 = arith.constant 2 : i32
      %run_scoped3A_1020 = arith.constant 2 : i32
      "tpu.region"() ({
        %run_scoped3A_1639 = tpu.sem_alloc : memref<!tpu.dma_semaphore, #tpu.memory_space<semaphore_mem>>
        %dma_start3A = arith.constant 0 : i32
        %dma_start3A_1640 = tpu.memref_slice %arg15[%run_scoped3A_1019, %dma_start3A] : memref<8x128xf32, #tpu.memory_space<vmem>> -> memref<1x128xf32, #tpu.memory_space<vmem>>
        %dma_start3A_1641 = tpu.memref_squeeze %dma_start3A_1640 : memref<1x128xf32, #tpu.memory_space<vmem>> -> memref<128xf32, #tpu.memory_space<vmem>>
        %dma_start3A_1642 = arith.constant 0 : i32
        %dma_start3A_1643 = tpu.memref_slice %arg14[%run_scoped3A_1020, %dma_start3A_1642] : memref<8x128xi32, #tpu.memory_space<vmem>> -> memref<1x128xi32, #tpu.memory_space<vmem>>
        %dma_start3A_1644 = tpu.memref_squeeze %dma_start3A_1643 : memref<1x128xi32, #tpu.memory_space<vmem>> -> memref<128xi32, #tpu.memory_space<vmem>>
        %dma_start3A_1645 = arith.constant 0 : i32
        %dma_start3A_1646 = tpu.memref_slice %arg8[%dma_start3A_1645] : memref<655360xf32, #tpu.memory_space<vmem_shared>> -> memref<655360xf32, #tpu.memory_space<vmem_shared>>
        tpu.enqueue_indirect_dma source(%dma_start3A_1641 : memref<128xf32, #tpu.memory_space<vmem>>) target(%dma_start3A_1646 : memref<655360xf32, #tpu.memory_space<vmem_shared>>) offsets(%dma_start3A_1644 : memref<128xi32, #tpu.memory_space<vmem>>) semaphore(%run_scoped3A_1639 : memref<!tpu.dma_semaphore, #tpu.memory_space<semaphore_mem>>) {add = true}
        %dma_wait3A = arith.constant 0 : i32
        %dma_wait3A_1647 = tpu.memref_slice %arg15[%run_scoped3A_1019, %dma_wait3A] : memref<8x128xf32, #tpu.memory_space<vmem>> -> memref<1x128xf32, #tpu.memory_space<vmem>>
        %dma_wait3A_1648 = tpu.memref_squeeze %dma_wait3A_1647 : memref<1x128xf32, #tpu.memory_space<vmem>> -> memref<128xf32, #tpu.memory_space<vmem>>
        %dma_wait3A_1649 = arith.constant 0 : i32
        %dma_wait3A_1650 = tpu.memref_slice %arg14[%run_scoped3A_1020, %dma_wait3A_1649] : memref<8x128xi32, #tpu.memory_space<vmem>> -> memref<1x128xi32, #tpu.memory_space<vmem>>
        %dma_wait3A_1651 = tpu.memref_squeeze %dma_wait3A_1650 : memref<1x128xi32, #tpu.memory_space<vmem>> -> memref<128xi32, #tpu.memory_space<vmem>>
        %dma_wait3A_1652 = arith.constant 0 : i32
        %dma_wait3A_1653 = tpu.memref_slice %arg8[%dma_wait3A_1652] : memref<655360xf32, #tpu.memory_space<vmem_shared>> -> memref<655360xf32, #tpu.memory_space<vmem_shared>>
        tpu.wait_indirect_dma semaphore(%run_scoped3A_1639 : memref<!tpu.dma_semaphore, #tpu.memory_space<semaphore_mem>>) src(%dma_wait3A_1648 : memref<128xf32, #tpu.memory_space<vmem>>) dst(%dma_wait3A_1653 : memref<655360xf32, #tpu.memory_space<vmem_shared>>)
        tpu.yield
      }) : () -> ()
      %get3A_1021 = arith.constant 384 : index
      %get3A_1022 = tpu.vector_load %arg11[%get3A_1021] {strides = array<i32>} : memref<1024xi32, #tpu.memory_space<vmem>>, vector<16xi32>,
      %gather3A_1023 = tpu.vector_load_idx %arg9[%get3A_1022] : memref<10000xi32, #tpu.memory_space<vmem>>[vector<16xi32>], vector<16xi32>,
      %swap3A_1024 = arith.constant 384 : index
      %swap3A_1025 = tpu.vector_load %arg12[%swap3A_1024] {strides = array<i32>} : memref<1024xi32, #tpu.memory_space<vmem>>, vector<16xi32>,
      tpu.vector_store %arg12[%swap3A_1024], %gather3A_1023 {strides = array<i32>} : memref<1024xi32, #tpu.memory_space<vmem>>, vector<16xi32>,
      %get3A_1026 = arith.constant 384 : index
      %get3A_1027 = tpu.vector_load %arg10[%get3A_1026] {strides = array<i32>} : memref<1024xi32, #tpu.memory_space<vmem>>, vector<16xi32>,
      %mul3A_1028 = arith.constant 10240 : i32
      %mul3A_1029 = vector.broadcast %mul3A_1028 : i32 to vector<16xi32>
      %mul3A_1030 = arith.muli %gather3A_1023, %mul3A_1029 : vector<16xi32>
      %add3A_1031 = arith.addi %mul3A_1030, %get3A_1027 : vector<16xi32>
      %swap3A_1032 = arith.constant 3 : i32
      %swap3A_1033 = arith.index_cast %swap3A_1032 : i32 to index
      %swap3A_1034 = arith.constant 0 : index
      %swap3A_1035 = tpu.vector_load %arg14[%swap3A_1033, %swap3A_1034] {strides = array<i32>} : memref<8x128xi32, #tpu.memory_space<vmem>>, vector<16xi32>,
      tpu.vector_store %arg14[%swap3A_1033, %swap3A_1034], %add3A_1031 {strides = array<i32>} : memref<8x128xi32, #tpu.memory_space<vmem>>, vector<16xi32>,
      %get3A_1036 = arith.constant 400 : index
      %get3A_1037 = tpu.vector_load %arg11[%get3A_1036] {strides = array<i32>} : memref<1024xi32, #tpu.memory_space<vmem>>, vector<16xi32>,
      %gather3A_1038 = tpu.vector_load_idx %arg9[%get3A_1037] : memref<10000xi32, #tpu.memory_space<vmem>>[vector<16xi32>], vector<16xi32>,
      %swap3A_1039 = arith.constant 400 : index
      %swap3A_1040 = tpu.vector_load %arg12[%swap3A_1039] {strides = array<i32>} : memref<1024xi32, #tpu.memory_space<vmem>>, vector<16xi32>,
      tpu.vector_store %arg12[%swap3A_1039], %gather3A_1038 {strides = array<i32>} : memref<1024xi32, #tpu.memory_space<vmem>>, vector<16xi32>,
      %get3A_1041 = arith.constant 400 : index
      %get3A_1042 = tpu.vector_load %arg10[%get3A_1041] {strides = array<i32>} : memref<1024xi32, #tpu.memory_space<vmem>>, vector<16xi32>,
      %mul3A_1043 = arith.constant 10240 : i32
      %mul3A_1044 = vector.broadcast %mul3A_1043 : i32 to vector<16xi32>
      %mul3A_1045 = arith.muli %gather3A_1038, %mul3A_1044 : vector<16xi32>
      %add3A_1046 = arith.addi %mul3A_1045, %get3A_1042 : vector<16xi32>
      %swap3A_1047 = arith.constant 3 : i32
      %swap3A_1048 = arith.index_cast %swap3A_1047 : i32 to index
      %swap3A_1049 = arith.constant 16 : index
      %swap3A_1050 = tpu.vector_load %arg14[%swap3A_1048, %swap3A_1049] {strides = array<i32>} : memref<8x128xi32, #tpu.memory_space<vmem>>, vector<16xi32>,
      tpu.vector_store %arg14[%swap3A_1048, %swap3A_1049], %add3A_1046 {strides = array<i32>} : memref<8x128xi32, #tpu.memory_space<vmem>>, vector<16xi32>,
      %get3A_1051 = arith.constant 416 : index
      %get3A_1052 = tpu.vector_load %arg11[%get3A_1051] {strides = array<i32>} : memref<1024xi32, #tpu.memory_space<vmem>>, vector<16xi32>,
      %gather3A_1053 = tpu.vector_load_idx %arg9[%get3A_1052] : memref<10000xi32, #tpu.memory_space<vmem>>[vector<16xi32>], vector<16xi32>,
      %swap3A_1054 = arith.constant 416 : index
      %swap3A_1055 = tpu.vector_load %arg12[%swap3A_1054] {strides = array<i32>} : memref<1024xi32, #tpu.memory_space<vmem>>, vector<16xi32>,
      tpu.vector_store %arg12[%swap3A_1054], %gather3A_1053 {strides = array<i32>} : memref<1024xi32, #tpu.memory_space<vmem>>, vector<16xi32>,
      %get3A_1056 = arith.constant 416 : index
      %get3A_1057 = tpu.vector_load %arg10[%get3A_1056] {strides = array<i32>} : memref<1024xi32, #tpu.memory_space<vmem>>, vector<16xi32>,
      %mul3A_1058 = arith.constant 10240 : i32
      %mul3A_1059 = vector.broadcast %mul3A_1058 : i32 to vector<16xi32>
      %mul3A_1060 = arith.muli %gather3A_1053, %mul3A_1059 : vector<16xi32>
      %add3A_1061 = arith.addi %mul3A_1060, %get3A_1057 : vector<16xi32>
      %swap3A_1062 = arith.constant 3 : i32
      %swap3A_1063 = arith.index_cast %swap3A_1062 : i32 to index
      %swap3A_1064 = arith.constant 32 : index
      %swap3A_1065 = tpu.vector_load %arg14[%swap3A_1063, %swap3A_1064] {strides = array<i32>} : memref<8x128xi32, #tpu.memory_space<vmem>>, vector<16xi32>,
      tpu.vector_store %arg14[%swap3A_1063, %swap3A_1064], %add3A_1061 {strides = array<i32>} : memref<8x128xi32, #tpu.memory_space<vmem>>, vector<16xi32>,
      %get3A_1066 = arith.constant 432 : index
      %get3A_1067 = tpu.vector_load %arg11[%get3A_1066] {strides = array<i32>} : memref<1024xi32, #tpu.memory_space<vmem>>, vector<16xi32>,
      %gather3A_1068 = tpu.vector_load_idx %arg9[%get3A_1067] : memref<10000xi32, #tpu.memory_space<vmem>>[vector<16xi32>], vector<16xi32>,
      %swap3A_1069 = arith.constant 432 : index
      %swap3A_1070 = tpu.vector_load %arg12[%swap3A_1069] {strides = array<i32>} : memref<1024xi32, #tpu.memory_space<vmem>>, vector<16xi32>,
      tpu.vector_store %arg12[%swap3A_1069], %gather3A_1068 {strides = array<i32>} : memref<1024xi32, #tpu.memory_space<vmem>>, vector<16xi32>,
      %get3A_1071 = arith.constant 432 : index
      %get3A_1072 = tpu.vector_load %arg10[%get3A_1071] {strides = array<i32>} : memref<1024xi32, #tpu.memory_space<vmem>>, vector<16xi32>,
      %mul3A_1073 = arith.constant 10240 : i32
      %mul3A_1074 = vector.broadcast %mul3A_1073 : i32 to vector<16xi32>
      %mul3A_1075 = arith.muli %gather3A_1068, %mul3A_1074 : vector<16xi32>
      %add3A_1076 = arith.addi %mul3A_1075, %get3A_1072 : vector<16xi32>
      %swap3A_1077 = arith.constant 3 : i32
      %swap3A_1078 = arith.index_cast %swap3A_1077 : i32 to index
      %swap3A_1079 = arith.constant 48 : index
      %swap3A_1080 = tpu.vector_load %arg14[%swap3A_1078, %swap3A_1079] {strides = array<i32>} : memref<8x128xi32, #tpu.memory_space<vmem>>, vector<16xi32>,
      tpu.vector_store %arg14[%swap3A_1078, %swap3A_1079], %add3A_1076 {strides = array<i32>} : memref<8x128xi32, #tpu.memory_space<vmem>>, vector<16xi32>,
      %get3A_1081 = arith.constant 448 : index
      %get3A_1082 = tpu.vector_load %arg11[%get3A_1081] {strides = array<i32>} : memref<1024xi32, #tpu.memory_space<vmem>>, vector<16xi32>,
      %gather3A_1083 = tpu.vector_load_idx %arg9[%get3A_1082] : memref<10000xi32, #tpu.memory_space<vmem>>[vector<16xi32>], vector<16xi32>,
      %swap3A_1084 = arith.constant 448 : index
      %swap3A_1085 = tpu.vector_load %arg12[%swap3A_1084] {strides = array<i32>} : memref<1024xi32, #tpu.memory_space<vmem>>, vector<16xi32>,
      tpu.vector_store %arg12[%swap3A_1084], %gather3A_1083 {strides = array<i32>} : memref<1024xi32, #tpu.memory_space<vmem>>, vector<16xi32>,
      %get3A_1086 = arith.constant 448 : index
      %get3A_1087 = tpu.vector_load %arg10[%get3A_1086] {strides = array<i32>} : memref<1024xi32, #tpu.memory_space<vmem>>, vector<16xi32>,
      %mul3A_1088 = arith.constant 10240 : i32
      %mul3A_1089 = vector.broadcast %mul3A_1088 : i32 to vector<16xi32>
      %mul3A_1090 = arith.muli %gather3A_1083, %mul3A_1089 : vector<16xi32>
      %add3A_1091 = arith.addi %mul3A_1090, %get3A_1087 : vector<16xi32>
      %swap3A_1092 = arith.constant 3 : i32
      %swap3A_1093 = arith.index_cast %swap3A_1092 : i32 to index
      %swap3A_1094 = arith.constant 64 : index
      %swap3A_1095 = tpu.vector_load %arg14[%swap3A_1093, %swap3A_1094] {strides = array<i32>} : memref<8x128xi32, #tpu.memory_space<vmem>>, vector<16xi32>,
      tpu.vector_store %arg14[%swap3A_1093, %swap3A_1094], %add3A_1091 {strides = array<i32>} : memref<8x128xi32, #tpu.memory_space<vmem>>, vector<16xi32>,
      %get3A_1096 = arith.constant 464 : index
      %get3A_1097 = tpu.vector_load %arg11[%get3A_1096] {strides = array<i32>} : memref<1024xi32, #tpu.memory_space<vmem>>, vector<16xi32>,
      %gather3A_1098 = tpu.vector_load_idx %arg9[%get3A_1097] : memref<10000xi32, #tpu.memory_space<vmem>>[vector<16xi32>], vector<16xi32>,
      %swap3A_1099 = arith.constant 464 : index
      %swap3A_1100 = tpu.vector_load %arg12[%swap3A_1099] {strides = array<i32>} : memref<1024xi32, #tpu.memory_space<vmem>>, vector<16xi32>,
      tpu.vector_store %arg12[%swap3A_1099], %gather3A_1098 {strides = array<i32>} : memref<1024xi32, #tpu.memory_space<vmem>>, vector<16xi32>,
      %get3A_1101 = arith.constant 464 : index
      %get3A_1102 = tpu.vector_load %arg10[%get3A_1101] {strides = array<i32>} : memref<1024xi32, #tpu.memory_space<vmem>>, vector<16xi32>,
      %mul3A_1103 = arith.constant 10240 : i32
      %mul3A_1104 = vector.broadcast %mul3A_1103 : i32 to vector<16xi32>
      %mul3A_1105 = arith.muli %gather3A_1098, %mul3A_1104 : vector<16xi32>
      %add3A_1106 = arith.addi %mul3A_1105, %get3A_1102 : vector<16xi32>
      %swap3A_1107 = arith.constant 3 : i32
      %swap3A_1108 = arith.index_cast %swap3A_1107 : i32 to index
      %swap3A_1109 = arith.constant 80 : index
      %swap3A_1110 = tpu.vector_load %arg14[%swap3A_1108, %swap3A_1109] {strides = array<i32>} : memref<8x128xi32, #tpu.memory_space<vmem>>, vector<16xi32>,
      tpu.vector_store %arg14[%swap3A_1108, %swap3A_1109], %add3A_1106 {strides = array<i32>} : memref<8x128xi32, #tpu.memory_space<vmem>>, vector<16xi32>,
      %get3A_1111 = arith.constant 480 : index
      %get3A_1112 = tpu.vector_load %arg11[%get3A_1111] {strides = array<i32>} : memref<1024xi32, #tpu.memory_space<vmem>>, vector<16xi32>,
      %gather3A_1113 = tpu.vector_load_idx %arg9[%get3A_1112] : memref<10000xi32, #tpu.memory_space<vmem>>[vector<16xi32>], vector<16xi32>,
      %swap3A_1114 = arith.constant 480 : index
      %swap3A_1115 = tpu.vector_load %arg12[%swap3A_1114] {strides = array<i32>} : memref<1024xi32, #tpu.memory_space<vmem>>, vector<16xi32>,
      tpu.vector_store %arg12[%swap3A_1114], %gather3A_1113 {strides = array<i32>} : memref<1024xi32, #tpu.memory_space<vmem>>, vector<16xi32>,
      %get3A_1116 = arith.constant 480 : index
      %get3A_1117 = tpu.vector_load %arg10[%get3A_1116] {strides = array<i32>} : memref<1024xi32, #tpu.memory_space<vmem>>, vector<16xi32>,
      %mul3A_1118 = arith.constant 10240 : i32
      %mul3A_1119 = vector.broadcast %mul3A_1118 : i32 to vector<16xi32>
      %mul3A_1120 = arith.muli %gather3A_1113, %mul3A_1119 : vector<16xi32>
      %add3A_1121 = arith.addi %mul3A_1120, %get3A_1117 : vector<16xi32>
      %swap3A_1122 = arith.constant 3 : i32
      %swap3A_1123 = arith.index_cast %swap3A_1122 : i32 to index
      %swap3A_1124 = arith.constant 96 : index
      %swap3A_1125 = tpu.vector_load %arg14[%swap3A_1123, %swap3A_1124] {strides = array<i32>} : memref<8x128xi32, #tpu.memory_space<vmem>>, vector<16xi32>,
      tpu.vector_store %arg14[%swap3A_1123, %swap3A_1124], %add3A_1121 {strides = array<i32>} : memref<8x128xi32, #tpu.memory_space<vmem>>, vector<16xi32>,
      %get3A_1126 = arith.constant 496 : index
      %get3A_1127 = tpu.vector_load %arg11[%get3A_1126] {strides = array<i32>} : memref<1024xi32, #tpu.memory_space<vmem>>, vector<16xi32>,
      %gather3A_1128 = tpu.vector_load_idx %arg9[%get3A_1127] : memref<10000xi32, #tpu.memory_space<vmem>>[vector<16xi32>], vector<16xi32>,
      %swap3A_1129 = arith.constant 496 : index
      %swap3A_1130 = tpu.vector_load %arg12[%swap3A_1129] {strides = array<i32>} : memref<1024xi32, #tpu.memory_space<vmem>>, vector<16xi32>,
      tpu.vector_store %arg12[%swap3A_1129], %gather3A_1128 {strides = array<i32>} : memref<1024xi32, #tpu.memory_space<vmem>>, vector<16xi32>,
      %get3A_1131 = arith.constant 496 : index
      %get3A_1132 = tpu.vector_load %arg10[%get3A_1131] {strides = array<i32>} : memref<1024xi32, #tpu.memory_space<vmem>>, vector<16xi32>,
      %mul3A_1133 = arith.constant 10240 : i32
      %mul3A_1134 = vector.broadcast %mul3A_1133 : i32 to vector<16xi32>
      %mul3A_1135 = arith.muli %gather3A_1128, %mul3A_1134 : vector<16xi32>
      %add3A_1136 = arith.addi %mul3A_1135, %get3A_1132 : vector<16xi32>
      %swap3A_1137 = arith.constant 3 : i32
      %swap3A_1138 = arith.index_cast %swap3A_1137 : i32 to index
      %swap3A_1139 = arith.constant 112 : index
      %swap3A_1140 = tpu.vector_load %arg14[%swap3A_1138, %swap3A_1139] {strides = array<i32>} : memref<8x128xi32, #tpu.memory_space<vmem>>, vector<16xi32>,
      tpu.vector_store %arg14[%swap3A_1138, %swap3A_1139], %add3A_1136 {strides = array<i32>} : memref<8x128xi32, #tpu.memory_space<vmem>>, vector<16xi32>,
      %run_scoped3A_1141 = arith.constant 3 : i32
      %run_scoped3A_1142 = arith.constant 3 : i32
      "tpu.region"() ({
        %run_scoped3A_1639 = tpu.sem_alloc : memref<!tpu.dma_semaphore, #tpu.memory_space<semaphore_mem>>
        %dma_start3A = arith.constant 0 : i32
        %dma_start3A_1640 = tpu.memref_slice %arg15[%run_scoped3A_1141, %dma_start3A] : memref<8x128xf32, #tpu.memory_space<vmem>> -> memref<1x128xf32, #tpu.memory_space<vmem>>
        %dma_start3A_1641 = tpu.memref_squeeze %dma_start3A_1640 : memref<1x128xf32, #tpu.memory_space<vmem>> -> memref<128xf32, #tpu.memory_space<vmem>>
        %dma_start3A_1642 = arith.constant 0 : i32
        %dma_start3A_1643 = tpu.memref_slice %arg14[%run_scoped3A_1142, %dma_start3A_1642] : memref<8x128xi32, #tpu.memory_space<vmem>> -> memref<1x128xi32, #tpu.memory_space<vmem>>
        %dma_start3A_1644 = tpu.memref_squeeze %dma_start3A_1643 : memref<1x128xi32, #tpu.memory_space<vmem>> -> memref<128xi32, #tpu.memory_space<vmem>>
        %dma_start3A_1645 = arith.constant 0 : i32
        %dma_start3A_1646 = tpu.memref_slice %arg8[%dma_start3A_1645] : memref<655360xf32, #tpu.memory_space<vmem_shared>> -> memref<655360xf32, #tpu.memory_space<vmem_shared>>
        tpu.enqueue_indirect_dma source(%dma_start3A_1641 : memref<128xf32, #tpu.memory_space<vmem>>) target(%dma_start3A_1646 : memref<655360xf32, #tpu.memory_space<vmem_shared>>) offsets(%dma_start3A_1644 : memref<128xi32, #tpu.memory_space<vmem>>) semaphore(%run_scoped3A_1639 : memref<!tpu.dma_semaphore, #tpu.memory_space<semaphore_mem>>) {add = true}
        %dma_wait3A = arith.constant 0 : i32
        %dma_wait3A_1647 = tpu.memref_slice %arg15[%run_scoped3A_1141, %dma_wait3A] : memref<8x128xf32, #tpu.memory_space<vmem>> -> memref<1x128xf32, #tpu.memory_space<vmem>>
        %dma_wait3A_1648 = tpu.memref_squeeze %dma_wait3A_1647 : memref<1x128xf32, #tpu.memory_space<vmem>> -> memref<128xf32, #tpu.memory_space<vmem>>
        %dma_wait3A_1649 = arith.constant 0 : i32
        %dma_wait3A_1650 = tpu.memref_slice %arg14[%run_scoped3A_1142, %dma_wait3A_1649] : memref<8x128xi32, #tpu.memory_space<vmem>> -> memref<1x128xi32, #tpu.memory_space<vmem>>
        %dma_wait3A_1651 = tpu.memref_squeeze %dma_wait3A_1650 : memref<1x128xi32, #tpu.memory_space<vmem>> -> memref<128xi32, #tpu.memory_space<vmem>>
        %dma_wait3A_1652 = arith.constant 0 : i32
        %dma_wait3A_1653 = tpu.memref_slice %arg8[%dma_wait3A_1652] : memref<655360xf32, #tpu.memory_space<vmem_shared>> -> memref<655360xf32, #tpu.memory_space<vmem_shared>>
        tpu.wait_indirect_dma semaphore(%run_scoped3A_1639 : memref<!tpu.dma_semaphore, #tpu.memory_space<semaphore_mem>>) src(%dma_wait3A_1648 : memref<128xf32, #tpu.memory_space<vmem>>) dst(%dma_wait3A_1653 : memref<655360xf32, #tpu.memory_space<vmem_shared>>)
        tpu.yield
      }) : () -> ()
      %get3A_1143 = arith.constant 512 : index
      %get3A_1144 = tpu.vector_load %arg11[%get3A_1143] {strides = array<i32>} : memref<1024xi32, #tpu.memory_space<vmem>>, vector<16xi32>,
      %gather3A_1145 = tpu.vector_load_idx %arg9[%get3A_1144] : memref<10000xi32, #tpu.memory_space<vmem>>[vector<16xi32>], vector<16xi32>,
      %swap3A_1146 = arith.constant 512 : index
      %swap3A_1147 = tpu.vector_load %arg12[%swap3A_1146] {strides = array<i32>} : memref<1024xi32, #tpu.memory_space<vmem>>, vector<16xi32>,
      tpu.vector_store %arg12[%swap3A_1146], %gather3A_1145 {strides = array<i32>} : memref<1024xi32, #tpu.memory_space<vmem>>, vector<16xi32>,
      %get3A_1148 = arith.constant 512 : index
      %get3A_1149 = tpu.vector_load %arg10[%get3A_1148] {strides = array<i32>} : memref<1024xi32, #tpu.memory_space<vmem>>, vector<16xi32>,
      %mul3A_1150 = arith.constant 10240 : i32
      %mul3A_1151 = vector.broadcast %mul3A_1150 : i32 to vector<16xi32>
      %mul3A_1152 = arith.muli %gather3A_1145, %mul3A_1151 : vector<16xi32>
      %add3A_1153 = arith.addi %mul3A_1152, %get3A_1149 : vector<16xi32>
      %swap3A_1154 = arith.constant 4 : i32
      %swap3A_1155 = arith.index_cast %swap3A_1154 : i32 to index
      %swap3A_1156 = arith.constant 0 : index
      %swap3A_1157 = tpu.vector_load %arg14[%swap3A_1155, %swap3A_1156] {strides = array<i32>} : memref<8x128xi32, #tpu.memory_space<vmem>>, vector<16xi32>,
      tpu.vector_store %arg14[%swap3A_1155, %swap3A_1156], %add3A_1153 {strides = array<i32>} : memref<8x128xi32, #tpu.memory_space<vmem>>, vector<16xi32>,
      %get3A_1158 = arith.constant 528 : index
      %get3A_1159 = tpu.vector_load %arg11[%get3A_1158] {strides = array<i32>} : memref<1024xi32, #tpu.memory_space<vmem>>, vector<16xi32>,
      %gather3A_1160 = tpu.vector_load_idx %arg9[%get3A_1159] : memref<10000xi32, #tpu.memory_space<vmem>>[vector<16xi32>], vector<16xi32>,
      %swap3A_1161 = arith.constant 528 : index
      %swap3A_1162 = tpu.vector_load %arg12[%swap3A_1161] {strides = array<i32>} : memref<1024xi32, #tpu.memory_space<vmem>>, vector<16xi32>,
      tpu.vector_store %arg12[%swap3A_1161], %gather3A_1160 {strides = array<i32>} : memref<1024xi32, #tpu.memory_space<vmem>>, vector<16xi32>,
      %get3A_1163 = arith.constant 528 : index
      %get3A_1164 = tpu.vector_load %arg10[%get3A_1163] {strides = array<i32>} : memref<1024xi32, #tpu.memory_space<vmem>>, vector<16xi32>,
      %mul3A_1165 = arith.constant 10240 : i32
      %mul3A_1166 = vector.broadcast %mul3A_1165 : i32 to vector<16xi32>
      %mul3A_1167 = arith.muli %gather3A_1160, %mul3A_1166 : vector<16xi32>
      %add3A_1168 = arith.addi %mul3A_1167, %get3A_1164 : vector<16xi32>
      %swap3A_1169 = arith.constant 4 : i32
      %swap3A_1170 = arith.index_cast %swap3A_1169 : i32 to index
      %swap3A_1171 = arith.constant 16 : index
      %swap3A_1172 = tpu.vector_load %arg14[%swap3A_1170, %swap3A_1171] {strides = array<i32>} : memref<8x128xi32, #tpu.memory_space<vmem>>, vector<16xi32>,
      tpu.vector_store %arg14[%swap3A_1170, %swap3A_1171], %add3A_1168 {strides = array<i32>} : memref<8x128xi32, #tpu.memory_space<vmem>>, vector<16xi32>,
      %get3A_1173 = arith.constant 544 : index
      %get3A_1174 = tpu.vector_load %arg11[%get3A_1173] {strides = array<i32>} : memref<1024xi32, #tpu.memory_space<vmem>>, vector<16xi32>,
      %gather3A_1175 = tpu.vector_load_idx %arg9[%get3A_1174] : memref<10000xi32, #tpu.memory_space<vmem>>[vector<16xi32>], vector<16xi32>,
      %swap3A_1176 = arith.constant 544 : index
      %swap3A_1177 = tpu.vector_load %arg12[%swap3A_1176] {strides = array<i32>} : memref<1024xi32, #tpu.memory_space<vmem>>, vector<16xi32>,
      tpu.vector_store %arg12[%swap3A_1176], %gather3A_1175 {strides = array<i32>} : memref<1024xi32, #tpu.memory_space<vmem>>, vector<16xi32>,
      %get3A_1178 = arith.constant 544 : index
      %get3A_1179 = tpu.vector_load %arg10[%get3A_1178] {strides = array<i32>} : memref<1024xi32, #tpu.memory_space<vmem>>, vector<16xi32>,
      %mul3A_1180 = arith.constant 10240 : i32
      %mul3A_1181 = vector.broadcast %mul3A_1180 : i32 to vector<16xi32>
      %mul3A_1182 = arith.muli %gather3A_1175, %mul3A_1181 : vector<16xi32>
      %add3A_1183 = arith.addi %mul3A_1182, %get3A_1179 : vector<16xi32>
      %swap3A_1184 = arith.constant 4 : i32
      %swap3A_1185 = arith.index_cast %swap3A_1184 : i32 to index
      %swap3A_1186 = arith.constant 32 : index
      %swap3A_1187 = tpu.vector_load %arg14[%swap3A_1185, %swap3A_1186] {strides = array<i32>} : memref<8x128xi32, #tpu.memory_space<vmem>>, vector<16xi32>,
      tpu.vector_store %arg14[%swap3A_1185, %swap3A_1186], %add3A_1183 {strides = array<i32>} : memref<8x128xi32, #tpu.memory_space<vmem>>, vector<16xi32>,
      %get3A_1188 = arith.constant 560 : index
      %get3A_1189 = tpu.vector_load %arg11[%get3A_1188] {strides = array<i32>} : memref<1024xi32, #tpu.memory_space<vmem>>, vector<16xi32>,
      %gather3A_1190 = tpu.vector_load_idx %arg9[%get3A_1189] : memref<10000xi32, #tpu.memory_space<vmem>>[vector<16xi32>], vector<16xi32>,
      %swap3A_1191 = arith.constant 560 : index
      %swap3A_1192 = tpu.vector_load %arg12[%swap3A_1191] {strides = array<i32>} : memref<1024xi32, #tpu.memory_space<vmem>>, vector<16xi32>,
      tpu.vector_store %arg12[%swap3A_1191], %gather3A_1190 {strides = array<i32>} : memref<1024xi32, #tpu.memory_space<vmem>>, vector<16xi32>,
      %get3A_1193 = arith.constant 560 : index
      %get3A_1194 = tpu.vector_load %arg10[%get3A_1193] {strides = array<i32>} : memref<1024xi32, #tpu.memory_space<vmem>>, vector<16xi32>,
      %mul3A_1195 = arith.constant 10240 : i32
      %mul3A_1196 = vector.broadcast %mul3A_1195 : i32 to vector<16xi32>
      %mul3A_1197 = arith.muli %gather3A_1190, %mul3A_1196 : vector<16xi32>
      %add3A_1198 = arith.addi %mul3A_1197, %get3A_1194 : vector<16xi32>
      %swap3A_1199 = arith.constant 4 : i32
      %swap3A_1200 = arith.index_cast %swap3A_1199 : i32 to index
      %swap3A_1201 = arith.constant 48 : index
      %swap3A_1202 = tpu.vector_load %arg14[%swap3A_1200, %swap3A_1201] {strides = array<i32>} : memref<8x128xi32, #tpu.memory_space<vmem>>, vector<16xi32>,
      tpu.vector_store %arg14[%swap3A_1200, %swap3A_1201], %add3A_1198 {strides = array<i32>} : memref<8x128xi32, #tpu.memory_space<vmem>>, vector<16xi32>,
      %get3A_1203 = arith.constant 576 : index
      %get3A_1204 = tpu.vector_load %arg11[%get3A_1203] {strides = array<i32>} : memref<1024xi32, #tpu.memory_space<vmem>>, vector<16xi32>,
      %gather3A_1205 = tpu.vector_load_idx %arg9[%get3A_1204] : memref<10000xi32, #tpu.memory_space<vmem>>[vector<16xi32>], vector<16xi32>,
      %swap3A_1206 = arith.constant 576 : index
      %swap3A_1207 = tpu.vector_load %arg12[%swap3A_1206] {strides = array<i32>} : memref<1024xi32, #tpu.memory_space<vmem>>, vector<16xi32>,
      tpu.vector_store %arg12[%swap3A_1206], %gather3A_1205 {strides = array<i32>} : memref<1024xi32, #tpu.memory_space<vmem>>, vector<16xi32>,
      %get3A_1208 = arith.constant 576 : index
      %get3A_1209 = tpu.vector_load %arg10[%get3A_1208] {strides = array<i32>} : memref<1024xi32, #tpu.memory_space<vmem>>, vector<16xi32>,
      %mul3A_1210 = arith.constant 10240 : i32
      %mul3A_1211 = vector.broadcast %mul3A_1210 : i32 to vector<16xi32>
      %mul3A_1212 = arith.muli %gather3A_1205, %mul3A_1211 : vector<16xi32>
      %add3A_1213 = arith.addi %mul3A_1212, %get3A_1209 : vector<16xi32>
      %swap3A_1214 = arith.constant 4 : i32
      %swap3A_1215 = arith.index_cast %swap3A_1214 : i32 to index
      %swap3A_1216 = arith.constant 64 : index
      %swap3A_1217 = tpu.vector_load %arg14[%swap3A_1215, %swap3A_1216] {strides = array<i32>} : memref<8x128xi32, #tpu.memory_space<vmem>>, vector<16xi32>,
      tpu.vector_store %arg14[%swap3A_1215, %swap3A_1216], %add3A_1213 {strides = array<i32>} : memref<8x128xi32, #tpu.memory_space<vmem>>, vector<16xi32>,
      %get3A_1218 = arith.constant 592 : index
      %get3A_1219 = tpu.vector_load %arg11[%get3A_1218] {strides = array<i32>} : memref<1024xi32, #tpu.memory_space<vmem>>, vector<16xi32>,
      %gather3A_1220 = tpu.vector_load_idx %arg9[%get3A_1219] : memref<10000xi32, #tpu.memory_space<vmem>>[vector<16xi32>], vector<16xi32>,
      %swap3A_1221 = arith.constant 592 : index
      %swap3A_1222 = tpu.vector_load %arg12[%swap3A_1221] {strides = array<i32>} : memref<1024xi32, #tpu.memory_space<vmem>>, vector<16xi32>,
      tpu.vector_store %arg12[%swap3A_1221], %gather3A_1220 {strides = array<i32>} : memref<1024xi32, #tpu.memory_space<vmem>>, vector<16xi32>,
      %get3A_1223 = arith.constant 592 : index
      %get3A_1224 = tpu.vector_load %arg10[%get3A_1223] {strides = array<i32>} : memref<1024xi32, #tpu.memory_space<vmem>>, vector<16xi32>,
      %mul3A_1225 = arith.constant 10240 : i32
      %mul3A_1226 = vector.broadcast %mul3A_1225 : i32 to vector<16xi32>
      %mul3A_1227 = arith.muli %gather3A_1220, %mul3A_1226 : vector<16xi32>
      %add3A_1228 = arith.addi %mul3A_1227, %get3A_1224 : vector<16xi32>
      %swap3A_1229 = arith.constant 4 : i32
      %swap3A_1230 = arith.index_cast %swap3A_1229 : i32 to index
      %swap3A_1231 = arith.constant 80 : index
      %swap3A_1232 = tpu.vector_load %arg14[%swap3A_1230, %swap3A_1231] {strides = array<i32>} : memref<8x128xi32, #tpu.memory_space<vmem>>, vector<16xi32>,
      tpu.vector_store %arg14[%swap3A_1230, %swap3A_1231], %add3A_1228 {strides = array<i32>} : memref<8x128xi32, #tpu.memory_space<vmem>>, vector<16xi32>,
      %get3A_1233 = arith.constant 608 : index
      %get3A_1234 = tpu.vector_load %arg11[%get3A_1233] {strides = array<i32>} : memref<1024xi32, #tpu.memory_space<vmem>>, vector<16xi32>,
      %gather3A_1235 = tpu.vector_load_idx %arg9[%get3A_1234] : memref<10000xi32, #tpu.memory_space<vmem>>[vector<16xi32>], vector<16xi32>,
      %swap3A_1236 = arith.constant 608 : index
      %swap3A_1237 = tpu.vector_load %arg12[%swap3A_1236] {strides = array<i32>} : memref<1024xi32, #tpu.memory_space<vmem>>, vector<16xi32>,
      tpu.vector_store %arg12[%swap3A_1236], %gather3A_1235 {strides = array<i32>} : memref<1024xi32, #tpu.memory_space<vmem>>, vector<16xi32>,
      %get3A_1238 = arith.constant 608 : index
      %get3A_1239 = tpu.vector_load %arg10[%get3A_1238] {strides = array<i32>} : memref<1024xi32, #tpu.memory_space<vmem>>, vector<16xi32>,
      %mul3A_1240 = arith.constant 10240 : i32
      %mul3A_1241 = vector.broadcast %mul3A_1240 : i32 to vector<16xi32>
      %mul3A_1242 = arith.muli %gather3A_1235, %mul3A_1241 : vector<16xi32>
      %add3A_1243 = arith.addi %mul3A_1242, %get3A_1239 : vector<16xi32>
      %swap3A_1244 = arith.constant 4 : i32
      %swap3A_1245 = arith.index_cast %swap3A_1244 : i32 to index
      %swap3A_1246 = arith.constant 96 : index
      %swap3A_1247 = tpu.vector_load %arg14[%swap3A_1245, %swap3A_1246] {strides = array<i32>} : memref<8x128xi32, #tpu.memory_space<vmem>>, vector<16xi32>,
      tpu.vector_store %arg14[%swap3A_1245, %swap3A_1246], %add3A_1243 {strides = array<i32>} : memref<8x128xi32, #tpu.memory_space<vmem>>, vector<16xi32>,
      %get3A_1248 = arith.constant 624 : index
      %get3A_1249 = tpu.vector_load %arg11[%get3A_1248] {strides = array<i32>} : memref<1024xi32, #tpu.memory_space<vmem>>, vector<16xi32>,
      %gather3A_1250 = tpu.vector_load_idx %arg9[%get3A_1249] : memref<10000xi32, #tpu.memory_space<vmem>>[vector<16xi32>], vector<16xi32>,
      %swap3A_1251 = arith.constant 624 : index
      %swap3A_1252 = tpu.vector_load %arg12[%swap3A_1251] {strides = array<i32>} : memref<1024xi32, #tpu.memory_space<vmem>>, vector<16xi32>,
      tpu.vector_store %arg12[%swap3A_1251], %gather3A_1250 {strides = array<i32>} : memref<1024xi32, #tpu.memory_space<vmem>>, vector<16xi32>,
      %get3A_1253 = arith.constant 624 : index
      %get3A_1254 = tpu.vector_load %arg10[%get3A_1253] {strides = array<i32>} : memref<1024xi32, #tpu.memory_space<vmem>>, vector<16xi32>,
      %mul3A_1255 = arith.constant 10240 : i32
      %mul3A_1256 = vector.broadcast %mul3A_1255 : i32 to vector<16xi32>
      %mul3A_1257 = arith.muli %gather3A_1250, %mul3A_1256 : vector<16xi32>
      %add3A_1258 = arith.addi %mul3A_1257, %get3A_1254 : vector<16xi32>
      %swap3A_1259 = arith.constant 4 : i32
      %swap3A_1260 = arith.index_cast %swap3A_1259 : i32 to index
      %swap3A_1261 = arith.constant 112 : index
      %swap3A_1262 = tpu.vector_load %arg14[%swap3A_1260, %swap3A_1261] {strides = array<i32>} : memref<8x128xi32, #tpu.memory_space<vmem>>, vector<16xi32>,
      tpu.vector_store %arg14[%swap3A_1260, %swap3A_1261], %add3A_1258 {strides = array<i32>} : memref<8x128xi32, #tpu.memory_space<vmem>>, vector<16xi32>,
      %run_scoped3A_1263 = arith.constant 4 : i32
      %run_scoped3A_1264 = arith.constant 4 : i32
      "tpu.region"() ({
        %run_scoped3A_1639 = tpu.sem_alloc : memref<!tpu.dma_semaphore, #tpu.memory_space<semaphore_mem>>
        %dma_start3A = arith.constant 0 : i32
        %dma_start3A_1640 = tpu.memref_slice %arg15[%run_scoped3A_1263, %dma_start3A] : memref<8x128xf32, #tpu.memory_space<vmem>> -> memref<1x128xf32, #tpu.memory_space<vmem>>
        %dma_start3A_1641 = tpu.memref_squeeze %dma_start3A_1640 : memref<1x128xf32, #tpu.memory_space<vmem>> -> memref<128xf32, #tpu.memory_space<vmem>>
        %dma_start3A_1642 = arith.constant 0 : i32
        %dma_start3A_1643 = tpu.memref_slice %arg14[%run_scoped3A_1264, %dma_start3A_1642] : memref<8x128xi32, #tpu.memory_space<vmem>> -> memref<1x128xi32, #tpu.memory_space<vmem>>
        %dma_start3A_1644 = tpu.memref_squeeze %dma_start3A_1643 : memref<1x128xi32, #tpu.memory_space<vmem>> -> memref<128xi32, #tpu.memory_space<vmem>>
        %dma_start3A_1645 = arith.constant 0 : i32
        %dma_start3A_1646 = tpu.memref_slice %arg8[%dma_start3A_1645] : memref<655360xf32, #tpu.memory_space<vmem_shared>> -> memref<655360xf32, #tpu.memory_space<vmem_shared>>
        tpu.enqueue_indirect_dma source(%dma_start3A_1641 : memref<128xf32, #tpu.memory_space<vmem>>) target(%dma_start3A_1646 : memref<655360xf32, #tpu.memory_space<vmem_shared>>) offsets(%dma_start3A_1644 : memref<128xi32, #tpu.memory_space<vmem>>) semaphore(%run_scoped3A_1639 : memref<!tpu.dma_semaphore, #tpu.memory_space<semaphore_mem>>) {add = true}
        %dma_wait3A = arith.constant 0 : i32
        %dma_wait3A_1647 = tpu.memref_slice %arg15[%run_scoped3A_1263, %dma_wait3A] : memref<8x128xf32, #tpu.memory_space<vmem>> -> memref<1x128xf32, #tpu.memory_space<vmem>>
        %dma_wait3A_1648 = tpu.memref_squeeze %dma_wait3A_1647 : memref<1x128xf32, #tpu.memory_space<vmem>> -> memref<128xf32, #tpu.memory_space<vmem>>
        %dma_wait3A_1649 = arith.constant 0 : i32
        %dma_wait3A_1650 = tpu.memref_slice %arg14[%run_scoped3A_1264, %dma_wait3A_1649] : memref<8x128xi32, #tpu.memory_space<vmem>> -> memref<1x128xi32, #tpu.memory_space<vmem>>
        %dma_wait3A_1651 = tpu.memref_squeeze %dma_wait3A_1650 : memref<1x128xi32, #tpu.memory_space<vmem>> -> memref<128xi32, #tpu.memory_space<vmem>>
        %dma_wait3A_1652 = arith.constant 0 : i32
        %dma_wait3A_1653 = tpu.memref_slice %arg8[%dma_wait3A_1652] : memref<655360xf32, #tpu.memory_space<vmem_shared>> -> memref<655360xf32, #tpu.memory_space<vmem_shared>>
        tpu.wait_indirect_dma semaphore(%run_scoped3A_1639 : memref<!tpu.dma_semaphore, #tpu.memory_space<semaphore_mem>>) src(%dma_wait3A_1648 : memref<128xf32, #tpu.memory_space<vmem>>) dst(%dma_wait3A_1653 : memref<655360xf32, #tpu.memory_space<vmem_shared>>)
        tpu.yield
      }) : () -> ()
      %get3A_1265 = arith.constant 640 : index
      %get3A_1266 = tpu.vector_load %arg11[%get3A_1265] {strides = array<i32>} : memref<1024xi32, #tpu.memory_space<vmem>>, vector<16xi32>,
      %gather3A_1267 = tpu.vector_load_idx %arg9[%get3A_1266] : memref<10000xi32, #tpu.memory_space<vmem>>[vector<16xi32>], vector<16xi32>,
      %swap3A_1268 = arith.constant 640 : index
      %swap3A_1269 = tpu.vector_load %arg12[%swap3A_1268] {strides = array<i32>} : memref<1024xi32, #tpu.memory_space<vmem>>, vector<16xi32>,
      tpu.vector_store %arg12[%swap3A_1268], %gather3A_1267 {strides = array<i32>} : memref<1024xi32, #tpu.memory_space<vmem>>, vector<16xi32>,
      %get3A_1270 = arith.constant 640 : index
      %get3A_1271 = tpu.vector_load %arg10[%get3A_1270] {strides = array<i32>} : memref<1024xi32, #tpu.memory_space<vmem>>, vector<16xi32>,
      %mul3A_1272 = arith.constant 10240 : i32
      %mul3A_1273 = vector.broadcast %mul3A_1272 : i32 to vector<16xi32>
      %mul3A_1274 = arith.muli %gather3A_1267, %mul3A_1273 : vector<16xi32>
      %add3A_1275 = arith.addi %mul3A_1274, %get3A_1271 : vector<16xi32>
      %swap3A_1276 = arith.constant 5 : i32
      %swap3A_1277 = arith.index_cast %swap3A_1276 : i32 to index
      %swap3A_1278 = arith.constant 0 : index
      %swap3A_1279 = tpu.vector_load %arg14[%swap3A_1277, %swap3A_1278] {strides = array<i32>} : memref<8x128xi32, #tpu.memory_space<vmem>>, vector<16xi32>,
      tpu.vector_store %arg14[%swap3A_1277, %swap3A_1278], %add3A_1275 {strides = array<i32>} : memref<8x128xi32, #tpu.memory_space<vmem>>, vector<16xi32>,
      %get3A_1280 = arith.constant 656 : index
      %get3A_1281 = tpu.vector_load %arg11[%get3A_1280] {strides = array<i32>} : memref<1024xi32, #tpu.memory_space<vmem>>, vector<16xi32>,
      %gather3A_1282 = tpu.vector_load_idx %arg9[%get3A_1281] : memref<10000xi32, #tpu.memory_space<vmem>>[vector<16xi32>], vector<16xi32>,
      %swap3A_1283 = arith.constant 656 : index
      %swap3A_1284 = tpu.vector_load %arg12[%swap3A_1283] {strides = array<i32>} : memref<1024xi32, #tpu.memory_space<vmem>>, vector<16xi32>,
      tpu.vector_store %arg12[%swap3A_1283], %gather3A_1282 {strides = array<i32>} : memref<1024xi32, #tpu.memory_space<vmem>>, vector<16xi32>,
      %get3A_1285 = arith.constant 656 : index
      %get3A_1286 = tpu.vector_load %arg10[%get3A_1285] {strides = array<i32>} : memref<1024xi32, #tpu.memory_space<vmem>>, vector<16xi32>,
      %mul3A_1287 = arith.constant 10240 : i32
      %mul3A_1288 = vector.broadcast %mul3A_1287 : i32 to vector<16xi32>
      %mul3A_1289 = arith.muli %gather3A_1282, %mul3A_1288 : vector<16xi32>
      %add3A_1290 = arith.addi %mul3A_1289, %get3A_1286 : vector<16xi32>
      %swap3A_1291 = arith.constant 5 : i32
      %swap3A_1292 = arith.index_cast %swap3A_1291 : i32 to index
      %swap3A_1293 = arith.constant 16 : index
      %swap3A_1294 = tpu.vector_load %arg14[%swap3A_1292, %swap3A_1293] {strides = array<i32>} : memref<8x128xi32, #tpu.memory_space<vmem>>, vector<16xi32>,
      tpu.vector_store %arg14[%swap3A_1292, %swap3A_1293], %add3A_1290 {strides = array<i32>} : memref<8x128xi32, #tpu.memory_space<vmem>>, vector<16xi32>,
      %get3A_1295 = arith.constant 672 : index
      %get3A_1296 = tpu.vector_load %arg11[%get3A_1295] {strides = array<i32>} : memref<1024xi32, #tpu.memory_space<vmem>>, vector<16xi32>,
      %gather3A_1297 = tpu.vector_load_idx %arg9[%get3A_1296] : memref<10000xi32, #tpu.memory_space<vmem>>[vector<16xi32>], vector<16xi32>,
      %swap3A_1298 = arith.constant 672 : index
      %swap3A_1299 = tpu.vector_load %arg12[%swap3A_1298] {strides = array<i32>} : memref<1024xi32, #tpu.memory_space<vmem>>, vector<16xi32>,
      tpu.vector_store %arg12[%swap3A_1298], %gather3A_1297 {strides = array<i32>} : memref<1024xi32, #tpu.memory_space<vmem>>, vector<16xi32>,
      %get3A_1300 = arith.constant 672 : index
      %get3A_1301 = tpu.vector_load %arg10[%get3A_1300] {strides = array<i32>} : memref<1024xi32, #tpu.memory_space<vmem>>, vector<16xi32>,
      %mul3A_1302 = arith.constant 10240 : i32
      %mul3A_1303 = vector.broadcast %mul3A_1302 : i32 to vector<16xi32>
      %mul3A_1304 = arith.muli %gather3A_1297, %mul3A_1303 : vector<16xi32>
      %add3A_1305 = arith.addi %mul3A_1304, %get3A_1301 : vector<16xi32>
      %swap3A_1306 = arith.constant 5 : i32
      %swap3A_1307 = arith.index_cast %swap3A_1306 : i32 to index
      %swap3A_1308 = arith.constant 32 : index
      %swap3A_1309 = tpu.vector_load %arg14[%swap3A_1307, %swap3A_1308] {strides = array<i32>} : memref<8x128xi32, #tpu.memory_space<vmem>>, vector<16xi32>,
      tpu.vector_store %arg14[%swap3A_1307, %swap3A_1308], %add3A_1305 {strides = array<i32>} : memref<8x128xi32, #tpu.memory_space<vmem>>, vector<16xi32>,
      %get3A_1310 = arith.constant 688 : index
      %get3A_1311 = tpu.vector_load %arg11[%get3A_1310] {strides = array<i32>} : memref<1024xi32, #tpu.memory_space<vmem>>, vector<16xi32>,
      %gather3A_1312 = tpu.vector_load_idx %arg9[%get3A_1311] : memref<10000xi32, #tpu.memory_space<vmem>>[vector<16xi32>], vector<16xi32>,
      %swap3A_1313 = arith.constant 688 : index
      %swap3A_1314 = tpu.vector_load %arg12[%swap3A_1313] {strides = array<i32>} : memref<1024xi32, #tpu.memory_space<vmem>>, vector<16xi32>,
      tpu.vector_store %arg12[%swap3A_1313], %gather3A_1312 {strides = array<i32>} : memref<1024xi32, #tpu.memory_space<vmem>>, vector<16xi32>,
      %get3A_1315 = arith.constant 688 : index
      %get3A_1316 = tpu.vector_load %arg10[%get3A_1315] {strides = array<i32>} : memref<1024xi32, #tpu.memory_space<vmem>>, vector<16xi32>,
      %mul3A_1317 = arith.constant 10240 : i32
      %mul3A_1318 = vector.broadcast %mul3A_1317 : i32 to vector<16xi32>
      %mul3A_1319 = arith.muli %gather3A_1312, %mul3A_1318 : vector<16xi32>
      %add3A_1320 = arith.addi %mul3A_1319, %get3A_1316 : vector<16xi32>
      %swap3A_1321 = arith.constant 5 : i32
      %swap3A_1322 = arith.index_cast %swap3A_1321 : i32 to index
      %swap3A_1323 = arith.constant 48 : index
      %swap3A_1324 = tpu.vector_load %arg14[%swap3A_1322, %swap3A_1323] {strides = array<i32>} : memref<8x128xi32, #tpu.memory_space<vmem>>, vector<16xi32>,
      tpu.vector_store %arg14[%swap3A_1322, %swap3A_1323], %add3A_1320 {strides = array<i32>} : memref<8x128xi32, #tpu.memory_space<vmem>>, vector<16xi32>,
      %get3A_1325 = arith.constant 704 : index
      %get3A_1326 = tpu.vector_load %arg11[%get3A_1325] {strides = array<i32>} : memref<1024xi32, #tpu.memory_space<vmem>>, vector<16xi32>,
      %gather3A_1327 = tpu.vector_load_idx %arg9[%get3A_1326] : memref<10000xi32, #tpu.memory_space<vmem>>[vector<16xi32>], vector<16xi32>,
      %swap3A_1328 = arith.constant 704 : index
      %swap3A_1329 = tpu.vector_load %arg12[%swap3A_1328] {strides = array<i32>} : memref<1024xi32, #tpu.memory_space<vmem>>, vector<16xi32>,
      tpu.vector_store %arg12[%swap3A_1328], %gather3A_1327 {strides = array<i32>} : memref<1024xi32, #tpu.memory_space<vmem>>, vector<16xi32>,
      %get3A_1330 = arith.constant 704 : index
      %get3A_1331 = tpu.vector_load %arg10[%get3A_1330] {strides = array<i32>} : memref<1024xi32, #tpu.memory_space<vmem>>, vector<16xi32>,
      %mul3A_1332 = arith.constant 10240 : i32
      %mul3A_1333 = vector.broadcast %mul3A_1332 : i32 to vector<16xi32>
      %mul3A_1334 = arith.muli %gather3A_1327, %mul3A_1333 : vector<16xi32>
      %add3A_1335 = arith.addi %mul3A_1334, %get3A_1331 : vector<16xi32>
      %swap3A_1336 = arith.constant 5 : i32
      %swap3A_1337 = arith.index_cast %swap3A_1336 : i32 to index
      %swap3A_1338 = arith.constant 64 : index
      %swap3A_1339 = tpu.vector_load %arg14[%swap3A_1337, %swap3A_1338] {strides = array<i32>} : memref<8x128xi32, #tpu.memory_space<vmem>>, vector<16xi32>,
      tpu.vector_store %arg14[%swap3A_1337, %swap3A_1338], %add3A_1335 {strides = array<i32>} : memref<8x128xi32, #tpu.memory_space<vmem>>, vector<16xi32>,
      %get3A_1340 = arith.constant 720 : index
      %get3A_1341 = tpu.vector_load %arg11[%get3A_1340] {strides = array<i32>} : memref<1024xi32, #tpu.memory_space<vmem>>, vector<16xi32>,
      %gather3A_1342 = tpu.vector_load_idx %arg9[%get3A_1341] : memref<10000xi32, #tpu.memory_space<vmem>>[vector<16xi32>], vector<16xi32>,
      %swap3A_1343 = arith.constant 720 : index
      %swap3A_1344 = tpu.vector_load %arg12[%swap3A_1343] {strides = array<i32>} : memref<1024xi32, #tpu.memory_space<vmem>>, vector<16xi32>,
      tpu.vector_store %arg12[%swap3A_1343], %gather3A_1342 {strides = array<i32>} : memref<1024xi32, #tpu.memory_space<vmem>>, vector<16xi32>,
      %get3A_1345 = arith.constant 720 : index
      %get3A_1346 = tpu.vector_load %arg10[%get3A_1345] {strides = array<i32>} : memref<1024xi32, #tpu.memory_space<vmem>>, vector<16xi32>,
      %mul3A_1347 = arith.constant 10240 : i32
      %mul3A_1348 = vector.broadcast %mul3A_1347 : i32 to vector<16xi32>
      %mul3A_1349 = arith.muli %gather3A_1342, %mul3A_1348 : vector<16xi32>
      %add3A_1350 = arith.addi %mul3A_1349, %get3A_1346 : vector<16xi32>
      %swap3A_1351 = arith.constant 5 : i32
      %swap3A_1352 = arith.index_cast %swap3A_1351 : i32 to index
      %swap3A_1353 = arith.constant 80 : index
      %swap3A_1354 = tpu.vector_load %arg14[%swap3A_1352, %swap3A_1353] {strides = array<i32>} : memref<8x128xi32, #tpu.memory_space<vmem>>, vector<16xi32>,
      tpu.vector_store %arg14[%swap3A_1352, %swap3A_1353], %add3A_1350 {strides = array<i32>} : memref<8x128xi32, #tpu.memory_space<vmem>>, vector<16xi32>,
      %get3A_1355 = arith.constant 736 : index
      %get3A_1356 = tpu.vector_load %arg11[%get3A_1355] {strides = array<i32>} : memref<1024xi32, #tpu.memory_space<vmem>>, vector<16xi32>,
      %gather3A_1357 = tpu.vector_load_idx %arg9[%get3A_1356] : memref<10000xi32, #tpu.memory_space<vmem>>[vector<16xi32>], vector<16xi32>,
      %swap3A_1358 = arith.constant 736 : index
      %swap3A_1359 = tpu.vector_load %arg12[%swap3A_1358] {strides = array<i32>} : memref<1024xi32, #tpu.memory_space<vmem>>, vector<16xi32>,
      tpu.vector_store %arg12[%swap3A_1358], %gather3A_1357 {strides = array<i32>} : memref<1024xi32, #tpu.memory_space<vmem>>, vector<16xi32>,
      %get3A_1360 = arith.constant 736 : index
      %get3A_1361 = tpu.vector_load %arg10[%get3A_1360] {strides = array<i32>} : memref<1024xi32, #tpu.memory_space<vmem>>, vector<16xi32>,
      %mul3A_1362 = arith.constant 10240 : i32
      %mul3A_1363 = vector.broadcast %mul3A_1362 : i32 to vector<16xi32>
      %mul3A_1364 = arith.muli %gather3A_1357, %mul3A_1363 : vector<16xi32>
      %add3A_1365 = arith.addi %mul3A_1364, %get3A_1361 : vector<16xi32>
      %swap3A_1366 = arith.constant 5 : i32
      %swap3A_1367 = arith.index_cast %swap3A_1366 : i32 to index
      %swap3A_1368 = arith.constant 96 : index
      %swap3A_1369 = tpu.vector_load %arg14[%swap3A_1367, %swap3A_1368] {strides = array<i32>} : memref<8x128xi32, #tpu.memory_space<vmem>>, vector<16xi32>,
      tpu.vector_store %arg14[%swap3A_1367, %swap3A_1368], %add3A_1365 {strides = array<i32>} : memref<8x128xi32, #tpu.memory_space<vmem>>, vector<16xi32>,
      %get3A_1370 = arith.constant 752 : index
      %get3A_1371 = tpu.vector_load %arg11[%get3A_1370] {strides = array<i32>} : memref<1024xi32, #tpu.memory_space<vmem>>, vector<16xi32>,
      %gather3A_1372 = tpu.vector_load_idx %arg9[%get3A_1371] : memref<10000xi32, #tpu.memory_space<vmem>>[vector<16xi32>], vector<16xi32>,
      %swap3A_1373 = arith.constant 752 : index
      %swap3A_1374 = tpu.vector_load %arg12[%swap3A_1373] {strides = array<i32>} : memref<1024xi32, #tpu.memory_space<vmem>>, vector<16xi32>,
      tpu.vector_store %arg12[%swap3A_1373], %gather3A_1372 {strides = array<i32>} : memref<1024xi32, #tpu.memory_space<vmem>>, vector<16xi32>,
      %get3A_1375 = arith.constant 752 : index
      %get3A_1376 = tpu.vector_load %arg10[%get3A_1375] {strides = array<i32>} : memref<1024xi32, #tpu.memory_space<vmem>>, vector<16xi32>,
      %mul3A_1377 = arith.constant 10240 : i32
      %mul3A_1378 = vector.broadcast %mul3A_1377 : i32 to vector<16xi32>
      %mul3A_1379 = arith.muli %gather3A_1372, %mul3A_1378 : vector<16xi32>
      %add3A_1380 = arith.addi %mul3A_1379, %get3A_1376 : vector<16xi32>
      %swap3A_1381 = arith.constant 5 : i32
      %swap3A_1382 = arith.index_cast %swap3A_1381 : i32 to index
      %swap3A_1383 = arith.constant 112 : index
      %swap3A_1384 = tpu.vector_load %arg14[%swap3A_1382, %swap3A_1383] {strides = array<i32>} : memref<8x128xi32, #tpu.memory_space<vmem>>, vector<16xi32>,
      tpu.vector_store %arg14[%swap3A_1382, %swap3A_1383], %add3A_1380 {strides = array<i32>} : memref<8x128xi32, #tpu.memory_space<vmem>>, vector<16xi32>,
      %run_scoped3A_1385 = arith.constant 5 : i32
      %run_scoped3A_1386 = arith.constant 5 : i32
      "tpu.region"() ({
        %run_scoped3A_1639 = tpu.sem_alloc : memref<!tpu.dma_semaphore, #tpu.memory_space<semaphore_mem>>
        %dma_start3A = arith.constant 0 : i32
        %dma_start3A_1640 = tpu.memref_slice %arg15[%run_scoped3A_1385, %dma_start3A] : memref<8x128xf32, #tpu.memory_space<vmem>> -> memref<1x128xf32, #tpu.memory_space<vmem>>
        %dma_start3A_1641 = tpu.memref_squeeze %dma_start3A_1640 : memref<1x128xf32, #tpu.memory_space<vmem>> -> memref<128xf32, #tpu.memory_space<vmem>>
        %dma_start3A_1642 = arith.constant 0 : i32
        %dma_start3A_1643 = tpu.memref_slice %arg14[%run_scoped3A_1386, %dma_start3A_1642] : memref<8x128xi32, #tpu.memory_space<vmem>> -> memref<1x128xi32, #tpu.memory_space<vmem>>
        %dma_start3A_1644 = tpu.memref_squeeze %dma_start3A_1643 : memref<1x128xi32, #tpu.memory_space<vmem>> -> memref<128xi32, #tpu.memory_space<vmem>>
        %dma_start3A_1645 = arith.constant 0 : i32
        %dma_start3A_1646 = tpu.memref_slice %arg8[%dma_start3A_1645] : memref<655360xf32, #tpu.memory_space<vmem_shared>> -> memref<655360xf32, #tpu.memory_space<vmem_shared>>
        tpu.enqueue_indirect_dma source(%dma_start3A_1641 : memref<128xf32, #tpu.memory_space<vmem>>) target(%dma_start3A_1646 : memref<655360xf32, #tpu.memory_space<vmem_shared>>) offsets(%dma_start3A_1644 : memref<128xi32, #tpu.memory_space<vmem>>) semaphore(%run_scoped3A_1639 : memref<!tpu.dma_semaphore, #tpu.memory_space<semaphore_mem>>) {add = true}
        %dma_wait3A = arith.constant 0 : i32
        %dma_wait3A_1647 = tpu.memref_slice %arg15[%run_scoped3A_1385, %dma_wait3A] : memref<8x128xf32, #tpu.memory_space<vmem>> -> memref<1x128xf32, #tpu.memory_space<vmem>>
        %dma_wait3A_1648 = tpu.memref_squeeze %dma_wait3A_1647 : memref<1x128xf32, #tpu.memory_space<vmem>> -> memref<128xf32, #tpu.memory_space<vmem>>
        %dma_wait3A_1649 = arith.constant 0 : i32
        %dma_wait3A_1650 = tpu.memref_slice %arg14[%run_scoped3A_1386, %dma_wait3A_1649] : memref<8x128xi32, #tpu.memory_space<vmem>> -> memref<1x128xi32, #tpu.memory_space<vmem>>
        %dma_wait3A_1651 = tpu.memref_squeeze %dma_wait3A_1650 : memref<1x128xi32, #tpu.memory_space<vmem>> -> memref<128xi32, #tpu.memory_space<vmem>>
        %dma_wait3A_1652 = arith.constant 0 : i32
        %dma_wait3A_1653 = tpu.memref_slice %arg8[%dma_wait3A_1652] : memref<655360xf32, #tpu.memory_space<vmem_shared>> -> memref<655360xf32, #tpu.memory_space<vmem_shared>>
        tpu.wait_indirect_dma semaphore(%run_scoped3A_1639 : memref<!tpu.dma_semaphore, #tpu.memory_space<semaphore_mem>>) src(%dma_wait3A_1648 : memref<128xf32, #tpu.memory_space<vmem>>) dst(%dma_wait3A_1653 : memref<655360xf32, #tpu.memory_space<vmem_shared>>)
        tpu.yield
      }) : () -> ()
      %get3A_1387 = arith.constant 768 : index
      %get3A_1388 = tpu.vector_load %arg11[%get3A_1387] {strides = array<i32>} : memref<1024xi32, #tpu.memory_space<vmem>>, vector<16xi32>,
      %gather3A_1389 = tpu.vector_load_idx %arg9[%get3A_1388] : memref<10000xi32, #tpu.memory_space<vmem>>[vector<16xi32>], vector<16xi32>,
      %swap3A_1390 = arith.constant 768 : index
      %swap3A_1391 = tpu.vector_load %arg12[%swap3A_1390] {strides = array<i32>} : memref<1024xi32, #tpu.memory_space<vmem>>, vector<16xi32>,
      tpu.vector_store %arg12[%swap3A_1390], %gather3A_1389 {strides = array<i32>} : memref<1024xi32, #tpu.memory_space<vmem>>, vector<16xi32>,
      %get3A_1392 = arith.constant 768 : index
      %get3A_1393 = tpu.vector_load %arg10[%get3A_1392] {strides = array<i32>} : memref<1024xi32, #tpu.memory_space<vmem>>, vector<16xi32>,
      %mul3A_1394 = arith.constant 10240 : i32
      %mul3A_1395 = vector.broadcast %mul3A_1394 : i32 to vector<16xi32>
      %mul3A_1396 = arith.muli %gather3A_1389, %mul3A_1395 : vector<16xi32>
      %add3A_1397 = arith.addi %mul3A_1396, %get3A_1393 : vector<16xi32>
      %swap3A_1398 = arith.constant 6 : i32
      %swap3A_1399 = arith.index_cast %swap3A_1398 : i32 to index
      %swap3A_1400 = arith.constant 0 : index
      %swap3A_1401 = tpu.vector_load %arg14[%swap3A_1399, %swap3A_1400] {strides = array<i32>} : memref<8x128xi32, #tpu.memory_space<vmem>>, vector<16xi32>,
      tpu.vector_store %arg14[%swap3A_1399, %swap3A_1400], %add3A_1397 {strides = array<i32>} : memref<8x128xi32, #tpu.memory_space<vmem>>, vector<16xi32>,
      %get3A_1402 = arith.constant 784 : index
      %get3A_1403 = tpu.vector_load %arg11[%get3A_1402] {strides = array<i32>} : memref<1024xi32, #tpu.memory_space<vmem>>, vector<16xi32>,
      %gather3A_1404 = tpu.vector_load_idx %arg9[%get3A_1403] : memref<10000xi32, #tpu.memory_space<vmem>>[vector<16xi32>], vector<16xi32>,
      %swap3A_1405 = arith.constant 784 : index
      %swap3A_1406 = tpu.vector_load %arg12[%swap3A_1405] {strides = array<i32>} : memref<1024xi32, #tpu.memory_space<vmem>>, vector<16xi32>,
      tpu.vector_store %arg12[%swap3A_1405], %gather3A_1404 {strides = array<i32>} : memref<1024xi32, #tpu.memory_space<vmem>>, vector<16xi32>,
      %get3A_1407 = arith.constant 784 : index
      %get3A_1408 = tpu.vector_load %arg10[%get3A_1407] {strides = array<i32>} : memref<1024xi32, #tpu.memory_space<vmem>>, vector<16xi32>,
      %mul3A_1409 = arith.constant 10240 : i32
      %mul3A_1410 = vector.broadcast %mul3A_1409 : i32 to vector<16xi32>
      %mul3A_1411 = arith.muli %gather3A_1404, %mul3A_1410 : vector<16xi32>
      %add3A_1412 = arith.addi %mul3A_1411, %get3A_1408 : vector<16xi32>
      %swap3A_1413 = arith.constant 6 : i32
      %swap3A_1414 = arith.index_cast %swap3A_1413 : i32 to index
      %swap3A_1415 = arith.constant 16 : index
      %swap3A_1416 = tpu.vector_load %arg14[%swap3A_1414, %swap3A_1415] {strides = array<i32>} : memref<8x128xi32, #tpu.memory_space<vmem>>, vector<16xi32>,
      tpu.vector_store %arg14[%swap3A_1414, %swap3A_1415], %add3A_1412 {strides = array<i32>} : memref<8x128xi32, #tpu.memory_space<vmem>>, vector<16xi32>,
      %get3A_1417 = arith.constant 800 : index
      %get3A_1418 = tpu.vector_load %arg11[%get3A_1417] {strides = array<i32>} : memref<1024xi32, #tpu.memory_space<vmem>>, vector<16xi32>,
      %gather3A_1419 = tpu.vector_load_idx %arg9[%get3A_1418] : memref<10000xi32, #tpu.memory_space<vmem>>[vector<16xi32>], vector<16xi32>,
      %swap3A_1420 = arith.constant 800 : index
      %swap3A_1421 = tpu.vector_load %arg12[%swap3A_1420] {strides = array<i32>} : memref<1024xi32, #tpu.memory_space<vmem>>, vector<16xi32>,
      tpu.vector_store %arg12[%swap3A_1420], %gather3A_1419 {strides = array<i32>} : memref<1024xi32, #tpu.memory_space<vmem>>, vector<16xi32>,
      %get3A_1422 = arith.constant 800 : index
      %get3A_1423 = tpu.vector_load %arg10[%get3A_1422] {strides = array<i32>} : memref<1024xi32, #tpu.memory_space<vmem>>, vector<16xi32>,
      %mul3A_1424 = arith.constant 10240 : i32
      %mul3A_1425 = vector.broadcast %mul3A_1424 : i32 to vector<16xi32>
      %mul3A_1426 = arith.muli %gather3A_1419, %mul3A_1425 : vector<16xi32>
      %add3A_1427 = arith.addi %mul3A_1426, %get3A_1423 : vector<16xi32>
      %swap3A_1428 = arith.constant 6 : i32
      %swap3A_1429 = arith.index_cast %swap3A_1428 : i32 to index
      %swap3A_1430 = arith.constant 32 : index
      %swap3A_1431 = tpu.vector_load %arg14[%swap3A_1429, %swap3A_1430] {strides = array<i32>} : memref<8x128xi32, #tpu.memory_space<vmem>>, vector<16xi32>,
      tpu.vector_store %arg14[%swap3A_1429, %swap3A_1430], %add3A_1427 {strides = array<i32>} : memref<8x128xi32, #tpu.memory_space<vmem>>, vector<16xi32>,
      %get3A_1432 = arith.constant 816 : index
      %get3A_1433 = tpu.vector_load %arg11[%get3A_1432] {strides = array<i32>} : memref<1024xi32, #tpu.memory_space<vmem>>, vector<16xi32>,
      %gather3A_1434 = tpu.vector_load_idx %arg9[%get3A_1433] : memref<10000xi32, #tpu.memory_space<vmem>>[vector<16xi32>], vector<16xi32>,
      %swap3A_1435 = arith.constant 816 : index
      %swap3A_1436 = tpu.vector_load %arg12[%swap3A_1435] {strides = array<i32>} : memref<1024xi32, #tpu.memory_space<vmem>>, vector<16xi32>,
      tpu.vector_store %arg12[%swap3A_1435], %gather3A_1434 {strides = array<i32>} : memref<1024xi32, #tpu.memory_space<vmem>>, vector<16xi32>,
      %get3A_1437 = arith.constant 816 : index
      %get3A_1438 = tpu.vector_load %arg10[%get3A_1437] {strides = array<i32>} : memref<1024xi32, #tpu.memory_space<vmem>>, vector<16xi32>,
      %mul3A_1439 = arith.constant 10240 : i32
      %mul3A_1440 = vector.broadcast %mul3A_1439 : i32 to vector<16xi32>
      %mul3A_1441 = arith.muli %gather3A_1434, %mul3A_1440 : vector<16xi32>
      %add3A_1442 = arith.addi %mul3A_1441, %get3A_1438 : vector<16xi32>
      %swap3A_1443 = arith.constant 6 : i32
      %swap3A_1444 = arith.index_cast %swap3A_1443 : i32 to index
      %swap3A_1445 = arith.constant 48 : index
      %swap3A_1446 = tpu.vector_load %arg14[%swap3A_1444, %swap3A_1445] {strides = array<i32>} : memref<8x128xi32, #tpu.memory_space<vmem>>, vector<16xi32>,
      tpu.vector_store %arg14[%swap3A_1444, %swap3A_1445], %add3A_1442 {strides = array<i32>} : memref<8x128xi32, #tpu.memory_space<vmem>>, vector<16xi32>,
      %get3A_1447 = arith.constant 832 : index
      %get3A_1448 = tpu.vector_load %arg11[%get3A_1447] {strides = array<i32>} : memref<1024xi32, #tpu.memory_space<vmem>>, vector<16xi32>,
      %gather3A_1449 = tpu.vector_load_idx %arg9[%get3A_1448] : memref<10000xi32, #tpu.memory_space<vmem>>[vector<16xi32>], vector<16xi32>,
      %swap3A_1450 = arith.constant 832 : index
      %swap3A_1451 = tpu.vector_load %arg12[%swap3A_1450] {strides = array<i32>} : memref<1024xi32, #tpu.memory_space<vmem>>, vector<16xi32>,
      tpu.vector_store %arg12[%swap3A_1450], %gather3A_1449 {strides = array<i32>} : memref<1024xi32, #tpu.memory_space<vmem>>, vector<16xi32>,
      %get3A_1452 = arith.constant 832 : index
      %get3A_1453 = tpu.vector_load %arg10[%get3A_1452] {strides = array<i32>} : memref<1024xi32, #tpu.memory_space<vmem>>, vector<16xi32>,
      %mul3A_1454 = arith.constant 10240 : i32
      %mul3A_1455 = vector.broadcast %mul3A_1454 : i32 to vector<16xi32>
      %mul3A_1456 = arith.muli %gather3A_1449, %mul3A_1455 : vector<16xi32>
      %add3A_1457 = arith.addi %mul3A_1456, %get3A_1453 : vector<16xi32>
      %swap3A_1458 = arith.constant 6 : i32
      %swap3A_1459 = arith.index_cast %swap3A_1458 : i32 to index
      %swap3A_1460 = arith.constant 64 : index
      %swap3A_1461 = tpu.vector_load %arg14[%swap3A_1459, %swap3A_1460] {strides = array<i32>} : memref<8x128xi32, #tpu.memory_space<vmem>>, vector<16xi32>,
      tpu.vector_store %arg14[%swap3A_1459, %swap3A_1460], %add3A_1457 {strides = array<i32>} : memref<8x128xi32, #tpu.memory_space<vmem>>, vector<16xi32>,
      %get3A_1462 = arith.constant 848 : index
      %get3A_1463 = tpu.vector_load %arg11[%get3A_1462] {strides = array<i32>} : memref<1024xi32, #tpu.memory_space<vmem>>, vector<16xi32>,
      %gather3A_1464 = tpu.vector_load_idx %arg9[%get3A_1463] : memref<10000xi32, #tpu.memory_space<vmem>>[vector<16xi32>], vector<16xi32>,
      %swap3A_1465 = arith.constant 848 : index
      %swap3A_1466 = tpu.vector_load %arg12[%swap3A_1465] {strides = array<i32>} : memref<1024xi32, #tpu.memory_space<vmem>>, vector<16xi32>,
      tpu.vector_store %arg12[%swap3A_1465], %gather3A_1464 {strides = array<i32>} : memref<1024xi32, #tpu.memory_space<vmem>>, vector<16xi32>,
      %get3A_1467 = arith.constant 848 : index
      %get3A_1468 = tpu.vector_load %arg10[%get3A_1467] {strides = array<i32>} : memref<1024xi32, #tpu.memory_space<vmem>>, vector<16xi32>,
      %mul3A_1469 = arith.constant 10240 : i32
      %mul3A_1470 = vector.broadcast %mul3A_1469 : i32 to vector<16xi32>
      %mul3A_1471 = arith.muli %gather3A_1464, %mul3A_1470 : vector<16xi32>
      %add3A_1472 = arith.addi %mul3A_1471, %get3A_1468 : vector<16xi32>
      %swap3A_1473 = arith.constant 6 : i32
      %swap3A_1474 = arith.index_cast %swap3A_1473 : i32 to index
      %swap3A_1475 = arith.constant 80 : index
      %swap3A_1476 = tpu.vector_load %arg14[%swap3A_1474, %swap3A_1475] {strides = array<i32>} : memref<8x128xi32, #tpu.memory_space<vmem>>, vector<16xi32>,
      tpu.vector_store %arg14[%swap3A_1474, %swap3A_1475], %add3A_1472 {strides = array<i32>} : memref<8x128xi32, #tpu.memory_space<vmem>>, vector<16xi32>,
      %get3A_1477 = arith.constant 864 : index
      %get3A_1478 = tpu.vector_load %arg11[%get3A_1477] {strides = array<i32>} : memref<1024xi32, #tpu.memory_space<vmem>>, vector<16xi32>,
      %gather3A_1479 = tpu.vector_load_idx %arg9[%get3A_1478] : memref<10000xi32, #tpu.memory_space<vmem>>[vector<16xi32>], vector<16xi32>,
      %swap3A_1480 = arith.constant 864 : index
      %swap3A_1481 = tpu.vector_load %arg12[%swap3A_1480] {strides = array<i32>} : memref<1024xi32, #tpu.memory_space<vmem>>, vector<16xi32>,
      tpu.vector_store %arg12[%swap3A_1480], %gather3A_1479 {strides = array<i32>} : memref<1024xi32, #tpu.memory_space<vmem>>, vector<16xi32>,
      %get3A_1482 = arith.constant 864 : index
      %get3A_1483 = tpu.vector_load %arg10[%get3A_1482] {strides = array<i32>} : memref<1024xi32, #tpu.memory_space<vmem>>, vector<16xi32>,
      %mul3A_1484 = arith.constant 10240 : i32
      %mul3A_1485 = vector.broadcast %mul3A_1484 : i32 to vector<16xi32>
      %mul3A_1486 = arith.muli %gather3A_1479, %mul3A_1485 : vector<16xi32>
      %add3A_1487 = arith.addi %mul3A_1486, %get3A_1483 : vector<16xi32>
      %swap3A_1488 = arith.constant 6 : i32
      %swap3A_1489 = arith.index_cast %swap3A_1488 : i32 to index
      %swap3A_1490 = arith.constant 96 : index
      %swap3A_1491 = tpu.vector_load %arg14[%swap3A_1489, %swap3A_1490] {strides = array<i32>} : memref<8x128xi32, #tpu.memory_space<vmem>>, vector<16xi32>,
      tpu.vector_store %arg14[%swap3A_1489, %swap3A_1490], %add3A_1487 {strides = array<i32>} : memref<8x128xi32, #tpu.memory_space<vmem>>, vector<16xi32>,
      %get3A_1492 = arith.constant 880 : index
      %get3A_1493 = tpu.vector_load %arg11[%get3A_1492] {strides = array<i32>} : memref<1024xi32, #tpu.memory_space<vmem>>, vector<16xi32>,
      %gather3A_1494 = tpu.vector_load_idx %arg9[%get3A_1493] : memref<10000xi32, #tpu.memory_space<vmem>>[vector<16xi32>], vector<16xi32>,
      %swap3A_1495 = arith.constant 880 : index
      %swap3A_1496 = tpu.vector_load %arg12[%swap3A_1495] {strides = array<i32>} : memref<1024xi32, #tpu.memory_space<vmem>>, vector<16xi32>,
      tpu.vector_store %arg12[%swap3A_1495], %gather3A_1494 {strides = array<i32>} : memref<1024xi32, #tpu.memory_space<vmem>>, vector<16xi32>,
      %get3A_1497 = arith.constant 880 : index
      %get3A_1498 = tpu.vector_load %arg10[%get3A_1497] {strides = array<i32>} : memref<1024xi32, #tpu.memory_space<vmem>>, vector<16xi32>,
      %mul3A_1499 = arith.constant 10240 : i32
      %mul3A_1500 = vector.broadcast %mul3A_1499 : i32 to vector<16xi32>
      %mul3A_1501 = arith.muli %gather3A_1494, %mul3A_1500 : vector<16xi32>
      %add3A_1502 = arith.addi %mul3A_1501, %get3A_1498 : vector<16xi32>
      %swap3A_1503 = arith.constant 6 : i32
      %swap3A_1504 = arith.index_cast %swap3A_1503 : i32 to index
      %swap3A_1505 = arith.constant 112 : index
      %swap3A_1506 = tpu.vector_load %arg14[%swap3A_1504, %swap3A_1505] {strides = array<i32>} : memref<8x128xi32, #tpu.memory_space<vmem>>, vector<16xi32>,
      tpu.vector_store %arg14[%swap3A_1504, %swap3A_1505], %add3A_1502 {strides = array<i32>} : memref<8x128xi32, #tpu.memory_space<vmem>>, vector<16xi32>,
      %run_scoped3A_1507 = arith.constant 6 : i32
      %run_scoped3A_1508 = arith.constant 6 : i32
      "tpu.region"() ({
        %run_scoped3A_1639 = tpu.sem_alloc : memref<!tpu.dma_semaphore, #tpu.memory_space<semaphore_mem>>
        %dma_start3A = arith.constant 0 : i32
        %dma_start3A_1640 = tpu.memref_slice %arg15[%run_scoped3A_1507, %dma_start3A] : memref<8x128xf32, #tpu.memory_space<vmem>> -> memref<1x128xf32, #tpu.memory_space<vmem>>
        %dma_start3A_1641 = tpu.memref_squeeze %dma_start3A_1640 : memref<1x128xf32, #tpu.memory_space<vmem>> -> memref<128xf32, #tpu.memory_space<vmem>>
        %dma_start3A_1642 = arith.constant 0 : i32
        %dma_start3A_1643 = tpu.memref_slice %arg14[%run_scoped3A_1508, %dma_start3A_1642] : memref<8x128xi32, #tpu.memory_space<vmem>> -> memref<1x128xi32, #tpu.memory_space<vmem>>
        %dma_start3A_1644 = tpu.memref_squeeze %dma_start3A_1643 : memref<1x128xi32, #tpu.memory_space<vmem>> -> memref<128xi32, #tpu.memory_space<vmem>>
        %dma_start3A_1645 = arith.constant 0 : i32
        %dma_start3A_1646 = tpu.memref_slice %arg8[%dma_start3A_1645] : memref<655360xf32, #tpu.memory_space<vmem_shared>> -> memref<655360xf32, #tpu.memory_space<vmem_shared>>
        tpu.enqueue_indirect_dma source(%dma_start3A_1641 : memref<128xf32, #tpu.memory_space<vmem>>) target(%dma_start3A_1646 : memref<655360xf32, #tpu.memory_space<vmem_shared>>) offsets(%dma_start3A_1644 : memref<128xi32, #tpu.memory_space<vmem>>) semaphore(%run_scoped3A_1639 : memref<!tpu.dma_semaphore, #tpu.memory_space<semaphore_mem>>) {add = true}
        %dma_wait3A = arith.constant 0 : i32
        %dma_wait3A_1647 = tpu.memref_slice %arg15[%run_scoped3A_1507, %dma_wait3A] : memref<8x128xf32, #tpu.memory_space<vmem>> -> memref<1x128xf32, #tpu.memory_space<vmem>>
        %dma_wait3A_1648 = tpu.memref_squeeze %dma_wait3A_1647 : memref<1x128xf32, #tpu.memory_space<vmem>> -> memref<128xf32, #tpu.memory_space<vmem>>
        %dma_wait3A_1649 = arith.constant 0 : i32
        %dma_wait3A_1650 = tpu.memref_slice %arg14[%run_scoped3A_1508, %dma_wait3A_1649] : memref<8x128xi32, #tpu.memory_space<vmem>> -> memref<1x128xi32, #tpu.memory_space<vmem>>
        %dma_wait3A_1651 = tpu.memref_squeeze %dma_wait3A_1650 : memref<1x128xi32, #tpu.memory_space<vmem>> -> memref<128xi32, #tpu.memory_space<vmem>>
        %dma_wait3A_1652 = arith.constant 0 : i32
        %dma_wait3A_1653 = tpu.memref_slice %arg8[%dma_wait3A_1652] : memref<655360xf32, #tpu.memory_space<vmem_shared>> -> memref<655360xf32, #tpu.memory_space<vmem_shared>>
        tpu.wait_indirect_dma semaphore(%run_scoped3A_1639 : memref<!tpu.dma_semaphore, #tpu.memory_space<semaphore_mem>>) src(%dma_wait3A_1648 : memref<128xf32, #tpu.memory_space<vmem>>) dst(%dma_wait3A_1653 : memref<655360xf32, #tpu.memory_space<vmem_shared>>)
        tpu.yield
      }) : () -> ()
      %get3A_1509 = arith.constant 896 : index
      %get3A_1510 = tpu.vector_load %arg11[%get3A_1509] {strides = array<i32>} : memref<1024xi32, #tpu.memory_space<vmem>>, vector<16xi32>,
      %gather3A_1511 = tpu.vector_load_idx %arg9[%get3A_1510] : memref<10000xi32, #tpu.memory_space<vmem>>[vector<16xi32>], vector<16xi32>,
      %swap3A_1512 = arith.constant 896 : index
      %swap3A_1513 = tpu.vector_load %arg12[%swap3A_1512] {strides = array<i32>} : memref<1024xi32, #tpu.memory_space<vmem>>, vector<16xi32>,
      tpu.vector_store %arg12[%swap3A_1512], %gather3A_1511 {strides = array<i32>} : memref<1024xi32, #tpu.memory_space<vmem>>, vector<16xi32>,
      %get3A_1514 = arith.constant 896 : index
      %get3A_1515 = tpu.vector_load %arg10[%get3A_1514] {strides = array<i32>} : memref<1024xi32, #tpu.memory_space<vmem>>, vector<16xi32>,
      %mul3A_1516 = arith.constant 10240 : i32
      %mul3A_1517 = vector.broadcast %mul3A_1516 : i32 to vector<16xi32>
      %mul3A_1518 = arith.muli %gather3A_1511, %mul3A_1517 : vector<16xi32>
      %add3A_1519 = arith.addi %mul3A_1518, %get3A_1515 : vector<16xi32>
      %swap3A_1520 = arith.constant 7 : i32
      %swap3A_1521 = arith.index_cast %swap3A_1520 : i32 to index
      %swap3A_1522 = arith.constant 0 : index
      %swap3A_1523 = tpu.vector_load %arg14[%swap3A_1521, %swap3A_1522] {strides = array<i32>} : memref<8x128xi32, #tpu.memory_space<vmem>>, vector<16xi32>,
      tpu.vector_store %arg14[%swap3A_1521, %swap3A_1522], %add3A_1519 {strides = array<i32>} : memref<8x128xi32, #tpu.memory_space<vmem>>, vector<16xi32>,
      %get3A_1524 = arith.constant 912 : index
      %get3A_1525 = tpu.vector_load %arg11[%get3A_1524] {strides = array<i32>} : memref<1024xi32, #tpu.memory_space<vmem>>, vector<16xi32>,
      %gather3A_1526 = tpu.vector_load_idx %arg9[%get3A_1525] : memref<10000xi32, #tpu.memory_space<vmem>>[vector<16xi32>], vector<16xi32>,
      %swap3A_1527 = arith.constant 912 : index
      %swap3A_1528 = tpu.vector_load %arg12[%swap3A_1527] {strides = array<i32>} : memref<1024xi32, #tpu.memory_space<vmem>>, vector<16xi32>,
      tpu.vector_store %arg12[%swap3A_1527], %gather3A_1526 {strides = array<i32>} : memref<1024xi32, #tpu.memory_space<vmem>>, vector<16xi32>,
      %get3A_1529 = arith.constant 912 : index
      %get3A_1530 = tpu.vector_load %arg10[%get3A_1529] {strides = array<i32>} : memref<1024xi32, #tpu.memory_space<vmem>>, vector<16xi32>,
      %mul3A_1531 = arith.constant 10240 : i32
      %mul3A_1532 = vector.broadcast %mul3A_1531 : i32 to vector<16xi32>
      %mul3A_1533 = arith.muli %gather3A_1526, %mul3A_1532 : vector<16xi32>
      %add3A_1534 = arith.addi %mul3A_1533, %get3A_1530 : vector<16xi32>
      %swap3A_1535 = arith.constant 7 : i32
      %swap3A_1536 = arith.index_cast %swap3A_1535 : i32 to index
      %swap3A_1537 = arith.constant 16 : index
      %swap3A_1538 = tpu.vector_load %arg14[%swap3A_1536, %swap3A_1537] {strides = array<i32>} : memref<8x128xi32, #tpu.memory_space<vmem>>, vector<16xi32>,
      tpu.vector_store %arg14[%swap3A_1536, %swap3A_1537], %add3A_1534 {strides = array<i32>} : memref<8x128xi32, #tpu.memory_space<vmem>>, vector<16xi32>,
      %get3A_1539 = arith.constant 928 : index
      %get3A_1540 = tpu.vector_load %arg11[%get3A_1539] {strides = array<i32>} : memref<1024xi32, #tpu.memory_space<vmem>>, vector<16xi32>,
      %gather3A_1541 = tpu.vector_load_idx %arg9[%get3A_1540] : memref<10000xi32, #tpu.memory_space<vmem>>[vector<16xi32>], vector<16xi32>,
      %swap3A_1542 = arith.constant 928 : index
      %swap3A_1543 = tpu.vector_load %arg12[%swap3A_1542] {strides = array<i32>} : memref<1024xi32, #tpu.memory_space<vmem>>, vector<16xi32>,
      tpu.vector_store %arg12[%swap3A_1542], %gather3A_1541 {strides = array<i32>} : memref<1024xi32, #tpu.memory_space<vmem>>, vector<16xi32>,
      %get3A_1544 = arith.constant 928 : index
      %get3A_1545 = tpu.vector_load %arg10[%get3A_1544] {strides = array<i32>} : memref<1024xi32, #tpu.memory_space<vmem>>, vector<16xi32>,
      %mul3A_1546 = arith.constant 10240 : i32
      %mul3A_1547 = vector.broadcast %mul3A_1546 : i32 to vector<16xi32>
      %mul3A_1548 = arith.muli %gather3A_1541, %mul3A_1547 : vector<16xi32>
      %add3A_1549 = arith.addi %mul3A_1548, %get3A_1545 : vector<16xi32>
      %swap3A_1550 = arith.constant 7 : i32
      %swap3A_1551 = arith.index_cast %swap3A_1550 : i32 to index
      %swap3A_1552 = arith.constant 32 : index
      %swap3A_1553 = tpu.vector_load %arg14[%swap3A_1551, %swap3A_1552] {strides = array<i32>} : memref<8x128xi32, #tpu.memory_space<vmem>>, vector<16xi32>,
      tpu.vector_store %arg14[%swap3A_1551, %swap3A_1552], %add3A_1549 {strides = array<i32>} : memref<8x128xi32, #tpu.memory_space<vmem>>, vector<16xi32>,
      %get3A_1554 = arith.constant 944 : index
      %get3A_1555 = tpu.vector_load %arg11[%get3A_1554] {strides = array<i32>} : memref<1024xi32, #tpu.memory_space<vmem>>, vector<16xi32>,
      %gather3A_1556 = tpu.vector_load_idx %arg9[%get3A_1555] : memref<10000xi32, #tpu.memory_space<vmem>>[vector<16xi32>], vector<16xi32>,
      %swap3A_1557 = arith.constant 944 : index
      %swap3A_1558 = tpu.vector_load %arg12[%swap3A_1557] {strides = array<i32>} : memref<1024xi32, #tpu.memory_space<vmem>>, vector<16xi32>,
      tpu.vector_store %arg12[%swap3A_1557], %gather3A_1556 {strides = array<i32>} : memref<1024xi32, #tpu.memory_space<vmem>>, vector<16xi32>,
      %get3A_1559 = arith.constant 944 : index
      %get3A_1560 = tpu.vector_load %arg10[%get3A_1559] {strides = array<i32>} : memref<1024xi32, #tpu.memory_space<vmem>>, vector<16xi32>,
      %mul3A_1561 = arith.constant 10240 : i32
      %mul3A_1562 = vector.broadcast %mul3A_1561 : i32 to vector<16xi32>
      %mul3A_1563 = arith.muli %gather3A_1556, %mul3A_1562 : vector<16xi32>
      %add3A_1564 = arith.addi %mul3A_1563, %get3A_1560 : vector<16xi32>
      %swap3A_1565 = arith.constant 7 : i32
      %swap3A_1566 = arith.index_cast %swap3A_1565 : i32 to index
      %swap3A_1567 = arith.constant 48 : index
      %swap3A_1568 = tpu.vector_load %arg14[%swap3A_1566, %swap3A_1567] {strides = array<i32>} : memref<8x128xi32, #tpu.memory_space<vmem>>, vector<16xi32>,
      tpu.vector_store %arg14[%swap3A_1566, %swap3A_1567], %add3A_1564 {strides = array<i32>} : memref<8x128xi32, #tpu.memory_space<vmem>>, vector<16xi32>,
      %get3A_1569 = arith.constant 960 : index
      %get3A_1570 = tpu.vector_load %arg11[%get3A_1569] {strides = array<i32>} : memref<1024xi32, #tpu.memory_space<vmem>>, vector<16xi32>,
      %gather3A_1571 = tpu.vector_load_idx %arg9[%get3A_1570] : memref<10000xi32, #tpu.memory_space<vmem>>[vector<16xi32>], vector<16xi32>,
      %swap3A_1572 = arith.constant 960 : index
      %swap3A_1573 = tpu.vector_load %arg12[%swap3A_1572] {strides = array<i32>} : memref<1024xi32, #tpu.memory_space<vmem>>, vector<16xi32>,
      tpu.vector_store %arg12[%swap3A_1572], %gather3A_1571 {strides = array<i32>} : memref<1024xi32, #tpu.memory_space<vmem>>, vector<16xi32>,
      %get3A_1574 = arith.constant 960 : index
      %get3A_1575 = tpu.vector_load %arg10[%get3A_1574] {strides = array<i32>} : memref<1024xi32, #tpu.memory_space<vmem>>, vector<16xi32>,
      %mul3A_1576 = arith.constant 10240 : i32
      %mul3A_1577 = vector.broadcast %mul3A_1576 : i32 to vector<16xi32>
      %mul3A_1578 = arith.muli %gather3A_1571, %mul3A_1577 : vector<16xi32>
      %add3A_1579 = arith.addi %mul3A_1578, %get3A_1575 : vector<16xi32>
      %swap3A_1580 = arith.constant 7 : i32
      %swap3A_1581 = arith.index_cast %swap3A_1580 : i32 to index
      %swap3A_1582 = arith.constant 64 : index
      %swap3A_1583 = tpu.vector_load %arg14[%swap3A_1581, %swap3A_1582] {strides = array<i32>} : memref<8x128xi32, #tpu.memory_space<vmem>>, vector<16xi32>,
      tpu.vector_store %arg14[%swap3A_1581, %swap3A_1582], %add3A_1579 {strides = array<i32>} : memref<8x128xi32, #tpu.memory_space<vmem>>, vector<16xi32>,
      %get3A_1584 = arith.constant 976 : index
      %get3A_1585 = tpu.vector_load %arg11[%get3A_1584] {strides = array<i32>} : memref<1024xi32, #tpu.memory_space<vmem>>, vector<16xi32>,
      %gather3A_1586 = tpu.vector_load_idx %arg9[%get3A_1585] : memref<10000xi32, #tpu.memory_space<vmem>>[vector<16xi32>], vector<16xi32>,
      %swap3A_1587 = arith.constant 976 : index
      %swap3A_1588 = tpu.vector_load %arg12[%swap3A_1587] {strides = array<i32>} : memref<1024xi32, #tpu.memory_space<vmem>>, vector<16xi32>,
      tpu.vector_store %arg12[%swap3A_1587], %gather3A_1586 {strides = array<i32>} : memref<1024xi32, #tpu.memory_space<vmem>>, vector<16xi32>,
      %get3A_1589 = arith.constant 976 : index
      %get3A_1590 = tpu.vector_load %arg10[%get3A_1589] {strides = array<i32>} : memref<1024xi32, #tpu.memory_space<vmem>>, vector<16xi32>,
      %mul3A_1591 = arith.constant 10240 : i32
      %mul3A_1592 = vector.broadcast %mul3A_1591 : i32 to vector<16xi32>
      %mul3A_1593 = arith.muli %gather3A_1586, %mul3A_1592 : vector<16xi32>
      %add3A_1594 = arith.addi %mul3A_1593, %get3A_1590 : vector<16xi32>
      %swap3A_1595 = arith.constant 7 : i32
      %swap3A_1596 = arith.index_cast %swap3A_1595 : i32 to index
      %swap3A_1597 = arith.constant 80 : index
      %swap3A_1598 = tpu.vector_load %arg14[%swap3A_1596, %swap3A_1597] {strides = array<i32>} : memref<8x128xi32, #tpu.memory_space<vmem>>, vector<16xi32>,
      tpu.vector_store %arg14[%swap3A_1596, %swap3A_1597], %add3A_1594 {strides = array<i32>} : memref<8x128xi32, #tpu.memory_space<vmem>>, vector<16xi32>,
      %get3A_1599 = arith.constant 992 : index
      %get3A_1600 = tpu.vector_load %arg11[%get3A_1599] {strides = array<i32>} : memref<1024xi32, #tpu.memory_space<vmem>>, vector<16xi32>,
      %gather3A_1601 = tpu.vector_load_idx %arg9[%get3A_1600] : memref<10000xi32, #tpu.memory_space<vmem>>[vector<16xi32>], vector<16xi32>,
      %swap3A_1602 = arith.constant 992 : index
      %swap3A_1603 = tpu.vector_load %arg12[%swap3A_1602] {strides = array<i32>} : memref<1024xi32, #tpu.memory_space<vmem>>, vector<16xi32>,
      tpu.vector_store %arg12[%swap3A_1602], %gather3A_1601 {strides = array<i32>} : memref<1024xi32, #tpu.memory_space<vmem>>, vector<16xi32>,
      %get3A_1604 = arith.constant 992 : index
      %get3A_1605 = tpu.vector_load %arg10[%get3A_1604] {strides = array<i32>} : memref<1024xi32, #tpu.memory_space<vmem>>, vector<16xi32>,
      %mul3A_1606 = arith.constant 10240 : i32
      %mul3A_1607 = vector.broadcast %mul3A_1606 : i32 to vector<16xi32>
      %mul3A_1608 = arith.muli %gather3A_1601, %mul3A_1607 : vector<16xi32>
      %add3A_1609 = arith.addi %mul3A_1608, %get3A_1605 : vector<16xi32>
      %swap3A_1610 = arith.constant 7 : i32
      %swap3A_1611 = arith.index_cast %swap3A_1610 : i32 to index
      %swap3A_1612 = arith.constant 96 : index
      %swap3A_1613 = tpu.vector_load %arg14[%swap3A_1611, %swap3A_1612] {strides = array<i32>} : memref<8x128xi32, #tpu.memory_space<vmem>>, vector<16xi32>,
      tpu.vector_store %arg14[%swap3A_1611, %swap3A_1612], %add3A_1609 {strides = array<i32>} : memref<8x128xi32, #tpu.memory_space<vmem>>, vector<16xi32>,
      %get3A_1614 = arith.constant 1008 : index
      %get3A_1615 = tpu.vector_load %arg11[%get3A_1614] {strides = array<i32>} : memref<1024xi32, #tpu.memory_space<vmem>>, vector<16xi32>,
      %gather3A_1616 = tpu.vector_load_idx %arg9[%get3A_1615] : memref<10000xi32, #tpu.memory_space<vmem>>[vector<16xi32>], vector<16xi32>,
      %swap3A_1617 = arith.constant 1008 : index
      %swap3A_1618 = tpu.vector_load %arg12[%swap3A_1617] {strides = array<i32>} : memref<1024xi32, #tpu.memory_space<vmem>>, vector<16xi32>,
      tpu.vector_store %arg12[%swap3A_1617], %gather3A_1616 {strides = array<i32>} : memref<1024xi32, #tpu.memory_space<vmem>>, vector<16xi32>,
      %get3A_1619 = arith.constant 1008 : index
      %get3A_1620 = tpu.vector_load %arg10[%get3A_1619] {strides = array<i32>} : memref<1024xi32, #tpu.memory_space<vmem>>, vector<16xi32>,
      %mul3A_1621 = arith.constant 10240 : i32
      %mul3A_1622 = vector.broadcast %mul3A_1621 : i32 to vector<16xi32>
      %mul3A_1623 = arith.muli %gather3A_1616, %mul3A_1622 : vector<16xi32>
      %add3A_1624 = arith.addi %mul3A_1623, %get3A_1620 : vector<16xi32>
      %swap3A_1625 = arith.constant 7 : i32
      %swap3A_1626 = arith.index_cast %swap3A_1625 : i32 to index
      %swap3A_1627 = arith.constant 112 : index
      %swap3A_1628 = tpu.vector_load %arg14[%swap3A_1626, %swap3A_1627] {strides = array<i32>} : memref<8x128xi32, #tpu.memory_space<vmem>>, vector<16xi32>,
      tpu.vector_store %arg14[%swap3A_1626, %swap3A_1627], %add3A_1624 {strides = array<i32>} : memref<8x128xi32, #tpu.memory_space<vmem>>, vector<16xi32>,
      %run_scoped3A_1629 = arith.constant 7 : i32
      %run_scoped3A_1630 = arith.constant 7 : i32
      "tpu.region"() ({
        %run_scoped3A_1639 = tpu.sem_alloc : memref<!tpu.dma_semaphore, #tpu.memory_space<semaphore_mem>>
        %dma_start3A = arith.constant 0 : i32
        %dma_start3A_1640 = tpu.memref_slice %arg15[%run_scoped3A_1629, %dma_start3A] : memref<8x128xf32, #tpu.memory_space<vmem>> -> memref<1x128xf32, #tpu.memory_space<vmem>>
        %dma_start3A_1641 = tpu.memref_squeeze %dma_start3A_1640 : memref<1x128xf32, #tpu.memory_space<vmem>> -> memref<128xf32, #tpu.memory_space<vmem>>
        %dma_start3A_1642 = arith.constant 0 : i32
        %dma_start3A_1643 = tpu.memref_slice %arg14[%run_scoped3A_1630, %dma_start3A_1642] : memref<8x128xi32, #tpu.memory_space<vmem>> -> memref<1x128xi32, #tpu.memory_space<vmem>>
        %dma_start3A_1644 = tpu.memref_squeeze %dma_start3A_1643 : memref<1x128xi32, #tpu.memory_space<vmem>> -> memref<128xi32, #tpu.memory_space<vmem>>
        %dma_start3A_1645 = arith.constant 0 : i32
        %dma_start3A_1646 = tpu.memref_slice %arg8[%dma_start3A_1645] : memref<655360xf32, #tpu.memory_space<vmem_shared>> -> memref<655360xf32, #tpu.memory_space<vmem_shared>>
        tpu.enqueue_indirect_dma source(%dma_start3A_1641 : memref<128xf32, #tpu.memory_space<vmem>>) target(%dma_start3A_1646 : memref<655360xf32, #tpu.memory_space<vmem_shared>>) offsets(%dma_start3A_1644 : memref<128xi32, #tpu.memory_space<vmem>>) semaphore(%run_scoped3A_1639 : memref<!tpu.dma_semaphore, #tpu.memory_space<semaphore_mem>>) {add = true}
        %dma_wait3A = arith.constant 0 : i32
        %dma_wait3A_1647 = tpu.memref_slice %arg15[%run_scoped3A_1629, %dma_wait3A] : memref<8x128xf32, #tpu.memory_space<vmem>> -> memref<1x128xf32, #tpu.memory_space<vmem>>
        %dma_wait3A_1648 = tpu.memref_squeeze %dma_wait3A_1647 : memref<1x128xf32, #tpu.memory_space<vmem>> -> memref<128xf32, #tpu.memory_space<vmem>>
        %dma_wait3A_1649 = arith.constant 0 : i32
        %dma_wait3A_1650 = tpu.memref_slice %arg14[%run_scoped3A_1630, %dma_wait3A_1649] : memref<8x128xi32, #tpu.memory_space<vmem>> -> memref<1x128xi32, #tpu.memory_space<vmem>>
        %dma_wait3A_1651 = tpu.memref_squeeze %dma_wait3A_1650 : memref<1x128xi32, #tpu.memory_space<vmem>> -> memref<128xi32, #tpu.memory_space<vmem>>
        %dma_wait3A_1652 = arith.constant 0 : i32
        %dma_wait3A_1653 = tpu.memref_slice %arg8[%dma_wait3A_1652] : memref<655360xf32, #tpu.memory_space<vmem_shared>> -> memref<655360xf32, #tpu.memory_space<vmem_shared>>
        tpu.wait_indirect_dma semaphore(%run_scoped3A_1639 : memref<!tpu.dma_semaphore, #tpu.memory_space<semaphore_mem>>) src(%dma_wait3A_1648 : memref<128xf32, #tpu.memory_space<vmem>>) dst(%dma_wait3A_1653 : memref<655360xf32, #tpu.memory_space<vmem_shared>>)
        tpu.yield
      }) : () -> ()
      %scan3A_1631 = arith.constant 0 : i32
      %scan3A_1632 = arith.constant 0 : i32
      %scan3A_1633 = arith.constant 64 : i32
      %scan3A_1634 = arith.addi %scan3A_1632, %scan3A_1633 : i32
      %scan3A_1635 = arith.constant 1 : i32
      %scan3A_1636 = scf.for %scan3A_1639 = %scan3A_1632 to %scan3A_1634 step %scan3A_1635 iter_args(%scan3A_1640 = %scan3A_1631) -> (i32)  : i32 {
        %mul3A_1641 = arith.constant 16 : i32
        %mul3A_1642 = arith.muli %scan3A_1639, %mul3A_1641 : i32
        %get3A_1643 = arith.index_cast %mul3A_1642 : i32 to index
        %get3A_1644 = tpu.vector_load %arg12[%get3A_1643] {strides = array<i32>} : memref<1024xi32, #tpu.memory_space<vmem>>, vector<16xi32>,
        %mul3A_1645 = arith.constant 16 : i32
        %mul3A_1646 = arith.muli %scan3A_1639, %mul3A_1645 : i32
        %add3A_1647 = arith.constant 0 : i32
        %add3A_1648 = arith.addi %mul3A_1646, %add3A_1647 : i32
        %slice3A = vector.extract_strided_slice %get3A_1644 {offsets = [0], sizes = [1], strides = [1]} : vector<16xi32> to vector<1xi32>
        %squeeze3A = vector.extract %slice3A[0] : i32 from vector<1xi32>
        %mul3A_1649 = arith.constant 16 : i32
        %mul3A_1650 = arith.muli %add3A_1648, %mul3A_1649 : i32
        %get3A_1651 = arith.index_cast %mul3A_1650 : i32 to index
        %get3A_1652 = tpu.vector_load %arg13[%get3A_1651] {strides = array<i32>} : memref<16384xf32, #tpu.memory_space<vmem>>, vector<16xf32>,
        %swap3A_1653 = arith.index_cast %squeeze3A : i32 to index
        %swap3A_1654 = arith.constant 0 : index
        %swap3A_1655 = tpu.vector_load %arg16[%swap3A_1653, %swap3A_1654] {strides = array<i32>} : memref<64x16xf32, #tpu.memory_space<vmem>>, vector<16xf32>,
        tpu.vector_store %arg16[%swap3A_1653, %swap3A_1654], %get3A_1652 {add = true, strides = array<i32>} : memref<64x16xf32, #tpu.memory_space<vmem>>, vector<16xf32>,
        %mul3A_1656 = arith.constant 16 : i32
        %mul3A_1657 = arith.muli %scan3A_1639, %mul3A_1656 : i32
        %add3A_1658 = arith.constant 1 : i32
        %add3A_1659 = arith.addi %mul3A_1657, %add3A_1658 : i32
        %slice3A_1660 = vector.extract_strided_slice %get3A_1644 {offsets = [1], sizes = [1], strides = [1]} : vector<16xi32> to vector<1xi32>
        %squeeze3A_1661 = vector.extract %slice3A_1660[0] : i32 from vector<1xi32>
        %mul3A_1662 = arith.constant 16 : i32
        %mul3A_1663 = arith.muli %add3A_1659, %mul3A_1662 : i32
        %get3A_1664 = arith.index_cast %mul3A_1663 : i32 to index
        %get3A_1665 = tpu.vector_load %arg13[%get3A_1664] {strides = array<i32>} : memref<16384xf32, #tpu.memory_space<vmem>>, vector<16xf32>,
        %swap3A_1666 = arith.index_cast %squeeze3A_1661 : i32 to index
        %swap3A_1667 = arith.constant 0 : index
        %swap3A_1668 = tpu.vector_load %arg16[%swap3A_1666, %swap3A_1667] {strides = array<i32>} : memref<64x16xf32, #tpu.memory_space<vmem>>, vector<16xf32>,
        tpu.vector_store %arg16[%swap3A_1666, %swap3A_1667], %get3A_1665 {add = true, strides = array<i32>} : memref<64x16xf32, #tpu.memory_space<vmem>>, vector<16xf32>,
        %mul3A_1669 = arith.constant 16 : i32
        %mul3A_1670 = arith.muli %scan3A_1639, %mul3A_1669 : i32
        %add3A_1671 = arith.constant 2 : i32
        %add3A_1672 = arith.addi %mul3A_1670, %add3A_1671 : i32
        %slice3A_1673 = vector.extract_strided_slice %get3A_1644 {offsets = [2], sizes = [1], strides = [1]} : vector<16xi32> to vector<1xi32>
        %squeeze3A_1674 = vector.extract %slice3A_1673[0] : i32 from vector<1xi32>
        %mul3A_1675 = arith.constant 16 : i32
        %mul3A_1676 = arith.muli %add3A_1672, %mul3A_1675 : i32
        %get3A_1677 = arith.index_cast %mul3A_1676 : i32 to index
        %get3A_1678 = tpu.vector_load %arg13[%get3A_1677] {strides = array<i32>} : memref<16384xf32, #tpu.memory_space<vmem>>, vector<16xf32>,
        %swap3A_1679 = arith.index_cast %squeeze3A_1674 : i32 to index
        %swap3A_1680 = arith.constant 0 : index
        %swap3A_1681 = tpu.vector_load %arg16[%swap3A_1679, %swap3A_1680] {strides = array<i32>} : memref<64x16xf32, #tpu.memory_space<vmem>>, vector<16xf32>,
        tpu.vector_store %arg16[%swap3A_1679, %swap3A_1680], %get3A_1678 {add = true, strides = array<i32>} : memref<64x16xf32, #tpu.memory_space<vmem>>, vector<16xf32>,
        %mul3A_1682 = arith.constant 16 : i32
        %mul3A_1683 = arith.muli %scan3A_1639, %mul3A_1682 : i32
        %add3A_1684 = arith.constant 3 : i32
        %add3A_1685 = arith.addi %mul3A_1683, %add3A_1684 : i32
        %slice3A_1686 = vector.extract_strided_slice %get3A_1644 {offsets = [3], sizes = [1], strides = [1]} : vector<16xi32> to vector<1xi32>
        %squeeze3A_1687 = vector.extract %slice3A_1686[0] : i32 from vector<1xi32>
        %mul3A_1688 = arith.constant 16 : i32
        %mul3A_1689 = arith.muli %add3A_1685, %mul3A_1688 : i32
        %get3A_1690 = arith.index_cast %mul3A_1689 : i32 to index
        %get3A_1691 = tpu.vector_load %arg13[%get3A_1690] {strides = array<i32>} : memref<16384xf32, #tpu.memory_space<vmem>>, vector<16xf32>,
        %swap3A_1692 = arith.index_cast %squeeze3A_1687 : i32 to index
        %swap3A_1693 = arith.constant 0 : index
        %swap3A_1694 = tpu.vector_load %arg16[%swap3A_1692, %swap3A_1693] {strides = array<i32>} : memref<64x16xf32, #tpu.memory_space<vmem>>, vector<16xf32>,
        tpu.vector_store %arg16[%swap3A_1692, %swap3A_1693], %get3A_1691 {add = true, strides = array<i32>} : memref<64x16xf32, #tpu.memory_space<vmem>>, vector<16xf32>,
        %mul3A_1695 = arith.constant 16 : i32
        %mul3A_1696 = arith.muli %scan3A_1639, %mul3A_1695 : i32
        %add3A_1697 = arith.constant 4 : i32
        %add3A_1698 = arith.addi %mul3A_1696, %add3A_1697 : i32
        %slice3A_1699 = vector.extract_strided_slice %get3A_1644 {offsets = [4], sizes = [1], strides = [1]} : vector<16xi32> to vector<1xi32>
        %squeeze3A_1700 = vector.extract %slice3A_1699[0] : i32 from vector<1xi32>
        %mul3A_1701 = arith.constant 16 : i32
        %mul3A_1702 = arith.muli %add3A_1698, %mul3A_1701 : i32
        %get3A_1703 = arith.index_cast %mul3A_1702 : i32 to index
        %get3A_1704 = tpu.vector_load %arg13[%get3A_1703] {strides = array<i32>} : memref<16384xf32, #tpu.memory_space<vmem>>, vector<16xf32>,
        %swap3A_1705 = arith.index_cast %squeeze3A_1700 : i32 to index
        %swap3A_1706 = arith.constant 0 : index
        %swap3A_1707 = tpu.vector_load %arg16[%swap3A_1705, %swap3A_1706] {strides = array<i32>} : memref<64x16xf32, #tpu.memory_space<vmem>>, vector<16xf32>,
        tpu.vector_store %arg16[%swap3A_1705, %swap3A_1706], %get3A_1704 {add = true, strides = array<i32>} : memref<64x16xf32, #tpu.memory_space<vmem>>, vector<16xf32>,
        %mul3A_1708 = arith.constant 16 : i32
        %mul3A_1709 = arith.muli %scan3A_1639, %mul3A_1708 : i32
        %add3A_1710 = arith.constant 5 : i32
        %add3A_1711 = arith.addi %mul3A_1709, %add3A_1710 : i32
        %slice3A_1712 = vector.extract_strided_slice %get3A_1644 {offsets = [5], sizes = [1], strides = [1]} : vector<16xi32> to vector<1xi32>
        %squeeze3A_1713 = vector.extract %slice3A_1712[0] : i32 from vector<1xi32>
        %mul3A_1714 = arith.constant 16 : i32
        %mul3A_1715 = arith.muli %add3A_1711, %mul3A_1714 : i32
        %get3A_1716 = arith.index_cast %mul3A_1715 : i32 to index
        %get3A_1717 = tpu.vector_load %arg13[%get3A_1716] {strides = array<i32>} : memref<16384xf32, #tpu.memory_space<vmem>>, vector<16xf32>,
        %swap3A_1718 = arith.index_cast %squeeze3A_1713 : i32 to index
        %swap3A_1719 = arith.constant 0 : index
        %swap3A_1720 = tpu.vector_load %arg16[%swap3A_1718, %swap3A_1719] {strides = array<i32>} : memref<64x16xf32, #tpu.memory_space<vmem>>, vector<16xf32>,
        tpu.vector_store %arg16[%swap3A_1718, %swap3A_1719], %get3A_1717 {add = true, strides = array<i32>} : memref<64x16xf32, #tpu.memory_space<vmem>>, vector<16xf32>,
        %mul3A_1721 = arith.constant 16 : i32
        %mul3A_1722 = arith.muli %scan3A_1639, %mul3A_1721 : i32
        %add3A_1723 = arith.constant 6 : i32
        %add3A_1724 = arith.addi %mul3A_1722, %add3A_1723 : i32
        %slice3A_1725 = vector.extract_strided_slice %get3A_1644 {offsets = [6], sizes = [1], strides = [1]} : vector<16xi32> to vector<1xi32>
        %squeeze3A_1726 = vector.extract %slice3A_1725[0] : i32 from vector<1xi32>
        %mul3A_1727 = arith.constant 16 : i32
        %mul3A_1728 = arith.muli %add3A_1724, %mul3A_1727 : i32
        %get3A_1729 = arith.index_cast %mul3A_1728 : i32 to index
        %get3A_1730 = tpu.vector_load %arg13[%get3A_1729] {strides = array<i32>} : memref<16384xf32, #tpu.memory_space<vmem>>, vector<16xf32>,
        %swap3A_1731 = arith.index_cast %squeeze3A_1726 : i32 to index
        %swap3A_1732 = arith.constant 0 : index
        %swap3A_1733 = tpu.vector_load %arg16[%swap3A_1731, %swap3A_1732] {strides = array<i32>} : memref<64x16xf32, #tpu.memory_space<vmem>>, vector<16xf32>,
        tpu.vector_store %arg16[%swap3A_1731, %swap3A_1732], %get3A_1730 {add = true, strides = array<i32>} : memref<64x16xf32, #tpu.memory_space<vmem>>, vector<16xf32>,
        %mul3A_1734 = arith.constant 16 : i32
        %mul3A_1735 = arith.muli %scan3A_1639, %mul3A_1734 : i32
        %add3A_1736 = arith.constant 7 : i32
        %add3A_1737 = arith.addi %mul3A_1735, %add3A_1736 : i32
        %slice3A_1738 = vector.extract_strided_slice %get3A_1644 {offsets = [7], sizes = [1], strides = [1]} : vector<16xi32> to vector<1xi32>
        %squeeze3A_1739 = vector.extract %slice3A_1738[0] : i32 from vector<1xi32>
        %mul3A_1740 = arith.constant 16 : i32
        %mul3A_1741 = arith.muli %add3A_1737, %mul3A_1740 : i32
        %get3A_1742 = arith.index_cast %mul3A_1741 : i32 to index
        %get3A_1743 = tpu.vector_load %arg13[%get3A_1742] {strides = array<i32>} : memref<16384xf32, #tpu.memory_space<vmem>>, vector<16xf32>,
        %swap3A_1744 = arith.index_cast %squeeze3A_1739 : i32 to index
        %swap3A_1745 = arith.constant 0 : index
        %swap3A_1746 = tpu.vector_load %arg16[%swap3A_1744, %swap3A_1745] {strides = array<i32>} : memref<64x16xf32, #tpu.memory_space<vmem>>, vector<16xf32>,
        tpu.vector_store %arg16[%swap3A_1744, %swap3A_1745], %get3A_1743 {add = true, strides = array<i32>} : memref<64x16xf32, #tpu.memory_space<vmem>>, vector<16xf32>,
        %mul3A_1747 = arith.constant 16 : i32
        %mul3A_1748 = arith.muli %scan3A_1639, %mul3A_1747 : i32
        %add3A_1749 = arith.constant 8 : i32
        %add3A_1750 = arith.addi %mul3A_1748, %add3A_1749 : i32
        %slice3A_1751 = vector.extract_strided_slice %get3A_1644 {offsets = [8], sizes = [1], strides = [1]} : vector<16xi32> to vector<1xi32>
        %squeeze3A_1752 = vector.extract %slice3A_1751[0] : i32 from vector<1xi32>
        %mul3A_1753 = arith.constant 16 : i32
        %mul3A_1754 = arith.muli %add3A_1750, %mul3A_1753 : i32
        %get3A_1755 = arith.index_cast %mul3A_1754 : i32 to index
        %get3A_1756 = tpu.vector_load %arg13[%get3A_1755] {strides = array<i32>} : memref<16384xf32, #tpu.memory_space<vmem>>, vector<16xf32>,
        %swap3A_1757 = arith.index_cast %squeeze3A_1752 : i32 to index
        %swap3A_1758 = arith.constant 0 : index
        %swap3A_1759 = tpu.vector_load %arg16[%swap3A_1757, %swap3A_1758] {strides = array<i32>} : memref<64x16xf32, #tpu.memory_space<vmem>>, vector<16xf32>,
        tpu.vector_store %arg16[%swap3A_1757, %swap3A_1758], %get3A_1756 {add = true, strides = array<i32>} : memref<64x16xf32, #tpu.memory_space<vmem>>, vector<16xf32>,
        %mul3A_1760 = arith.constant 16 : i32
        %mul3A_1761 = arith.muli %scan3A_1639, %mul3A_1760 : i32
        %add3A_1762 = arith.constant 9 : i32
        %add3A_1763 = arith.addi %mul3A_1761, %add3A_1762 : i32
        %slice3A_1764 = vector.extract_strided_slice %get3A_1644 {offsets = [9], sizes = [1], strides = [1]} : vector<16xi32> to vector<1xi32>
        %squeeze3A_1765 = vector.extract %slice3A_1764[0] : i32 from vector<1xi32>
        %mul3A_1766 = arith.constant 16 : i32
        %mul3A_1767 = arith.muli %add3A_1763, %mul3A_1766 : i32
        %get3A_1768 = arith.index_cast %mul3A_1767 : i32 to index
        %get3A_1769 = tpu.vector_load %arg13[%get3A_1768] {strides = array<i32>} : memref<16384xf32, #tpu.memory_space<vmem>>, vector<16xf32>,
        %swap3A_1770 = arith.index_cast %squeeze3A_1765 : i32 to index
        %swap3A_1771 = arith.constant 0 : index
        %swap3A_1772 = tpu.vector_load %arg16[%swap3A_1770, %swap3A_1771] {strides = array<i32>} : memref<64x16xf32, #tpu.memory_space<vmem>>, vector<16xf32>,
        tpu.vector_store %arg16[%swap3A_1770, %swap3A_1771], %get3A_1769 {add = true, strides = array<i32>} : memref<64x16xf32, #tpu.memory_space<vmem>>, vector<16xf32>,
        %mul3A_1773 = arith.constant 16 : i32
        %mul3A_1774 = arith.muli %scan3A_1639, %mul3A_1773 : i32
        %add3A_1775 = arith.constant 10 : i32
        %add3A_1776 = arith.addi %mul3A_1774, %add3A_1775 : i32
        %slice3A_1777 = vector.extract_strided_slice %get3A_1644 {offsets = [10], sizes = [1], strides = [1]} : vector<16xi32> to vector<1xi32>
        %squeeze3A_1778 = vector.extract %slice3A_1777[0] : i32 from vector<1xi32>
        %mul3A_1779 = arith.constant 16 : i32
        %mul3A_1780 = arith.muli %add3A_1776, %mul3A_1779 : i32
        %get3A_1781 = arith.index_cast %mul3A_1780 : i32 to index
        %get3A_1782 = tpu.vector_load %arg13[%get3A_1781] {strides = array<i32>} : memref<16384xf32, #tpu.memory_space<vmem>>, vector<16xf32>,
        %swap3A_1783 = arith.index_cast %squeeze3A_1778 : i32 to index
        %swap3A_1784 = arith.constant 0 : index
        %swap3A_1785 = tpu.vector_load %arg16[%swap3A_1783, %swap3A_1784] {strides = array<i32>} : memref<64x16xf32, #tpu.memory_space<vmem>>, vector<16xf32>,
        tpu.vector_store %arg16[%swap3A_1783, %swap3A_1784], %get3A_1782 {add = true, strides = array<i32>} : memref<64x16xf32, #tpu.memory_space<vmem>>, vector<16xf32>,
        %mul3A_1786 = arith.constant 16 : i32
        %mul3A_1787 = arith.muli %scan3A_1639, %mul3A_1786 : i32
        %add3A_1788 = arith.constant 11 : i32
        %add3A_1789 = arith.addi %mul3A_1787, %add3A_1788 : i32
        %slice3A_1790 = vector.extract_strided_slice %get3A_1644 {offsets = [11], sizes = [1], strides = [1]} : vector<16xi32> to vector<1xi32>
        %squeeze3A_1791 = vector.extract %slice3A_1790[0] : i32 from vector<1xi32>
        %mul3A_1792 = arith.constant 16 : i32
        %mul3A_1793 = arith.muli %add3A_1789, %mul3A_1792 : i32
        %get3A_1794 = arith.index_cast %mul3A_1793 : i32 to index
        %get3A_1795 = tpu.vector_load %arg13[%get3A_1794] {strides = array<i32>} : memref<16384xf32, #tpu.memory_space<vmem>>, vector<16xf32>,
        %swap3A_1796 = arith.index_cast %squeeze3A_1791 : i32 to index
        %swap3A_1797 = arith.constant 0 : index
        %swap3A_1798 = tpu.vector_load %arg16[%swap3A_1796, %swap3A_1797] {strides = array<i32>} : memref<64x16xf32, #tpu.memory_space<vmem>>, vector<16xf32>,
        tpu.vector_store %arg16[%swap3A_1796, %swap3A_1797], %get3A_1795 {add = true, strides = array<i32>} : memref<64x16xf32, #tpu.memory_space<vmem>>, vector<16xf32>,
        %mul3A_1799 = arith.constant 16 : i32
        %mul3A_1800 = arith.muli %scan3A_1639, %mul3A_1799 : i32
        %add3A_1801 = arith.constant 12 : i32
        %add3A_1802 = arith.addi %mul3A_1800, %add3A_1801 : i32
        %slice3A_1803 = vector.extract_strided_slice %get3A_1644 {offsets = [12], sizes = [1], strides = [1]} : vector<16xi32> to vector<1xi32>
        %squeeze3A_1804 = vector.extract %slice3A_1803[0] : i32 from vector<1xi32>
        %mul3A_1805 = arith.constant 16 : i32
        %mul3A_1806 = arith.muli %add3A_1802, %mul3A_1805 : i32
        %get3A_1807 = arith.index_cast %mul3A_1806 : i32 to index
        %get3A_1808 = tpu.vector_load %arg13[%get3A_1807] {strides = array<i32>} : memref<16384xf32, #tpu.memory_space<vmem>>, vector<16xf32>,
        %swap3A_1809 = arith.index_cast %squeeze3A_1804 : i32 to index
        %swap3A_1810 = arith.constant 0 : index
        %swap3A_1811 = tpu.vector_load %arg16[%swap3A_1809, %swap3A_1810] {strides = array<i32>} : memref<64x16xf32, #tpu.memory_space<vmem>>, vector<16xf32>,
        tpu.vector_store %arg16[%swap3A_1809, %swap3A_1810], %get3A_1808 {add = true, strides = array<i32>} : memref<64x16xf32, #tpu.memory_space<vmem>>, vector<16xf32>,
        %mul3A_1812 = arith.constant 16 : i32
        %mul3A_1813 = arith.muli %scan3A_1639, %mul3A_1812 : i32
        %add3A_1814 = arith.constant 13 : i32
        %add3A_1815 = arith.addi %mul3A_1813, %add3A_1814 : i32
        %slice3A_1816 = vector.extract_strided_slice %get3A_1644 {offsets = [13], sizes = [1], strides = [1]} : vector<16xi32> to vector<1xi32>
        %squeeze3A_1817 = vector.extract %slice3A_1816[0] : i32 from vector<1xi32>
        %mul3A_1818 = arith.constant 16 : i32
        %mul3A_1819 = arith.muli %add3A_1815, %mul3A_1818 : i32
        %get3A_1820 = arith.index_cast %mul3A_1819 : i32 to index
        %get3A_1821 = tpu.vector_load %arg13[%get3A_1820] {strides = array<i32>} : memref<16384xf32, #tpu.memory_space<vmem>>, vector<16xf32>,
        %swap3A_1822 = arith.index_cast %squeeze3A_1817 : i32 to index
        %swap3A_1823 = arith.constant 0 : index
        %swap3A_1824 = tpu.vector_load %arg16[%swap3A_1822, %swap3A_1823] {strides = array<i32>} : memref<64x16xf32, #tpu.memory_space<vmem>>, vector<16xf32>,
        tpu.vector_store %arg16[%swap3A_1822, %swap3A_1823], %get3A_1821 {add = true, strides = array<i32>} : memref<64x16xf32, #tpu.memory_space<vmem>>, vector<16xf32>,
        %mul3A_1825 = arith.constant 16 : i32
        %mul3A_1826 = arith.muli %scan3A_1639, %mul3A_1825 : i32
        %add3A_1827 = arith.constant 14 : i32
        %add3A_1828 = arith.addi %mul3A_1826, %add3A_1827 : i32
        %slice3A_1829 = vector.extract_strided_slice %get3A_1644 {offsets = [14], sizes = [1], strides = [1]} : vector<16xi32> to vector<1xi32>
        %squeeze3A_1830 = vector.extract %slice3A_1829[0] : i32 from vector<1xi32>
        %mul3A_1831 = arith.constant 16 : i32
        %mul3A_1832 = arith.muli %add3A_1828, %mul3A_1831 : i32
        %get3A_1833 = arith.index_cast %mul3A_1832 : i32 to index
        %get3A_1834 = tpu.vector_load %arg13[%get3A_1833] {strides = array<i32>} : memref<16384xf32, #tpu.memory_space<vmem>>, vector<16xf32>,
        %swap3A_1835 = arith.index_cast %squeeze3A_1830 : i32 to index
        %swap3A_1836 = arith.constant 0 : index
        %swap3A_1837 = tpu.vector_load %arg16[%swap3A_1835, %swap3A_1836] {strides = array<i32>} : memref<64x16xf32, #tpu.memory_space<vmem>>, vector<16xf32>,
        tpu.vector_store %arg16[%swap3A_1835, %swap3A_1836], %get3A_1834 {add = true, strides = array<i32>} : memref<64x16xf32, #tpu.memory_space<vmem>>, vector<16xf32>,
        %mul3A_1838 = arith.constant 16 : i32
        %mul3A_1839 = arith.muli %scan3A_1639, %mul3A_1838 : i32
        %add3A_1840 = arith.constant 15 : i32
        %add3A_1841 = arith.addi %mul3A_1839, %add3A_1840 : i32
        %slice3A_1842 = vector.extract_strided_slice %get3A_1644 {offsets = [15], sizes = [1], strides = [1]} : vector<16xi32> to vector<1xi32>
        %squeeze3A_1843 = vector.extract %slice3A_1842[0] : i32 from vector<1xi32>
        %mul3A_1844 = arith.constant 16 : i32
        %mul3A_1845 = arith.muli %add3A_1841, %mul3A_1844 : i32
        %get3A_1846 = arith.index_cast %mul3A_1845 : i32 to index
        %get3A_1847 = tpu.vector_load %arg13[%get3A_1846] {strides = array<i32>} : memref<16384xf32, #tpu.memory_space<vmem>>, vector<16xf32>,
        %swap3A_1848 = arith.index_cast %squeeze3A_1843 : i32 to index
        %swap3A_1849 = arith.constant 0 : index
        %swap3A_1850 = tpu.vector_load %arg16[%swap3A_1848, %swap3A_1849] {strides = array<i32>} : memref<64x16xf32, #tpu.memory_space<vmem>>, vector<16xf32>,
        tpu.vector_store %arg16[%swap3A_1848, %swap3A_1849], %get3A_1847 {add = true, strides = array<i32>} : memref<64x16xf32, #tpu.memory_space<vmem>>, vector<16xf32>,
        %scan3A_1851 = arith.constant 0 : i32
        scf.yield %scan3A_1851 : i32
      }
      %scan3A_1637 = arith.constant 64 : i32
      %scan3A_1638 = arith.constant 0 : i32
      scf.yield %scan3A_1638 : i32
    }
    %scan3A_587 = arith.constant 10 : i32
    %barrier3A_588 = arith.constant 0 : index
    tpu.barrier barrier_id(%barrier3A_588)
    %mul3A_589 = arith.constant 10 : i32
    %mul3A_590 = arith.muli %arg1, %mul3A_589 : i32
    %add3A_591 = arith.constant 0 : i32
    %add3A_592 = arith.addi %mul3A_590, %add3A_591 : i32
    %mul3A_593 = arith.constant 4096 : i32
    %mul3A_594 = arith.muli %add3A_592, %mul3A_593 : i32
    "tpu.region"() ({
      %run_scoped3A = tpu.sem_alloc : memref<!tpu.dma_semaphore, #tpu.memory_space<semaphore_mem>>
      %dma_start3A = tpu.memref_slice %arg6[%arg0, %mul3A_594] : memref<2x655360xf32, #tpu.memory_space<hbm>> -> memref<1x4096xf32, #tpu.memory_space<hbm>>
      %dma_start3A_649 = tpu.memref_squeeze %dma_start3A : memref<1x4096xf32, #tpu.memory_space<hbm>> -> memref<4096xf32, #tpu.memory_space<hbm>>
      %dma_start3A_650 = tpu.memref_slice %arg8[%mul3A_594] : memref<655360xf32, #tpu.memory_space<vmem_shared>> -> memref<4096xf32, #tpu.memory_space<vmem_shared>>
      tpu.enqueue_dma source(%dma_start3A_650 : memref<4096xf32, #tpu.memory_space<vmem_shared>>) target(%dma_start3A_649 : memref<4096xf32, #tpu.memory_space<hbm>>) target_semaphore(%run_scoped3A : memref<!tpu.dma_semaphore, #tpu.memory_space<semaphore_mem>>)
      %dma_wait3A = tpu.memref_slice %arg6[%arg0, %mul3A_594] : memref<2x655360xf32, #tpu.memory_space<hbm>> -> memref<1x4096xf32, #tpu.memory_space<hbm>>
      %dma_wait3A_651 = tpu.memref_squeeze %dma_wait3A : memref<1x4096xf32, #tpu.memory_space<hbm>> -> memref<4096xf32, #tpu.memory_space<hbm>>
      %dma_wait3A_652 = tpu.memref_slice %arg8[%mul3A_594] : memref<655360xf32, #tpu.memory_space<vmem_shared>> -> memref<4096xf32, #tpu.memory_space<vmem_shared>>
      tpu.wait_dma2 semaphore(%run_scoped3A : memref<!tpu.dma_semaphore, #tpu.memory_space<semaphore_mem>>) src(%dma_wait3A_652 : memref<4096xf32, #tpu.memory_space<vmem_shared>>) dst(%dma_wait3A_651 : memref<4096xf32, #tpu.memory_space<hbm>>)
      tpu.yield
    }) : () -> ()
    %mul3A_595 = arith.constant 10 : i32
    %mul3A_596 = arith.muli %arg1, %mul3A_595 : i32
    %add3A_597 = arith.constant 1 : i32
    %add3A_598 = arith.addi %mul3A_596, %add3A_597 : i32
    %mul3A_599 = arith.constant 4096 : i32
    %mul3A_600 = arith.muli %add3A_598, %mul3A_599 : i32
    "tpu.region"() ({
      %run_scoped3A = tpu.sem_alloc : memref<!tpu.dma_semaphore, #tpu.memory_space<semaphore_mem>>
      %dma_start3A = tpu.memref_slice %arg6[%arg0, %mul3A_600] : memref<2x655360xf32, #tpu.memory_space<hbm>> -> memref<1x4096xf32, #tpu.memory_space<hbm>>
      %dma_start3A_649 = tpu.memref_squeeze %dma_start3A : memref<1x4096xf32, #tpu.memory_space<hbm>> -> memref<4096xf32, #tpu.memory_space<hbm>>
      %dma_start3A_650 = tpu.memref_slice %arg8[%mul3A_600] : memref<655360xf32, #tpu.memory_space<vmem_shared>> -> memref<4096xf32, #tpu.memory_space<vmem_shared>>
      tpu.enqueue_dma source(%dma_start3A_650 : memref<4096xf32, #tpu.memory_space<vmem_shared>>) target(%dma_start3A_649 : memref<4096xf32, #tpu.memory_space<hbm>>) target_semaphore(%run_scoped3A : memref<!tpu.dma_semaphore, #tpu.memory_space<semaphore_mem>>)
      %dma_wait3A = tpu.memref_slice %arg6[%arg0, %mul3A_600] : memref<2x655360xf32, #tpu.memory_space<hbm>> -> memref<1x4096xf32, #tpu.memory_space<hbm>>
      %dma_wait3A_651 = tpu.memref_squeeze %dma_wait3A : memref<1x4096xf32, #tpu.memory_space<hbm>> -> memref<4096xf32, #tpu.memory_space<hbm>>
      %dma_wait3A_652 = tpu.memref_slice %arg8[%mul3A_600] : memref<655360xf32, #tpu.memory_space<vmem_shared>> -> memref<4096xf32, #tpu.memory_space<vmem_shared>>
      tpu.wait_dma2 semaphore(%run_scoped3A : memref<!tpu.dma_semaphore, #tpu.memory_space<semaphore_mem>>) src(%dma_wait3A_652 : memref<4096xf32, #tpu.memory_space<vmem_shared>>) dst(%dma_wait3A_651 : memref<4096xf32, #tpu.memory_space<hbm>>)
      tpu.yield
    }) : () -> ()
    %mul3A_601 = arith.constant 10 : i32
    %mul3A_602 = arith.muli %arg1, %mul3A_601 : i32
    %add3A_603 = arith.constant 2 : i32
    %add3A_604 = arith.addi %mul3A_602, %add3A_603 : i32
    %mul3A_605 = arith.constant 4096 : i32
    %mul3A_606 = arith.muli %add3A_604, %mul3A_605 : i32
    "tpu.region"() ({
      %run_scoped3A = tpu.sem_alloc : memref<!tpu.dma_semaphore, #tpu.memory_space<semaphore_mem>>
      %dma_start3A = tpu.memref_slice %arg6[%arg0, %mul3A_606] : memref<2x655360xf32, #tpu.memory_space<hbm>> -> memref<1x4096xf32, #tpu.memory_space<hbm>>
      %dma_start3A_649 = tpu.memref_squeeze %dma_start3A : memref<1x4096xf32, #tpu.memory_space<hbm>> -> memref<4096xf32, #tpu.memory_space<hbm>>
      %dma_start3A_650 = tpu.memref_slice %arg8[%mul3A_606] : memref<655360xf32, #tpu.memory_space<vmem_shared>> -> memref<4096xf32, #tpu.memory_space<vmem_shared>>
      tpu.enqueue_dma source(%dma_start3A_650 : memref<4096xf32, #tpu.memory_space<vmem_shared>>) target(%dma_start3A_649 : memref<4096xf32, #tpu.memory_space<hbm>>) target_semaphore(%run_scoped3A : memref<!tpu.dma_semaphore, #tpu.memory_space<semaphore_mem>>)
      %dma_wait3A = tpu.memref_slice %arg6[%arg0, %mul3A_606] : memref<2x655360xf32, #tpu.memory_space<hbm>> -> memref<1x4096xf32, #tpu.memory_space<hbm>>
      %dma_wait3A_651 = tpu.memref_squeeze %dma_wait3A : memref<1x4096xf32, #tpu.memory_space<hbm>> -> memref<4096xf32, #tpu.memory_space<hbm>>
      %dma_wait3A_652 = tpu.memref_slice %arg8[%mul3A_606] : memref<655360xf32, #tpu.memory_space<vmem_shared>> -> memref<4096xf32, #tpu.memory_space<vmem_shared>>
      tpu.wait_dma2 semaphore(%run_scoped3A : memref<!tpu.dma_semaphore, #tpu.memory_space<semaphore_mem>>) src(%dma_wait3A_652 : memref<4096xf32, #tpu.memory_space<vmem_shared>>) dst(%dma_wait3A_651 : memref<4096xf32, #tpu.memory_space<hbm>>)
      tpu.yield
    }) : () -> ()
    %mul3A_607 = arith.constant 10 : i32
    %mul3A_608 = arith.muli %arg1, %mul3A_607 : i32
    %add3A_609 = arith.constant 3 : i32
    %add3A_610 = arith.addi %mul3A_608, %add3A_609 : i32
    %mul3A_611 = arith.constant 4096 : i32
    %mul3A_612 = arith.muli %add3A_610, %mul3A_611 : i32
    "tpu.region"() ({
      %run_scoped3A = tpu.sem_alloc : memref<!tpu.dma_semaphore, #tpu.memory_space<semaphore_mem>>
      %dma_start3A = tpu.memref_slice %arg6[%arg0, %mul3A_612] : memref<2x655360xf32, #tpu.memory_space<hbm>> -> memref<1x4096xf32, #tpu.memory_space<hbm>>
      %dma_start3A_649 = tpu.memref_squeeze %dma_start3A : memref<1x4096xf32, #tpu.memory_space<hbm>> -> memref<4096xf32, #tpu.memory_space<hbm>>
      %dma_start3A_650 = tpu.memref_slice %arg8[%mul3A_612] : memref<655360xf32, #tpu.memory_space<vmem_shared>> -> memref<4096xf32, #tpu.memory_space<vmem_shared>>
      tpu.enqueue_dma source(%dma_start3A_650 : memref<4096xf32, #tpu.memory_space<vmem_shared>>) target(%dma_start3A_649 : memref<4096xf32, #tpu.memory_space<hbm>>) target_semaphore(%run_scoped3A : memref<!tpu.dma_semaphore, #tpu.memory_space<semaphore_mem>>)
      %dma_wait3A = tpu.memref_slice %arg6[%arg0, %mul3A_612] : memref<2x655360xf32, #tpu.memory_space<hbm>> -> memref<1x4096xf32, #tpu.memory_space<hbm>>
      %dma_wait3A_651 = tpu.memref_squeeze %dma_wait3A : memref<1x4096xf32, #tpu.memory_space<hbm>> -> memref<4096xf32, #tpu.memory_space<hbm>>
      %dma_wait3A_652 = tpu.memref_slice %arg8[%mul3A_612] : memref<655360xf32, #tpu.memory_space<vmem_shared>> -> memref<4096xf32, #tpu.memory_space<vmem_shared>>
      tpu.wait_dma2 semaphore(%run_scoped3A : memref<!tpu.dma_semaphore, #tpu.memory_space<semaphore_mem>>) src(%dma_wait3A_652 : memref<4096xf32, #tpu.memory_space<vmem_shared>>) dst(%dma_wait3A_651 : memref<4096xf32, #tpu.memory_space<hbm>>)
      tpu.yield
    }) : () -> ()
    %mul3A_613 = arith.constant 10 : i32
    %mul3A_614 = arith.muli %arg1, %mul3A_613 : i32
    %add3A_615 = arith.constant 4 : i32
    %add3A_616 = arith.addi %mul3A_614, %add3A_615 : i32
    %mul3A_617 = arith.constant 4096 : i32
    %mul3A_618 = arith.muli %add3A_616, %mul3A_617 : i32
    "tpu.region"() ({
      %run_scoped3A = tpu.sem_alloc : memref<!tpu.dma_semaphore, #tpu.memory_space<semaphore_mem>>
      %dma_start3A = tpu.memref_slice %arg6[%arg0, %mul3A_618] : memref<2x655360xf32, #tpu.memory_space<hbm>> -> memref<1x4096xf32, #tpu.memory_space<hbm>>
      %dma_start3A_649 = tpu.memref_squeeze %dma_start3A : memref<1x4096xf32, #tpu.memory_space<hbm>> -> memref<4096xf32, #tpu.memory_space<hbm>>
      %dma_start3A_650 = tpu.memref_slice %arg8[%mul3A_618] : memref<655360xf32, #tpu.memory_space<vmem_shared>> -> memref<4096xf32, #tpu.memory_space<vmem_shared>>
      tpu.enqueue_dma source(%dma_start3A_650 : memref<4096xf32, #tpu.memory_space<vmem_shared>>) target(%dma_start3A_649 : memref<4096xf32, #tpu.memory_space<hbm>>) target_semaphore(%run_scoped3A : memref<!tpu.dma_semaphore, #tpu.memory_space<semaphore_mem>>)
      %dma_wait3A = tpu.memref_slice %arg6[%arg0, %mul3A_618] : memref<2x655360xf32, #tpu.memory_space<hbm>> -> memref<1x4096xf32, #tpu.memory_space<hbm>>
      %dma_wait3A_651 = tpu.memref_squeeze %dma_wait3A : memref<1x4096xf32, #tpu.memory_space<hbm>> -> memref<4096xf32, #tpu.memory_space<hbm>>
      %dma_wait3A_652 = tpu.memref_slice %arg8[%mul3A_618] : memref<655360xf32, #tpu.memory_space<vmem_shared>> -> memref<4096xf32, #tpu.memory_space<vmem_shared>>
      tpu.wait_dma2 semaphore(%run_scoped3A : memref<!tpu.dma_semaphore, #tpu.memory_space<semaphore_mem>>) src(%dma_wait3A_652 : memref<4096xf32, #tpu.memory_space<vmem_shared>>) dst(%dma_wait3A_651 : memref<4096xf32, #tpu.memory_space<hbm>>)
      tpu.yield
    }) : () -> ()
    %mul3A_619 = arith.constant 10 : i32
    %mul3A_620 = arith.muli %arg1, %mul3A_619 : i32
    %add3A_621 = arith.constant 5 : i32
    %add3A_622 = arith.addi %mul3A_620, %add3A_621 : i32
    %mul3A_623 = arith.constant 4096 : i32
    %mul3A_624 = arith.muli %add3A_622, %mul3A_623 : i32
    "tpu.region"() ({
      %run_scoped3A = tpu.sem_alloc : memref<!tpu.dma_semaphore, #tpu.memory_space<semaphore_mem>>
      %dma_start3A = tpu.memref_slice %arg6[%arg0, %mul3A_624] : memref<2x655360xf32, #tpu.memory_space<hbm>> -> memref<1x4096xf32, #tpu.memory_space<hbm>>
      %dma_start3A_649 = tpu.memref_squeeze %dma_start3A : memref<1x4096xf32, #tpu.memory_space<hbm>> -> memref<4096xf32, #tpu.memory_space<hbm>>
      %dma_start3A_650 = tpu.memref_slice %arg8[%mul3A_624] : memref<655360xf32, #tpu.memory_space<vmem_shared>> -> memref<4096xf32, #tpu.memory_space<vmem_shared>>
      tpu.enqueue_dma source(%dma_start3A_650 : memref<4096xf32, #tpu.memory_space<vmem_shared>>) target(%dma_start3A_649 : memref<4096xf32, #tpu.memory_space<hbm>>) target_semaphore(%run_scoped3A : memref<!tpu.dma_semaphore, #tpu.memory_space<semaphore_mem>>)
      %dma_wait3A = tpu.memref_slice %arg6[%arg0, %mul3A_624] : memref<2x655360xf32, #tpu.memory_space<hbm>> -> memref<1x4096xf32, #tpu.memory_space<hbm>>
      %dma_wait3A_651 = tpu.memref_squeeze %dma_wait3A : memref<1x4096xf32, #tpu.memory_space<hbm>> -> memref<4096xf32, #tpu.memory_space<hbm>>
      %dma_wait3A_652 = tpu.memref_slice %arg8[%mul3A_624] : memref<655360xf32, #tpu.memory_space<vmem_shared>> -> memref<4096xf32, #tpu.memory_space<vmem_shared>>
      tpu.wait_dma2 semaphore(%run_scoped3A : memref<!tpu.dma_semaphore, #tpu.memory_space<semaphore_mem>>) src(%dma_wait3A_652 : memref<4096xf32, #tpu.memory_space<vmem_shared>>) dst(%dma_wait3A_651 : memref<4096xf32, #tpu.memory_space<hbm>>)
      tpu.yield
    }) : () -> ()
    %mul3A_625 = arith.constant 10 : i32
    %mul3A_626 = arith.muli %arg1, %mul3A_625 : i32
    %add3A_627 = arith.constant 6 : i32
    %add3A_628 = arith.addi %mul3A_626, %add3A_627 : i32
    %mul3A_629 = arith.constant 4096 : i32
    %mul3A_630 = arith.muli %add3A_628, %mul3A_629 : i32
    "tpu.region"() ({
      %run_scoped3A = tpu.sem_alloc : memref<!tpu.dma_semaphore, #tpu.memory_space<semaphore_mem>>
      %dma_start3A = tpu.memref_slice %arg6[%arg0, %mul3A_630] : memref<2x655360xf32, #tpu.memory_space<hbm>> -> memref<1x4096xf32, #tpu.memory_space<hbm>>
      %dma_start3A_649 = tpu.memref_squeeze %dma_start3A : memref<1x4096xf32, #tpu.memory_space<hbm>> -> memref<4096xf32, #tpu.memory_space<hbm>>
      %dma_start3A_650 = tpu.memref_slice %arg8[%mul3A_630] : memref<655360xf32, #tpu.memory_space<vmem_shared>> -> memref<4096xf32, #tpu.memory_space<vmem_shared>>
      tpu.enqueue_dma source(%dma_start3A_650 : memref<4096xf32, #tpu.memory_space<vmem_shared>>) target(%dma_start3A_649 : memref<4096xf32, #tpu.memory_space<hbm>>) target_semaphore(%run_scoped3A : memref<!tpu.dma_semaphore, #tpu.memory_space<semaphore_mem>>)
      %dma_wait3A = tpu.memref_slice %arg6[%arg0, %mul3A_630] : memref<2x655360xf32, #tpu.memory_space<hbm>> -> memref<1x4096xf32, #tpu.memory_space<hbm>>
      %dma_wait3A_651 = tpu.memref_squeeze %dma_wait3A : memref<1x4096xf32, #tpu.memory_space<hbm>> -> memref<4096xf32, #tpu.memory_space<hbm>>
      %dma_wait3A_652 = tpu.memref_slice %arg8[%mul3A_630] : memref<655360xf32, #tpu.memory_space<vmem_shared>> -> memref<4096xf32, #tpu.memory_space<vmem_shared>>
      tpu.wait_dma2 semaphore(%run_scoped3A : memref<!tpu.dma_semaphore, #tpu.memory_space<semaphore_mem>>) src(%dma_wait3A_652 : memref<4096xf32, #tpu.memory_space<vmem_shared>>) dst(%dma_wait3A_651 : memref<4096xf32, #tpu.memory_space<hbm>>)
      tpu.yield
    }) : () -> ()
    %mul3A_631 = arith.constant 10 : i32
    %mul3A_632 = arith.muli %arg1, %mul3A_631 : i32
    %add3A_633 = arith.constant 7 : i32
    %add3A_634 = arith.addi %mul3A_632, %add3A_633 : i32
    %mul3A_635 = arith.constant 4096 : i32
    %mul3A_636 = arith.muli %add3A_634, %mul3A_635 : i32
    "tpu.region"() ({
      %run_scoped3A = tpu.sem_alloc : memref<!tpu.dma_semaphore, #tpu.memory_space<semaphore_mem>>
      %dma_start3A = tpu.memref_slice %arg6[%arg0, %mul3A_636] : memref<2x655360xf32, #tpu.memory_space<hbm>> -> memref<1x4096xf32, #tpu.memory_space<hbm>>
      %dma_start3A_649 = tpu.memref_squeeze %dma_start3A : memref<1x4096xf32, #tpu.memory_space<hbm>> -> memref<4096xf32, #tpu.memory_space<hbm>>
      %dma_start3A_650 = tpu.memref_slice %arg8[%mul3A_636] : memref<655360xf32, #tpu.memory_space<vmem_shared>> -> memref<4096xf32, #tpu.memory_space<vmem_shared>>
      tpu.enqueue_dma source(%dma_start3A_650 : memref<4096xf32, #tpu.memory_space<vmem_shared>>) target(%dma_start3A_649 : memref<4096xf32, #tpu.memory_space<hbm>>) target_semaphore(%run_scoped3A : memref<!tpu.dma_semaphore, #tpu.memory_space<semaphore_mem>>)
      %dma_wait3A = tpu.memref_slice %arg6[%arg0, %mul3A_636] : memref<2x655360xf32, #tpu.memory_space<hbm>> -> memref<1x4096xf32, #tpu.memory_space<hbm>>
      %dma_wait3A_651 = tpu.memref_squeeze %dma_wait3A : memref<1x4096xf32, #tpu.memory_space<hbm>> -> memref<4096xf32, #tpu.memory_space<hbm>>
      %dma_wait3A_652 = tpu.memref_slice %arg8[%mul3A_636] : memref<655360xf32, #tpu.memory_space<vmem_shared>> -> memref<4096xf32, #tpu.memory_space<vmem_shared>>
      tpu.wait_dma2 semaphore(%run_scoped3A : memref<!tpu.dma_semaphore, #tpu.memory_space<semaphore_mem>>) src(%dma_wait3A_652 : memref<4096xf32, #tpu.memory_space<vmem_shared>>) dst(%dma_wait3A_651 : memref<4096xf32, #tpu.memory_space<hbm>>)
      tpu.yield
    }) : () -> ()
    %mul3A_637 = arith.constant 10 : i32
    %mul3A_638 = arith.muli %arg1, %mul3A_637 : i32
    %add3A_639 = arith.constant 8 : i32
    %add3A_640 = arith.addi %mul3A_638, %add3A_639 : i32
    %mul3A_641 = arith.constant 4096 : i32
    %mul3A_642 = arith.muli %add3A_640, %mul3A_641 : i32
    "tpu.region"() ({
      %run_scoped3A = tpu.sem_alloc : memref<!tpu.dma_semaphore, #tpu.memory_space<semaphore_mem>>
      %dma_start3A = tpu.memref_slice %arg6[%arg0, %mul3A_642] : memref<2x655360xf32, #tpu.memory_space<hbm>> -> memref<1x4096xf32, #tpu.memory_space<hbm>>
      %dma_start3A_649 = tpu.memref_squeeze %dma_start3A : memref<1x4096xf32, #tpu.memory_space<hbm>> -> memref<4096xf32, #tpu.memory_space<hbm>>
      %dma_start3A_650 = tpu.memref_slice %arg8[%mul3A_642] : memref<655360xf32, #tpu.memory_space<vmem_shared>> -> memref<4096xf32, #tpu.memory_space<vmem_shared>>
      tpu.enqueue_dma source(%dma_start3A_650 : memref<4096xf32, #tpu.memory_space<vmem_shared>>) target(%dma_start3A_649 : memref<4096xf32, #tpu.memory_space<hbm>>) target_semaphore(%run_scoped3A : memref<!tpu.dma_semaphore, #tpu.memory_space<semaphore_mem>>)
      %dma_wait3A = tpu.memref_slice %arg6[%arg0, %mul3A_642] : memref<2x655360xf32, #tpu.memory_space<hbm>> -> memref<1x4096xf32, #tpu.memory_space<hbm>>
      %dma_wait3A_651 = tpu.memref_squeeze %dma_wait3A : memref<1x4096xf32, #tpu.memory_space<hbm>> -> memref<4096xf32, #tpu.memory_space<hbm>>
      %dma_wait3A_652 = tpu.memref_slice %arg8[%mul3A_642] : memref<655360xf32, #tpu.memory_space<vmem_shared>> -> memref<4096xf32, #tpu.memory_space<vmem_shared>>
      tpu.wait_dma2 semaphore(%run_scoped3A : memref<!tpu.dma_semaphore, #tpu.memory_space<semaphore_mem>>) src(%dma_wait3A_652 : memref<4096xf32, #tpu.memory_space<vmem_shared>>) dst(%dma_wait3A_651 : memref<4096xf32, #tpu.memory_space<hbm>>)
      tpu.yield
    }) : () -> ()
    %mul3A_643 = arith.constant 10 : i32
    %mul3A_644 = arith.muli %arg1, %mul3A_643 : i32
    %add3A_645 = arith.constant 9 : i32
    %add3A_646 = arith.addi %mul3A_644, %add3A_645 : i32
    %mul3A_647 = arith.constant 4096 : i32
    %mul3A_648 = arith.muli %add3A_646, %mul3A_647 : i32
    "tpu.region"() ({
      %run_scoped3A = tpu.sem_alloc : memref<!tpu.dma_semaphore, #tpu.memory_space<semaphore_mem>>
      %dma_start3A = tpu.memref_slice %arg6[%arg0, %mul3A_648] : memref<2x655360xf32, #tpu.memory_space<hbm>> -> memref<1x4096xf32, #tpu.memory_space<hbm>>
      %dma_start3A_649 = tpu.memref_squeeze %dma_start3A : memref<1x4096xf32, #tpu.memory_space<hbm>> -> memref<4096xf32, #tpu.memory_space<hbm>>
      %dma_start3A_650 = tpu.memref_slice %arg8[%mul3A_648] : memref<655360xf32, #tpu.memory_space<vmem_shared>> -> memref<4096xf32, #tpu.memory_space<vmem_shared>>
      tpu.enqueue_dma source(%dma_start3A_650 : memref<4096xf32, #tpu.memory_space<vmem_shared>>) target(%dma_start3A_649 : memref<4096xf32, #tpu.memory_space<hbm>>) target_semaphore(%run_scoped3A : memref<!tpu.dma_semaphore, #tpu.memory_space<semaphore_mem>>)
      %dma_wait3A = tpu.memref_slice %arg6[%arg0, %mul3A_648] : memref<2x655360xf32, #tpu.memory_space<hbm>> -> memref<1x4096xf32, #tpu.memory_space<hbm>>
      %dma_wait3A_651 = tpu.memref_squeeze %dma_wait3A : memref<1x4096xf32, #tpu.memory_space<hbm>> -> memref<4096xf32, #tpu.memory_space<hbm>>
      %dma_wait3A_652 = tpu.memref_slice %arg8[%mul3A_648] : memref<655360xf32, #tpu.memory_space<vmem_shared>> -> memref<4096xf32, #tpu.memory_space<vmem_shared>>
      tpu.wait_dma2 semaphore(%run_scoped3A : memref<!tpu.dma_semaphore, #tpu.memory_space<semaphore_mem>>) src(%dma_wait3A_652 : memref<4096xf32, #tpu.memory_space<vmem_shared>>) dst(%dma_wait3A_651 : memref<4096xf32, #tpu.memory_space<hbm>>)
      tpu.yield
    }) : () -> ()
    "tpu.region"() ({
      %run_scoped3A = tpu.sem_alloc : memref<!tpu.dma_semaphore, #tpu.memory_space<semaphore_mem>>
      %dma_start3A = arith.constant 0 : i32
      %dma_start3A_649 = arith.constant 0 : i32
      %dma_start3A_650 = tpu.memref_slice %arg7[%add3A, %dma_start3A, %dma_start3A_649] : memref<32x64x16xf32, #tpu.memory_space<hbm>> -> memref<1x64x16xf32, #tpu.memory_space<hbm>>
      %dma_start3A_651 = tpu.memref_squeeze %dma_start3A_650 : memref<1x64x16xf32, #tpu.memory_space<hbm>> -> memref<64x16xf32, #tpu.memory_space<hbm>>
      %dma_start3A_652 = arith.constant 0 : i32
      %dma_start3A_653 = arith.constant 0 : i32
      %dma_start3A_654 = tpu.memref_slice %arg7[%add3A, %dma_start3A_652, %dma_start3A_653] : memref<32x64x16xf32, #tpu.memory_space<hbm>> -> memref<1x64x16xf32, #tpu.memory_space<hbm>>
      %dma_start3A_655 = tpu.memref_squeeze %dma_start3A_654 : memref<1x64x16xf32, #tpu.memory_space<hbm>> -> memref<64x16xf32, #tpu.memory_space<hbm>>
      tpu.enqueue_dma source(%arg16 : memref<64x16xf32, #tpu.memory_space<vmem>>) target(%dma_start3A_655 : memref<64x16xf32, #tpu.memory_space<hbm>>) target_semaphore(%run_scoped3A : memref<!tpu.dma_semaphore, #tpu.memory_space<semaphore_mem>>)
      %dma_wait3A = arith.constant 0 : i32
      %dma_wait3A_656 = arith.constant 0 : i32
      %dma_wait3A_657 = tpu.memref_slice %arg7[%add3A, %dma_wait3A, %dma_wait3A_656] : memref<32x64x16xf32, #tpu.memory_space<hbm>> -> memref<1x64x16xf32, #tpu.memory_space<hbm>>
      %dma_wait3A_658 = tpu.memref_squeeze %dma_wait3A_657 : memref<1x64x16xf32, #tpu.memory_space<hbm>> -> memref<64x16xf32, #tpu.memory_space<hbm>>
      %dma_wait3A_659 = arith.constant 0 : i32
      %dma_wait3A_660 = arith.constant 0 : i32
      %dma_wait3A_661 = tpu.memref_slice %arg7[%add3A, %dma_wait3A_659, %dma_wait3A_660] : memref<32x64x16xf32, #tpu.memory_space<hbm>> -> memref<1x64x16xf32, #tpu.memory_space<hbm>>
      %dma_wait3A_662 = tpu.memref_squeeze %dma_wait3A_661 : memref<1x64x16xf32, #tpu.memory_space<hbm>> -> memref<64x16xf32, #tpu.memory_space<hbm>>
      tpu.wait_dma2 semaphore(%run_scoped3A : memref<!tpu.dma_semaphore, #tpu.memory_space<semaphore_mem>>) src(%arg16 : memref<64x16xf32, #tpu.memory_space<vmem>>) dst(%dma_wait3A_662 : memref<64x16xf32, #tpu.memory_space<hbm>>)
      tpu.yield
    }) : () -> ()
    return
  }
}

module attributes {stable_mosaic.version = 14 : i64} {
  func.func @_tc_body(%arg0: memref<2x64x10240xf32, #tpu.memory_space<vmem>>, %arg1: memref<32x64x16xf32, #tpu.memory_space<vmem>>, %arg2: memref<10000x128xf32, #tpu.memory_space<vmem>>, %arg3: memref<128x128xf32, #tpu.memory_space<vmem>>, %arg4: memref<1x128xf32, #tpu.memory_space<vmem>>, %arg5: memref<16x16xf32, #tpu.memory_space<vmem>>, %arg6: memref<1x16xf32, #tpu.memory_space<vmem>>, %arg7: memref<64x2048xf32, #tpu.memory_space<vmem>>, %arg8: memref<2048x128xf32, #tpu.memory_space<vmem>>, %arg9: memref<1x128xf32, #tpu.memory_space<vmem>>, %arg10: memref<1x128xf32, #tpu.memory_space<vmem>>, %arg11: memref<1x128xf32, #tpu.memory_space<vmem>>, %arg12: memref<1x128xf32, #tpu.memory_space<vmem>>, %arg13: memref<1x128xf32, #tpu.memory_space<vmem>>, %arg14: memref<272x256xf32, #tpu.memory_space<vmem>>, %arg15: memref<1x256xf32, #tpu.memory_space<vmem>>, %arg16: memref<256x256xf32, #tpu.memory_space<vmem>>, %arg17: memref<1x256xf32, #tpu.memory_space<vmem>>, %arg18: memref<256x128xf32, #tpu.memory_space<vmem>>, %arg19: memref<1x128xf32, #tpu.memory_space<vmem>>, %arg20: memref<64x128xf32, #tpu.memory_space<vmem>>) attributes {dimension_semantics = [], scalar_prefetch = 0 : i64, scratch_operands = 0 : i64, tpu.core_type = #tpu.core_type<tc>} {
    %get3A = arith.constant 0 : index
    %get3A_0 = arith.constant 0 : index
    %get3A_1 = arith.constant 0 : index
    %get3A_2 = vector.load %arg0[%get3A, %get3A_0, %get3A_1] : memref<2x64x10240xf32, #tpu.memory_space<vmem>>, vector<1x64x10240xf32>
    %get3A_3 = vector.shape_cast %get3A_2 : vector<1x64x10240xf32> to vector<64x10240xf32>
    %get3A_4 = arith.constant 1 : index
    %get3A_5 = arith.constant 0 : index
    %get3A_6 = arith.constant 0 : index
    %get3A_7 = vector.load %arg0[%get3A_4, %get3A_5, %get3A_6] : memref<2x64x10240xf32, #tpu.memory_space<vmem>>, vector<1x64x10240xf32>
    %get3A_8 = vector.shape_cast %get3A_7 : vector<1x64x10240xf32> to vector<64x10240xf32>
    %add3A = arith.addf %get3A_3, %get3A_8 : vector<64x10240xf32>
    %iota3A = tpu.iota {dimensions = array<i32: 1>} : vector<64x10240xi32>
    %eq3A = arith.constant 10000 : i32
    %eq3A_9 = vector.broadcast %eq3A : i32 to vector<64x10240xi32>
    %eq3A_10 = arith.cmpi eq, %iota3A, %eq3A_9 : vector<64x10240xi32>
    %jit3A = arith.constant 0.000000e+00 : f32
    %broadcast_in_dim3A = vector.broadcast %jit3A : f32 to vector<64x10240xf32>
    %select_n3A = arith.select %eq3A_10, %broadcast_in_dim3A, %add3A : vector<64x10240xi1>, vector<64x10240xf32>
    %reduce_sum3A = arith.constant dense<0.000000e+00> : vector<64xf32>
    %reduce_sum3A_11 = vector.multi_reduction <add>, %select_n3A, %reduce_sum3A [1] : vector<64x10240xf32> to vector<64xf32>
    %broadcast_in_dim3A_12 = vector.shape_cast %reduce_sum3A_11 : vector<64xf32> to vector<64x1xf32>
    %get3A_13 = arith.constant 0 : index
    %get3A_14 = arith.constant 0 : index
    %get3A_15 = vector.load %arg2[%get3A_13, %get3A_14] : memref<10000x128xf32, #tpu.memory_space<vmem>>, vector<10000x128xf32>
    %get3A_16 = arith.constant 0 : index
    %get3A_17 = arith.constant 0 : index
    %get3A_18 = vector.load %arg3[%get3A_16, %get3A_17] : memref<128x128xf32, #tpu.memory_space<vmem>>, vector<128x128xf32>
    %dot_general3A = arith.constant dense<0.000000e+00> : vector<10000x128xf32>
    %dot_general3A_19 = tpu.matmul %get3A_15, %get3A_18, %dot_general3A {dimension_numbers = #tpu.dot_dimension_numbers<[1], [0], [0], [1], [0, 0, 1, 1], [], []>, transpose_lhs_hint = false} : vector<10000x128xf32>, vector<128x128xf32>, vector<10000x128xf32> -> vector<10000x128xf32>
    %get3A_20 = arith.constant 0 : index
    %get3A_21 = arith.constant 0 : index
    %get3A_22 = vector.load %arg4[%get3A_20, %get3A_21] : memref<1x128xf32, #tpu.memory_space<vmem>>, vector<1x128xf32>
    %add3A_23 = vector.broadcast %get3A_22 : vector<1x128xf32> to vector<10000x128xf32>
    %add3A_24 = arith.addf %dot_general3A_19, %add3A_23 : vector<10000x128xf32>
    %max3A = arith.constant 0.000000e+00 : f32
    %max3A_25 = vector.broadcast %max3A : f32 to vector<10000x128xf32>
    %max3A_26 = arith.maximumf %add3A_24, %max3A_25 : vector<10000x128xf32>
    %broadcast_in_dim3A_27 = arith.constant 0.000000e+00 : f32
    %broadcast_in_dim3A_28 = vector.broadcast %broadcast_in_dim3A_27 : f32 to vector<240x128xf32>
    %concatenate3A = tpu.concatenate %max3A_26, %broadcast_in_dim3A_28 in 0 : vector<10000x128xf32>, vector<240x128xf32> -> vector<10240x128xf32>
    %dot_general3A_29 = arith.constant dense<0.000000e+00> : vector<64x128xf32>
    %dot_general3A_30 = tpu.matmul %select_n3A, %concatenate3A, %dot_general3A_29 {dimension_numbers = #tpu.dot_dimension_numbers<[1], [0], [0], [1], [0, 0, 1, 1], [], []>, precision = #tpu.contract_precision<fp32>, transpose_lhs_hint = false} : vector<64x10240xf32>, vector<10240x128xf32>, vector<64x128xf32> -> vector<64x128xf32>
    %get3A_31 = arith.constant 0 : index
    %get3A_32 = arith.constant 0 : index
    %get3A_33 = arith.constant 0 : index
    %get3A_34 = vector.load %arg1[%get3A_31, %get3A_32, %get3A_33] : memref<32x64x16xf32, #tpu.memory_space<vmem>>, vector<32x64x16xf32>
    %reduce_sum3A_35 = arith.constant dense<0.000000e+00> : vector<64x16xf32>
    %reduce_sum3A_36 = vector.multi_reduction <add>, %get3A_34, %reduce_sum3A_35 [0] : vector<32x64x16xf32> to vector<64x16xf32>
    %get3A_37 = arith.constant 0 : index
    %get3A_38 = arith.constant 0 : index
    %get3A_39 = vector.load %arg5[%get3A_37, %get3A_38] : memref<16x16xf32, #tpu.memory_space<vmem>>, vector<16x16xf32>
    %dot_general3A_40 = arith.constant dense<0.000000e+00> : vector<64x16xf32>
    %dot_general3A_41 = tpu.matmul %reduce_sum3A_36, %get3A_39, %dot_general3A_40 {dimension_numbers = #tpu.dot_dimension_numbers<[1], [0], [0], [1], [0, 0, 1, 1], [], []>, transpose_lhs_hint = false} : vector<64x16xf32>, vector<16x16xf32>, vector<64x16xf32> -> vector<64x16xf32>
    %get3A_42 = arith.constant 0 : index
    %get3A_43 = arith.constant 0 : index
    %get3A_44 = vector.load %arg6[%get3A_42, %get3A_43] : memref<1x16xf32, #tpu.memory_space<vmem>>, vector<1x16xf32>
    %mul3A = vector.broadcast %broadcast_in_dim3A_12 : vector<64x1xf32> to vector<64x16xf32>
    %mul3A_45 = vector.broadcast %get3A_44 : vector<1x16xf32> to vector<64x16xf32>
    %mul3A_46 = arith.mulf %mul3A, %mul3A_45 : vector<64x16xf32>
    %add3A_47 = arith.addf %dot_general3A_41, %mul3A_46 : vector<64x16xf32>
    %reduce_max3A = arith.constant dense<0xFF800000> : vector<64xf32>
    %reduce_max3A_48 = vector.multi_reduction <maximumf>, %dot_general3A_30, %reduce_max3A [1] : vector<64x128xf32> to vector<64xf32>
    %broadcast_in_dim3A_49 = vector.shape_cast %reduce_max3A_48 : vector<64xf32> to vector<64x1xf32>
    %reduce_max3A_50 = arith.constant dense<0xFF800000> : vector<64xf32>
    %reduce_max3A_51 = vector.multi_reduction <maximumf>, %add3A_47, %reduce_max3A_50 [1] : vector<64x16xf32> to vector<64xf32>
    %broadcast_in_dim3A_52 = vector.shape_cast %reduce_max3A_51 : vector<64xf32> to vector<64x1xf32>
    %max3A_53 = arith.maximumf %broadcast_in_dim3A_49, %broadcast_in_dim3A_52 : vector<64x1xf32>
    %sub3A = vector.broadcast %max3A_53 : vector<64x1xf32> to vector<64x128xf32>
    %sub3A_54 = arith.subf %dot_general3A_30, %sub3A : vector<64x128xf32>
    %exp3A = math.exp %sub3A_54 : vector<64x128xf32>
    %sub3A_55 = vector.broadcast %max3A_53 : vector<64x1xf32> to vector<64x16xf32>
    %sub3A_56 = arith.subf %add3A_47, %sub3A_55 : vector<64x16xf32>
    %exp3A_57 = math.exp %sub3A_56 : vector<64x16xf32>
    %reduce_sum3A_58 = arith.constant dense<0.000000e+00> : vector<64xf32>
    %reduce_sum3A_59 = vector.multi_reduction <add>, %exp3A, %reduce_sum3A_58 [1] : vector<64x128xf32> to vector<64xf32>
    %broadcast_in_dim3A_60 = vector.shape_cast %reduce_sum3A_59 : vector<64xf32> to vector<64x1xf32>
    %reduce_sum3A_61 = arith.constant dense<0.000000e+00> : vector<64xf32>
    %reduce_sum3A_62 = vector.multi_reduction <add>, %exp3A_57, %reduce_sum3A_61 [1] : vector<64x16xf32> to vector<64xf32>
    %broadcast_in_dim3A_63 = vector.shape_cast %reduce_sum3A_62 : vector<64xf32> to vector<64x1xf32>
    %add3A_64 = arith.addf %broadcast_in_dim3A_60, %broadcast_in_dim3A_63 : vector<64x1xf32>
    %div3A = vector.broadcast %add3A_64 : vector<64x1xf32> to vector<64x128xf32>
    %div3A_65 = arith.divf %exp3A, %div3A : vector<64x128xf32>
    %div3A_66 = vector.broadcast %add3A_64 : vector<64x1xf32> to vector<64x16xf32>
    %div3A_67 = arith.divf %exp3A_57, %div3A_66 : vector<64x16xf32>
    %get3A_68 = arith.constant 0 : index
    %get3A_69 = arith.constant 0 : index
    %get3A_70 = vector.load %arg7[%get3A_68, %get3A_69] : memref<64x2048xf32, #tpu.memory_space<vmem>>, vector<64x2048xf32>
    %get3A_71 = arith.constant 0 : index
    %get3A_72 = arith.constant 0 : index
    %get3A_73 = vector.load %arg8[%get3A_71, %get3A_72] : memref<2048x128xf32, #tpu.memory_space<vmem>>, vector<2048x128xf32>
    %dot_general3A_74 = arith.constant dense<0.000000e+00> : vector<64x128xf32>
    %dot_general3A_75 = tpu.matmul %get3A_70, %get3A_73, %dot_general3A_74 {dimension_numbers = #tpu.dot_dimension_numbers<[1], [0], [0], [1], [0, 0, 1, 1], [], []>, transpose_lhs_hint = false} : vector<64x2048xf32>, vector<2048x128xf32>, vector<64x128xf32> -> vector<64x128xf32>
    %get3A_76 = arith.constant 0 : index
    %get3A_77 = arith.constant 0 : index
    %get3A_78 = vector.load %arg9[%get3A_76, %get3A_77] : memref<1x128xf32, #tpu.memory_space<vmem>>, vector<1x128xf32>
    %add3A_79 = vector.broadcast %get3A_78 : vector<1x128xf32> to vector<64x128xf32>
    %add3A_80 = arith.addf %dot_general3A_75, %add3A_79 : vector<64x128xf32>
    %get3A_81 = arith.constant 0 : index
    %get3A_82 = arith.constant 0 : index
    %get3A_83 = vector.load %arg12[%get3A_81, %get3A_82] : memref<1x128xf32, #tpu.memory_space<vmem>>, vector<1x128xf32>
    %sub3A_84 = vector.broadcast %get3A_83 : vector<1x128xf32> to vector<64x128xf32>
    %sub3A_85 = arith.subf %add3A_80, %sub3A_84 : vector<64x128xf32>
    %get3A_86 = arith.constant 0 : index
    %get3A_87 = arith.constant 0 : index
    %get3A_88 = vector.load %arg13[%get3A_86, %get3A_87] : memref<1x128xf32, #tpu.memory_space<vmem>>, vector<1x128xf32>
    %add3A_89 = arith.constant 9.99999974E-6 : f32
    %add3A_90 = vector.broadcast %add3A_89 : f32 to vector<1x128xf32>
    %add3A_91 = arith.addf %get3A_88, %add3A_90 : vector<1x128xf32>
    %rsqrt3A = math.rsqrt %add3A_91 : vector<1x128xf32>
    %mul3A_92 = vector.broadcast %rsqrt3A : vector<1x128xf32> to vector<64x128xf32>
    %mul3A_93 = arith.mulf %sub3A_85, %mul3A_92 : vector<64x128xf32>
    %get3A_94 = arith.constant 0 : index
    %get3A_95 = arith.constant 0 : index
    %get3A_96 = vector.load %arg10[%get3A_94, %get3A_95] : memref<1x128xf32, #tpu.memory_space<vmem>>, vector<1x128xf32>
    %mul3A_97 = vector.broadcast %get3A_96 : vector<1x128xf32> to vector<64x128xf32>
    %mul3A_98 = arith.mulf %mul3A_93, %mul3A_97 : vector<64x128xf32>
    %get3A_99 = arith.constant 0 : index
    %get3A_100 = arith.constant 0 : index
    %get3A_101 = vector.load %arg11[%get3A_99, %get3A_100] : memref<1x128xf32, #tpu.memory_space<vmem>>, vector<1x128xf32>
    %add3A_102 = vector.broadcast %get3A_101 : vector<1x128xf32> to vector<64x128xf32>
    %add3A_103 = arith.addf %mul3A_98, %add3A_102 : vector<64x128xf32>
    %max3A_104 = arith.constant 0.000000e+00 : f32
    %max3A_105 = vector.broadcast %max3A_104 : f32 to vector<64x128xf32>
    %max3A_106 = arith.maximumf %add3A_103, %max3A_105 : vector<64x128xf32>
    %get3A_107 = arith.constant 0 : index
    %get3A_108 = arith.constant 0 : index
    %get3A_109 = vector.load %arg14[%get3A_107, %get3A_108] : memref<272x256xf32, #tpu.memory_space<vmem>>, vector<128x256xf32>
    %dot_general3A_110 = arith.constant dense<0.000000e+00> : vector<64x256xf32>
    %dot_general3A_111 = tpu.matmul %div3A_65, %get3A_109, %dot_general3A_110 {dimension_numbers = #tpu.dot_dimension_numbers<[1], [0], [0], [1], [0, 0, 1, 1], [], []>, transpose_lhs_hint = false} : vector<64x128xf32>, vector<128x256xf32>, vector<64x256xf32> -> vector<64x256xf32>
    %get3A_112 = arith.constant 128 : index
    %get3A_113 = arith.constant 0 : index
    %get3A_114 = vector.load %arg14[%get3A_112, %get3A_113] : memref<272x256xf32, #tpu.memory_space<vmem>>, vector<16x256xf32>
    %dot_general3A_115 = arith.constant dense<0.000000e+00> : vector<64x256xf32>
    %dot_general3A_116 = tpu.matmul %div3A_67, %get3A_114, %dot_general3A_115 {dimension_numbers = #tpu.dot_dimension_numbers<[1], [0], [0], [1], [0, 0, 1, 1], [], []>, transpose_lhs_hint = false} : vector<64x16xf32>, vector<16x256xf32>, vector<64x256xf32> -> vector<64x256xf32>
    %add3A_117 = arith.addf %dot_general3A_111, %dot_general3A_116 : vector<64x256xf32>
    %get3A_118 = arith.constant 144 : index
    %get3A_119 = arith.constant 0 : index
    %get3A_120 = vector.load %arg14[%get3A_118, %get3A_119] : memref<272x256xf32, #tpu.memory_space<vmem>>, vector<128x256xf32>
    %dot_general3A_121 = arith.constant dense<0.000000e+00> : vector<64x256xf32>
    %dot_general3A_122 = tpu.matmul %max3A_106, %get3A_120, %dot_general3A_121 {dimension_numbers = #tpu.dot_dimension_numbers<[1], [0], [0], [1], [0, 0, 1, 1], [], []>, transpose_lhs_hint = false} : vector<64x128xf32>, vector<128x256xf32>, vector<64x256xf32> -> vector<64x256xf32>
    %add3A_123 = arith.addf %add3A_117, %dot_general3A_122 : vector<64x256xf32>
    %get3A_124 = arith.constant 0 : index
    %get3A_125 = arith.constant 0 : index
    %get3A_126 = vector.load %arg15[%get3A_124, %get3A_125] : memref<1x256xf32, #tpu.memory_space<vmem>>, vector<1x256xf32>
    %add3A_127 = vector.broadcast %get3A_126 : vector<1x256xf32> to vector<64x256xf32>
    %add3A_128 = arith.addf %add3A_123, %add3A_127 : vector<64x256xf32>
    %max3A_129 = arith.constant 0.000000e+00 : f32
    %max3A_130 = vector.broadcast %max3A_129 : f32 to vector<64x256xf32>
    %max3A_131 = arith.maximumf %add3A_128, %max3A_130 : vector<64x256xf32>
    %get3A_132 = arith.constant 0 : index
    %get3A_133 = arith.constant 0 : index
    %get3A_134 = vector.load %arg16[%get3A_132, %get3A_133] : memref<256x256xf32, #tpu.memory_space<vmem>>, vector<256x256xf32>
    %dot_general3A_135 = arith.constant dense<0.000000e+00> : vector<64x256xf32>
    %dot_general3A_136 = tpu.matmul %max3A_131, %get3A_134, %dot_general3A_135 {dimension_numbers = #tpu.dot_dimension_numbers<[1], [0], [0], [1], [0, 0, 1, 1], [], []>, transpose_lhs_hint = false} : vector<64x256xf32>, vector<256x256xf32>, vector<64x256xf32> -> vector<64x256xf32>
    %get3A_137 = arith.constant 0 : index
    %get3A_138 = arith.constant 0 : index
    %get3A_139 = vector.load %arg17[%get3A_137, %get3A_138] : memref<1x256xf32, #tpu.memory_space<vmem>>, vector<1x256xf32>
    %add3A_140 = vector.broadcast %get3A_139 : vector<1x256xf32> to vector<64x256xf32>
    %add3A_141 = arith.addf %dot_general3A_136, %add3A_140 : vector<64x256xf32>
    %max3A_142 = arith.constant 0.000000e+00 : f32
    %max3A_143 = vector.broadcast %max3A_142 : f32 to vector<64x256xf32>
    %max3A_144 = arith.maximumf %add3A_141, %max3A_143 : vector<64x256xf32>
    %get3A_145 = arith.constant 0 : index
    %get3A_146 = arith.constant 0 : index
    %get3A_147 = vector.load %arg18[%get3A_145, %get3A_146] : memref<256x128xf32, #tpu.memory_space<vmem>>, vector<256x128xf32>
    %dot_general3A_148 = arith.constant dense<0.000000e+00> : vector<64x128xf32>
    %dot_general3A_149 = tpu.matmul %max3A_144, %get3A_147, %dot_general3A_148 {dimension_numbers = #tpu.dot_dimension_numbers<[1], [0], [0], [1], [0, 0, 1, 1], [], []>, transpose_lhs_hint = false} : vector<64x256xf32>, vector<256x128xf32>, vector<64x128xf32> -> vector<64x128xf32>
    %get3A_150 = arith.constant 0 : index
    %get3A_151 = arith.constant 0 : index
    %get3A_152 = vector.load %arg19[%get3A_150, %get3A_151] : memref<1x128xf32, #tpu.memory_space<vmem>>, vector<1x128xf32>
    %add3A_153 = vector.broadcast %get3A_152 : vector<1x128xf32> to vector<64x128xf32>
    %add3A_154 = arith.addf %dot_general3A_149, %add3A_153 : vector<64x128xf32>
    %swap3A = arith.constant 0 : index
    %swap3A_155 = arith.constant 0 : index
    %swap3A_156 = vector.load %arg20[%swap3A, %swap3A_155] : memref<64x128xf32, #tpu.memory_space<vmem>>, vector<64x128xf32>
    tpu.vector_store %arg20[%swap3A, %swap3A_155], %add3A_154 {strides = array<i32>} : memref<64x128xf32, #tpu.memory_space<vmem>>, vector<64x128xf32>,
    return
  }
}

</mosaic_0001>

<sc_bundles>
// kernel: kernel.4.cloned.1.call-start
scs
__scs_entry_jumppad:
0x0: {  	(pc) =	sbr.rel $0x88, $3  }
0x1: {  	(tag) =	ssettag $0x0;
	lr =	simm.s32 $0x1  }
0x2: {  	[smem:$0x3F8C] =	sst lr;
	_ =	strace $0xD0000000  }
0x3: {  	_ = 	snop  }
0x4: {  	_ = 	snop  }
0x5: {  	_ = 	snop  }
0x6: {  	_ = 	snop  }
0x7: {  	_ = 	snop  }
__scs_overlays_trampoline_lowered:
0x8: {  	[smem:$0x3F9B] =	sst s0  }
0x9: {  	[smem:$0x3F9C] =	sst s1  }
0xa: {  	[smem:$0x3F9D] =	sst s2  }
0xb: {  	[smem:$0x3F9E] =	sst s3  }
0xc: {  	[smem:$0x3F9F] =	sst s4  }
0xd: {  	[smem:$0x3FA0] =	sst s5  }
0xe: {  	[smem:$0x3FA1] =	sst s6  }
0xf: {  	[smem:$0x3FA2] =	sst s7  }
0x10: {  	[smem:$0x3FA3] =	sst s8  }
0x11: {  	[smem:$0x3FA4] =	sst s9;
	s0 =	simm.s32 @!p0 $0x0  }
0x12: {  	s1 =	sld [smem:$0x3F8A];
	s0 =	simm.s32 @p0 $0x1  }
0x13: {  	[smem:$0x3FA5] =	sst s0;
	s0 =	simm.s32 @!p1 $0x0  }
0x14: {  	s2 =	sld [smem:$0x3F89];
	s0 =	simm.s32 @p1 $0x1  }
0x15: {  	[smem:$0x3FA6] =	sst s0;
	s0 =	simm.s32 @!p2 $0x0  }
0x16: {  	s3 =	sld [smem:$0x3FDB];
	s0 =	simm.s32 @p2 $0x1  }
0x17: {  	s4 =	simm.s32 $0x1BF5;
	[smem:$0x3FA8] =	sst s0  }
0x18: {  	s0 =	sld [smem:$0x3F8B];
	_ =	swait.ge [sflag:s4], $0x0  }
0x19: {  	s7 =	sld [smem:$0x3F8C]  }
0x1a: {  	s8 =	sadd.s32 $0xFFFFE003, lr  }
0x1b: {  	s9 =	sadd.s32 $0xFFFFFEF7, lr;
	s5 =	simm.s32 $0xFFFFFFFF;
	p2 =	slt.u32 s8, $0xFFFFF086  }
0x1c: {  	p1 =	slt.u32 s9, $0xF7A;
	s5 =	simm.s32 @!p2 $0x0  }
0x1d: {  	s5 =	simm.s32 @p1 $0x1;
	p0 =	seq.s32 s7, s2  }
0x1e: {  	s7 =	smul.u32 @!p0 $0xF7A, s2;
	p2 =	seq.s32 @!p0 s5, $0x0  }
0x1f: {  	s9 =	smul.u32 $0xF7A, s1;
	s8 =	simm.s32 @!p0 $0x1BF5;
	p2 =	por !p2, p0  }
0x20: {  	[sflag:s8] =	ssyncset.s32 @!p0 $0xFFFFF086;
	s6 =	sadd.s32 @!p0 s3, s7;
	s7 =	simm.s32 @!p0 $0x108  }
0x21: {  	s3 =	sadd.s32 s3, s9;
	s6 =	sadd.s32 @!p0 $0x88, s6;
	s7 =	simm.s32 @p2 $0x1082  }
0x22: {  	[simem:s7], [sflag:s8] =	dma.local @!p0 [hbm:s6], $0xF7A  }
0x23: {  	s9 =	sor.u32 $0xD0000000, s2;
	s6 =	simm.s32 $0x108;
	_ =	swait.ge @!p0 [sflag:s8], $0x0  }
0x24: {  	s3 =	sadd.s32 $0x88, s3;
	s6 =	simm.s32 @!p1 $0x1082;
	[sflag:s4] =	ssyncset.s32 $0xFFFFF086  }
0x25: {  	[simem:s6], [sflag:s4] =	dma.local [hbm:s3], $0xF7A  }
0x26: {  	[smem:$0x3F8C] =	sst s1;
	(tag) =	ssettag s2;
	_ =	strace s9  }
0x27: {  	s1 =	sld [smem:$0x3F9C]  }
0x28: {  	s2 =	sld [smem:$0x3F9D]  }
0x29: {  	s4 =	sld [smem:$0x3F9F]  }
0x2a: {  	p0 =	seq.s32 s5, $0x0;
	s5 =	sld [smem:$0x3FA0]  }
0x2b: {  	s6 =	sld [smem:$0x3FA1]  }
0x2c: {  	s7 =	sld [smem:$0x3FA2]  }
0x2d: {  	s3 =	simm.s32 $0x108;
	s8 =	sld [smem:$0x3FA3]  }
0x2e: {  	s3 =	simm.s32 @!p0 $0x1082;
	s9 =	sld [smem:$0x3FA4]  }
0x2f: {  	lr =	sadd.s32 s0, s3;
	s0 =	sld [smem:$0x3F9B]  }
0x30: {  	s3 =	sld [smem:$0x3F9E]  }
0x31: {  	[smem:$0x3FA7] =	sst s10  }
0x32: {  	s10 =	sld [smem:$0x3FA5];
	_ =	sdelay $0x3  }
0x33: {  	p0 =	seq.s32 s10, $0x1;
	s10 =	sld [smem:$0x3FA7];
	_ =	sdelay $0x3  }
0x34: {  	[smem:$0x3FA7] =	sst s10  }
0x35: {  	s10 =	sld [smem:$0x3FA6];
	_ =	sdelay $0x3  }
0x36: {  	p1 =	seq.s32 s10, $0x1;
	s10 =	sld [smem:$0x3FA7];
	_ =	sdelay $0x3  }
0x37: {  	[smem:$0x3FA7] =	sst s10  }
0x38: {  	s10 =	sld [smem:$0x3FA8]  }
0x39: {  	_ = 	snop;
	(pc) =	sbr.ind lr, $3  }
0x3a: {  	_ = 	snop  }
0x3b: {  	_ = 	snop  }
0x3c: {  	p2 =	seq.s32 s10, $0x1;
	s10 =	sld [smem:$0x3FA7]  }
0x3d: {  	_ =	shalt  }
0x3e: {  	_ =	shalt  }
0x3f: {  	_ =	shalt  }
0x40: {  	_ =	shalt  }
0x41: {  	_ =	shalt  }
0x42: {  	_ =	shalt  }
0x43: {  	_ =	shalt  }
0x44: {  	_ =	shalt  }
0x45: {  	_ =	shalt  }
0x46: {  	_ =	shalt  }
0x47: {  	_ =	shalt  }
0x48: {  	_ =	shalt  }
0x49: {  	_ =	shalt  }
0x4a: {  	_ =	shalt  }
0x4b: {  	_ =	shalt  }
0x4c: {  	_ =	shalt  }
0x4d: {  	_ =	shalt  }
0x4e: {  	_ =	shalt  }
0x4f: {  	_ =	shalt  }
0x50: {  	_ =	shalt  }
0x51: {  	_ =	shalt  }
0x52: {  	_ =	shalt  }
0x53: {  	_ =	shalt  }
0x54: {  	_ =	shalt  }
0x55: {  	_ =	shalt  }
0x56: {  	_ =	shalt  }
0x57: {  	_ =	shalt  }
0x58: {  	_ =	shalt  }
0x59: {  	_ =	shalt  }
0x5a: {  	_ =	shalt  }
0x5b: {  	_ =	shalt  }
0x5c: {  	_ =	shalt  }
0x5d: {  	_ =	shalt  }
0x5e: {  	_ =	shalt  }
0x5f: {  	_ =	shalt  }
0x60: {  	_ =	shalt  }
0x61: {  	_ =	shalt  }
0x62: {  	_ =	shalt  }
0x63: {  	_ =	shalt  }
0x64: {  	_ =	shalt  }
0x65: {  	_ =	shalt  }
0x66: {  	_ =	shalt  }
0x67: {  	_ =	shalt  }
0x68: {  	_ =	shalt  }
0x69: {  	_ =	shalt  }
0x6a: {  	_ =	shalt  }
0x6b: {  	_ =	shalt  }
0x6c: {  	_ =	shalt  }
0x6d: {  	_ =	shalt  }
0x6e: {  	_ =	shalt  }
0x6f: {  	_ =	shalt  }
0x70: {  	_ =	shalt  }
0x71: {  	_ =	shalt  }
0x72: {  	_ =	shalt  }
0x73: {  	_ =	shalt  }
0x74: {  	_ =	shalt  }
0x75: {  	_ =	shalt  }
0x76: {  	_ =	shalt  }
0x77: {  	_ =	shalt  }
0x78: {  	_ =	shalt  }
0x79: {  	_ =	shalt  }
0x7a: {  	_ =	shalt  }
0x7b: {  	_ =	shalt  }
0x7c: {  	_ =	shalt  }
0x7d: {  	_ =	shalt  }
0x7e: {  	_ =	shalt  }
0x7f: {  	_ =	shalt  }
0x80: {  	_ =	shalt  }
0x81: {  	_ =	shalt  }
0x82: {  	_ =	shalt  }
0x83: {  	_ =	shalt  }
0x84: {  	_ =	shalt  }
0x85: {  	_ =	shalt  }
0x86: {  	_ =	shalt  }
0x87: {  	_ =	shalt  }
.Lfunc_end0:
.L_simem_size_0:
called_computation_lowered:
.L_overlay_start_0:
0x88: {  	s2 =	sld [smem:$0x3FD9]  }
0x89: {  	s3 =	sld [smem:$0x3FFE];
	_ =	sdelay $0x1  }
0x8a: {  	s1 =	srdreg.scid  }
0x8b: {  	s0 =	sand.u32 $0x1, s1  }
0x8c: {  	s17 =	sshll.u32 s0, $0xA;
	s2 =	sadd.s32 s3, s2  }
0x8d: {  	s2 =	sadd.s32 s2, s17  }
0x8e: {  	[smem:$0x3FB3] =	sst s2  }
0x8f: {  	_ = 	snop  }
0x90: {  	s2 =	sld [smem:$0x3FC5];
	(tm) =	ssettm $0x1  }
0x91: {  	s18 =	sld [smem:$0x3FFB];
	_ =	sdelay $0x3  }
0x92: {  	_ =	strace s18  }
0x93: {  	s3 =	sld [smem:$0x3FFC];
	_ =	sdelay $0x3  }
0x94: {  	_ =	strace s3  }
0x95: {  	s3 =	sld [smem:$0x3FFD];
	_ =	sdelay $0x3  }
0x96: {  	_ =	strace s3  }
0x97: {  	_ =	strace $0x8FFFFFFF  }
0x98: {  	s19 =	sld [smem:$0x3FDB];
	_ =	sdelay $0x1  }
0x99: {  	s4 =	simm.s32 $_scs_section_size  }
0x9a: {  	s5 =	simm.s32 $_size__tile_overlayer_lowered;
	s6 =	simm.s32 $_tile_overlayer_lowered  }
0x9b: {  	s22 =	simm.s32 $0x1BFF;
	s21 =	sshll.u32 s6, $0x1;
	s3 =	sadd.s32 s4, s19  }
0x9c: {  	s7 =	simm.s32 $0x0;
	s20 =	sshll.u32 s5, $0x1;
	s5 =	sadd.s32 s21, s3  }
0x9d: {  	[timem:s7], [sflag:s22] =	dma.local [hbm:s5], s20  }
0x9e: {  	_ =	swait.ge [sflag:s22], s20  }
0x9f: {  	s4 =	ssub.s32 $0x0, s20;
	[sflag:s22] =	ssyncset.done $0x0  }
0xa0: {  	[sflag:s22] =	ssyncadd.s32 s4;
	_ =	sdelay $0x1  }
0xa1: {  	s23 =	simm.s32 $0x1B8B  }
0xa2: {  	_ =	swait.ge [sflag:s23], $0x1  }
0xa3: {  	[sflag:s23] =	ssyncset.done $0x0  }
0xa4: {  	s25 =	simm.s32 $0x1B8E;
	s24 =	sld [smem:$0x3FFE];
	[sflag:s23] =	ssyncadd.s32 $0xFFFFFFFF  }
0xa5: {  	s26 =	simm.s32 $execute0_lowered;
	[smem:$0x3FD2] =	sst s25  }
0xa6: {  	s5 =	sshll.u32 s26, $0x1;
	_ =	strace $0x80000046;
	[dreg:$0x1] =	wrdreg $0xFFFFFFFF  }
0xa7: {  	s28 =	simm.s32 $_size_execute0_lowered;
	s3 =	sadd.s32 s3, s5;
	[dreg:$0x0] =	wrdreg $0x0  }
0xa8: {  	s5 =	sshll.u32 s28, $0x1;
	[dreg:$0x2] =	wrdreg s3  }
0xa9: {  	[dreg:$0x3] =	wrdreg s5  }
0xaa: {  	[dreg:$0x4] =	wrdreg $0xC0  }
0xab: {  	_ =	task [dreg:s7], $0x5FFFF  }
0xac: {  	[dreg:$0x1] =	wrdreg $0xFFFFFFFF  }
0xad: {  	[dreg:$0x0] =	wrdreg $0x60  }
0xae: {  	[dreg:$0x2] =	wrdreg s24  }
0xaf: {  	[dreg:$0x3] =	wrdreg s2  }
0xb0: {  	[dreg:$0x4] =	wrdreg $0x0  }
0xb1: {  	[dreg:$0x5] =	wrdreg $0x9  }
0xb2: {  	_ =	task.clear_ibuf [dreg:s7], $0x6FFFF;
	_ =	strace $0x90000046  }
0xb3: {  	s29 =	simm.s32 $0x9;
	_ =	strace $0x80000048  }
0xb4: {  	_ =	swait.ge [sflag:s29], $0x1  }
0xb5: {  	[sflag:s29] =	ssyncadd.s32 $0xFFFFFFFF  }
0xb6: {  	_ =	strace $0x90000048  }
0xb7: {  	_ =	sfence  }
0xb8: {  	s30 =	sld [smem:$0x0];
	_ =	sdelay $0x2  }
0xb9: {  	s31 =	sshll.u32 s1, $0xD;
	s1 =	sshrl.u32 s1, $0x2  }
0xba: {  	s3 =	sand.u32 $0x4000, s31;
	s1 =	sadd.s32 s1, s30  }
0xbb: {  	s0 =	sor.u32 s3, s0;
	s1 =	sshll.u32 s1, $0x11  }
0xbc: {  	s0 =	sor.u32 s1, s0  }
0xbd: {  	s0 =	sadd.s32 $0x8F2B, s0  }
0xbe: {  	[sflag:s0] =	ssyncadd.remote.s32 $0x1  }
0xbf: {  	_ =	sfence.sel $0xFFFF  }
0xc0: {  	[dreg:$0x0] =	wrdreg $0xFFFFFFFF;
	(pc) =	sbr.abs _section_cstart, $3  }
0xc1: {  	[dreg:$0x1] =	wrdreg $0xFFFFFFFF  }
0xc2: {  	_ =	task.clear_ibuf [dreg:s7], $0x2FFFF;
	_ =	strace $0x9FFFFFFF  }
0xc3: {  	(tm) =	ssettm $0x7FFFFFFF  }
tec
execute0_lowered:
.L_overlay_start_1:
0x0: {  	(tag) =	ssettag $0x1  }
0x1: {  	s1 =	rddreg [dreg:$0x0];
	s23 =	stileid.u32  }
0x2: {  	s0 =	srdreg.scid;
	s25 =	simm.s32 $0x0;
	s2 =	smul.u32 $0x140, s23  }
0x3: {  	s30 =	simm.s32 $0x11900;
	s31 =	simm.s32 $0x11580;
	s10 =	smul.u32 $0xA000, s23  }
0x4: {  	s11 =	sand.u32 $0x1, s0;
	[smem:$0x7FF] =	sst s25;
	s12 =	smul.u32 $0x14000, s23  }
0x5: {  	s0 =	ssub.s32 $0x2, s11;
	s13 =	sshll.u32 s11, $0x7;
	s11 =	sshll.u32 s11, $0x4  }
0x6: {  	s3 =	sshrl.u32 s0, $0x1;
	s8 =	sor.u32 $0x20, s2;
	s2 =	sadd.s32 $0x2000, s10  }
0x7: {  	s4 =	sadd.s32 $0x4000, s10;
	s5 =	sadd.s32 $0x5000, s10;
	s6 =	sadd.s32 $0x6000, s10  }
0x8: {  	s7 =	sadd.s32 $0x7000, s10;
	s9 =	sadd.s32 $0x8000, s10;
	s12 =	sor.u32 s13, s12  }
0x9: {  	s11 =	sor.u32 s23, s11;
	s23 =	smul.u32 $0x28000, s23;
	s0 =	ssub.s32 s0, s3  }
0xa: {  	s3 =	sadd.s32 $0x3000, s10;
	s10 =	sadd.s32 $0x9000, s10;
	s14 =	sshll.u32 s8, $0x8  }
0xb: {  	s15 =	sshll.u32 s2, $0x1;
	s17 =	sshll.u32 s4, $0x1;
	s18 =	sshll.u32 s5, $0x1  }
0xc: {  	s19 =	sshll.u32 s6, $0x1;
	s20 =	sshll.u32 s7, $0x1;
	s21 =	sshll.u32 s9, $0x1  }
0xd: {  	s12 =	sshrl.u32 s12, $0x3;
	s29 =	smul.u32 $0x2800, s11;
	s14 =	sor.u32 s13, s14  }
0xe: {  	s15 =	sor.u32 s13, s15;
	s16 =	sshll.u32 s3, $0x1;
	s17 =	sor.u32 s13, s17  }
0xf: {  	s18 =	sor.u32 s13, s18;
	s19 =	sor.u32 s13, s19;
	s20 =	sor.u32 s13, s20  }
0x10: {  	s21 =	sor.u32 s13, s21;
	s22 =	sshll.u32 s10, $0x1;
	s0 =	smax.u32 s0, $0x1  }
0x11: {  	s16 =	sor.u32 s13, s16;
	s13 =	sor.u32 s13, s22;
	s22 =	sadd.s32 $0xC0C00, s1  }
0x12: {  	s14 =	sshrl.u32 s14, $0x3;
	s15 =	sshrl.u32 s15, $0x3;
	s26 =	sshrl.u32 s17, $0x3  }
0x13: {  	s17 =	sshrl.u32 s20, $0x3;
	s12 =	sadd.s32 s22, s12;
	s14 =	sadd.s32 s22, s14  }
0x14: {  	s24 =	sshrl.u32 s16, $0x3;
	s20 =	sshrl.u32 s13, $0x3;
	s13 =	rddreg [dreg:$0x2]  }
0x15: {  	s16 =	sshrl.u32 s19, $0x3;
	s19 =	sshrl.u32 s21, $0x3;
	[dreg:$0x4] =	wrdreg s12  }
0x16: {  	s21 =	sshll.u32 s11, $0xA;
	s11 =	simm.s32 $0x11480;
	[dreg:$0x5] =	wrdreg s14  }
0x17: {  	s12 =	sadd.s32 s22, s15;
	s14 =	sadd.s32 s22, s26;
	s15 =	sshrl.u32 s18, $0x3  }
0x18: {  	s18 =	sadd.s32 s22, s17;
	s26 =	sshrl.u32 s23, $0x2;
	[dreg:$0x6] =	wrdreg s12  }
0x19: {  	s17 =	sadd.s32 $0x16C00, s1;
	s4 =	sadd.s32 s4, s13;
	[dreg:$0x8] =	wrdreg s14  }
0x1a: {  	s6 =	sadd.s32 s6, s13;
	s12 =	sadd.s32 s22, s24;
	[dreg:$0xb] =	wrdreg s18  }
0x1b: {  	s23 =	sadd.s32 s10, s13;
	[dreg:$0x7] =	wrdreg s12;
	s12 =	sadd.s32 s22, s15  }
0x1c: {  	s10 =	simm.s32 $0x11800;
	[dreg:$0x9] =	wrdreg s12;
	s12 =	sadd.s32 s22, s16  }
0x1d: {  	s24 =	sadd.s32 s21, s1;
	[dreg:$0xa] =	wrdreg s12;
	s12 =	sadd.s32 s22, s19  }
0x1e: {  	s26 =	sadd.s32 s26, s13;
	[dreg:$0xc] =	wrdreg s12;
	s12 =	sadd.s32 s22, s20  }
0x1f: {  	s14 =	sshll.u32 s8, $0x7;
	s18 =	sadd.s32 s2, s13;
	[dreg:$0xd] =	wrdreg s12  }
0x20: {  	s19 =	sadd.s32 s3, s13;
	_ =	strace $0x80000047;
	[dreg:$0x10] =	wrdreg s18  }
0x21: {  	s21 =	sadd.s32 s7, s13;
	s20 =	sadd.s32 s5, s13;
	[dreg:$0x11] =	wrdreg s19  }
0x22: {  	s7 =	simm.s32 $0x11780;
	s8 =	simm.s32 $0x11400;
	[dreg:$0x13] =	wrdreg s20  }
0x23: {  	s2 =	simm.s32 $0x0;
	s22 =	sadd.s32 s9, s13;
	[dreg:$0x15] =	wrdreg s21  }
0x24: {  	s15 =	sadd.s32 $0x3000, s1;
	s28 =	sadd.s32 s14, s13;
	[dreg:$0x16] =	wrdreg s22  }
0x25: {  	s24 =	sadd.s32 $0xD000, s24;
	s14 =	simm.s32 $0x11500;
	[dreg:$0x17] =	wrdreg s23  }
0x26: {  	s16 =	sadd.s32 $0xB6C00, s1;
	s1 =	simm.s32 $0x1;
	[dreg:$0x18] =	wrdreg s24  }
0x27: {  	s9 =	simm.s32 $0xA000;
	s5 =	simm.s32 $0x80;
	[dreg:$0x19] =	wrdreg s0  }
0x28: {  	s12 =	simm.s32 $0x11880;
	s18 =	simm.s32 $0x11980;
	[dreg:$0xe] =	wrdreg s26  }
0x29: {  	s19 =	simm.s32 $0x11600;
	s20 =	simm.s32 $0x11A00;
	[dreg:$0xf] =	wrdreg s28  }
0x2a: {  	s21 =	simm.s32 $0x11680;
	s22 =	simm.s32 $0x11A80;
	[dreg:$0x12] =	wrdreg s4  }
0x2b: {  	v0 =	vimm.f32 $1.000000000e+00;
	v1 =	vimm.f32 $0.0e+00;
	s23 =	simm.s32 $0x11700;
	s24 =	simm.s32 $0x11B00;
	[dreg:$0x14] =	wrdreg s6  }
.LBB2_1:
0x2c: {  	[dreg:$0x1a] =	wrdreg s2  }
0x2d: {  	s0 =	rddreg [dreg:$0x1]  }
0x2e: {  	[tilespmem:s9], [sflag:$0x1] =	stream.linear.gather [hbm4b:s0+s25], $0x2780, $0x38;
	[tilespmem:$0x14B80] =	vst v63  }
0x2f: {  	_ =	swait.ge [sflag:s1], $0x2780  }
0x30: {  	[sflag:s1] =	ssyncset.done $0x0  }
0x31: {  	[sflag:s1] =	ssyncadd.s32 $0xFFFFD880  }
0x32: {  	[tilespmem:$0x11780] =	vst v0  }
0x33: {  	[tilespmem:$0x11790] =	vst v0  }
0x34: {  	[tilespmem:$0x117A0] =	vst v0  }
0x35: {  	[tilespmem:$0x117B0] =	vst v0  }
0x36: {  	[tilespmem:$0x117C0] =	vst v0  }
0x37: {  	[tilespmem:$0x117D0] =	vst v0  }
0x38: {  	[tilespmem:$0x117E0] =	vst v0  }
0x39: {  	[tilespmem:$0x117F0] =	vst v0  }
0x3a: {  	[tilespmem:$0x11800] =	vst v0  }
0x3b: {  	[tilespmem:$0x11810] =	vst v0  }
0x3c: {  	[tilespmem:$0x11820] =	vst v0  }
0x3d: {  	[tilespmem:$0x11830] =	vst v0  }
0x3e: {  	[tilespmem:$0x11840] =	vst v0  }
0x3f: {  	[tilespmem:$0x11850] =	vst v0  }
0x40: {  	[tilespmem:$0x11860] =	vst v0  }
0x41: {  	[tilespmem:$0x11870] =	vst v0  }
0x42: {  	[tilespmem:$0x11880] =	vst v0  }
0x43: {  	[tilespmem:$0x11890] =	vst v0  }
0x44: {  	[tilespmem:$0x118A0] =	vst v0  }
0x45: {  	[tilespmem:$0x118B0] =	vst v0  }
0x46: {  	[tilespmem:$0x118C0] =	vst v0  }
0x47: {  	[tilespmem:$0x118D0] =	vst v0  }
0x48: {  	[tilespmem:$0x118E0] =	vst v0  }
0x49: {  	[tilespmem:$0x118F0] =	vst v0  }
0x4a: {  	[tilespmem:$0x11900] =	vst v0  }
0x4b: {  	[tilespmem:$0x11910] =	vst v0  }
0x4c: {  	[tilespmem:$0x11920] =	vst v0  }
0x4d: {  	[tilespmem:$0x11930] =	vst v0  }
0x4e: {  	[tilespmem:$0x11940] =	vst v0  }
0x4f: {  	[tilespmem:$0x11950] =	vst v0  }
0x50: {  	[tilespmem:$0x11960] =	vst v0  }
0x51: {  	[tilespmem:$0x11970] =	vst v0  }
0x52: {  	[tilespmem:$0x11980] =	vst v0  }
0x53: {  	[tilespmem:$0x11990] =	vst v0  }
0x54: {  	[tilespmem:$0x119A0] =	vst v0  }
0x55: {  	[tilespmem:$0x119B0] =	vst v0  }
0x56: {  	[tilespmem:$0x119C0] =	vst v0  }
0x57: {  	[tilespmem:$0x119D0] =	vst v0  }
0x58: {  	[tilespmem:$0x119E0] =	vst v0  }
0x59: {  	[tilespmem:$0x119F0] =	vst v0  }
0x5a: {  	[tilespmem:$0x11A00] =	vst v0  }
0x5b: {  	[tilespmem:$0x11A10] =	vst v0  }
0x5c: {  	[tilespmem:$0x11A20] =	vst v0  }
0x5d: {  	[tilespmem:$0x11A30] =	vst v0  }
0x5e: {  	[tilespmem:$0x11A40] =	vst v0  }
0x5f: {  	[tilespmem:$0x11A50] =	vst v0  }
0x60: {  	[tilespmem:$0x11A60] =	vst v0  }
0x61: {  	[tilespmem:$0x11A70] =	vst v0  }
0x62: {  	[tilespmem:$0x11A80] =	vst v0  }
0x63: {  	[tilespmem:$0x11A90] =	vst v0  }
0x64: {  	[tilespmem:$0x11AA0] =	vst v0  }
0x65: {  	[tilespmem:$0x11AB0] =	vst v0  }
0x66: {  	[tilespmem:$0x11AC0] =	vst v0  }
0x67: {  	[tilespmem:$0x11AD0] =	vst v0  }
0x68: {  	[tilespmem:$0x11AE0] =	vst v0  }
0x69: {  	[tilespmem:$0x11AF0] =	vst v0  }
0x6a: {  	[tilespmem:$0x11B00] =	vst v0  }
0x6b: {  	[tilespmem:$0x11B10] =	vst v0  }
0x6c: {  	[tilespmem:$0x11B20] =	vst v0  }
0x6d: {  	[tilespmem:$0x11B30] =	vst v0  }
0x6e: {  	[tilespmem:$0x11B40] =	vst v0  }
0x6f: {  	[tilespmem:$0x11B50] =	vst v0  }
0x70: {  	[tilespmem:$0x11B60] =	vst v0  }
0x71: {  	[tilespmem:$0x11B70] =	vst v0  }
0x72: {  	[tilespmem:$0x11B80] =	vst v1  }
0x73: {  	[tilespmem:$0x11C00] =	vst v1  }
0x74: {  	[tilespmem:$0x11C80] =	vst v1  }
0x75: {  	[tilespmem:$0x11D00] =	vst v1  }
0x76: {  	[tilespmem:$0x11D80] =	vst v1  }
0x77: {  	[tilespmem:$0x11E00] =	vst v1  }
0x78: {  	[tilespmem:$0x11E80] =	vst v1  }
0x79: {  	[tilespmem:$0x11F00] =	vst v1  }
0x7a: {  	[tilespmem:$0x11F80] =	vst v1  }
0x7b: {  	[tilespmem:$0x12000] =	vst v1  }
0x7c: {  	[tilespmem:$0x12080] =	vst v1  }
0x7d: {  	[tilespmem:$0x12100] =	vst v1  }
0x7e: {  	[tilespmem:$0x12180] =	vst v1  }
0x7f: {  	[tilespmem:$0x12200] =	vst v1  }
0x80: {  	[tilespmem:$0x12280] =	vst v1  }
0x81: {  	[tilespmem:$0x12300] =	vst v1  }
0x82: {  	[tilespmem:$0x12380] =	vst v1  }
0x83: {  	[tilespmem:$0x12400] =	vst v1  }
0x84: {  	[tilespmem:$0x12480] =	vst v1  }
0x85: {  	[tilespmem:$0x12500] =	vst v1  }
0x86: {  	[tilespmem:$0x12580] =	vst v1  }
0x87: {  	[tilespmem:$0x12600] =	vst v1  }
0x88: {  	[tilespmem:$0x12680] =	vst v1  }
0x89: {  	[tilespmem:$0x12700] =	vst v1  }
0x8a: {  	[tilespmem:$0x12780] =	vst v1  }
0x8b: {  	[tilespmem:$0x12800] =	vst v1  }
0x8c: {  	[tilespmem:$0x12880] =	vst v1  }
0x8d: {  	[tilespmem:$0x12900] =	vst v1  }
0x8e: {  	[tilespmem:$0x12980] =	vst v1  }
0x8f: {  	[tilespmem:$0x12A00] =	vst v1  }
0x90: {  	[tilespmem:$0x12A80] =	vst v1  }
0x91: {  	[tilespmem:$0x12B00] =	vst v1  }
0x92: {  	[tilespmem:$0x12B80] =	vst v1  }
0x93: {  	[tilespmem:$0x12C00] =	vst v1  }
0x94: {  	[tilespmem:$0x12C80] =	vst v1  }
0x95: {  	[tilespmem:$0x12D00] =	vst v1  }
0x96: {  	[tilespmem:$0x12D80] =	vst v1  }
0x97: {  	[tilespmem:$0x12E00] =	vst v1  }
0x98: {  	[tilespmem:$0x12E80] =	vst v1  }
0x99: {  	[tilespmem:$0x12F00] =	vst v1  }
0x9a: {  	[tilespmem:$0x12F80] =	vst v1  }
0x9b: {  	[tilespmem:$0x13000] =	vst v1  }
0x9c: {  	[tilespmem:$0x13080] =	vst v1  }
0x9d: {  	[tilespmem:$0x13100] =	vst v1  }
0x9e: {  	[tilespmem:$0x13180] =	vst v1  }
0x9f: {  	[tilespmem:$0x13200] =	vst v1  }
0xa0: {  	[tilespmem:$0x13280] =	vst v1  }
0xa1: {  	[tilespmem:$0x13300] =	vst v1  }
0xa2: {  	[tilespmem:$0x13380] =	vst v1  }
0xa3: {  	[tilespmem:$0x13400] =	vst v1  }
0xa4: {  	[tilespmem:$0x13480] =	vst v1  }
0xa5: {  	[tilespmem:$0x13500] =	vst v1  }
0xa6: {  	[tilespmem:$0x13580] =	vst v1  }
0xa7: {  	[tilespmem:$0x13600] =	vst v1  }
0xa8: {  	[tilespmem:$0x13680] =	vst v1  }
0xa9: {  	[tilespmem:$0x13700] =	vst v1  }
0xaa: {  	[tilespmem:$0x13780] =	vst v1  }
0xab: {  	[tilespmem:$0x13800] =	vst v1  }
0xac: {  	[tilespmem:$0x13880] =	vst v1  }
0xad: {  	[tilespmem:$0x13900] =	vst v1  }
0xae: {  	[tilespmem:$0x13980] =	vst v1  }
0xaf: {  	[tilespmem:$0x13A00] =	vst v1  }
0xb0: {  	[tilespmem:$0x13A80] =	vst v1  }
0xb1: {  	s2 =	simm.s32 $0x0;
	s0 =	simm.s32 $0x40;
	[tilespmem:$0x13B00] =	vst v1  }
.LBB2_2:
0xb2: {  	p0 =	sne.s32 s0, $0x3FC0;
	[tilespmem:s2+$0x13B80] =	vst v1;
	s2 =	smov.u32 s0;
	s0 =	sadd.s32 $0x40, s0  }
.Ltmp0:
0xb3: {  	(pc) =	sbr.rel @p0 .LBB2_2-.Ltmp0, $2  }
0xb4: {  	_ =	sdelay $0x2  }
0xb5: {  	s2 =	sshra.s32 s2, $0x2  }
0xb6: {  	[tilespmem:s2+$0x13B80] =	vst v1;
	s2 =	simm.s32 $0x13B80  }
0xb7: {  	[spmem:s26] =	stream.linear.scatter [tilespmem:s2], [sflag:$0x1], $0x1000, $0x38;
	[tilespmem:$0x14B80] =	vst v63  }
0xb8: {  	_ =	swait.ge [sflag:s1], $0x1000  }
0xb9: {  	[sflag:s1] =	ssyncset.done $0x0  }
0xba: {  	[sflag:s1] =	ssyncadd.s32 $0xFFFFF000  }
0xbb: {  	[spmem:s28] =	stream.linear.scatter [tilespmem:s2], [sflag:$0x1], $0x1000, $0x38;
	[tilespmem:$0x14B80] =	vst v63  }
0xbc: {  	_ =	swait.ge [sflag:s1], $0x1000  }
0xbd: {  	[sflag:s1] =	ssyncset.done $0x0  }
0xbe: {  	s0 =	rddreg [dreg:$0x10];
	[sflag:s1] =	ssyncadd.s32 $0xFFFFF000  }
0xbf: {  	[spmem:s0] =	stream.linear.scatter [tilespmem:s2], [sflag:$0x1], $0x1000, $0x38;
	[tilespmem:$0x14B80] =	vst v63  }
0xc0: {  	_ =	swait.ge [sflag:s1], $0x1000  }
0xc1: {  	[sflag:s1] =	ssyncset.done $0x0  }
0xc2: {  	s3 =	rddreg [dreg:$0x11];
	[sflag:s1] =	ssyncadd.s32 $0xFFFFF000  }
0xc3: {  	[spmem:s3] =	stream.linear.scatter [tilespmem:s2], [sflag:$0x1], $0x1000, $0x38;
	[tilespmem:$0x14B80] =	vst v63  }
0xc4: {  	_ =	swait.ge [sflag:s1], $0x1000  }
0xc5: {  	[sflag:s1] =	ssyncset.done $0x0  }
0xc6: {  	[sflag:s1] =	ssyncadd.s32 $0xFFFFF000  }
0xc7: {  	[spmem:s4] =	stream.linear.scatter [tilespmem:s2], [sflag:$0x1], $0x1000, $0x38;
	[tilespmem:$0x14B80] =	vst v63  }
0xc8: {  	_ =	swait.ge [sflag:s1], $0x1000  }
0xc9: {  	[sflag:s1] =	ssyncset.done $0x0  }
0xca: {  	s4 =	rddreg [dreg:$0x13];
	[sflag:s1] =	ssyncadd.s32 $0xFFFFF000  }
0xcb: {  	[spmem:s4] =	stream.linear.scatter [tilespmem:s2], [sflag:$0x1], $0x1000, $0x38;
	[tilespmem:$0x14B80] =	vst v63  }
0xcc: {  	_ =	swait.ge [sflag:s1], $0x1000  }
0xcd: {  	[sflag:s1] =	ssyncset.done $0x0  }
0xce: {  	[sflag:s1] =	ssyncadd.s32 $0xFFFFF000  }
0xcf: {  	[spmem:s6] =	stream.linear.scatter [tilespmem:s2], [sflag:$0x1], $0x1000, $0x38;
	[tilespmem:$0x14B80] =	vst v63  }
0xd0: {  	_ =	swait.ge [sflag:s1], $0x1000  }
0xd1: {  	[sflag:s1] =	ssyncset.done $0x0  }
0xd2: {  	s25 =	rddreg [dreg:$0x15];
	[sflag:s1] =	ssyncadd.s32 $0xFFFFF000  }
0xd3: {  	[spmem:s25] =	stream.linear.scatter [tilespmem:s2], [sflag:$0x1], $0x1000, $0x38;
	[tilespmem:$0x14B80] =	vst v63  }
0xd4: {  	_ =	swait.ge [sflag:s1], $0x1000  }
0xd5: {  	[sflag:s1] =	ssyncset.done $0x0  }
0xd6: {  	s26 =	rddreg [dreg:$0x16];
	[sflag:s1] =	ssyncadd.s32 $0xFFFFF000  }
0xd7: {  	[spmem:s26] =	stream.linear.scatter [tilespmem:s2], [sflag:$0x1], $0x1000, $0x38;
	[tilespmem:$0x14B80] =	vst v63  }
0xd8: {  	_ =	swait.ge [sflag:s1], $0x1000  }
0xd9: {  	[sflag:s1] =	ssyncset.done $0x0  }
0xda: {  	s28 =	rddreg [dreg:$0x17];
	[sflag:s1] =	ssyncadd.s32 $0xFFFFF000  }
0xdb: {  	[spmem:s28] =	stream.linear.scatter [tilespmem:s2], [sflag:$0x1], $0x1000, $0x38;
	[tilespmem:$0x14B80] =	vst v63  }
0xdc: {  	_ =	swait.ge [sflag:s1], $0x1000  }
0xdd: {  	[sflag:s1] =	ssyncset.done $0x0  }
0xde: {  	[sflag:s1] =	ssyncadd.s32 $0xFFFFF000  }
0xdf: {  	s0 =	simm.s32 $0x0;
	s25 =	simm.s32 $0x0;
	[bflag:$0x0] =	sbarrier.arrive $0xFFFF  }
.LBB2_4:
0xe0: {  	s2 =	sshll.u32 s25, $0xA  }
0xe1: {  	s2 =	sadd.s32 s29, s2  }
0xe2: {  	s3 =	sshrl.u32 s2, $0x3  }
0xe3: {  	s6 =	simm.s32 $0xC780;
	s4 =	sadd.s32 s15, s3  }
0xe4: {  	[tilespmem:s6], [sflag:$0x1] =	stream.linear.gather [hbm4b:s4+s0], $0x400, $0x38;
	[tilespmem:$0x14B80] =	vst v63  }
0xe5: {  	_ =	swait.ge [sflag:s1], $0x400  }
0xe6: {  	[sflag:s1] =	ssyncset.done $0x0  }
0xe7: {  	s26 =	simm.s32 $0xCB80;
	s3 =	sadd.s32 s16, s3;
	[sflag:s1] =	ssyncadd.s32 $0xFFFFFC00  }
0xe8: {  	[tilespmem:s26], [sflag:$0x1] =	stream.linear.gather [hbm4b:s3+s0], $0x400, $0x38;
	[tilespmem:$0x14B80] =	vst v63  }
0xe9: {  	_ =	swait.ge [sflag:s1], $0x400  }
0xea: {  	s2 =	sshll.u32 s2, $0x1;
	[sflag:s1] =	ssyncset.done $0x0  }
0xeb: {  	s2 =	sadd.s32 s17, s2;
	s4 =	simm.s32 $0xD380;
	[sflag:s1] =	ssyncadd.s32 $0xFFFFFC00  }
0xec: {  	[tilespmem:s4], [sflag:$0x1] =	stream.linear.gather [hbm4b:s2+s0], $0x4000, $0x38;
	[tilespmem:$0x14B80] =	vst v63  }
0xed: {  	_ =	swait.ge [sflag:s1], $0x4000  }
0xee: {  	[sflag:s1] =	ssyncset.done $0x0  }
0xef: {  	[sflag:s1] =	ssyncadd.s32 $0xFFFFC000  }
0xf0: {  	v2 =	vld [tilespmem:$0xCB80];
	_ =	sdelay $0x7  }
0xf1: {  	v2 =	vld.idx.msk [tilespmem:v2+s9+$0x0], $0xffff  }
0xf2: {  	v3 =	vld [tilespmem:$0xCB90]  }
0xf3: {  	v4 =	vld [tilespmem:$0xC780];
	_ =	sdelay $0x2  }
0xf4: {  	v5 =	vmul.u32 $0x2800, v2;
	_ =	sdelay $0x1  }
0xf5: {  	[tilespmem:$0xCF80] =	vst v2;
	v2 =	vadd.s32 v5, v4  }
0xf6: {  	[tilespmem:$0x11380] =	vst v2  }
0xf7: {  	v2 =	vld.idx.msk [tilespmem:v3+s9+$0x0], $0xffff  }
0xf8: {  	v3 =	vld [tilespmem:$0xCBA0]  }
0xf9: {  	v58 =	vld [tilespmem:$0xC790];
	_ =	sdelay $0x2  }
0xfa: {  	v59 =	vmul.u32 $0x2800, v2;
	_ =	sdelay $0x1  }
0xfb: {  	[tilespmem:$0xCF90] =	vst v2;
	v2 =	vadd.s32 v59, v58  }
0xfc: {  	[tilespmem:$0x11390] =	vst v2  }
0xfd: {  	v2 =	vld.idx.msk [tilespmem:v3+s9+$0x0], $0xffff  }
0xfe: {  	v3 =	vld [tilespmem:$0xCBB0]  }
0xff: {  	v60 =	vld [tilespmem:$0xC7A0];
	_ =	sdelay $0x2  }
0x100: {  	v61 =	vmul.u32 $0x2800, v2;
	_ =	sdelay $0x1  }
0x101: {  	[tilespmem:$0xCFA0] =	vst v2;
	v2 =	vadd.s32 v61, v60  }
0x102: {  	[tilespmem:$0x113A0] =	vst v2  }
0x103: {  	v2 =	vld.idx.msk [tilespmem:v3+s9+$0x0], $0xffff  }
0x104: {  	v3 =	vld [tilespmem:$0xCBC0]  }
0x105: {  	v62 =	vld [tilespmem:$0xC7B0];
	_ =	sdelay $0x2  }
0x106: {  	v63 =	vmul.u32 $0x2800, v2;
	_ =	sdelay $0x1  }
0x107: {  	[tilespmem:$0xCFB0] =	vst v2;
	v2 =	vadd.s32 v63, v62  }
0x108: {  	[tilespmem:$0x113B0] =	vst v2  }
0x109: {  	v2 =	vld.idx.msk [tilespmem:v3+s9+$0x0], $0xffff  }
0x10a: {  	v3 =	vld [tilespmem:$0xCBD0]  }
0x10b: {  	v8 =	vld [tilespmem:$0xC7C0];
	_ =	sdelay $0x2  }
0x10c: {  	v9 =	vmul.u32 $0x2800, v2;
	_ =	sdelay $0x1  }
0x10d: {  	[tilespmem:$0xCFC0] =	vst v2;
	v2 =	vadd.s32 v9, v8  }
0x10e: {  	[tilespmem:$0x113C0] =	vst v2  }
0x10f: {  	v2 =	vld.idx.msk [tilespmem:v3+s9+$0x0], $0xffff  }
0x110: {  	v3 =	vld [tilespmem:$0xCBE0]  }
0x111: {  	v10 =	vld [tilespmem:$0xC7D0];
	_ =	sdelay $0x2  }
0x112: {  	v11 =	vmul.u32 $0x2800, v2;
	_ =	sdelay $0x1  }
0x113: {  	[tilespmem:$0xCFD0] =	vst v2;
	v2 =	vadd.s32 v11, v10  }
0x114: {  	[tilespmem:$0x113D0] =	vst v2  }
0x115: {  	v2 =	vld.idx.msk [tilespmem:v3+s9+$0x0], $0xffff  }
0x116: {  	v3 =	vld [tilespmem:$0xCBF0]  }
0x117: {  	v12 =	vld [tilespmem:$0xC7E0];
	_ =	sdelay $0x2  }
0x118: {  	v13 =	vmul.u32 $0x2800, v2;
	_ =	sdelay $0x1  }
0x119: {  	[tilespmem:$0xCFE0] =	vst v2;
	v2 =	vadd.s32 v13, v12  }
0x11a: {  	[tilespmem:$0x113E0] =	vst v2  }
0x11b: {  	v2 =	vld.idx.msk [tilespmem:v3+s9+$0x0], $0xffff;
	_ =	sdelay $0x1  }
0x11c: {  	v3 =	vld [tilespmem:$0xC7F0];
	_ =	sdelay $0x2  }
0x11d: {  	v14 =	vmul.u32 $0x2800, v2;
	_ =	sdelay $0x1  }
0x11e: {  	[tilespmem:$0xCFF0] =	vst v2;
	v2 =	vadd.s32 v14, v3  }
0x11f: {  	s6 =	simm.s32 $0x11380;
	[tilespmem:$0x113F0] =	vst v2  }
0x120: {  	[spmem:s13] =	stream.indirect.scatter.add.f32 [tilespmem:s7], [sflag:$0x1], $0x1, s6, s5, $0xb8;
	[tilespmem:$0x14B80] =	vst v63  }
0x121: {  	_ =	swait.ge [sflag:s1], $0x80  }
0x122: {  	[sflag:s1] =	ssyncset.done $0x0  }
0x123: {  	[sflag:s1] =	ssyncadd.s32 $0xFFFFFF80  }
0x124: {  	v2 =	vld [tilespmem:$0xCC00];
	_ =	sdelay $0x7  }
0x125: {  	v2 =	vld.idx.msk [tilespmem:v2+s9+$0x0], $0xffff  }
0x126: {  	v3 =	vld [tilespmem:$0xCC10]  }
0x127: {  	v15 =	vld [tilespmem:$0xC800];
	_ =	sdelay $0x2  }
0x128: {  	v16 =	vmul.u32 $0x2800, v2;
	_ =	sdelay $0x1  }
0x129: {  	[tilespmem:$0xD000] =	vst v2;
	v2 =	vadd.s32 v16, v15  }
0x12a: {  	[tilespmem:$0x11400] =	vst v2  }
0x12b: {  	v2 =	vld.idx.msk [tilespmem:v3+s9+$0x0], $0xffff  }
0x12c: {  	v3 =	vld [tilespmem:$0xCC20]  }
0x12d: {  	v17 =	vld [tilespmem:$0xC810];
	_ =	sdelay $0x2  }
0x12e: {  	v18 =	vmul.u32 $0x2800, v2;
	_ =	sdelay $0x1  }
0x12f: {  	[tilespmem:$0xD010] =	vst v2;
	v2 =	vadd.s32 v18, v17  }
0x130: {  	[tilespmem:$0x11410] =	vst v2  }
0x131: {  	v2 =	vld.idx.msk [tilespmem:v3+s9+$0x0], $0xffff  }
0x132: {  	v3 =	vld [tilespmem:$0xCC30]  }
0x133: {  	v19 =	vld [tilespmem:$0xC820];
	_ =	sdelay $0x2  }
0x134: {  	v20 =	vmul.u32 $0x2800, v2;
	_ =	sdelay $0x1  }
0x135: {  	[tilespmem:$0xD020] =	vst v2;
	v2 =	vadd.s32 v20, v19  }
0x136: {  	[tilespmem:$0x11420] =	vst v2  }
0x137: {  	v2 =	vld.idx.msk [tilespmem:v3+s9+$0x0], $0xffff  }
0x138: {  	v3 =	vld [tilespmem:$0xCC40]  }
0x139: {  	v21 =	vld [tilespmem:$0xC830];
	_ =	sdelay $0x2  }
0x13a: {  	v22 =	vmul.u32 $0x2800, v2;
	_ =	sdelay $0x1  }
0x13b: {  	[tilespmem:$0xD030] =	vst v2;
	v2 =	vadd.s32 v22, v21  }
0x13c: {  	[tilespmem:$0x11430] =	vst v2  }
0x13d: {  	v2 =	vld.idx.msk [tilespmem:v3+s9+$0x0], $0xffff  }
0x13e: {  	v3 =	vld [tilespmem:$0xCC50]  }
0x13f: {  	v23 =	vld [tilespmem:$0xC840];
	_ =	sdelay $0x2  }
0x140: {  	v24 =	vmul.u32 $0x2800, v2;
	_ =	sdelay $0x1  }
0x141: {  	[tilespmem:$0xD040] =	vst v2;
	v2 =	vadd.s32 v24, v23  }
0x142: {  	[tilespmem:$0x11440] =	vst v2  }
0x143: {  	v2 =	vld.idx.msk [tilespmem:v3+s9+$0x0], $0xffff  }
0x144: {  	v3 =	vld [tilespmem:$0xCC60]  }
0x145: {  	v25 =	vld [tilespmem:$0xC850];
	_ =	sdelay $0x2  }
0x146: {  	v26 =	vmul.u32 $0x2800, v2;
	_ =	sdelay $0x1  }
0x147: {  	[tilespmem:$0xD050] =	vst v2;
	v2 =	vadd.s32 v26, v25  }
0x148: {  	[tilespmem:$0x11450] =	vst v2  }
0x149: {  	v2 =	vld.idx.msk [tilespmem:v3+s9+$0x0], $0xffff  }
0x14a: {  	v3 =	vld [tilespmem:$0xCC70]  }
0x14b: {  	v27 =	vld [tilespmem:$0xC860];
	_ =	sdelay $0x2  }
0x14c: {  	v28 =	vmul.u32 $0x2800, v2;
	_ =	sdelay $0x1  }
0x14d: {  	[tilespmem:$0xD060] =	vst v2;
	v2 =	vadd.s32 v28, v27  }
0x14e: {  	[tilespmem:$0x11460] =	vst v2  }
0x14f: {  	v2 =	vld.idx.msk [tilespmem:v3+s9+$0x0], $0xffff;
	_ =	sdelay $0x1  }
0x150: {  	v3 =	vld [tilespmem:$0xC870];
	_ =	sdelay $0x2  }
0x151: {  	v29 =	vmul.u32 $0x2800, v2;
	_ =	sdelay $0x1  }
0x152: {  	[tilespmem:$0xD070] =	vst v2;
	v2 =	vadd.s32 v29, v3  }
0x153: {  	[tilespmem:$0x11470] =	vst v2  }
0x154: {  	[spmem:s13] =	stream.indirect.scatter.add.f32 [tilespmem:s10], [sflag:$0x1], $0x1, s8, s5, $0xb8;
	[tilespmem:$0x14B80] =	vst v63  }
0x155: {  	_ =	swait.ge [sflag:s1], $0x80  }
0x156: {  	[sflag:s1] =	ssyncset.done $0x0  }
0x157: {  	[sflag:s1] =	ssyncadd.s32 $0xFFFFFF80  }
0x158: {  	v2 =	vld [tilespmem:$0xCC80];
	_ =	sdelay $0x7  }
0x159: {  	v2 =	vld.idx.msk [tilespmem:v2+s9+$0x0], $0xffff  }
0x15a: {  	v3 =	vld [tilespmem:$0xCC90]  }
0x15b: {  	v30 =	vld [tilespmem:$0xC880];
	_ =	sdelay $0x2  }
0x15c: {  	v31 =	vmul.u32 $0x2800, v2;
	_ =	sdelay $0x1  }
0x15d: {  	[tilespmem:$0xD080] =	vst v2;
	v2 =	vadd.s32 v31, v30  }
0x15e: {  	[tilespmem:$0x11480] =	vst v2  }
0x15f: {  	v2 =	vld.idx.msk [tilespmem:v3+s9+$0x0], $0xffff  }
0x160: {  	v3 =	vld [tilespmem:$0xCCA0]  }
0x161: {  	v32 =	vld [tilespmem:$0xC890];
	_ =	sdelay $0x2  }
0x162: {  	v33 =	vmul.u32 $0x2800, v2;
	_ =	sdelay $0x1  }
0x163: {  	[tilespmem:$0xD090] =	vst v2;
	v2 =	vadd.s32 v33, v32  }
0x164: {  	[tilespmem:$0x11490] =	vst v2  }
0x165: {  	v2 =	vld.idx.msk [tilespmem:v3+s9+$0x0], $0xffff  }
0x166: {  	v3 =	vld [tilespmem:$0xCCB0]  }
0x167: {  	v34 =	vld [tilespmem:$0xC8A0];
	_ =	sdelay $0x2  }
0x168: {  	v35 =	vmul.u32 $0x2800, v2;
	_ =	sdelay $0x1  }
0x169: {  	[tilespmem:$0xD0A0] =	vst v2;
	v2 =	vadd.s32 v35, v34  }
0x16a: {  	[tilespmem:$0x114A0] =	vst v2  }
0x16b: {  	v2 =	vld.idx.msk [tilespmem:v3+s9+$0x0], $0xffff  }
0x16c: {  	v3 =	vld [tilespmem:$0xCCC0]  }
0x16d: {  	v36 =	vld [tilespmem:$0xC8B0];
	_ =	sdelay $0x2  }
0x16e: {  	v37 =	vmul.u32 $0x2800, v2;
	_ =	sdelay $0x1  }
0x16f: {  	[tilespmem:$0xD0B0] =	vst v2;
	v2 =	vadd.s32 v37, v36  }
0x170: {  	[tilespmem:$0x114B0] =	vst v2  }
0x171: {  	v2 =	vld.idx.msk [tilespmem:v3+s9+$0x0], $0xffff  }
0x172: {  	v3 =	vld [tilespmem:$0xCCD0]  }
0x173: {  	v38 =	vld [tilespmem:$0xC8C0];
	_ =	sdelay $0x2  }
0x174: {  	v39 =	vmul.u32 $0x2800, v2;
	_ =	sdelay $0x1  }
0x175: {  	[tilespmem:$0xD0C0] =	vst v2;
	v2 =	vadd.s32 v39, v38  }
0x176: {  	[tilespmem:$0x114C0] =	vst v2  }
0x177: {  	v2 =	vld.idx.msk [tilespmem:v3+s9+$0x0], $0xffff  }
0x178: {  	v3 =	vld [tilespmem:$0xCCE0]  }
0x179: {  	v40 =	vld [tilespmem:$0xC8D0];
	_ =	sdelay $0x2  }
0x17a: {  	v41 =	vmul.u32 $0x2800, v2;
	_ =	sdelay $0x1  }
0x17b: {  	[tilespmem:$0xD0D0] =	vst v2;
	v2 =	vadd.s32 v41, v40  }
0x17c: {  	[tilespmem:$0x114D0] =	vst v2  }
0x17d: {  	v2 =	vld.idx.msk [tilespmem:v3+s9+$0x0], $0xffff  }
0x17e: {  	v3 =	vld [tilespmem:$0xCCF0]  }
0x17f: {  	v42 =	vld [tilespmem:$0xC8E0];
	_ =	sdelay $0x2  }
0x180: {  	v43 =	vmul.u32 $0x2800, v2;
	_ =	sdelay $0x1  }
0x181: {  	[tilespmem:$0xD0E0] =	vst v2;
	v2 =	vadd.s32 v43, v42  }
0x182: {  	[tilespmem:$0x114E0] =	vst v2  }
0x183: {  	v2 =	vld.idx.msk [tilespmem:v3+s9+$0x0], $0xffff;
	_ =	sdelay $0x1  }
0x184: {  	v3 =	vld [tilespmem:$0xC8F0];
	_ =	sdelay $0x2  }
0x185: {  	v44 =	vmul.u32 $0x2800, v2;
	_ =	sdelay $0x1  }
0x186: {  	[tilespmem:$0xD0F0] =	vst v2;
	v2 =	vadd.s32 v44, v3  }
0x187: {  	[tilespmem:$0x114F0] =	vst v2  }
0x188: {  	[spmem:s13] =	stream.indirect.scatter.add.f32 [tilespmem:s12], [sflag:$0x1], $0x1, s11, s5, $0xb8;
	[tilespmem:$0x14B80] =	vst v63  }
0x189: {  	_ =	swait.ge [sflag:s1], $0x80  }
0x18a: {  	[sflag:s1] =	ssyncset.done $0x0  }
0x18b: {  	[sflag:s1] =	ssyncadd.s32 $0xFFFFFF80  }
0x18c: {  	v2 =	vld [tilespmem:$0xCD00];
	_ =	sdelay $0x7  }
0x18d: {  	v2 =	vld.idx.msk [tilespmem:v2+s9+$0x0], $0xffff  }
0x18e: {  	v3 =	vld [tilespmem:$0xCD10]  }
0x18f: {  	v45 =	vld [tilespmem:$0xC900];
	_ =	sdelay $0x2  }
0x190: {  	v46 =	vmul.u32 $0x2800, v2;
	_ =	sdelay $0x1  }
0x191: {  	[tilespmem:$0xD100] =	vst v2;
	v2 =	vadd.s32 v46, v45  }
0x192: {  	[tilespmem:$0x11500] =	vst v2  }
0x193: {  	v2 =	vld.idx.msk [tilespmem:v3+s9+$0x0], $0xffff  }
0x194: {  	v3 =	vld [tilespmem:$0xCD20]  }
0x195: {  	v47 =	vld [tilespmem:$0xC910];
	_ =	sdelay $0x2  }
0x196: {  	v48 =	vmul.u32 $0x2800, v2;
	_ =	sdelay $0x1  }
0x197: {  	[tilespmem:$0xD110] =	vst v2;
	v2 =	vadd.s32 v48, v47  }
0x198: {  	[tilespmem:$0x11510] =	vst v2  }
0x199: {  	v2 =	vld.idx.msk [tilespmem:v3+s9+$0x0], $0xffff  }
0x19a: {  	v3 =	vld [tilespmem:$0xCD30]  }
0x19b: {  	v49 =	vld [tilespmem:$0xC920];
	_ =	sdelay $0x2  }
0x19c: {  	v50 =	vmul.u32 $0x2800, v2;
	_ =	sdelay $0x1  }
0x19d: {  	[tilespmem:$0xD120] =	vst v2;
	v2 =	vadd.s32 v50, v49  }
0x19e: {  	[tilespmem:$0x11520] =	vst v2  }
0x19f: {  	v2 =	vld.idx.msk [tilespmem:v3+s9+$0x0], $0xffff  }
0x1a0: {  	v3 =	vld [tilespmem:$0xCD40]  }
0x1a1: {  	v51 =	vld [tilespmem:$0xC930];
	_ =	sdelay $0x2  }
0x1a2: {  	v52 =	vmul.u32 $0x2800, v2;
	_ =	sdelay $0x1  }
0x1a3: {  	[tilespmem:$0xD130] =	vst v2;
	v2 =	vadd.s32 v52, v51  }
0x1a4: {  	[tilespmem:$0x11530] =	vst v2  }
0x1a5: {  	v2 =	vld.idx.msk [tilespmem:v3+s9+$0x0], $0xffff  }
0x1a6: {  	v3 =	vld [tilespmem:$0xCD50]  }
0x1a7: {  	v53 =	vld [tilespmem:$0xC940];
	_ =	sdelay $0x2  }
0x1a8: {  	v54 =	vmul.u32 $0x2800, v2;
	_ =	sdelay $0x1  }
0x1a9: {  	[tilespmem:$0xD140] =	vst v2;
	v2 =	vadd.s32 v54, v53  }
0x1aa: {  	[tilespmem:$0x11540] =	vst v2  }
0x1ab: {  	v2 =	vld.idx.msk [tilespmem:v3+s9+$0x0], $0xffff  }
0x1ac: {  	v3 =	vld [tilespmem:$0xCD60]  }
0x1ad: {  	v55 =	vld [tilespmem:$0xC950];
	_ =	sdelay $0x2  }
0x1ae: {  	v56 =	vmul.u32 $0x2800, v2;
	_ =	sdelay $0x1  }
0x1af: {  	[tilespmem:$0xD150] =	vst v2;
	v2 =	vadd.s32 v56, v55  }
0x1b0: {  	[tilespmem:$0x11550] =	vst v2  }
0x1b1: {  	v2 =	vld.idx.msk [tilespmem:v3+s9+$0x0], $0xffff  }
0x1b2: {  	v3 =	vld [tilespmem:$0xCD70]  }
0x1b3: {  	v57 =	vld [tilespmem:$0xC960];
	_ =	sdelay $0x2  }
0x1b4: {  	v58 =	vmul.u32 $0x2800, v2;
	_ =	sdelay $0x1  }
0x1b5: {  	[tilespmem:$0xD160] =	vst v2;
	v2 =	vadd.s32 v58, v57  }
0x1b6: {  	[tilespmem:$0x11560] =	vst v2  }
0x1b7: {  	v2 =	vld.idx.msk [tilespmem:v3+s9+$0x0], $0xffff;
	_ =	sdelay $0x1  }
0x1b8: {  	v3 =	vld [tilespmem:$0xC970];
	_ =	sdelay $0x2  }
0x1b9: {  	v59 =	vmul.u32 $0x2800, v2;
	_ =	sdelay $0x1  }
0x1ba: {  	[tilespmem:$0xD170] =	vst v2;
	v2 =	vadd.s32 v59, v3  }
0x1bb: {  	[tilespmem:$0x11570] =	vst v2  }
0x1bc: {  	[spmem:s13] =	stream.indirect.scatter.add.f32 [tilespmem:s30], [sflag:$0x1], $0x1, s14, s5, $0xb8;
	[tilespmem:$0x14B80] =	vst v63  }
0x1bd: {  	_ =	swait.ge [sflag:s1], $0x80  }
0x1be: {  	[sflag:s1] =	ssyncset.done $0x0  }
0x1bf: {  	[sflag:s1] =	ssyncadd.s32 $0xFFFFFF80  }
0x1c0: {  	v2 =	vld [tilespmem:$0xCD80];
	_ =	sdelay $0x7  }
0x1c1: {  	v2 =	vld.idx.msk [tilespmem:v2+s9+$0x0], $0xffff  }
0x1c2: {  	v3 =	vld [tilespmem:$0xCD90]  }
0x1c3: {  	v60 =	vld [tilespmem:$0xC980];
	_ =	sdelay $0x2  }
0x1c4: {  	v61 =	vmul.u32 $0x2800, v2;
	_ =	sdelay $0x1  }
0x1c5: {  	[tilespmem:$0xD180] =	vst v2;
	v2 =	vadd.s32 v61, v60  }
0x1c6: {  	[tilespmem:$0x11580] =	vst v2  }
0x1c7: {  	v2 =	vld.idx.msk [tilespmem:v3+s9+$0x0], $0xffff  }
0x1c8: {  	v3 =	vld [tilespmem:$0xCDA0]  }
0x1c9: {  	v62 =	vld [tilespmem:$0xC990];
	_ =	sdelay $0x2  }
0x1ca: {  	v63 =	vmul.u32 $0x2800, v2;
	_ =	sdelay $0x1  }
0x1cb: {  	[tilespmem:$0xD190] =	vst v2;
	v2 =	vadd.s32 v63, v62  }
0x1cc: {  	[tilespmem:$0x11590] =	vst v2  }
0x1cd: {  	v2 =	vld.idx.msk [tilespmem:v3+s9+$0x0], $0xffff  }
0x1ce: {  	v3 =	vld [tilespmem:$0xCDB0]  }
0x1cf: {  	v8 =	vld [tilespmem:$0xC9A0];
	_ =	sdelay $0x2  }
0x1d0: {  	v9 =	vmul.u32 $0x2800, v2;
	_ =	sdelay $0x1  }
0x1d1: {  	[tilespmem:$0xD1A0] =	vst v2;
	v2 =	vadd.s32 v9, v8  }
0x1d2: {  	[tilespmem:$0x115A0] =	vst v2  }
0x1d3: {  	v2 =	vld.idx.msk [tilespmem:v3+s9+$0x0], $0xffff  }
0x1d4: {  	v3 =	vld [tilespmem:$0xCDC0]  }
0x1d5: {  	v10 =	vld [tilespmem:$0xC9B0];
	_ =	sdelay $0x2  }
0x1d6: {  	v11 =	vmul.u32 $0x2800, v2;
	_ =	sdelay $0x1  }
0x1d7: {  	[tilespmem:$0xD1B0] =	vst v2;
	v2 =	vadd.s32 v11, v10  }
0x1d8: {  	[tilespmem:$0x115B0] =	vst v2  }
0x1d9: {  	v2 =	vld.idx.msk [tilespmem:v3+s9+$0x0], $0xffff  }
0x1da: {  	v3 =	vld [tilespmem:$0xCDD0]  }
0x1db: {  	v12 =	vld [tilespmem:$0xC9C0];
	_ =	sdelay $0x2  }
0x1dc: {  	v13 =	vmul.u32 $0x2800, v2;
	_ =	sdelay $0x1  }
0x1dd: {  	[tilespmem:$0xD1C0] =	vst v2;
	v2 =	vadd.s32 v13, v12  }
0x1de: {  	[tilespmem:$0x115C0] =	vst v2  }
0x1df: {  	v2 =	vld.idx.msk [tilespmem:v3+s9+$0x0], $0xffff  }
0x1e0: {  	v3 =	vld [tilespmem:$0xCDE0]  }
0x1e1: {  	v14 =	vld [tilespmem:$0xC9D0];
	_ =	sdelay $0x2  }
0x1e2: {  	v15 =	vmul.u32 $0x2800, v2;
	_ =	sdelay $0x1  }
0x1e3: {  	[tilespmem:$0xD1D0] =	vst v2;
	v2 =	vadd.s32 v15, v14  }
0x1e4: {  	[tilespmem:$0x115D0] =	vst v2  }
0x1e5: {  	v2 =	vld.idx.msk [tilespmem:v3+s9+$0x0], $0xffff  }
0x1e6: {  	v3 =	vld [tilespmem:$0xCDF0]  }
0x1e7: {  	v16 =	vld [tilespmem:$0xC9E0];
	_ =	sdelay $0x2  }
0x1e8: {  	v17 =	vmul.u32 $0x2800, v2;
	_ =	sdelay $0x1  }
0x1e9: {  	[tilespmem:$0xD1E0] =	vst v2;
	v2 =	vadd.s32 v17, v16  }
0x1ea: {  	[tilespmem:$0x115E0] =	vst v2  }
0x1eb: {  	v2 =	vld.idx.msk [tilespmem:v3+s9+$0x0], $0xffff;
	_ =	sdelay $0x1  }
0x1ec: {  	v3 =	vld [tilespmem:$0xC9F0];
	_ =	sdelay $0x2  }
0x1ed: {  	v18 =	vmul.u32 $0x2800, v2;
	_ =	sdelay $0x1  }
0x1ee: {  	[tilespmem:$0xD1F0] =	vst v2;
	v2 =	vadd.s32 v18, v3  }
0x1ef: {  	[tilespmem:$0x115F0] =	vst v2  }
0x1f0: {  	[spmem:s13] =	stream.indirect.scatter.add.f32 [tilespmem:s18], [sflag:$0x1], $0x1, s31, s5, $0xb8;
	[tilespmem:$0x14B80] =	vst v63  }
0x1f1: {  	_ =	swait.ge [sflag:s1], $0x80  }
0x1f2: {  	[sflag:s1] =	ssyncset.done $0x0  }
0x1f3: {  	[sflag:s1] =	ssyncadd.s32 $0xFFFFFF80  }
0x1f4: {  	v2 =	vld [tilespmem:$0xCE00];
	_ =	sdelay $0x7  }
0x1f5: {  	v2 =	vld.idx.msk [tilespmem:v2+s9+$0x0], $0xffff  }
0x1f6: {  	v3 =	vld [tilespmem:$0xCE10]  }
0x1f7: {  	v19 =	vld [tilespmem:$0xCA00];
	_ =	sdelay $0x2  }
0x1f8: {  	v20 =	vmul.u32 $0x2800, v2;
	_ =	sdelay $0x1  }
0x1f9: {  	[tilespmem:$0xD200] =	vst v2;
	v2 =	vadd.s32 v20, v19  }
0x1fa: {  	[tilespmem:$0x11600] =	vst v2  }
0x1fb: {  	v2 =	vld.idx.msk [tilespmem:v3+s9+$0x0], $0xffff  }
0x1fc: {  	v3 =	vld [tilespmem:$0xCE20]  }
0x1fd: {  	v21 =	vld [tilespmem:$0xCA10];
	_ =	sdelay $0x2  }
0x1fe: {  	v22 =	vmul.u32 $0x2800, v2;
	_ =	sdelay $0x1  }
0x1ff: {  	[tilespmem:$0xD210] =	vst v2;
	v2 =	vadd.s32 v22, v21  }
0x200: {  	[tilespmem:$0x11610] =	vst v2  }
0x201: {  	v2 =	vld.idx.msk [tilespmem:v3+s9+$0x0], $0xffff  }
0x202: {  	v3 =	vld [tilespmem:$0xCE30]  }
0x203: {  	v23 =	vld [tilespmem:$0xCA20];
	_ =	sdelay $0x2  }
0x204: {  	v24 =	vmul.u32 $0x2800, v2;
	_ =	sdelay $0x1  }
0x205: {  	[tilespmem:$0xD220] =	vst v2;
	v2 =	vadd.s32 v24, v23  }
0x206: {  	[tilespmem:$0x11620] =	vst v2  }
0x207: {  	v2 =	vld.idx.msk [tilespmem:v3+s9+$0x0], $0xffff  }
0x208: {  	v3 =	vld [tilespmem:$0xCE40]  }
0x209: {  	v25 =	vld [tilespmem:$0xCA30];
	_ =	sdelay $0x2  }
0x20a: {  	v26 =	vmul.u32 $0x2800, v2;
	_ =	sdelay $0x1  }
0x20b: {  	[tilespmem:$0xD230] =	vst v2;
	v2 =	vadd.s32 v26, v25  }
0x20c: {  	[tilespmem:$0x11630] =	vst v2  }
0x20d: {  	v2 =	vld.idx.msk [tilespmem:v3+s9+$0x0], $0xffff  }
0x20e: {  	v3 =	vld [tilespmem:$0xCE50]  }
0x20f: {  	v27 =	vld [tilespmem:$0xCA40];
	_ =	sdelay $0x2  }
0x210: {  	v28 =	vmul.u32 $0x2800, v2;
	_ =	sdelay $0x1  }
0x211: {  	[tilespmem:$0xD240] =	vst v2;
	v2 =	vadd.s32 v28, v27  }
0x212: {  	[tilespmem:$0x11640] =	vst v2  }
0x213: {  	v2 =	vld.idx.msk [tilespmem:v3+s9+$0x0], $0xffff  }
0x214: {  	v3 =	vld [tilespmem:$0xCE60]  }
0x215: {  	v29 =	vld [tilespmem:$0xCA50];
	_ =	sdelay $0x2  }
0x216: {  	v30 =	vmul.u32 $0x2800, v2;
	_ =	sdelay $0x1  }
0x217: {  	[tilespmem:$0xD250] =	vst v2;
	v2 =	vadd.s32 v30, v29  }
0x218: {  	[tilespmem:$0x11650] =	vst v2  }
0x219: {  	v2 =	vld.idx.msk [tilespmem:v3+s9+$0x0], $0xffff  }
0x21a: {  	v3 =	vld [tilespmem:$0xCE70]  }
0x21b: {  	v31 =	vld [tilespmem:$0xCA60];
	_ =	sdelay $0x2  }
0x21c: {  	v32 =	vmul.u32 $0x2800, v2;
	_ =	sdelay $0x1  }
0x21d: {  	[tilespmem:$0xD260] =	vst v2;
	v2 =	vadd.s32 v32, v31  }
0x21e: {  	[tilespmem:$0x11660] =	vst v2  }
0x21f: {  	v2 =	vld.idx.msk [tilespmem:v3+s9+$0x0], $0xffff;
	_ =	sdelay $0x1  }
0x220: {  	v3 =	vld [tilespmem:$0xCA70];
	_ =	sdelay $0x2  }
0x221: {  	v33 =	vmul.u32 $0x2800, v2;
	_ =	sdelay $0x1  }
0x222: {  	[tilespmem:$0xD270] =	vst v2;
	v2 =	vadd.s32 v33, v3  }
0x223: {  	[tilespmem:$0x11670] =	vst v2  }
0x224: {  	[spmem:s13] =	stream.indirect.scatter.add.f32 [tilespmem:s20], [sflag:$0x1], $0x1, s19, s5, $0xb8;
	[tilespmem:$0x14B80] =	vst v63  }
0x225: {  	_ =	swait.ge [sflag:s1], $0x80  }
0x226: {  	[sflag:s1] =	ssyncset.done $0x0  }
0x227: {  	[sflag:s1] =	ssyncadd.s32 $0xFFFFFF80  }
0x228: {  	v2 =	vld [tilespmem:$0xCE80];
	_ =	sdelay $0x7  }
0x229: {  	v2 =	vld.idx.msk [tilespmem:v2+s9+$0x0], $0xffff  }
0x22a: {  	v3 =	vld [tilespmem:$0xCE90]  }
0x22b: {  	v34 =	vld [tilespmem:$0xCA80];
	_ =	sdelay $0x2  }
0x22c: {  	v35 =	vmul.u32 $0x2800, v2;
	_ =	sdelay $0x1  }
0x22d: {  	[tilespmem:$0xD280] =	vst v2;
	v2 =	vadd.s32 v35, v34  }
0x22e: {  	[tilespmem:$0x11680] =	vst v2  }
0x22f: {  	v2 =	vld.idx.msk [tilespmem:v3+s9+$0x0], $0xffff  }
0x230: {  	v3 =	vld [tilespmem:$0xCEA0]  }
0x231: {  	v36 =	vld [tilespmem:$0xCA90];
	_ =	sdelay $0x2  }
0x232: {  	v37 =	vmul.u32 $0x2800, v2;
	_ =	sdelay $0x1  }
0x233: {  	[tilespmem:$0xD290] =	vst v2;
	v2 =	vadd.s32 v37, v36  }
0x234: {  	[tilespmem:$0x11690] =	vst v2  }
0x235: {  	v2 =	vld.idx.msk [tilespmem:v3+s9+$0x0], $0xffff  }
0x236: {  	v3 =	vld [tilespmem:$0xCEB0]  }
0x237: {  	v38 =	vld [tilespmem:$0xCAA0];
	_ =	sdelay $0x2  }
0x238: {  	v39 =	vmul.u32 $0x2800, v2;
	_ =	sdelay $0x1  }
0x239: {  	[tilespmem:$0xD2A0] =	vst v2;
	v2 =	vadd.s32 v39, v38  }
0x23a: {  	[tilespmem:$0x116A0] =	vst v2  }
0x23b: {  	v2 =	vld.idx.msk [tilespmem:v3+s9+$0x0], $0xffff  }
0x23c: {  	v3 =	vld [tilespmem:$0xCEC0]  }
0x23d: {  	v40 =	vld [tilespmem:$0xCAB0];
	_ =	sdelay $0x2  }
0x23e: {  	v41 =	vmul.u32 $0x2800, v2;
	_ =	sdelay $0x1  }
0x23f: {  	[tilespmem:$0xD2B0] =	vst v2;
	v2 =	vadd.s32 v41, v40  }
0x240: {  	[tilespmem:$0x116B0] =	vst v2  }
0x241: {  	v2 =	vld.idx.msk [tilespmem:v3+s9+$0x0], $0xffff  }
0x242: {  	v3 =	vld [tilespmem:$0xCED0]  }
0x243: {  	v42 =	vld [tilespmem:$0xCAC0];
	_ =	sdelay $0x2  }
0x244: {  	v43 =	vmul.u32 $0x2800, v2;
	_ =	sdelay $0x1  }
0x245: {  	[tilespmem:$0xD2C0] =	vst v2;
	v2 =	vadd.s32 v43, v42  }
0x246: {  	[tilespmem:$0x116C0] =	vst v2  }
0x247: {  	v2 =	vld.idx.msk [tilespmem:v3+s9+$0x0], $0xffff  }
0x248: {  	v3 =	vld [tilespmem:$0xCEE0]  }
0x249: {  	v44 =	vld [tilespmem:$0xCAD0];
	_ =	sdelay $0x2  }
0x24a: {  	v45 =	vmul.u32 $0x2800, v2;
	_ =	sdelay $0x1  }
0x24b: {  	[tilespmem:$0xD2D0] =	vst v2;
	v2 =	vadd.s32 v45, v44  }
0x24c: {  	[tilespmem:$0x116D0] =	vst v2  }
0x24d: {  	v2 =	vld.idx.msk [tilespmem:v3+s9+$0x0], $0xffff  }
0x24e: {  	v3 =	vld [tilespmem:$0xCEF0]  }
0x24f: {  	v46 =	vld [tilespmem:$0xCAE0];
	_ =	sdelay $0x2  }
0x250: {  	v47 =	vmul.u32 $0x2800, v2;
	_ =	sdelay $0x1  }
0x251: {  	[tilespmem:$0xD2E0] =	vst v2;
	v2 =	vadd.s32 v47, v46  }
0x252: {  	[tilespmem:$0x116E0] =	vst v2  }
0x253: {  	v2 =	vld.idx.msk [tilespmem:v3+s9+$0x0], $0xffff;
	_ =	sdelay $0x1  }
0x254: {  	v3 =	vld [tilespmem:$0xCAF0];
	_ =	sdelay $0x2  }
0x255: {  	v48 =	vmul.u32 $0x2800, v2;
	_ =	sdelay $0x1  }
0x256: {  	[tilespmem:$0xD2F0] =	vst v2;
	v2 =	vadd.s32 v48, v3  }
0x257: {  	[tilespmem:$0x116F0] =	vst v2  }
0x258: {  	[spmem:s13] =	stream.indirect.scatter.add.f32 [tilespmem:s22], [sflag:$0x1], $0x1, s21, s5, $0xb8;
	[tilespmem:$0x14B80] =	vst v63  }
0x259: {  	_ =	swait.ge [sflag:s1], $0x80  }
0x25a: {  	[sflag:s1] =	ssyncset.done $0x0  }
0x25b: {  	[sflag:s1] =	ssyncadd.s32 $0xFFFFFF80  }
0x25c: {  	v2 =	vld [tilespmem:$0xCF00];
	_ =	sdelay $0x7  }
0x25d: {  	v2 =	vld.idx.msk [tilespmem:v2+s9+$0x0], $0xffff  }
0x25e: {  	v3 =	vld [tilespmem:$0xCF10]  }
0x25f: {  	v49 =	vld [tilespmem:$0xCB00];
	_ =	sdelay $0x2  }
0x260: {  	v50 =	vmul.u32 $0x2800, v2;
	_ =	sdelay $0x1  }
0x261: {  	[tilespmem:$0xD300] =	vst v2;
	v2 =	vadd.s32 v50, v49  }
0x262: {  	[tilespmem:$0x11700] =	vst v2  }
0x263: {  	v2 =	vld.idx.msk [tilespmem:v3+s9+$0x0], $0xffff  }
0x264: {  	v3 =	vld [tilespmem:$0xCF20]  }
0x265: {  	v51 =	vld [tilespmem:$0xCB10];
	_ =	sdelay $0x2  }
0x266: {  	v52 =	vmul.u32 $0x2800, v2;
	_ =	sdelay $0x1  }
0x267: {  	[tilespmem:$0xD310] =	vst v2;
	v2 =	vadd.s32 v52, v51  }
0x268: {  	[tilespmem:$0x11710] =	vst v2  }
0x269: {  	v2 =	vld.idx.msk [tilespmem:v3+s9+$0x0], $0xffff  }
0x26a: {  	v3 =	vld [tilespmem:$0xCF30]  }
0x26b: {  	v53 =	vld [tilespmem:$0xCB20];
	_ =	sdelay $0x2  }
0x26c: {  	v54 =	vmul.u32 $0x2800, v2;
	_ =	sdelay $0x1  }
0x26d: {  	[tilespmem:$0xD320] =	vst v2;
	v2 =	vadd.s32 v54, v53  }
0x26e: {  	[tilespmem:$0x11720] =	vst v2  }
0x26f: {  	v2 =	vld.idx.msk [tilespmem:v3+s9+$0x0], $0xffff  }
0x270: {  	v3 =	vld [tilespmem:$0xCF40]  }
0x271: {  	v55 =	vld [tilespmem:$0xCB30];
	_ =	sdelay $0x2  }
0x272: {  	v56 =	vmul.u32 $0x2800, v2;
	_ =	sdelay $0x1  }
0x273: {  	[tilespmem:$0xD330] =	vst v2;
	v2 =	vadd.s32 v56, v55  }
0x274: {  	[tilespmem:$0x11730] =	vst v2  }
0x275: {  	v2 =	vld.idx.msk [tilespmem:v3+s9+$0x0], $0xffff  }
0x276: {  	v3 =	vld [tilespmem:$0xCF50]  }
0x277: {  	v57 =	vld [tilespmem:$0xCB40];
	_ =	sdelay $0x2  }
0x278: {  	v58 =	vmul.u32 $0x2800, v2;
	_ =	sdelay $0x1  }
0x279: {  	[tilespmem:$0xD340] =	vst v2;
	v2 =	vadd.s32 v58, v57  }
0x27a: {  	[tilespmem:$0x11740] =	vst v2  }
0x27b: {  	v2 =	vld.idx.msk [tilespmem:v3+s9+$0x0], $0xffff  }
0x27c: {  	v3 =	vld [tilespmem:$0xCF60]  }
0x27d: {  	v59 =	vld [tilespmem:$0xCB50];
	_ =	sdelay $0x2  }
0x27e: {  	v60 =	vmul.u32 $0x2800, v2;
	_ =	sdelay $0x1  }
0x27f: {  	[tilespmem:$0xD350] =	vst v2;
	v2 =	vadd.s32 v60, v59  }
0x280: {  	[tilespmem:$0x11750] =	vst v2  }
0x281: {  	v2 =	vld.idx.msk [tilespmem:v3+s9+$0x0], $0xffff  }
0x282: {  	v3 =	vld [tilespmem:$0xCF70]  }
0x283: {  	v61 =	vld [tilespmem:$0xCB60];
	_ =	sdelay $0x2  }
0x284: {  	v62 =	vmul.u32 $0x2800, v2;
	_ =	sdelay $0x1  }
0x285: {  	[tilespmem:$0xD360] =	vst v2;
	v2 =	vadd.s32 v62, v61  }
0x286: {  	[tilespmem:$0x11760] =	vst v2  }
0x287: {  	v2 =	vld.idx.msk [tilespmem:v3+s9+$0x0], $0xffff;
	_ =	sdelay $0x1  }
0x288: {  	v3 =	vld [tilespmem:$0xCB70];
	_ =	sdelay $0x2  }
0x289: {  	v63 =	vmul.u32 $0x2800, v2;
	_ =	sdelay $0x1  }
0x28a: {  	[tilespmem:$0xD370] =	vst v2;
	v2 =	vadd.s32 v63, v3  }
0x28b: {  	[tilespmem:$0x11770] =	vst v2  }
0x28c: {  	[spmem:s13] =	stream.indirect.scatter.add.f32 [tilespmem:s24], [sflag:$0x1], $0x1, s23, s5, $0xb8;
	[tilespmem:$0x14B80] =	vst v63  }
0x28d: {  	_ =	swait.ge [sflag:s1], $0x80  }
0x28e: {  	[sflag:s1] =	ssyncset.done $0x0  }
0x28f: {  	s26 =	simm.s32 $0x0;
	[sflag:s1] =	ssyncadd.s32 $0xFFFFFF80  }
0x290: {  	v2 =	vld [tilespmem:s26+$0xCF80];
	_ =	sdelay $0x4  }
0x291: {  	v2 =	vshll.u32 v2, $0x9  }
0x292: {  	v2 =	vshra.s32 v2, $0x2  }
0x293: {  	v2 =	vadd.s32 $0x11B80, v2  }
0x294: {  	(v2sf) =	vpush v2, $0x0;
	_ =	sdelay $0x5  }
0x295: {  	(v2sf) =	vpush v2, $0x1;
	_ =	sdelay $0x3  }
0x296: {  	s26 =	simm.s32 $0xD400  }
0x297: {  	v3 =	vld [tilespmem:s26+$0xFFFFFF80]  }
0x298: {  	(v2sf) =	vpush v2, $0x2;
	_ =	sdelay $0x2  }
0x299: {  	s3 =	spop (v2sf)  }
0x29a: {  	[tilespmem:s3+$0x0] =	vst.add.f32.msk $0xffff, v3  }
0x29b: {  	v3 =	vld [tilespmem:s26+$0xFFFFFF90]  }
0x29c: {  	(v2sf) =	vpush v2, $0x3;
	_ =	sdelay $0x2  }
0x29d: {  	s4 =	spop (v2sf)  }
0x29e: {  	[tilespmem:s4+$0x0] =	vst.add.f32.msk $0xffff, v3  }
0x29f: {  	v3 =	vld [tilespmem:s26+$0xFFFFFFA0]  }
0x2a0: {  	(v2sf) =	vpush v2, $0x4;
	_ =	sdelay $0x2  }
0x2a1: {  	s6 =	spop (v2sf)  }
0x2a2: {  	[tilespmem:s6+$0x0] =	vst.add.f32.msk $0xffff, v3  }
0x2a3: {  	v3 =	vld [tilespmem:s26+$0xFFFFFFB0]  }
0x2a4: {  	(v2sf) =	vpush v2, $0x5;
	_ =	sdelay $0x2  }
0x2a5: {  	s3 =	spop (v2sf)  }
0x2a6: {  	[tilespmem:s3+$0x0] =	vst.add.f32.msk $0xffff, v3  }
0x2a7: {  	v3 =	vld [tilespmem:s26+$0xFFFFFFC0]  }
0x2a8: {  	(v2sf) =	vpush v2, $0x6;
	_ =	sdelay $0x2  }
0x2a9: {  	s4 =	spop (v2sf)  }
0x2aa: {  	[tilespmem:s4+$0x0] =	vst.add.f32.msk $0xffff, v3  }
0x2ab: {  	v3 =	vld [tilespmem:s26+$0xFFFFFFD0]  }
0x2ac: {  	(v2sf) =	vpush v2, $0x7;
	_ =	sdelay $0x2  }
0x2ad: {  	s6 =	spop (v2sf)  }
0x2ae: {  	[tilespmem:s6+$0x0] =	vst.add.f32.msk $0xffff, v3  }
0x2af: {  	v3 =	vld [tilespmem:s26+$0xFFFFFFE0]  }
0x2b0: {  	(v2sf) =	vpush v2, $0x8;
	_ =	sdelay $0x2  }
0x2b1: {  	s3 =	spop (v2sf)  }
0x2b2: {  	[tilespmem:s3+$0x0] =	vst.add.f32.msk $0xffff, v3  }
0x2b3: {  	v3 =	vld [tilespmem:s26+$0xFFFFFFF0]  }
0x2b4: {  	(v2sf) =	vpush v2, $0x9;
	_ =	sdelay $0x2  }
0x2b5: {  	s4 =	spop (v2sf)  }
0x2b6: {  	[tilespmem:s4+$0x0] =	vst.add.f32.msk $0xffff, v3  }
0x2b7: {  	v3 =	vld [tilespmem:s26+$0x0]  }
0x2b8: {  	(v2sf) =	vpush v2, $0xA;
	_ =	sdelay $0x2  }
0x2b9: {  	s6 =	spop (v2sf)  }
0x2ba: {  	[tilespmem:s6+$0x0] =	vst.add.f32.msk $0xffff, v3  }
0x2bb: {  	v3 =	vld [tilespmem:s26+$0x10]  }
0x2bc: {  	(v2sf) =	vpush v2, $0xB;
	_ =	sdelay $0x2  }
0x2bd: {  	s3 =	spop (v2sf)  }
0x2be: {  	[tilespmem:s3+$0x0] =	vst.add.f32.msk $0xffff, v3  }
0x2bf: {  	v3 =	vld [tilespmem:s26+$0x20]  }
0x2c0: {  	(v2sf) =	vpush v2, $0xC;
	_ =	sdelay $0x2  }
0x2c1: {  	s4 =	spop (v2sf)  }
0x2c2: {  	[tilespmem:s4+$0x0] =	vst.add.f32.msk $0xffff, v3  }
0x2c3: {  	v3 =	vld [tilespmem:s26+$0x30]  }
0x2c4: {  	(v2sf) =	vpush v2, $0xD;
	_ =	sdelay $0x2  }
0x2c5: {  	s6 =	spop (v2sf)  }
0x2c6: {  	[tilespmem:s6+$0x0] =	vst.add.f32.msk $0xffff, v3  }
0x2c7: {  	v3 =	vld [tilespmem:s26+$0x40]  }
0x2c8: {  	(v2sf) =	vpush v2, $0xE;
	_ =	sdelay $0x2  }
0x2c9: {  	s3 =	spop (v2sf)  }
0x2ca: {  	[tilespmem:s3+$0x0] =	vst.add.f32.msk $0xffff, v3  }
0x2cb: {  	(v2sf) =	vpush v2, $0xF;
	v2 =	vld [tilespmem:s26+$0x50];
	_ =	sdelay $0x3  }
0x2cc: {  	s4 =	spop (v2sf)  }
0x2cd: {  	[tilespmem:s4+$0x0] =	vst.add.f32.msk $0xffff, v2  }
0x2ce: {  	v2 =	vld [tilespmem:s26+$0x60];
	_ =	sdelay $0x3  }
0x2cf: {  	s6 =	spop (v2sf)  }
0x2d0: {  	[tilespmem:s6+$0x0] =	vst.add.f32.msk $0xffff, v2  }
0x2d1: {  	v2 =	vld [tilespmem:s26+$0x70];
	_ =	sdelay $0x2  }
0x2d2: {  	s28 =	simm.s32 $0x40;
	s2 =	simm.s32 $0x80;
	s4 =	spop (v2sf)  }
.LBB2_5:
0x2d3: {  	s6 =	sshra.s32 s28, $0x2  }
0x2d4: {  	[tilespmem:s4+$0x0] =	vst.add.f32.msk $0xffff, v2;
	s26 =	sadd.s32 $0x100, s26;
	s28 =	smov.u32 s2;
	s3 =	sadd.s32 $0x40, s2  }
0x2d5: {  	p0 =	sne.s32 s2, $0xFC0;
	v2 =	vld [tilespmem:s6+$0xCF80];
	_ =	sdelay $0x4  }
0x2d6: {  	v2 =	vshll.u32 v2, $0x9  }
0x2d7: {  	v2 =	vshra.s32 v2, $0x2  }
0x2d8: {  	v2 =	vadd.s32 $0x11B80, v2  }
0x2d9: {  	(v2sf) =	vpush v2, $0x0;
	_ =	sdelay $0x5  }
0x2da: {  	(v2sf) =	vpush v2, $0x1;
	_ =	sdelay $0x4  }
0x2db: {  	v3 =	vld [tilespmem:s26+$0xFFFFFF80]  }
0x2dc: {  	(v2sf) =	vpush v2, $0x2;
	_ =	sdelay $0x2  }
0x2dd: {  	s2 =	spop (v2sf)  }
0x2de: {  	[tilespmem:s2+$0x0] =	vst.add.f32.msk $0xffff, v3  }
0x2df: {  	v3 =	vld [tilespmem:s26+$0xFFFFFF90]  }
0x2e0: {  	(v2sf) =	vpush v2, $0x3;
	_ =	sdelay $0x2  }
0x2e1: {  	s2 =	spop (v2sf)  }
0x2e2: {  	[tilespmem:s2+$0x0] =	vst.add.f32.msk $0xffff, v3  }
0x2e3: {  	v3 =	vld [tilespmem:s26+$0xFFFFFFA0]  }
0x2e4: {  	(v2sf) =	vpush v2, $0x4;
	_ =	sdelay $0x2  }
0x2e5: {  	s2 =	spop (v2sf)  }
0x2e6: {  	[tilespmem:s2+$0x0] =	vst.add.f32.msk $0xffff, v3  }
0x2e7: {  	v3 =	vld [tilespmem:s26+$0xFFFFFFB0]  }
0x2e8: {  	(v2sf) =	vpush v2, $0x5;
	_ =	sdelay $0x2  }
0x2e9: {  	s2 =	spop (v2sf)  }
0x2ea: {  	[tilespmem:s2+$0x0] =	vst.add.f32.msk $0xffff, v3  }
0x2eb: {  	v3 =	vld [tilespmem:s26+$0xFFFFFFC0]  }
0x2ec: {  	(v2sf) =	vpush v2, $0x6;
	_ =	sdelay $0x2  }
0x2ed: {  	s2 =	spop (v2sf)  }
0x2ee: {  	[tilespmem:s2+$0x0] =	vst.add.f32.msk $0xffff, v3  }
0x2ef: {  	v3 =	vld [tilespmem:s26+$0xFFFFFFD0]  }
0x2f0: {  	(v2sf) =	vpush v2, $0x7;
	_ =	sdelay $0x2  }
0x2f1: {  	s2 =	spop (v2sf)  }
0x2f2: {  	[tilespmem:s2+$0x0] =	vst.add.f32.msk $0xffff, v3  }
0x2f3: {  	v3 =	vld [tilespmem:s26+$0xFFFFFFE0]  }
0x2f4: {  	(v2sf) =	vpush v2, $0x8;
	_ =	sdelay $0x2  }
0x2f5: {  	s2 =	spop (v2sf)  }
0x2f6: {  	[tilespmem:s2+$0x0] =	vst.add.f32.msk $0xffff, v3  }
0x2f7: {  	v3 =	vld [tilespmem:s26+$0xFFFFFFF0]  }
0x2f8: {  	(v2sf) =	vpush v2, $0x9;
	_ =	sdelay $0x2  }
0x2f9: {  	s2 =	spop (v2sf)  }
0x2fa: {  	[tilespmem:s2+$0x0] =	vst.add.f32.msk $0xffff, v3  }
0x2fb: {  	v3 =	vld [tilespmem:s26+$0x0]  }
0x2fc: {  	(v2sf) =	vpush v2, $0xA;
	_ =	sdelay $0x2  }
0x2fd: {  	s2 =	spop (v2sf)  }
0x2fe: {  	[tilespmem:s2+$0x0] =	vst.add.f32.msk $0xffff, v3  }
0x2ff: {  	v3 =	vld [tilespmem:s26+$0x10]  }
0x300: {  	(v2sf) =	vpush v2, $0xB;
	_ =	sdelay $0x2  }
0x301: {  	s2 =	spop (v2sf)  }
0x302: {  	[tilespmem:s2+$0x0] =	vst.add.f32.msk $0xffff, v3  }
0x303: {  	v3 =	vld [tilespmem:s26+$0x20]  }
0x304: {  	(v2sf) =	vpush v2, $0xC;
	_ =	sdelay $0x2  }
0x305: {  	s2 =	spop (v2sf)  }
0x306: {  	[tilespmem:s2+$0x0] =	vst.add.f32.msk $0xffff, v3  }
0x307: {  	v3 =	vld [tilespmem:s26+$0x30]  }
0x308: {  	(v2sf) =	vpush v2, $0xD;
	_ =	sdelay $0x2  }
0x309: {  	s2 =	spop (v2sf)  }
0x30a: {  	[tilespmem:s2+$0x0] =	vst.add.f32.msk $0xffff, v3  }
0x30b: {  	v3 =	vld [tilespmem:s26+$0x40]  }
0x30c: {  	(v2sf) =	vpush v2, $0xE;
	_ =	sdelay $0x2  }
0x30d: {  	s2 =	spop (v2sf)  }
0x30e: {  	[tilespmem:s2+$0x0] =	vst.add.f32.msk $0xffff, v3  }
0x30f: {  	v3 =	vld [tilespmem:s26+$0x50]  }
0x310: {  	(v2sf) =	vpush v2, $0xF;
	_ =	sdelay $0x2  }
0x311: {  	s2 =	spop (v2sf)  }
0x312: {  	[tilespmem:s2+$0x0] =	vst.add.f32.msk $0xffff, v3  }
0x313: {  	v2 =	vld [tilespmem:s26+$0x60];
	_ =	sdelay $0x3  }
0x314: {  	s2 =	spop (v2sf)  }
0x315: {  	[tilespmem:s2+$0x0] =	vst.add.f32.msk $0xffff, v2  }
.Ltmp1:
0x316: {  	v2 =	vld [tilespmem:s26+$0x70];
	(pc) =	sbr.rel @p0 .LBB2_5-.Ltmp1, $2  }
0x317: {  	_ =	sdelay $0x2  }
0x318: {  	s2 =	smov.u32 s3;
	s4 =	spop (v2sf)  }
0x319: {  	s2 =	sshra.s32 s28, $0x2;
	[tilespmem:s4+$0x0] =	vst.add.f32.msk $0xffff, v2  }
0x31a: {  	v2 =	vld [tilespmem:s2+$0xCF80];
	_ =	sdelay $0x4  }
0x31b: {  	v2 =	vshll.u32 v2, $0x9  }
0x31c: {  	v2 =	vshra.s32 v2, $0x2  }
0x31d: {  	v2 =	vadd.s32 $0x11B80, v2  }
0x31e: {  	(v2sf) =	vpush v2, $0x0;
	_ =	sdelay $0x5  }
0x31f: {  	(v2sf) =	vpush v2, $0x1;
	_ =	sdelay $0x3  }
0x320: {  	s2 =	sadd.s32 $0x100, s26  }
0x321: {  	v3 =	vld [tilespmem:s2+$0xFFFFFF80]  }
0x322: {  	(v2sf) =	vpush v2, $0x2;
	_ =	sdelay $0x2  }
0x323: {  	s3 =	spop (v2sf)  }
0x324: {  	[tilespmem:s3+$0x0] =	vst.add.f32.msk $0xffff, v3  }
0x325: {  	v3 =	vld [tilespmem:s2+$0xFFFFFF90]  }
0x326: {  	(v2sf) =	vpush v2, $0x3;
	_ =	sdelay $0x2  }
0x327: {  	s6 =	spop (v2sf)  }
0x328: {  	[tilespmem:s6+$0x0] =	vst.add.f32.msk $0xffff, v3  }
0x329: {  	v3 =	vld [tilespmem:s2+$0xFFFFFFA0]  }
0x32a: {  	(v2sf) =	vpush v2, $0x4;
	_ =	sdelay $0x2  }
0x32b: {  	s26 =	spop (v2sf)  }
0x32c: {  	[tilespmem:s26+$0x0] =	vst.add.f32.msk $0xffff, v3  }
0x32d: {  	v3 =	vld [tilespmem:s2+$0xFFFFFFB0]  }
0x32e: {  	(v2sf) =	vpush v2, $0x5;
	_ =	sdelay $0x2  }
0x32f: {  	s28 =	spop (v2sf)  }
0x330: {  	[tilespmem:s28+$0x0] =	vst.add.f32.msk $0xffff, v3  }
0x331: {  	v3 =	vld [tilespmem:s2+$0xFFFFFFC0]  }
0x332: {  	(v2sf) =	vpush v2, $0x6;
	_ =	sdelay $0x2  }
0x333: {  	s4 =	spop (v2sf)  }
0x334: {  	[tilespmem:s4+$0x0] =	vst.add.f32.msk $0xffff, v3  }
0x335: {  	v3 =	vld [tilespmem:s2+$0xFFFFFFD0]  }
0x336: {  	(v2sf) =	vpush v2, $0x7;
	_ =	sdelay $0x2  }
0x337: {  	s6 =	spop (v2sf)  }
0x338: {  	[tilespmem:s6+$0x0] =	vst.add.f32.msk $0xffff, v3  }
0x339: {  	v3 =	vld [tilespmem:s2+$0xFFFFFFE0]  }
0x33a: {  	(v2sf) =	vpush v2, $0x8;
	_ =	sdelay $0x2  }
0x33b: {  	s26 =	spop (v2sf)  }
0x33c: {  	[tilespmem:s26+$0x0] =	vst.add.f32.msk $0xffff, v3  }
0x33d: {  	v3 =	vld [tilespmem:s2+$0xFFFFFFF0]  }
0x33e: {  	(v2sf) =	vpush v2, $0x9;
	_ =	sdelay $0x2  }
0x33f: {  	s28 =	spop (v2sf)  }
0x340: {  	[tilespmem:s28+$0x0] =	vst.add.f32.msk $0xffff, v3  }
0x341: {  	v3 =	vld [tilespmem:s2+$0x0]  }
0x342: {  	(v2sf) =	vpush v2, $0xA;
	_ =	sdelay $0x2  }
0x343: {  	s4 =	spop (v2sf)  }
0x344: {  	[tilespmem:s4+$0x0] =	vst.add.f32.msk $0xffff, v3  }
0x345: {  	v3 =	vld [tilespmem:s2+$0x10]  }
0x346: {  	(v2sf) =	vpush v2, $0xB;
	_ =	sdelay $0x2  }
0x347: {  	s6 =	spop (v2sf)  }
0x348: {  	[tilespmem:s6+$0x0] =	vst.add.f32.msk $0xffff, v3  }
0x349: {  	v3 =	vld [tilespmem:s2+$0x20]  }
0x34a: {  	(v2sf) =	vpush v2, $0xC;
	_ =	sdelay $0x2  }
0x34b: {  	s26 =	spop (v2sf)  }
0x34c: {  	[tilespmem:s26+$0x0] =	vst.add.f32.msk $0xffff, v3  }
0x34d: {  	v3 =	vld [tilespmem:s2+$0x30]  }
0x34e: {  	(v2sf) =	vpush v2, $0xD;
	_ =	sdelay $0x2  }
0x34f: {  	s28 =	spop (v2sf)  }
0x350: {  	[tilespmem:s28+$0x0] =	vst.add.f32.msk $0xffff, v3  }
0x351: {  	v3 =	vld [tilespmem:s2+$0x40]  }
0x352: {  	(v2sf) =	vpush v2, $0xE;
	_ =	sdelay $0x2  }
0x353: {  	s4 =	spop (v2sf)  }
0x354: {  	[tilespmem:s4+$0x0] =	vst.add.f32.msk $0xffff, v3  }
0x355: {  	v3 =	vld [tilespmem:s2+$0x50]  }
0x356: {  	(v2sf) =	vpush v2, $0xF;
	_ =	sdelay $0x2  }
0x357: {  	s6 =	spop (v2sf)  }
0x358: {  	[tilespmem:s6+$0x0] =	vst.add.f32.msk $0xffff, v3  }
0x359: {  	v2 =	vld [tilespmem:s2+$0x60];
	_ =	sdelay $0x3  }
0x35a: {  	s26 =	spop (v2sf)  }
0x35b: {  	s25 =	sadd.s32 $0x1, s25;
	[tilespmem:s26+$0x0] =	vst.add.f32.msk $0xffff, v2  }
0x35c: {  	p0 =	sne.s32 s25, $0xA;
	v2 =	vld [tilespmem:s2+$0x70]  }
.Ltmp2:
0x35d: {  	_ = 	snop;
	(pc) =	sbr.rel @p0 .LBB2_4-.Ltmp2, $3  }
0x35e: {  	_ =	sdelay $0x1  }
0x35f: {  	s28 =	spop (v2sf)  }
0x360: {  	[tilespmem:s28+$0x0] =	vst.add.f32.msk $0xffff, v2  }
0x361: {  	s0 =	stileid.u32;
	[bflag:$0x0] =	sbarrier.arrive $0xFFFF;
	s25 =	simm.s32 $0x20  }
0x362: {  	s7 =	simm.s32 $0x10;
	s0 =	sshll.u32 s0, $0x6;
	s26 =	rddreg [dreg:$0xe]  }
0x363: {  	s3 =	rddreg [dreg:$0x4];
	s0 =	sor.u32 $0x1C01, s0;
	s2 =	sshrl.u32 s26, $0x3  }
0x364: {  	[hbm:s3@s25], [sflag:s0] =	dma.strided [spmem:s2@s7], $0x200, s1, $0x10   }
0x365: {  	_ =	swait.ge [sflag:s1], $0x200  }
0x366: {  	[sflag:s1] =	ssyncset.done $0x0;
	s28 =	rddreg [dreg:$0xf]  }
0x367: {  	s6 =	rddreg [dreg:$0x5];
	[sflag:s1] =	ssyncadd.s32 $0xFFFFFE00;
	s4 =	sshrl.u32 s28, $0x3  }
0x368: {  	[hbm:s6@s25], [sflag:s0] =	dma.strided [spmem:s4@s7], $0x200, s1, $0x10   }
0x369: {  	_ =	swait.ge [sflag:s1], $0x200  }
0x36a: {  	[sflag:s1] =	ssyncset.done $0x0;
	s4 =	rddreg [dreg:$0x10]  }
0x36b: {  	s6 =	rddreg [dreg:$0x6];
	[sflag:s1] =	ssyncadd.s32 $0xFFFFFE00;
	s2 =	sshrl.u32 s4, $0x3  }
0x36c: {  	[hbm:s6@s25], [sflag:s0] =	dma.strided [spmem:s2@s7], $0x200, s1, $0x10   }
0x36d: {  	_ =	swait.ge [sflag:s1], $0x200  }
0x36e: {  	[sflag:s1] =	ssyncset.done $0x0;
	s4 =	rddreg [dreg:$0x11]  }
0x36f: {  	s6 =	rddreg [dreg:$0x7];
	[sflag:s1] =	ssyncadd.s32 $0xFFFFFE00;
	s2 =	sshrl.u32 s4, $0x3  }
0x370: {  	[hbm:s6@s25], [sflag:s0] =	dma.strided [spmem:s2@s7], $0x200, s1, $0x10   }
0x371: {  	_ =	swait.ge [sflag:s1], $0x200  }
0x372: {  	[sflag:s1] =	ssyncset.done $0x0;
	s4 =	rddreg [dreg:$0x12]  }
0x373: {  	s6 =	rddreg [dreg:$0x8];
	[sflag:s1] =	ssyncadd.s32 $0xFFFFFE00;
	s3 =	sshrl.u32 s4, $0x3  }
0x374: {  	[hbm:s6@s25], [sflag:s0] =	dma.strided [spmem:s3@s7], $0x200, s1, $0x10   }
0x375: {  	_ =	swait.ge [sflag:s1], $0x200  }
0x376: {  	[sflag:s1] =	ssyncset.done $0x0;
	s3 =	rddreg [dreg:$0x13]  }
0x377: {  	s6 =	rddreg [dreg:$0x9];
	[sflag:s1] =	ssyncadd.s32 $0xFFFFFE00;
	s2 =	sshrl.u32 s3, $0x3  }
0x378: {  	[hbm:s6@s25], [sflag:s0] =	dma.strided [spmem:s2@s7], $0x200, s1, $0x10   }
0x379: {  	_ =	swait.ge [sflag:s1], $0x200  }
0x37a: {  	[sflag:s1] =	ssyncset.done $0x0;
	s6 =	rddreg [dreg:$0x14]  }
0x37b: {  	s3 =	rddreg [dreg:$0xa];
	[sflag:s1] =	ssyncadd.s32 $0xFFFFFE00;
	s2 =	sshrl.u32 s6, $0x3  }
0x37c: {  	[hbm:s3@s25], [sflag:s0] =	dma.strided [spmem:s2@s7], $0x200, s1, $0x10   }
0x37d: {  	_ =	swait.ge [sflag:s1], $0x200  }
0x37e: {  	[sflag:s1] =	ssyncset.done $0x0;
	s3 =	rddreg [dreg:$0x15]  }
0x37f: {  	[sflag:s1] =	ssyncadd.s32 $0xFFFFFE00;
	s2 =	sshrl.u32 s3, $0x3;
	s3 =	rddreg [dreg:$0xb]  }
0x380: {  	[hbm:s3@s25], [sflag:s0] =	dma.strided [spmem:s2@s7], $0x200, s1, $0x10   }
0x381: {  	_ =	swait.ge [sflag:s1], $0x200  }
0x382: {  	[sflag:s1] =	ssyncset.done $0x0;
	s3 =	rddreg [dreg:$0x16]  }
0x383: {  	[sflag:s1] =	ssyncadd.s32 $0xFFFFFE00;
	s2 =	sshrl.u32 s3, $0x3;
	s3 =	rddreg [dreg:$0xc]  }
0x384: {  	[hbm:s3@s25], [sflag:s0] =	dma.strided [spmem:s2@s7], $0x200, s1, $0x10   }
0x385: {  	_ =	swait.ge [sflag:s1], $0x200  }
0x386: {  	[sflag:s1] =	ssyncset.done $0x0;
	s3 =	rddreg [dreg:$0x17]  }
0x387: {  	[sflag:s1] =	ssyncadd.s32 $0xFFFFFE00;
	s2 =	sshrl.u32 s3, $0x3;
	s3 =	rddreg [dreg:$0xd]  }
0x388: {  	[hbm:s3@s25], [sflag:s0] =	dma.strided [spmem:s2@s7], $0x200, s1, $0x10   }
0x389: {  	_ =	swait.ge [sflag:s1], $0x200  }
0x38a: {  	s25 =	simm.s32 $0x0;
	[sflag:s1] =	ssyncset.done $0x0  }
0x38b: {  	s3 =	simm.s32 $0x11B80;
	s2 =	rddreg [dreg:$0x18];
	[sflag:s1] =	ssyncadd.s32 $0xFFFFFE00  }
0x38c: {  	[hbm4b:s2+s25] =	stream.linear.scatter [tilespmem:s3], [sflag:$0x1], $0x2000, $0x38;
	[tilespmem:$0x14B80] =	vst v63  }
0x38d: {  	_ =	swait.ge [sflag:s1], $0x2000  }
0x38e: {  	s0 =	rddreg [dreg:$0x1a]  }
0x38f: {  	s3 =	rddreg [dreg:$0x19];
	s2 =	sadd.s32 $0x1, s0  }
0x390: {  	p0 =	sne.s32 s2, s3  }
.Ltmp3:
0x391: {  	_ = 	snop;
	(pc) =	sbr.rel @p0 .LBB2_1-.Ltmp3, $3  }
0x392: {  	_ =	sdelay $0x1  }
0x393: {  	[sflag:s1] =	ssyncset.done $0x0  }
0x394: {  	s7 =	simm.s32 $0x11780;
	[sflag:s1] =	ssyncadd.s32 $0xFFFFE000  }
0x395: {  	_ =	sfence.sel $0x180000  }
0x396: {  	[bflag:$0x0] =	sbarrier.arrive $0xFFFF  }
0x397: {  	_ =	strace $0x90000047  }
0x398: {  	s0 =	stileid.u32;
	[bflag:$0x2] =	sbarrier.arrive $0xFFFF  }
0x399: {  	p0 =	sne.s32 s0, $0x0;
	s0 =	rddreg [dreg:$0x3]  }
0x39a: {  	s0 =	sadd.s32 @!p0 $0x100000, s0  }
0x39b: {  	[sflag:s0] =	ssyncadd.tile.s32 @!p0 $0x1;
	_ =	shalt  }
.Lfunc_end2:
_tile_overlayer_lowered:
.L_overlay_start_2:
0x39c: {  	(tag) =	ssettag $0x2  }
0x39d: {  	s0 =	rddreg [dreg:$0x0];
	s2 =	stileid.u32  }
0x39e: {  	s1 =	rddreg [dreg:$0x1];
	p0 =	sne.s32 s2, $0x0  }
0x39f: {  	s3 =	rddreg [dreg:$0x2];
	[bflag:$0x3] =	sbarrier.arrive $0xFFFF;
	s2 =	simm.s32 @!p0 $0x1C01  }
0x3a0: {  	[timem:s3], [sflag:s2] =	dma.local @!p0 [hbm:s0], s1  }
0x3a1: {  	s0 =	simm.s32 @!p0 $0x1  }
0x3a2: {  	_ =	swait.ge @!p0 [sflag:s0], s1  }
0x3a3: {  	s1 =	ssub.s32 @!p0 $0x0, s1;
	[sflag:s0] =	ssyncset.done @!p0 $0x0  }
0x3a4: {  	[sflag:s0] =	ssyncadd.s32 @!p0 s1  }
0x3a5: {  	[bflag:$0x3] =	sbarrier.arrive $0xFFFF  }
0x3a6: {  	_ =	shalt  }

</sc_bundles>
